<compile_context>
chip_gen: v7x
topology: tpu7x:2x2x1
jax: 0.10.2.dev20260603
libtpu: 0.0.44.dev20260713+nightly
codegen_flags: <defaults>
</compile_context>

<pallas_src>
import functools

import jax
import jax.numpy as jnp
from jax import lax
from jax.experimental import pallas as pl
from jax.experimental.pallas import tpu as pltpu
from jax.experimental.pallas import tpu_sc as plsc

EMBED_DIM = 32
BATCH = 16384
HIST = 50
NUM_WORKERS = 32
CHUNK = 128
B_PER_W = BATCH // NUM_WORKERS
BLK_PER_W = B_PER_W // CHUNK
U_PER_W = HIST * BLK_PER_W
NBUF = 4
PITCH = CHUNK + 1

_mesh = plsc.VectorSubcoreMesh(core_axis_name="c", subcore_axis_name="s")


@functools.partial(
    pl.kernel,
    mesh=_mesh,
    compiler_params=pltpu.CompilerParams(
        use_tc_tiling_on_sc=False, needs_layout_passes=False),
    out_type=jax.ShapeDtypeStruct((HIST, EMBED_DIM, BATCH), jnp.float32),
    scratch_types=[
        pltpu.VMEM((HIST, B_PER_W), jnp.int32),
        pltpu.VMEM((NBUF, CHUNK, EMBED_DIM), jnp.float32),
        pltpu.VMEM((EMBED_DIM, PITCH), jnp.float32),
        pltpu.SemaphoreType.DMA((NBUF,)),
    ],
)
def _gather_one(idx_hbm, table_hbm, out_hbm, idx_v, rows_v, trans_v, gsem):
    wid = lax.axis_index("s") * 2 + lax.axis_index("c")
    b_base = wid * B_PER_W
    pltpu.sync_copy(idx_hbm.at[:, pl.ds(b_base, B_PER_W)], idx_v)

    def unit_idx(t):
        h = t // BLK_PER_W
        off = (t % BLK_PER_W) * CHUNK
        return h, off

    def fire(t, slot):
        h, off = unit_idx(t)
        isl = idx_v.at[h, pl.ds(off, CHUNK)]
        pltpu.async_copy(table_hbm.at[isl], rows_v.at[slot], gsem.at[slot])

    def drain(t, slot):
        h, off = unit_idx(t)
        isl = idx_v.at[h, pl.ds(off, CHUNK)]
        pltpu.make_async_copy(
            table_hbm.at[isl], rows_v.at[slot], gsem.at[slot]).wait()

    for t in range(NBUF):
        fire(t, t)

    iota = lax.iota(jnp.int32, 16)
    rows_lo = iota
    rows_hi = iota + 16

    @pl.loop(0, U_PER_W)
    def unit(t):
        slot = lax.rem(t, NBUF)
        drain(t, slot)
        for bb in range(CHUNK):
            cols = jnp.full((16,), bb, jnp.int32)
            plsc.store_scatter(
                trans_v, [rows_lo, cols], rows_v[slot, bb, pl.ds(0, 16)])
            plsc.store_scatter(
                trans_v, [rows_hi, cols], rows_v[slot, bb, pl.ds(16, 16)])

        @pl.when(t + NBUF < U_PER_W)
        def refire():
            fire(t + NBUF, slot)

        h, off = unit_idx(t)
        b0 = b_base + off
        pltpu.sync_copy(trans_v.at[:, pl.ds(0, CHUNK)],
                        out_hbm.at[h, :, pl.ds(b0, CHUNK)])


def kernel(inputs, loc_table, scale_table):
    idx_t = inputs.astype(jnp.int32).T
    out_loc = _gather_one(idx_t, loc_table)
    out_scale = _gather_one(idx_t, scale_table)
    return (jnp.transpose(out_loc, (2, 0, 1)),
            jnp.transpose(out_scale, (2, 0, 1)))

# --- scband reference (transcript-rebuilt; emitter-appended) ---
"""Pipeline reference for scband-embedding-loc-scale-43293270344029 (READ-ONLY COPY).

The authoritative reference and input builder live on the scoring server;
editing this copy changes nothing except your own understanding.
"""

import jax, jax.numpy as jnp
import numpy as np

VOCAB = 1000000
EMBED_DIM = 32
BATCH = 16384
HIST = 50

def setup_inputs(seed: int = 0) -> dict:
    key = jax.random.key(seed)
    k_idx, k_loc, k_scale = jax.random.split(key, 3)
    inputs = jax.random.randint(k_idx, (BATCH, HIST), 0, VOCAB, dtype=jnp.int64 if jax.config.jax_enable_x64 else jnp.int32)
    # loc initializer: RandomUniform(-0.05, 0.05)
    loc_table = jax.random.uniform(k_loc, (VOCAB, EMBED_DIM), minval=-0.05, maxval=0.05, dtype=jnp.float32)
    # scale initializer: RandomNormal(mean=softplus_inverse(1.0), stddev=0.001)
    softplus_inv_1 = float(np.log(np.expm1(1.0)))
    scale_table = softplus_inv_1 + 0.001 * jax.random.normal(k_scale, (VOCAB, EMBED_DIM), dtype=jnp.float32)
    return {"inputs": inputs, "loc_table": loc_table, "scale_table": scale_table}

def reference(inputs, loc_table, scale_table):
    # Faithful to _EmbeddingLocScale.call: two embedding lookups on loc and scale tables.
    inputs = inputs.astype(jnp.int32)
    inputs_loc = jnp.take(loc_table, inputs, axis=0)
    inputs_scale = jnp.take(scale_table, inputs, axis=0)
    return (inputs_loc, inputs_scale)

if __name__ == "__main__":
    import jax
    _d = setup_inputs()
    print(jax.jit(kernel)(*tuple(_d.values())))

</pallas_src>

<mosaic_0001>
#map = affine_map<(d0, d1) -> (0, 0)>
#map1 = affine_map<(d0, d1) -> (0, 0, 0)>
module attributes {stable_mosaic.version = 14 : i64} {
  func.func @_gather_one(%arg0: i32, %arg1: i32, %arg2: memref<50x16384xi32, #tpu.memory_space<hbm>>, %arg3: memref<1000000x32xf32, #tpu.memory_space<hbm>>, %arg4: memref<50x32x16384xf32, #tpu.memory_space<hbm>>, %arg5: memref<50x512xi32, #tpu.memory_space<vmem>>, %arg6: memref<4x128x32xf32, #tpu.memory_space<vmem>>, %arg7: memref<32x129xf32, #tpu.memory_space<vmem>>, %arg8: memref<4x!tpu.dma_semaphore, #tpu.memory_space<semaphore_mem>>) attributes {dimension_semantics = [#tpu.dimension_semantics<core_parallel>, #tpu.dimension_semantics<subcore_parallel>], iteration_bounds = array<i64: 2, 16>, scalar_prefetch = 0 : i64, scratch_operands = 4 : i64, tpu.core_type = #tpu.core_type<sc_vector_subcore>, window_params = [{transform_indices = #map}, {transform_indices = #map}, {transform_indices = #map1}]} {
    %mul3A = arith.constant 2 : i32
    %mul3A_0 = arith.muli %arg1, %mul3A : i32
    %add3A = arith.addi %mul3A_0, %arg0 : i32
    %mul3A_1 = arith.constant 512 : i32
    %mul3A_2 = arith.muli %add3A, %mul3A_1 : i32
    "tpu.region"() ({
      %run_scoped3A = tpu.sem_alloc : memref<!tpu.dma_semaphore, #tpu.memory_space<semaphore_mem>>
      %dma_start3A_69 = arith.constant 0 : i32
      %dma_start3A_70 = tpu.memref_slice %arg2[%dma_start3A_69, %mul3A_2] : memref<50x16384xi32, #tpu.memory_space<hbm>> -> memref<50x512xi32, #tpu.memory_space<hbm>>
      %dma_start3A_71 = arith.constant 0 : i32
      %dma_start3A_72 = tpu.memref_slice %arg2[%dma_start3A_71, %mul3A_2] : memref<50x16384xi32, #tpu.memory_space<hbm>> -> memref<50x512xi32, #tpu.memory_space<hbm>>
      tpu.enqueue_dma source(%dma_start3A_72 : memref<50x512xi32, #tpu.memory_space<hbm>>) target(%arg5 : memref<50x512xi32, #tpu.memory_space<vmem>>) target_semaphore(%run_scoped3A : memref<!tpu.dma_semaphore, #tpu.memory_space<semaphore_mem>>)
      %dma_wait3A = arith.constant 0 : i32
      %dma_wait3A_73 = tpu.memref_slice %arg2[%dma_wait3A, %mul3A_2] : memref<50x16384xi32, #tpu.memory_space<hbm>> -> memref<50x512xi32, #tpu.memory_space<hbm>>
      %dma_wait3A_74 = arith.constant 0 : i32
      %dma_wait3A_75 = tpu.memref_slice %arg2[%dma_wait3A_74, %mul3A_2] : memref<50x16384xi32, #tpu.memory_space<hbm>> -> memref<50x512xi32, #tpu.memory_space<hbm>>
      tpu.wait_dma2 semaphore(%run_scoped3A : memref<!tpu.dma_semaphore, #tpu.memory_space<semaphore_mem>>) src(%dma_wait3A_75 : memref<50x512xi32, #tpu.memory_space<hbm>>) dst(%arg5 : memref<50x512xi32, #tpu.memory_space<vmem>>)
      tpu.yield
    }) : () -> ()
    %dma_start3A = arith.constant 0 : i32
    %dma_start3A_3 = arith.constant 0 : i32
    %dma_start3A_4 = arith.constant 0 : i32
    %dma_start3A_5 = arith.constant 0 : i32
    %dma_start3A_6 = arith.constant 0 : i32
    %dma_start3A_7 = tpu.memref_slice %arg6[%dma_start3A_3, %dma_start3A_5, %dma_start3A_6] : memref<4x128x32xf32, #tpu.memory_space<vmem>> -> memref<1x128x32xf32, #tpu.memory_space<vmem>>
    %dma_start3A_8 = tpu.memref_squeeze %dma_start3A_7 : memref<1x128x32xf32, #tpu.memory_space<vmem>> -> memref<128x32xf32, #tpu.memory_space<vmem>>
    %dma_start3A_9 = arith.constant 0 : i32
    %dma_start3A_10 = tpu.memref_slice %arg5[%dma_start3A, %dma_start3A_9] : memref<50x512xi32, #tpu.memory_space<vmem>> -> memref<1x128xi32, #tpu.memory_space<vmem>>
    %dma_start3A_11 = tpu.memref_squeeze %dma_start3A_10 : memref<1x128xi32, #tpu.memory_space<vmem>> -> memref<128xi32, #tpu.memory_space<vmem>>
    %dma_start3A_12 = arith.constant 0 : i32
    %dma_start3A_13 = arith.constant 0 : i32
    %dma_start3A_14 = tpu.memref_slice %arg3[%dma_start3A_12, %dma_start3A_13] : memref<1000000x32xf32, #tpu.memory_space<hbm>> -> memref<1000000x32xf32, #tpu.memory_space<hbm>>
    %dma_start3A_15 = tpu.memref_slice %arg8[%dma_start3A_4] : memref<4x!tpu.dma_semaphore, #tpu.memory_space<semaphore_mem>> -> memref<1x!tpu.dma_semaphore, #tpu.memory_space<semaphore_mem>>
    %dma_start3A_16 = tpu.memref_squeeze %dma_start3A_15 : memref<1x!tpu.dma_semaphore, #tpu.memory_space<semaphore_mem>> -> memref<!tpu.dma_semaphore, #tpu.memory_space<semaphore_mem>>
    tpu.enqueue_indirect_dma source(%dma_start3A_14 : memref<1000000x32xf32, #tpu.memory_space<hbm>>) target(%dma_start3A_8 : memref<128x32xf32, #tpu.memory_space<vmem>>) offsets(%dma_start3A_11 : memref<128xi32, #tpu.memory_space<vmem>>) semaphore(%dma_start3A_16 : memref<!tpu.dma_semaphore, #tpu.memory_space<semaphore_mem>>)
    %dma_start3A_17 = arith.constant 0 : i32
    %dma_start3A_18 = arith.constant 1 : i32
    %dma_start3A_19 = arith.constant 1 : i32
    %dma_start3A_20 = arith.constant 0 : i32
    %dma_start3A_21 = arith.constant 0 : i32
    %dma_start3A_22 = tpu.memref_slice %arg6[%dma_start3A_18, %dma_start3A_20, %dma_start3A_21] : memref<4x128x32xf32, #tpu.memory_space<vmem>> -> memref<1x128x32xf32, #tpu.memory_space<vmem>>
    %dma_start3A_23 = tpu.memref_squeeze %dma_start3A_22 : memref<1x128x32xf32, #tpu.memory_space<vmem>> -> memref<128x32xf32, #tpu.memory_space<vmem>>
    %dma_start3A_24 = arith.constant 128 : i32
    %dma_start3A_25 = tpu.memref_slice %arg5[%dma_start3A_17, %dma_start3A_24] : memref<50x512xi32, #tpu.memory_space<vmem>> -> memref<1x128xi32, #tpu.memory_space<vmem>>
    %dma_start3A_26 = tpu.memref_squeeze %dma_start3A_25 : memref<1x128xi32, #tpu.memory_space<vmem>> -> memref<128xi32, #tpu.memory_space<vmem>>
    %dma_start3A_27 = arith.constant 0 : i32
    %dma_start3A_28 = arith.constant 0 : i32
    %dma_start3A_29 = tpu.memref_slice %arg3[%dma_start3A_27, %dma_start3A_28] : memref<1000000x32xf32, #tpu.memory_space<hbm>> -> memref<1000000x32xf32, #tpu.memory_space<hbm>>
    %dma_start3A_30 = tpu.memref_slice %arg8[%dma_start3A_19] : memref<4x!tpu.dma_semaphore, #tpu.memory_space<semaphore_mem>> -> memref<1x!tpu.dma_semaphore, #tpu.memory_space<semaphore_mem>>
    %dma_start3A_31 = tpu.memref_squeeze %dma_start3A_30 : memref<1x!tpu.dma_semaphore, #tpu.memory_space<semaphore_mem>> -> memref<!tpu.dma_semaphore, #tpu.memory_space<semaphore_mem>>
    tpu.enqueue_indirect_dma source(%dma_start3A_29 : memref<1000000x32xf32, #tpu.memory_space<hbm>>) target(%dma_start3A_23 : memref<128x32xf32, #tpu.memory_space<vmem>>) offsets(%dma_start3A_26 : memref<128xi32, #tpu.memory_space<vmem>>) semaphore(%dma_start3A_31 : memref<!tpu.dma_semaphore, #tpu.memory_space<semaphore_mem>>)
    %dma_start3A_32 = arith.constant 0 : i32
    %dma_start3A_33 = arith.constant 2 : i32
    %dma_start3A_34 = arith.constant 2 : i32
    %dma_start3A_35 = arith.constant 0 : i32
    %dma_start3A_36 = arith.constant 0 : i32
    %dma_start3A_37 = tpu.memref_slice %arg6[%dma_start3A_33, %dma_start3A_35, %dma_start3A_36] : memref<4x128x32xf32, #tpu.memory_space<vmem>> -> memref<1x128x32xf32, #tpu.memory_space<vmem>>
    %dma_start3A_38 = tpu.memref_squeeze %dma_start3A_37 : memref<1x128x32xf32, #tpu.memory_space<vmem>> -> memref<128x32xf32, #tpu.memory_space<vmem>>
    %dma_start3A_39 = arith.constant 256 : i32
    %dma_start3A_40 = tpu.memref_slice %arg5[%dma_start3A_32, %dma_start3A_39] : memref<50x512xi32, #tpu.memory_space<vmem>> -> memref<1x128xi32, #tpu.memory_space<vmem>>
    %dma_start3A_41 = tpu.memref_squeeze %dma_start3A_40 : memref<1x128xi32, #tpu.memory_space<vmem>> -> memref<128xi32, #tpu.memory_space<vmem>>
    %dma_start3A_42 = arith.constant 0 : i32
    %dma_start3A_43 = arith.constant 0 : i32
    %dma_start3A_44 = tpu.memref_slice %arg3[%dma_start3A_42, %dma_start3A_43] : memref<1000000x32xf32, #tpu.memory_space<hbm>> -> memref<1000000x32xf32, #tpu.memory_space<hbm>>
    %dma_start3A_45 = tpu.memref_slice %arg8[%dma_start3A_34] : memref<4x!tpu.dma_semaphore, #tpu.memory_space<semaphore_mem>> -> memref<1x!tpu.dma_semaphore, #tpu.memory_space<semaphore_mem>>
    %dma_start3A_46 = tpu.memref_squeeze %dma_start3A_45 : memref<1x!tpu.dma_semaphore, #tpu.memory_space<semaphore_mem>> -> memref<!tpu.dma_semaphore, #tpu.memory_space<semaphore_mem>>
    tpu.enqueue_indirect_dma source(%dma_start3A_44 : memref<1000000x32xf32, #tpu.memory_space<hbm>>) target(%dma_start3A_38 : memref<128x32xf32, #tpu.memory_space<vmem>>) offsets(%dma_start3A_41 : memref<128xi32, #tpu.memory_space<vmem>>) semaphore(%dma_start3A_46 : memref<!tpu.dma_semaphore, #tpu.memory_space<semaphore_mem>>)
    %dma_start3A_47 = arith.constant 0 : i32
    %dma_start3A_48 = arith.constant 3 : i32
    %dma_start3A_49 = arith.constant 3 : i32
    %dma_start3A_50 = arith.constant 0 : i32
    %dma_start3A_51 = arith.constant 0 : i32
    %dma_start3A_52 = tpu.memref_slice %arg6[%dma_start3A_48, %dma_start3A_50, %dma_start3A_51] : memref<4x128x32xf32, #tpu.memory_space<vmem>> -> memref<1x128x32xf32, #tpu.memory_space<vmem>>
    %dma_start3A_53 = tpu.memref_squeeze %dma_start3A_52 : memref<1x128x32xf32, #tpu.memory_space<vmem>> -> memref<128x32xf32, #tpu.memory_space<vmem>>
    %dma_start3A_54 = arith.constant 384 : i32
    %dma_start3A_55 = tpu.memref_slice %arg5[%dma_start3A_47, %dma_start3A_54] : memref<50x512xi32, #tpu.memory_space<vmem>> -> memref<1x128xi32, #tpu.memory_space<vmem>>
    %dma_start3A_56 = tpu.memref_squeeze %dma_start3A_55 : memref<1x128xi32, #tpu.memory_space<vmem>> -> memref<128xi32, #tpu.memory_space<vmem>>
    %dma_start3A_57 = arith.constant 0 : i32
    %dma_start3A_58 = arith.constant 0 : i32
    %dma_start3A_59 = tpu.memref_slice %arg3[%dma_start3A_57, %dma_start3A_58] : memref<1000000x32xf32, #tpu.memory_space<hbm>> -> memref<1000000x32xf32, #tpu.memory_space<hbm>>
    %dma_start3A_60 = tpu.memref_slice %arg8[%dma_start3A_49] : memref<4x!tpu.dma_semaphore, #tpu.memory_space<semaphore_mem>> -> memref<1x!tpu.dma_semaphore, #tpu.memory_space<semaphore_mem>>
    %dma_start3A_61 = tpu.memref_squeeze %dma_start3A_60 : memref<1x!tpu.dma_semaphore, #tpu.memory_space<semaphore_mem>> -> memref<!tpu.dma_semaphore, #tpu.memory_space<semaphore_mem>>
    tpu.enqueue_indirect_dma source(%dma_start3A_59 : memref<1000000x32xf32, #tpu.memory_space<hbm>>) target(%dma_start3A_53 : memref<128x32xf32, #tpu.memory_space<vmem>>) offsets(%dma_start3A_56 : memref<128xi32, #tpu.memory_space<vmem>>) semaphore(%dma_start3A_61 : memref<!tpu.dma_semaphore, #tpu.memory_space<semaphore_mem>>)
    %iota3A = tpu.iota {dimensions = array<i32: 0>} : vector<16xi32>
    %add3A_62 = arith.constant 16 : i32
    %add3A_63 = vector.broadcast %add3A_62 : i32 to vector<16xi32>
    %add3A_64 = arith.addi %iota3A, %add3A_63 : vector<16xi32>
    %scan3A = arith.constant 0 : i32
    %scan3A_65 = arith.constant 200 : i32
    %scan3A_66 = arith.addi %scan3A, %scan3A_65 : i32
    %scan3A_67 = arith.constant 1 : i32
    scf.for %scan3A_69 = %scan3A to %scan3A_66 step %scan3A_67  : i32 {
      %mul3A_70 = arith.constant 1 : i32
      %mul3A_71 = arith.muli %scan3A_69, %mul3A_70 : i32
      %add3A_72 = arith.constant 0 : i32
      %add3A_73 = arith.addi %add3A_72, %mul3A_71 : i32
      %rem3A = arith.constant 4 : i32
      %rem3A_74 = arith.remsi %add3A_73, %rem3A : i32
      %jit3A = arith.constant 4 : i32
      %div3A = arith.divsi %add3A_73, %jit3A : i32
      %sign3A = arith.constant 0 : i32
      %sign3A_75 = arith.cmpi sgt, %add3A_73, %sign3A : i32
      %sign3A_76 = arith.extui %sign3A_75 : i1 to i32
      %sign3A_77 = arith.constant 0 : i32
      %sign3A_78 = arith.cmpi slt, %add3A_73, %sign3A_77 : i32
      %sign3A_79 = arith.extui %sign3A_78 : i1 to i32
      %sign3A_80 = arith.subi %sign3A_76, %sign3A_79 : i32
      %sign3A_81 = arith.constant 0 : i32
      %sign3A_82 = arith.cmpi sgt, %jit3A, %sign3A_81 : i32
      %sign3A_83 = arith.extui %sign3A_82 : i1 to i32
      %sign3A_84 = arith.constant 0 : i32
      %sign3A_85 = arith.cmpi slt, %jit3A, %sign3A_84 : i32
      %sign3A_86 = arith.extui %sign3A_85 : i1 to i32
      %sign3A_87 = arith.subi %sign3A_83, %sign3A_86 : i32
      %ne3A = arith.cmpi ne, %sign3A_80, %sign3A_87 : i32
      %rem3A_88 = arith.remsi %add3A_73, %jit3A : i32
      %ne3A_89 = arith.constant 0 : i32
      %ne3A_90 = arith.cmpi ne, %rem3A_88, %ne3A_89 : i32
      %and3A = arith.andi %ne3A, %ne3A_90 : i1
      %sub3A = arith.constant 1 : i32
      %sub3A_91 = arith.subi %div3A, %sub3A : i32
      %select_n3A = arith.select %and3A, %sub3A_91, %div3A : i32
      %jit3A_92 = arith.constant 4 : i32
      %eq3A = arith.constant 0 : i32
      %eq3A_93 = arith.cmpi eq, %jit3A_92, %eq3A : i32
      %jit3A_94 = arith.constant 1 : i32
      %select_n3A_95 = arith.select %eq3A_93, %jit3A_94, %jit3A_92 : i32
      %rem3A_96 = arith.remsi %add3A_73, %select_n3A_95 : i32
      %ne3A_97 = arith.constant 0 : i32
      %ne3A_98 = arith.cmpi ne, %rem3A_96, %ne3A_97 : i32
      %lt3A = arith.constant 0 : i32
      %lt3A_99 = arith.cmpi slt, %rem3A_96, %lt3A : i32
      %lt3A_100 = arith.constant 0 : i32
      %lt3A_101 = arith.cmpi slt, %select_n3A_95, %lt3A_100 : i32
      %ne3A_102 = arith.xori %lt3A_99, %lt3A_101 : i1
      %and3A_103 = arith.andi %ne3A_102, %ne3A_98 : i1
      %add3A_104 = arith.addi %rem3A_96, %select_n3A_95 : i32
      %select_n3A_105 = arith.select %and3A_103, %add3A_104, %rem3A_96 : i32
      %mul3A_106 = arith.constant 128 : i32
      %mul3A_107 = arith.muli %select_n3A_105, %mul3A_106 : i32
      %dma_wait3A = arith.constant 0 : i32
      %dma_wait3A_108 = arith.constant 0 : i32
      %dma_wait3A_109 = tpu.memref_slice %arg6[%rem3A_74, %dma_wait3A, %dma_wait3A_108] : memref<4x128x32xf32, #tpu.memory_space<vmem>> -> memref<1x128x32xf32, #tpu.memory_space<vmem>>
      %dma_wait3A_110 = tpu.memref_squeeze %dma_wait3A_109 : memref<1x128x32xf32, #tpu.memory_space<vmem>> -> memref<128x32xf32, #tpu.memory_space<vmem>>
      %dma_wait3A_111 = tpu.memref_slice %arg5[%select_n3A, %mul3A_107] : memref<50x512xi32, #tpu.memory_space<vmem>> -> memref<1x128xi32, #tpu.memory_space<vmem>>
      %dma_wait3A_112 = tpu.memref_squeeze %dma_wait3A_111 : memref<1x128xi32, #tpu.memory_space<vmem>> -> memref<128xi32, #tpu.memory_space<vmem>>
      %dma_wait3A_113 = arith.constant 0 : i32
      %dma_wait3A_114 = arith.constant 0 : i32
      %dma_wait3A_115 = tpu.memref_slice %arg3[%dma_wait3A_113, %dma_wait3A_114] : memref<1000000x32xf32, #tpu.memory_space<hbm>> -> memref<1000000x32xf32, #tpu.memory_space<hbm>>
      %dma_wait3A_116 = tpu.memref_slice %arg8[%rem3A_74] : memref<4x!tpu.dma_semaphore, #tpu.memory_space<semaphore_mem>> -> memref<1x!tpu.dma_semaphore, #tpu.memory_space<semaphore_mem>>
      %dma_wait3A_117 = tpu.memref_squeeze %dma_wait3A_116 : memref<1x!tpu.dma_semaphore, #tpu.memory_space<semaphore_mem>> -> memref<!tpu.dma_semaphore, #tpu.memory_space<semaphore_mem>>
      tpu.wait_indirect_dma semaphore(%dma_wait3A_117 : memref<!tpu.dma_semaphore, #tpu.memory_space<semaphore_mem>>) src(%dma_wait3A_115 : memref<1000000x32xf32, #tpu.memory_space<hbm>>) dst(%dma_wait3A_110 : memref<128x32xf32, #tpu.memory_space<vmem>>)
      %broadcast_in_dim3A = arith.constant 0 : i32
      %broadcast_in_dim3A_118 = vector.broadcast %broadcast_in_dim3A : i32 to vector<16xi32>
      %get3A = arith.constant 0 : i32
      %get3A_119 = arith.index_cast %rem3A_74 : i32 to index
      %get3A_120 = arith.index_cast %get3A : i32 to index
      %get3A_121 = arith.constant 0 : index
      %get3A_122 = tpu.vector_load %arg6[%get3A_119, %get3A_120, %get3A_121] {strides = array<i32>} : memref<4x128x32xf32, #tpu.memory_space<vmem>>, vector<16xf32>,
      tpu.vector_store_idx %arg7[%iota3A, %broadcast_in_dim3A_118], %get3A_122 : memref<32x129xf32, #tpu.memory_space<vmem>>[vector<16xi32>, vector<16xi32>], vector<16xf32>,
      %get3A_123 = arith.constant 0 : i32
      %get3A_124 = arith.index_cast %rem3A_74 : i32 to index
      %get3A_125 = arith.index_cast %get3A_123 : i32 to index
      %get3A_126 = arith.constant 16 : index
      %get3A_127 = tpu.vector_load %arg6[%get3A_124, %get3A_125, %get3A_126] {strides = array<i32>} : memref<4x128x32xf32, #tpu.memory_space<vmem>>, vector<16xf32>,
      tpu.vector_store_idx %arg7[%add3A_64, %broadcast_in_dim3A_118], %get3A_127 : memref<32x129xf32, #tpu.memory_space<vmem>>[vector<16xi32>, vector<16xi32>], vector<16xf32>,
      %broadcast_in_dim3A_128 = arith.constant 1 : i32
      %broadcast_in_dim3A_129 = vector.broadcast %broadcast_in_dim3A_128 : i32 to vector<16xi32>
      %get3A_130 = arith.constant 1 : i32
      %get3A_131 = arith.index_cast %rem3A_74 : i32 to index
      %get3A_132 = arith.index_cast %get3A_130 : i32 to index
      %get3A_133 = arith.constant 0 : index
      %get3A_134 = tpu.vector_load %arg6[%get3A_131, %get3A_132, %get3A_133] {strides = array<i32>} : memref<4x128x32xf32, #tpu.memory_space<vmem>>, vector<16xf32>,
      tpu.vector_store_idx %arg7[%iota3A, %broadcast_in_dim3A_129], %get3A_134 : memref<32x129xf32, #tpu.memory_space<vmem>>[vector<16xi32>, vector<16xi32>], vector<16xf32>,
      %get3A_135 = arith.constant 1 : i32
      %get3A_136 = arith.index_cast %rem3A_74 : i32 to index
      %get3A_137 = arith.index_cast %get3A_135 : i32 to index
      %get3A_138 = arith.constant 16 : index
      %get3A_139 = tpu.vector_load %arg6[%get3A_136, %get3A_137, %get3A_138] {strides = array<i32>} : memref<4x128x32xf32, #tpu.memory_space<vmem>>, vector<16xf32>,
      tpu.vector_store_idx %arg7[%add3A_64, %broadcast_in_dim3A_129], %get3A_139 : memref<32x129xf32, #tpu.memory_space<vmem>>[vector<16xi32>, vector<16xi32>], vector<16xf32>,
      %broadcast_in_dim3A_140 = arith.constant 2 : i32
      %broadcast_in_dim3A_141 = vector.broadcast %broadcast_in_dim3A_140 : i32 to vector<16xi32>
      %get3A_142 = arith.constant 2 : i32
      %get3A_143 = arith.index_cast %rem3A_74 : i32 to index
      %get3A_144 = arith.index_cast %get3A_142 : i32 to index
      %get3A_145 = arith.constant 0 : index
      %get3A_146 = tpu.vector_load %arg6[%get3A_143, %get3A_144, %get3A_145] {strides = array<i32>} : memref<4x128x32xf32, #tpu.memory_space<vmem>>, vector<16xf32>,
      tpu.vector_store_idx %arg7[%iota3A, %broadcast_in_dim3A_141], %get3A_146 : memref<32x129xf32, #tpu.memory_space<vmem>>[vector<16xi32>, vector<16xi32>], vector<16xf32>,
      %get3A_147 = arith.constant 2 : i32
      %get3A_148 = arith.index_cast %rem3A_74 : i32 to index
      %get3A_149 = arith.index_cast %get3A_147 : i32 to index
      %get3A_150 = arith.constant 16 : index
      %get3A_151 = tpu.vector_load %arg6[%get3A_148, %get3A_149, %get3A_150] {strides = array<i32>} : memref<4x128x32xf32, #tpu.memory_space<vmem>>, vector<16xf32>,
      tpu.vector_store_idx %arg7[%add3A_64, %broadcast_in_dim3A_141], %get3A_151 : memref<32x129xf32, #tpu.memory_space<vmem>>[vector<16xi32>, vector<16xi32>], vector<16xf32>,
      %broadcast_in_dim3A_152 = arith.constant 3 : i32
      %broadcast_in_dim3A_153 = vector.broadcast %broadcast_in_dim3A_152 : i32 to vector<16xi32>
      %get3A_154 = arith.constant 3 : i32
      %get3A_155 = arith.index_cast %rem3A_74 : i32 to index
      %get3A_156 = arith.index_cast %get3A_154 : i32 to index
      %get3A_157 = arith.constant 0 : index
      %get3A_158 = tpu.vector_load %arg6[%get3A_155, %get3A_156, %get3A_157] {strides = array<i32>} : memref<4x128x32xf32, #tpu.memory_space<vmem>>, vector<16xf32>,
      tpu.vector_store_idx %arg7[%iota3A, %broadcast_in_dim3A_153], %get3A_158 : memref<32x129xf32, #tpu.memory_space<vmem>>[vector<16xi32>, vector<16xi32>], vector<16xf32>,
      %get3A_159 = arith.constant 3 : i32
      %get3A_160 = arith.index_cast %rem3A_74 : i32 to index
      %get3A_161 = arith.index_cast %get3A_159 : i32 to index
      %get3A_162 = arith.constant 16 : index
      %get3A_163 = tpu.vector_load %arg6[%get3A_160, %get3A_161, %get3A_162] {strides = array<i32>} : memref<4x128x32xf32, #tpu.memory_space<vmem>>, vector<16xf32>,
      tpu.vector_store_idx %arg7[%add3A_64, %broadcast_in_dim3A_153], %get3A_163 : memref<32x129xf32, #tpu.memory_space<vmem>>[vector<16xi32>, vector<16xi32>], vector<16xf32>,
      %broadcast_in_dim3A_164 = arith.constant 4 : i32
      %broadcast_in_dim3A_165 = vector.broadcast %broadcast_in_dim3A_164 : i32 to vector<16xi32>
      %get3A_166 = arith.constant 4 : i32
      %get3A_167 = arith.index_cast %rem3A_74 : i32 to index
      %get3A_168 = arith.index_cast %get3A_166 : i32 to index
      %get3A_169 = arith.constant 0 : index
      %get3A_170 = tpu.vector_load %arg6[%get3A_167, %get3A_168, %get3A_169] {strides = array<i32>} : memref<4x128x32xf32, #tpu.memory_space<vmem>>, vector<16xf32>,
      tpu.vector_store_idx %arg7[%iota3A, %broadcast_in_dim3A_165], %get3A_170 : memref<32x129xf32, #tpu.memory_space<vmem>>[vector<16xi32>, vector<16xi32>], vector<16xf32>,
      %get3A_171 = arith.constant 4 : i32
      %get3A_172 = arith.index_cast %rem3A_74 : i32 to index
      %get3A_173 = arith.index_cast %get3A_171 : i32 to index
      %get3A_174 = arith.constant 16 : index
      %get3A_175 = tpu.vector_load %arg6[%get3A_172, %get3A_173, %get3A_174] {strides = array<i32>} : memref<4x128x32xf32, #tpu.memory_space<vmem>>, vector<16xf32>,
      tpu.vector_store_idx %arg7[%add3A_64, %broadcast_in_dim3A_165], %get3A_175 : memref<32x129xf32, #tpu.memory_space<vmem>>[vector<16xi32>, vector<16xi32>], vector<16xf32>,
      %broadcast_in_dim3A_176 = arith.constant 5 : i32
      %broadcast_in_dim3A_177 = vector.broadcast %broadcast_in_dim3A_176 : i32 to vector<16xi32>
      %get3A_178 = arith.constant 5 : i32
      %get3A_179 = arith.index_cast %rem3A_74 : i32 to index
      %get3A_180 = arith.index_cast %get3A_178 : i32 to index
      %get3A_181 = arith.constant 0 : index
      %get3A_182 = tpu.vector_load %arg6[%get3A_179, %get3A_180, %get3A_181] {strides = array<i32>} : memref<4x128x32xf32, #tpu.memory_space<vmem>>, vector<16xf32>,
      tpu.vector_store_idx %arg7[%iota3A, %broadcast_in_dim3A_177], %get3A_182 : memref<32x129xf32, #tpu.memory_space<vmem>>[vector<16xi32>, vector<16xi32>], vector<16xf32>,
      %get3A_183 = arith.constant 5 : i32
      %get3A_184 = arith.index_cast %rem3A_74 : i32 to index
      %get3A_185 = arith.index_cast %get3A_183 : i32 to index
      %get3A_186 = arith.constant 16 : index
      %get3A_187 = tpu.vector_load %arg6[%get3A_184, %get3A_185, %get3A_186] {strides = array<i32>} : memref<4x128x32xf32, #tpu.memory_space<vmem>>, vector<16xf32>,
      tpu.vector_store_idx %arg7[%add3A_64, %broadcast_in_dim3A_177], %get3A_187 : memref<32x129xf32, #tpu.memory_space<vmem>>[vector<16xi32>, vector<16xi32>], vector<16xf32>,
      %broadcast_in_dim3A_188 = arith.constant 6 : i32
      %broadcast_in_dim3A_189 = vector.broadcast %broadcast_in_dim3A_188 : i32 to vector<16xi32>
      %get3A_190 = arith.constant 6 : i32
      %get3A_191 = arith.index_cast %rem3A_74 : i32 to index
      %get3A_192 = arith.index_cast %get3A_190 : i32 to index
      %get3A_193 = arith.constant 0 : index
      %get3A_194 = tpu.vector_load %arg6[%get3A_191, %get3A_192, %get3A_193] {strides = array<i32>} : memref<4x128x32xf32, #tpu.memory_space<vmem>>, vector<16xf32>,
      tpu.vector_store_idx %arg7[%iota3A, %broadcast_in_dim3A_189], %get3A_194 : memref<32x129xf32, #tpu.memory_space<vmem>>[vector<16xi32>, vector<16xi32>], vector<16xf32>,
      %get3A_195 = arith.constant 6 : i32
      %get3A_196 = arith.index_cast %rem3A_74 : i32 to index
      %get3A_197 = arith.index_cast %get3A_195 : i32 to index
      %get3A_198 = arith.constant 16 : index
      %get3A_199 = tpu.vector_load %arg6[%get3A_196, %get3A_197, %get3A_198] {strides = array<i32>} : memref<4x128x32xf32, #tpu.memory_space<vmem>>, vector<16xf32>,
      tpu.vector_store_idx %arg7[%add3A_64, %broadcast_in_dim3A_189], %get3A_199 : memref<32x129xf32, #tpu.memory_space<vmem>>[vector<16xi32>, vector<16xi32>], vector<16xf32>,
      %broadcast_in_dim3A_200 = arith.constant 7 : i32
      %broadcast_in_dim3A_201 = vector.broadcast %broadcast_in_dim3A_200 : i32 to vector<16xi32>
      %get3A_202 = arith.constant 7 : i32
      %get3A_203 = arith.index_cast %rem3A_74 : i32 to index
      %get3A_204 = arith.index_cast %get3A_202 : i32 to index
      %get3A_205 = arith.constant 0 : index
      %get3A_206 = tpu.vector_load %arg6[%get3A_203, %get3A_204, %get3A_205] {strides = array<i32>} : memref<4x128x32xf32, #tpu.memory_space<vmem>>, vector<16xf32>,
      tpu.vector_store_idx %arg7[%iota3A, %broadcast_in_dim3A_201], %get3A_206 : memref<32x129xf32, #tpu.memory_space<vmem>>[vector<16xi32>, vector<16xi32>], vector<16xf32>,
      %get3A_207 = arith.constant 7 : i32
      %get3A_208 = arith.index_cast %rem3A_74 : i32 to index
      %get3A_209 = arith.index_cast %get3A_207 : i32 to index
      %get3A_210 = arith.constant 16 : index
      %get3A_211 = tpu.vector_load %arg6[%get3A_208, %get3A_209, %get3A_210] {strides = array<i32>} : memref<4x128x32xf32, #tpu.memory_space<vmem>>, vector<16xf32>,
      tpu.vector_store_idx %arg7[%add3A_64, %broadcast_in_dim3A_201], %get3A_211 : memref<32x129xf32, #tpu.memory_space<vmem>>[vector<16xi32>, vector<16xi32>], vector<16xf32>,
      %broadcast_in_dim3A_212 = arith.constant 8 : i32
      %broadcast_in_dim3A_213 = vector.broadcast %broadcast_in_dim3A_212 : i32 to vector<16xi32>
      %get3A_214 = arith.constant 8 : i32
      %get3A_215 = arith.index_cast %rem3A_74 : i32 to index
      %get3A_216 = arith.index_cast %get3A_214 : i32 to index
      %get3A_217 = arith.constant 0 : index
      %get3A_218 = tpu.vector_load %arg6[%get3A_215, %get3A_216, %get3A_217] {strides = array<i32>} : memref<4x128x32xf32, #tpu.memory_space<vmem>>, vector<16xf32>,
      tpu.vector_store_idx %arg7[%iota3A, %broadcast_in_dim3A_213], %get3A_218 : memref<32x129xf32, #tpu.memory_space<vmem>>[vector<16xi32>, vector<16xi32>], vector<16xf32>,
      %get3A_219 = arith.constant 8 : i32
      %get3A_220 = arith.index_cast %rem3A_74 : i32 to index
      %get3A_221 = arith.index_cast %get3A_219 : i32 to index
      %get3A_222 = arith.constant 16 : index
      %get3A_223 = tpu.vector_load %arg6[%get3A_220, %get3A_221, %get3A_222] {strides = array<i32>} : memref<4x128x32xf32, #tpu.memory_space<vmem>>, vector<16xf32>,
      tpu.vector_store_idx %arg7[%add3A_64, %broadcast_in_dim3A_213], %get3A_223 : memref<32x129xf32, #tpu.memory_space<vmem>>[vector<16xi32>, vector<16xi32>], vector<16xf32>,
      %broadcast_in_dim3A_224 = arith.constant 9 : i32
      %broadcast_in_dim3A_225 = vector.broadcast %broadcast_in_dim3A_224 : i32 to vector<16xi32>
      %get3A_226 = arith.constant 9 : i32
      %get3A_227 = arith.index_cast %rem3A_74 : i32 to index
      %get3A_228 = arith.index_cast %get3A_226 : i32 to index
      %get3A_229 = arith.constant 0 : index
      %get3A_230 = tpu.vector_load %arg6[%get3A_227, %get3A_228, %get3A_229] {strides = array<i32>} : memref<4x128x32xf32, #tpu.memory_space<vmem>>, vector<16xf32>,
      tpu.vector_store_idx %arg7[%iota3A, %broadcast_in_dim3A_225], %get3A_230 : memref<32x129xf32, #tpu.memory_space<vmem>>[vector<16xi32>, vector<16xi32>], vector<16xf32>,
      %get3A_231 = arith.constant 9 : i32
      %get3A_232 = arith.index_cast %rem3A_74 : i32 to index
      %get3A_233 = arith.index_cast %get3A_231 : i32 to index
      %get3A_234 = arith.constant 16 : index
      %get3A_235 = tpu.vector_load %arg6[%get3A_232, %get3A_233, %get3A_234] {strides = array<i32>} : memref<4x128x32xf32, #tpu.memory_space<vmem>>, vector<16xf32>,
      tpu.vector_store_idx %arg7[%add3A_64, %broadcast_in_dim3A_225], %get3A_235 : memref<32x129xf32, #tpu.memory_space<vmem>>[vector<16xi32>, vector<16xi32>], vector<16xf32>,
      %broadcast_in_dim3A_236 = arith.constant 10 : i32
      %broadcast_in_dim3A_237 = vector.broadcast %broadcast_in_dim3A_236 : i32 to vector<16xi32>
      %get3A_238 = arith.constant 10 : i32
      %get3A_239 = arith.index_cast %rem3A_74 : i32 to index
      %get3A_240 = arith.index_cast %get3A_238 : i32 to index
      %get3A_241 = arith.constant 0 : index
      %get3A_242 = tpu.vector_load %arg6[%get3A_239, %get3A_240, %get3A_241] {strides = array<i32>} : memref<4x128x32xf32, #tpu.memory_space<vmem>>, vector<16xf32>,
      tpu.vector_store_idx %arg7[%iota3A, %broadcast_in_dim3A_237], %get3A_242 : memref<32x129xf32, #tpu.memory_space<vmem>>[vector<16xi32>, vector<16xi32>], vector<16xf32>,
      %get3A_243 = arith.constant 10 : i32
      %get3A_244 = arith.index_cast %rem3A_74 : i32 to index
      %get3A_245 = arith.index_cast %get3A_243 : i32 to index
      %get3A_246 = arith.constant 16 : index
      %get3A_247 = tpu.vector_load %arg6[%get3A_244, %get3A_245, %get3A_246] {strides = array<i32>} : memref<4x128x32xf32, #tpu.memory_space<vmem>>, vector<16xf32>,
      tpu.vector_store_idx %arg7[%add3A_64, %broadcast_in_dim3A_237], %get3A_247 : memref<32x129xf32, #tpu.memory_space<vmem>>[vector<16xi32>, vector<16xi32>], vector<16xf32>,
      %broadcast_in_dim3A_248 = arith.constant 11 : i32
      %broadcast_in_dim3A_249 = vector.broadcast %broadcast_in_dim3A_248 : i32 to vector<16xi32>
      %get3A_250 = arith.constant 11 : i32
      %get3A_251 = arith.index_cast %rem3A_74 : i32 to index
      %get3A_252 = arith.index_cast %get3A_250 : i32 to index
      %get3A_253 = arith.constant 0 : index
      %get3A_254 = tpu.vector_load %arg6[%get3A_251, %get3A_252, %get3A_253] {strides = array<i32>} : memref<4x128x32xf32, #tpu.memory_space<vmem>>, vector<16xf32>,
      tpu.vector_store_idx %arg7[%iota3A, %broadcast_in_dim3A_249], %get3A_254 : memref<32x129xf32, #tpu.memory_space<vmem>>[vector<16xi32>, vector<16xi32>], vector<16xf32>,
      %get3A_255 = arith.constant 11 : i32
      %get3A_256 = arith.index_cast %rem3A_74 : i32 to index
      %get3A_257 = arith.index_cast %get3A_255 : i32 to index
      %get3A_258 = arith.constant 16 : index
      %get3A_259 = tpu.vector_load %arg6[%get3A_256, %get3A_257, %get3A_258] {strides = array<i32>} : memref<4x128x32xf32, #tpu.memory_space<vmem>>, vector<16xf32>,
      tpu.vector_store_idx %arg7[%add3A_64, %broadcast_in_dim3A_249], %get3A_259 : memref<32x129xf32, #tpu.memory_space<vmem>>[vector<16xi32>, vector<16xi32>], vector<16xf32>,
      %broadcast_in_dim3A_260 = arith.constant 12 : i32
      %broadcast_in_dim3A_261 = vector.broadcast %broadcast_in_dim3A_260 : i32 to vector<16xi32>
      %get3A_262 = arith.constant 12 : i32
      %get3A_263 = arith.index_cast %rem3A_74 : i32 to index
      %get3A_264 = arith.index_cast %get3A_262 : i32 to index
      %get3A_265 = arith.constant 0 : index
      %get3A_266 = tpu.vector_load %arg6[%get3A_263, %get3A_264, %get3A_265] {strides = array<i32>} : memref<4x128x32xf32, #tpu.memory_space<vmem>>, vector<16xf32>,
      tpu.vector_store_idx %arg7[%iota3A, %broadcast_in_dim3A_261], %get3A_266 : memref<32x129xf32, #tpu.memory_space<vmem>>[vector<16xi32>, vector<16xi32>], vector<16xf32>,
      %get3A_267 = arith.constant 12 : i32
      %get3A_268 = arith.index_cast %rem3A_74 : i32 to index
      %get3A_269 = arith.index_cast %get3A_267 : i32 to index
      %get3A_270 = arith.constant 16 : index
      %get3A_271 = tpu.vector_load %arg6[%get3A_268, %get3A_269, %get3A_270] {strides = array<i32>} : memref<4x128x32xf32, #tpu.memory_space<vmem>>, vector<16xf32>,
      tpu.vector_store_idx %arg7[%add3A_64, %broadcast_in_dim3A_261], %get3A_271 : memref<32x129xf32, #tpu.memory_space<vmem>>[vector<16xi32>, vector<16xi32>], vector<16xf32>,
      %broadcast_in_dim3A_272 = arith.constant 13 : i32
      %broadcast_in_dim3A_273 = vector.broadcast %broadcast_in_dim3A_272 : i32 to vector<16xi32>
      %get3A_274 = arith.constant 13 : i32
      %get3A_275 = arith.index_cast %rem3A_74 : i32 to index
      %get3A_276 = arith.index_cast %get3A_274 : i32 to index
      %get3A_277 = arith.constant 0 : index
      %get3A_278 = tpu.vector_load %arg6[%get3A_275, %get3A_276, %get3A_277] {strides = array<i32>} : memref<4x128x32xf32, #tpu.memory_space<vmem>>, vector<16xf32>,
      tpu.vector_store_idx %arg7[%iota3A, %broadcast_in_dim3A_273], %get3A_278 : memref<32x129xf32, #tpu.memory_space<vmem>>[vector<16xi32>, vector<16xi32>], vector<16xf32>,
      %get3A_279 = arith.constant 13 : i32
      %get3A_280 = arith.index_cast %rem3A_74 : i32 to index
      %get3A_281 = arith.index_cast %get3A_279 : i32 to index
      %get3A_282 = arith.constant 16 : index
      %get3A_283 = tpu.vector_load %arg6[%get3A_280, %get3A_281, %get3A_282] {strides = array<i32>} : memref<4x128x32xf32, #tpu.memory_space<vmem>>, vector<16xf32>,
      tpu.vector_store_idx %arg7[%add3A_64, %broadcast_in_dim3A_273], %get3A_283 : memref<32x129xf32, #tpu.memory_space<vmem>>[vector<16xi32>, vector<16xi32>], vector<16xf32>,
      %broadcast_in_dim3A_284 = arith.constant 14 : i32
      %broadcast_in_dim3A_285 = vector.broadcast %broadcast_in_dim3A_284 : i32 to vector<16xi32>
      %get3A_286 = arith.constant 14 : i32
      %get3A_287 = arith.index_cast %rem3A_74 : i32 to index
      %get3A_288 = arith.index_cast %get3A_286 : i32 to index
      %get3A_289 = arith.constant 0 : index
      %get3A_290 = tpu.vector_load %arg6[%get3A_287, %get3A_288, %get3A_289] {strides = array<i32>} : memref<4x128x32xf32, #tpu.memory_space<vmem>>, vector<16xf32>,
      tpu.vector_store_idx %arg7[%iota3A, %broadcast_in_dim3A_285], %get3A_290 : memref<32x129xf32, #tpu.memory_space<vmem>>[vector<16xi32>, vector<16xi32>], vector<16xf32>,
      %get3A_291 = arith.constant 14 : i32
      %get3A_292 = arith.index_cast %rem3A_74 : i32 to index
      %get3A_293 = arith.index_cast %get3A_291 : i32 to index
      %get3A_294 = arith.constant 16 : index
      %get3A_295 = tpu.vector_load %arg6[%get3A_292, %get3A_293, %get3A_294] {strides = array<i32>} : memref<4x128x32xf32, #tpu.memory_space<vmem>>, vector<16xf32>,
      tpu.vector_store_idx %arg7[%add3A_64, %broadcast_in_dim3A_285], %get3A_295 : memref<32x129xf32, #tpu.memory_space<vmem>>[vector<16xi32>, vector<16xi32>], vector<16xf32>,
      %broadcast_in_dim3A_296 = arith.constant 15 : i32
      %broadcast_in_dim3A_297 = vector.broadcast %broadcast_in_dim3A_296 : i32 to vector<16xi32>
      %get3A_298 = arith.constant 15 : i32
      %get3A_299 = arith.index_cast %rem3A_74 : i32 to index
      %get3A_300 = arith.index_cast %get3A_298 : i32 to index
      %get3A_301 = arith.constant 0 : index
      %get3A_302 = tpu.vector_load %arg6[%get3A_299, %get3A_300, %get3A_301] {strides = array<i32>} : memref<4x128x32xf32, #tpu.memory_space<vmem>>, vector<16xf32>,
      tpu.vector_store_idx %arg7[%iota3A, %broadcast_in_dim3A_297], %get3A_302 : memref<32x129xf32, #tpu.memory_space<vmem>>[vector<16xi32>, vector<16xi32>], vector<16xf32>,
      %get3A_303 = arith.constant 15 : i32
      %get3A_304 = arith.index_cast %rem3A_74 : i32 to index
      %get3A_305 = arith.index_cast %get3A_303 : i32 to index
      %get3A_306 = arith.constant 16 : index
      %get3A_307 = tpu.vector_load %arg6[%get3A_304, %get3A_305, %get3A_306] {strides = array<i32>} : memref<4x128x32xf32, #tpu.memory_space<vmem>>, vector<16xf32>,
      tpu.vector_store_idx %arg7[%add3A_64, %broadcast_in_dim3A_297], %get3A_307 : memref<32x129xf32, #tpu.memory_space<vmem>>[vector<16xi32>, vector<16xi32>], vector<16xf32>,
      %broadcast_in_dim3A_308 = arith.constant 16 : i32
      %broadcast_in_dim3A_309 = vector.broadcast %broadcast_in_dim3A_308 : i32 to vector<16xi32>
      %get3A_310 = arith.constant 16 : i32
      %get3A_311 = arith.index_cast %rem3A_74 : i32 to index
      %get3A_312 = arith.index_cast %get3A_310 : i32 to index
      %get3A_313 = arith.constant 0 : index
      %get3A_314 = tpu.vector_load %arg6[%get3A_311, %get3A_312, %get3A_313] {strides = array<i32>} : memref<4x128x32xf32, #tpu.memory_space<vmem>>, vector<16xf32>,
      tpu.vector_store_idx %arg7[%iota3A, %broadcast_in_dim3A_309], %get3A_314 : memref<32x129xf32, #tpu.memory_space<vmem>>[vector<16xi32>, vector<16xi32>], vector<16xf32>,
      %get3A_315 = arith.constant 16 : i32
      %get3A_316 = arith.index_cast %rem3A_74 : i32 to index
      %get3A_317 = arith.index_cast %get3A_315 : i32 to index
      %get3A_318 = arith.constant 16 : index
      %get3A_319 = tpu.vector_load %arg6[%get3A_316, %get3A_317, %get3A_318] {strides = array<i32>} : memref<4x128x32xf32, #tpu.memory_space<vmem>>, vector<16xf32>,
      tpu.vector_store_idx %arg7[%add3A_64, %broadcast_in_dim3A_309], %get3A_319 : memref<32x129xf32, #tpu.memory_space<vmem>>[vector<16xi32>, vector<16xi32>], vector<16xf32>,
      %broadcast_in_dim3A_320 = arith.constant 17 : i32
      %broadcast_in_dim3A_321 = vector.broadcast %broadcast_in_dim3A_320 : i32 to vector<16xi32>
      %get3A_322 = arith.constant 17 : i32
      %get3A_323 = arith.index_cast %rem3A_74 : i32 to index
      %get3A_324 = arith.index_cast %get3A_322 : i32 to index
      %get3A_325 = arith.constant 0 : index
      %get3A_326 = tpu.vector_load %arg6[%get3A_323, %get3A_324, %get3A_325] {strides = array<i32>} : memref<4x128x32xf32, #tpu.memory_space<vmem>>, vector<16xf32>,
      tpu.vector_store_idx %arg7[%iota3A, %broadcast_in_dim3A_321], %get3A_326 : memref<32x129xf32, #tpu.memory_space<vmem>>[vector<16xi32>, vector<16xi32>], vector<16xf32>,
      %get3A_327 = arith.constant 17 : i32
      %get3A_328 = arith.index_cast %rem3A_74 : i32 to index
      %get3A_329 = arith.index_cast %get3A_327 : i32 to index
      %get3A_330 = arith.constant 16 : index
      %get3A_331 = tpu.vector_load %arg6[%get3A_328, %get3A_329, %get3A_330] {strides = array<i32>} : memref<4x128x32xf32, #tpu.memory_space<vmem>>, vector<16xf32>,
      tpu.vector_store_idx %arg7[%add3A_64, %broadcast_in_dim3A_321], %get3A_331 : memref<32x129xf32, #tpu.memory_space<vmem>>[vector<16xi32>, vector<16xi32>], vector<16xf32>,
      %broadcast_in_dim3A_332 = arith.constant 18 : i32
      %broadcast_in_dim3A_333 = vector.broadcast %broadcast_in_dim3A_332 : i32 to vector<16xi32>
      %get3A_334 = arith.constant 18 : i32
      %get3A_335 = arith.index_cast %rem3A_74 : i32 to index
      %get3A_336 = arith.index_cast %get3A_334 : i32 to index
      %get3A_337 = arith.constant 0 : index
      %get3A_338 = tpu.vector_load %arg6[%get3A_335, %get3A_336, %get3A_337] {strides = array<i32>} : memref<4x128x32xf32, #tpu.memory_space<vmem>>, vector<16xf32>,
      tpu.vector_store_idx %arg7[%iota3A, %broadcast_in_dim3A_333], %get3A_338 : memref<32x129xf32, #tpu.memory_space<vmem>>[vector<16xi32>, vector<16xi32>], vector<16xf32>,
      %get3A_339 = arith.constant 18 : i32
      %get3A_340 = arith.index_cast %rem3A_74 : i32 to index
      %get3A_341 = arith.index_cast %get3A_339 : i32 to index
      %get3A_342 = arith.constant 16 : index
      %get3A_343 = tpu.vector_load %arg6[%get3A_340, %get3A_341, %get3A_342] {strides = array<i32>} : memref<4x128x32xf32, #tpu.memory_space<vmem>>, vector<16xf32>,
      tpu.vector_store_idx %arg7[%add3A_64, %broadcast_in_dim3A_333], %get3A_343 : memref<32x129xf32, #tpu.memory_space<vmem>>[vector<16xi32>, vector<16xi32>], vector<16xf32>,
      %broadcast_in_dim3A_344 = arith.constant 19 : i32
      %broadcast_in_dim3A_345 = vector.broadcast %broadcast_in_dim3A_344 : i32 to vector<16xi32>
      %get3A_346 = arith.constant 19 : i32
      %get3A_347 = arith.index_cast %rem3A_74 : i32 to index
      %get3A_348 = arith.index_cast %get3A_346 : i32 to index
      %get3A_349 = arith.constant 0 : index
      %get3A_350 = tpu.vector_load %arg6[%get3A_347, %get3A_348, %get3A_349] {strides = array<i32>} : memref<4x128x32xf32, #tpu.memory_space<vmem>>, vector<16xf32>,
      tpu.vector_store_idx %arg7[%iota3A, %broadcast_in_dim3A_345], %get3A_350 : memref<32x129xf32, #tpu.memory_space<vmem>>[vector<16xi32>, vector<16xi32>], vector<16xf32>,
      %get3A_351 = arith.constant 19 : i32
      %get3A_352 = arith.index_cast %rem3A_74 : i32 to index
      %get3A_353 = arith.index_cast %get3A_351 : i32 to index
      %get3A_354 = arith.constant 16 : index
      %get3A_355 = tpu.vector_load %arg6[%get3A_352, %get3A_353, %get3A_354] {strides = array<i32>} : memref<4x128x32xf32, #tpu.memory_space<vmem>>, vector<16xf32>,
      tpu.vector_store_idx %arg7[%add3A_64, %broadcast_in_dim3A_345], %get3A_355 : memref<32x129xf32, #tpu.memory_space<vmem>>[vector<16xi32>, vector<16xi32>], vector<16xf32>,
      %broadcast_in_dim3A_356 = arith.constant 20 : i32
      %broadcast_in_dim3A_357 = vector.broadcast %broadcast_in_dim3A_356 : i32 to vector<16xi32>
      %get3A_358 = arith.constant 20 : i32
      %get3A_359 = arith.index_cast %rem3A_74 : i32 to index
      %get3A_360 = arith.index_cast %get3A_358 : i32 to index
      %get3A_361 = arith.constant 0 : index
      %get3A_362 = tpu.vector_load %arg6[%get3A_359, %get3A_360, %get3A_361] {strides = array<i32>} : memref<4x128x32xf32, #tpu.memory_space<vmem>>, vector<16xf32>,
      tpu.vector_store_idx %arg7[%iota3A, %broadcast_in_dim3A_357], %get3A_362 : memref<32x129xf32, #tpu.memory_space<vmem>>[vector<16xi32>, vector<16xi32>], vector<16xf32>,
      %get3A_363 = arith.constant 20 : i32
      %get3A_364 = arith.index_cast %rem3A_74 : i32 to index
      %get3A_365 = arith.index_cast %get3A_363 : i32 to index
      %get3A_366 = arith.constant 16 : index
      %get3A_367 = tpu.vector_load %arg6[%get3A_364, %get3A_365, %get3A_366] {strides = array<i32>} : memref<4x128x32xf32, #tpu.memory_space<vmem>>, vector<16xf32>,
      tpu.vector_store_idx %arg7[%add3A_64, %broadcast_in_dim3A_357], %get3A_367 : memref<32x129xf32, #tpu.memory_space<vmem>>[vector<16xi32>, vector<16xi32>], vector<16xf32>,
      %broadcast_in_dim3A_368 = arith.constant 21 : i32
      %broadcast_in_dim3A_369 = vector.broadcast %broadcast_in_dim3A_368 : i32 to vector<16xi32>
      %get3A_370 = arith.constant 21 : i32
      %get3A_371 = arith.index_cast %rem3A_74 : i32 to index
      %get3A_372 = arith.index_cast %get3A_370 : i32 to index
      %get3A_373 = arith.constant 0 : index
      %get3A_374 = tpu.vector_load %arg6[%get3A_371, %get3A_372, %get3A_373] {strides = array<i32>} : memref<4x128x32xf32, #tpu.memory_space<vmem>>, vector<16xf32>,
      tpu.vector_store_idx %arg7[%iota3A, %broadcast_in_dim3A_369], %get3A_374 : memref<32x129xf32, #tpu.memory_space<vmem>>[vector<16xi32>, vector<16xi32>], vector<16xf32>,
      %get3A_375 = arith.constant 21 : i32
      %get3A_376 = arith.index_cast %rem3A_74 : i32 to index
      %get3A_377 = arith.index_cast %get3A_375 : i32 to index
      %get3A_378 = arith.constant 16 : index
      %get3A_379 = tpu.vector_load %arg6[%get3A_376, %get3A_377, %get3A_378] {strides = array<i32>} : memref<4x128x32xf32, #tpu.memory_space<vmem>>, vector<16xf32>,
      tpu.vector_store_idx %arg7[%add3A_64, %broadcast_in_dim3A_369], %get3A_379 : memref<32x129xf32, #tpu.memory_space<vmem>>[vector<16xi32>, vector<16xi32>], vector<16xf32>,
      %broadcast_in_dim3A_380 = arith.constant 22 : i32
      %broadcast_in_dim3A_381 = vector.broadcast %broadcast_in_dim3A_380 : i32 to vector<16xi32>
      %get3A_382 = arith.constant 22 : i32
      %get3A_383 = arith.index_cast %rem3A_74 : i32 to index
      %get3A_384 = arith.index_cast %get3A_382 : i32 to index
      %get3A_385 = arith.constant 0 : index
      %get3A_386 = tpu.vector_load %arg6[%get3A_383, %get3A_384, %get3A_385] {strides = array<i32>} : memref<4x128x32xf32, #tpu.memory_space<vmem>>, vector<16xf32>,
      tpu.vector_store_idx %arg7[%iota3A, %broadcast_in_dim3A_381], %get3A_386 : memref<32x129xf32, #tpu.memory_space<vmem>>[vector<16xi32>, vector<16xi32>], vector<16xf32>,
      %get3A_387 = arith.constant 22 : i32
      %get3A_388 = arith.index_cast %rem3A_74 : i32 to index
      %get3A_389 = arith.index_cast %get3A_387 : i32 to index
      %get3A_390 = arith.constant 16 : index
      %get3A_391 = tpu.vector_load %arg6[%get3A_388, %get3A_389, %get3A_390] {strides = array<i32>} : memref<4x128x32xf32, #tpu.memory_space<vmem>>, vector<16xf32>,
      tpu.vector_store_idx %arg7[%add3A_64, %broadcast_in_dim3A_381], %get3A_391 : memref<32x129xf32, #tpu.memory_space<vmem>>[vector<16xi32>, vector<16xi32>], vector<16xf32>,
      %broadcast_in_dim3A_392 = arith.constant 23 : i32
      %broadcast_in_dim3A_393 = vector.broadcast %broadcast_in_dim3A_392 : i32 to vector<16xi32>
      %get3A_394 = arith.constant 23 : i32
      %get3A_395 = arith.index_cast %rem3A_74 : i32 to index
      %get3A_396 = arith.index_cast %get3A_394 : i32 to index
      %get3A_397 = arith.constant 0 : index
      %get3A_398 = tpu.vector_load %arg6[%get3A_395, %get3A_396, %get3A_397] {strides = array<i32>} : memref<4x128x32xf32, #tpu.memory_space<vmem>>, vector<16xf32>,
      tpu.vector_store_idx %arg7[%iota3A, %broadcast_in_dim3A_393], %get3A_398 : memref<32x129xf32, #tpu.memory_space<vmem>>[vector<16xi32>, vector<16xi32>], vector<16xf32>,
      %get3A_399 = arith.constant 23 : i32
      %get3A_400 = arith.index_cast %rem3A_74 : i32 to index
      %get3A_401 = arith.index_cast %get3A_399 : i32 to index
      %get3A_402 = arith.constant 16 : index
      %get3A_403 = tpu.vector_load %arg6[%get3A_400, %get3A_401, %get3A_402] {strides = array<i32>} : memref<4x128x32xf32, #tpu.memory_space<vmem>>, vector<16xf32>,
      tpu.vector_store_idx %arg7[%add3A_64, %broadcast_in_dim3A_393], %get3A_403 : memref<32x129xf32, #tpu.memory_space<vmem>>[vector<16xi32>, vector<16xi32>], vector<16xf32>,
      %broadcast_in_dim3A_404 = arith.constant 24 : i32
      %broadcast_in_dim3A_405 = vector.broadcast %broadcast_in_dim3A_404 : i32 to vector<16xi32>
      %get3A_406 = arith.constant 24 : i32
      %get3A_407 = arith.index_cast %rem3A_74 : i32 to index
      %get3A_408 = arith.index_cast %get3A_406 : i32 to index
      %get3A_409 = arith.constant 0 : index
      %get3A_410 = tpu.vector_load %arg6[%get3A_407, %get3A_408, %get3A_409] {strides = array<i32>} : memref<4x128x32xf32, #tpu.memory_space<vmem>>, vector<16xf32>,
      tpu.vector_store_idx %arg7[%iota3A, %broadcast_in_dim3A_405], %get3A_410 : memref<32x129xf32, #tpu.memory_space<vmem>>[vector<16xi32>, vector<16xi32>], vector<16xf32>,
      %get3A_411 = arith.constant 24 : i32
      %get3A_412 = arith.index_cast %rem3A_74 : i32 to index
      %get3A_413 = arith.index_cast %get3A_411 : i32 to index
      %get3A_414 = arith.constant 16 : index
      %get3A_415 = tpu.vector_load %arg6[%get3A_412, %get3A_413, %get3A_414] {strides = array<i32>} : memref<4x128x32xf32, #tpu.memory_space<vmem>>, vector<16xf32>,
      tpu.vector_store_idx %arg7[%add3A_64, %broadcast_in_dim3A_405], %get3A_415 : memref<32x129xf32, #tpu.memory_space<vmem>>[vector<16xi32>, vector<16xi32>], vector<16xf32>,
      %broadcast_in_dim3A_416 = arith.constant 25 : i32
      %broadcast_in_dim3A_417 = vector.broadcast %broadcast_in_dim3A_416 : i32 to vector<16xi32>
      %get3A_418 = arith.constant 25 : i32
      %get3A_419 = arith.index_cast %rem3A_74 : i32 to index
      %get3A_420 = arith.index_cast %get3A_418 : i32 to index
      %get3A_421 = arith.constant 0 : index
      %get3A_422 = tpu.vector_load %arg6[%get3A_419, %get3A_420, %get3A_421] {strides = array<i32>} : memref<4x128x32xf32, #tpu.memory_space<vmem>>, vector<16xf32>,
      tpu.vector_store_idx %arg7[%iota3A, %broadcast_in_dim3A_417], %get3A_422 : memref<32x129xf32, #tpu.memory_space<vmem>>[vector<16xi32>, vector<16xi32>], vector<16xf32>,
      %get3A_423 = arith.constant 25 : i32
      %get3A_424 = arith.index_cast %rem3A_74 : i32 to index
      %get3A_425 = arith.index_cast %get3A_423 : i32 to index
      %get3A_426 = arith.constant 16 : index
      %get3A_427 = tpu.vector_load %arg6[%get3A_424, %get3A_425, %get3A_426] {strides = array<i32>} : memref<4x128x32xf32, #tpu.memory_space<vmem>>, vector<16xf32>,
      tpu.vector_store_idx %arg7[%add3A_64, %broadcast_in_dim3A_417], %get3A_427 : memref<32x129xf32, #tpu.memory_space<vmem>>[vector<16xi32>, vector<16xi32>], vector<16xf32>,
      %broadcast_in_dim3A_428 = arith.constant 26 : i32
      %broadcast_in_dim3A_429 = vector.broadcast %broadcast_in_dim3A_428 : i32 to vector<16xi32>
      %get3A_430 = arith.constant 26 : i32
      %get3A_431 = arith.index_cast %rem3A_74 : i32 to index
      %get3A_432 = arith.index_cast %get3A_430 : i32 to index
      %get3A_433 = arith.constant 0 : index
      %get3A_434 = tpu.vector_load %arg6[%get3A_431, %get3A_432, %get3A_433] {strides = array<i32>} : memref<4x128x32xf32, #tpu.memory_space<vmem>>, vector<16xf32>,
      tpu.vector_store_idx %arg7[%iota3A, %broadcast_in_dim3A_429], %get3A_434 : memref<32x129xf32, #tpu.memory_space<vmem>>[vector<16xi32>, vector<16xi32>], vector<16xf32>,
      %get3A_435 = arith.constant 26 : i32
      %get3A_436 = arith.index_cast %rem3A_74 : i32 to index
      %get3A_437 = arith.index_cast %get3A_435 : i32 to index
      %get3A_438 = arith.constant 16 : index
      %get3A_439 = tpu.vector_load %arg6[%get3A_436, %get3A_437, %get3A_438] {strides = array<i32>} : memref<4x128x32xf32, #tpu.memory_space<vmem>>, vector<16xf32>,
      tpu.vector_store_idx %arg7[%add3A_64, %broadcast_in_dim3A_429], %get3A_439 : memref<32x129xf32, #tpu.memory_space<vmem>>[vector<16xi32>, vector<16xi32>], vector<16xf32>,
      %broadcast_in_dim3A_440 = arith.constant 27 : i32
      %broadcast_in_dim3A_441 = vector.broadcast %broadcast_in_dim3A_440 : i32 to vector<16xi32>
      %get3A_442 = arith.constant 27 : i32
      %get3A_443 = arith.index_cast %rem3A_74 : i32 to index
      %get3A_444 = arith.index_cast %get3A_442 : i32 to index
      %get3A_445 = arith.constant 0 : index
      %get3A_446 = tpu.vector_load %arg6[%get3A_443, %get3A_444, %get3A_445] {strides = array<i32>} : memref<4x128x32xf32, #tpu.memory_space<vmem>>, vector<16xf32>,
      tpu.vector_store_idx %arg7[%iota3A, %broadcast_in_dim3A_441], %get3A_446 : memref<32x129xf32, #tpu.memory_space<vmem>>[vector<16xi32>, vector<16xi32>], vector<16xf32>,
      %get3A_447 = arith.constant 27 : i32
      %get3A_448 = arith.index_cast %rem3A_74 : i32 to index
      %get3A_449 = arith.index_cast %get3A_447 : i32 to index
      %get3A_450 = arith.constant 16 : index
      %get3A_451 = tpu.vector_load %arg6[%get3A_448, %get3A_449, %get3A_450] {strides = array<i32>} : memref<4x128x32xf32, #tpu.memory_space<vmem>>, vector<16xf32>,
      tpu.vector_store_idx %arg7[%add3A_64, %broadcast_in_dim3A_441], %get3A_451 : memref<32x129xf32, #tpu.memory_space<vmem>>[vector<16xi32>, vector<16xi32>], vector<16xf32>,
      %broadcast_in_dim3A_452 = arith.constant 28 : i32
      %broadcast_in_dim3A_453 = vector.broadcast %broadcast_in_dim3A_452 : i32 to vector<16xi32>
      %get3A_454 = arith.constant 28 : i32
      %get3A_455 = arith.index_cast %rem3A_74 : i32 to index
      %get3A_456 = arith.index_cast %get3A_454 : i32 to index
      %get3A_457 = arith.constant 0 : index
      %get3A_458 = tpu.vector_load %arg6[%get3A_455, %get3A_456, %get3A_457] {strides = array<i32>} : memref<4x128x32xf32, #tpu.memory_space<vmem>>, vector<16xf32>,
      tpu.vector_store_idx %arg7[%iota3A, %broadcast_in_dim3A_453], %get3A_458 : memref<32x129xf32, #tpu.memory_space<vmem>>[vector<16xi32>, vector<16xi32>], vector<16xf32>,
      %get3A_459 = arith.constant 28 : i32
      %get3A_460 = arith.index_cast %rem3A_74 : i32 to index
      %get3A_461 = arith.index_cast %get3A_459 : i32 to index
      %get3A_462 = arith.constant 16 : index
      %get3A_463 = tpu.vector_load %arg6[%get3A_460, %get3A_461, %get3A_462] {strides = array<i32>} : memref<4x128x32xf32, #tpu.memory_space<vmem>>, vector<16xf32>,
      tpu.vector_store_idx %arg7[%add3A_64, %broadcast_in_dim3A_453], %get3A_463 : memref<32x129xf32, #tpu.memory_space<vmem>>[vector<16xi32>, vector<16xi32>], vector<16xf32>,
      %broadcast_in_dim3A_464 = arith.constant 29 : i32
      %broadcast_in_dim3A_465 = vector.broadcast %broadcast_in_dim3A_464 : i32 to vector<16xi32>
      %get3A_466 = arith.constant 29 : i32
      %get3A_467 = arith.index_cast %rem3A_74 : i32 to index
      %get3A_468 = arith.index_cast %get3A_466 : i32 to index
      %get3A_469 = arith.constant 0 : index
      %get3A_470 = tpu.vector_load %arg6[%get3A_467, %get3A_468, %get3A_469] {strides = array<i32>} : memref<4x128x32xf32, #tpu.memory_space<vmem>>, vector<16xf32>,
      tpu.vector_store_idx %arg7[%iota3A, %broadcast_in_dim3A_465], %get3A_470 : memref<32x129xf32, #tpu.memory_space<vmem>>[vector<16xi32>, vector<16xi32>], vector<16xf32>,
      %get3A_471 = arith.constant 29 : i32
      %get3A_472 = arith.index_cast %rem3A_74 : i32 to index
      %get3A_473 = arith.index_cast %get3A_471 : i32 to index
      %get3A_474 = arith.constant 16 : index
      %get3A_475 = tpu.vector_load %arg6[%get3A_472, %get3A_473, %get3A_474] {strides = array<i32>} : memref<4x128x32xf32, #tpu.memory_space<vmem>>, vector<16xf32>,
      tpu.vector_store_idx %arg7[%add3A_64, %broadcast_in_dim3A_465], %get3A_475 : memref<32x129xf32, #tpu.memory_space<vmem>>[vector<16xi32>, vector<16xi32>], vector<16xf32>,
      %broadcast_in_dim3A_476 = arith.constant 30 : i32
      %broadcast_in_dim3A_477 = vector.broadcast %broadcast_in_dim3A_476 : i32 to vector<16xi32>
      %get3A_478 = arith.constant 30 : i32
      %get3A_479 = arith.index_cast %rem3A_74 : i32 to index
      %get3A_480 = arith.index_cast %get3A_478 : i32 to index
      %get3A_481 = arith.constant 0 : index
      %get3A_482 = tpu.vector_load %arg6[%get3A_479, %get3A_480, %get3A_481] {strides = array<i32>} : memref<4x128x32xf32, #tpu.memory_space<vmem>>, vector<16xf32>,
      tpu.vector_store_idx %arg7[%iota3A, %broadcast_in_dim3A_477], %get3A_482 : memref<32x129xf32, #tpu.memory_space<vmem>>[vector<16xi32>, vector<16xi32>], vector<16xf32>,
      %get3A_483 = arith.constant 30 : i32
      %get3A_484 = arith.index_cast %rem3A_74 : i32 to index
      %get3A_485 = arith.index_cast %get3A_483 : i32 to index
      %get3A_486 = arith.constant 16 : index
      %get3A_487 = tpu.vector_load %arg6[%get3A_484, %get3A_485, %get3A_486] {strides = array<i32>} : memref<4x128x32xf32, #tpu.memory_space<vmem>>, vector<16xf32>,
      tpu.vector_store_idx %arg7[%add3A_64, %broadcast_in_dim3A_477], %get3A_487 : memref<32x129xf32, #tpu.memory_space<vmem>>[vector<16xi32>, vector<16xi32>], vector<16xf32>,
      %broadcast_in_dim3A_488 = arith.constant 31 : i32
      %broadcast_in_dim3A_489 = vector.broadcast %broadcast_in_dim3A_488 : i32 to vector<16xi32>
      %get3A_490 = arith.constant 31 : i32
      %get3A_491 = arith.index_cast %rem3A_74 : i32 to index
      %get3A_492 = arith.index_cast %get3A_490 : i32 to index
      %get3A_493 = arith.constant 0 : index
      %get3A_494 = tpu.vector_load %arg6[%get3A_491, %get3A_492, %get3A_493] {strides = array<i32>} : memref<4x128x32xf32, #tpu.memory_space<vmem>>, vector<16xf32>,
      tpu.vector_store_idx %arg7[%iota3A, %broadcast_in_dim3A_489], %get3A_494 : memref<32x129xf32, #tpu.memory_space<vmem>>[vector<16xi32>, vector<16xi32>], vector<16xf32>,
      %get3A_495 = arith.constant 31 : i32
      %get3A_496 = arith.index_cast %rem3A_74 : i32 to index
      %get3A_497 = arith.index_cast %get3A_495 : i32 to index
      %get3A_498 = arith.constant 16 : index
      %get3A_499 = tpu.vector_load %arg6[%get3A_496, %get3A_497, %get3A_498] {strides = array<i32>} : memref<4x128x32xf32, #tpu.memory_space<vmem>>, vector<16xf32>,
      tpu.vector_store_idx %arg7[%add3A_64, %broadcast_in_dim3A_489], %get3A_499 : memref<32x129xf32, #tpu.memory_space<vmem>>[vector<16xi32>, vector<16xi32>], vector<16xf32>,
      %broadcast_in_dim3A_500 = arith.constant 32 : i32
      %broadcast_in_dim3A_501 = vector.broadcast %broadcast_in_dim3A_500 : i32 to vector<16xi32>
      %get3A_502 = arith.constant 32 : i32
      %get3A_503 = arith.index_cast %rem3A_74 : i32 to index
      %get3A_504 = arith.index_cast %get3A_502 : i32 to index
      %get3A_505 = arith.constant 0 : index
      %get3A_506 = tpu.vector_load %arg6[%get3A_503, %get3A_504, %get3A_505] {strides = array<i32>} : memref<4x128x32xf32, #tpu.memory_space<vmem>>, vector<16xf32>,
      tpu.vector_store_idx %arg7[%iota3A, %broadcast_in_dim3A_501], %get3A_506 : memref<32x129xf32, #tpu.memory_space<vmem>>[vector<16xi32>, vector<16xi32>], vector<16xf32>,
      %get3A_507 = arith.constant 32 : i32
      %get3A_508 = arith.index_cast %rem3A_74 : i32 to index
      %get3A_509 = arith.index_cast %get3A_507 : i32 to index
      %get3A_510 = arith.constant 16 : index
      %get3A_511 = tpu.vector_load %arg6[%get3A_508, %get3A_509, %get3A_510] {strides = array<i32>} : memref<4x128x32xf32, #tpu.memory_space<vmem>>, vector<16xf32>,
      tpu.vector_store_idx %arg7[%add3A_64, %broadcast_in_dim3A_501], %get3A_511 : memref<32x129xf32, #tpu.memory_space<vmem>>[vector<16xi32>, vector<16xi32>], vector<16xf32>,
      %broadcast_in_dim3A_512 = arith.constant 33 : i32
      %broadcast_in_dim3A_513 = vector.broadcast %broadcast_in_dim3A_512 : i32 to vector<16xi32>
      %get3A_514 = arith.constant 33 : i32
      %get3A_515 = arith.index_cast %rem3A_74 : i32 to index
      %get3A_516 = arith.index_cast %get3A_514 : i32 to index
      %get3A_517 = arith.constant 0 : index
      %get3A_518 = tpu.vector_load %arg6[%get3A_515, %get3A_516, %get3A_517] {strides = array<i32>} : memref<4x128x32xf32, #tpu.memory_space<vmem>>, vector<16xf32>,
      tpu.vector_store_idx %arg7[%iota3A, %broadcast_in_dim3A_513], %get3A_518 : memref<32x129xf32, #tpu.memory_space<vmem>>[vector<16xi32>, vector<16xi32>], vector<16xf32>,
      %get3A_519 = arith.constant 33 : i32
      %get3A_520 = arith.index_cast %rem3A_74 : i32 to index
      %get3A_521 = arith.index_cast %get3A_519 : i32 to index
      %get3A_522 = arith.constant 16 : index
      %get3A_523 = tpu.vector_load %arg6[%get3A_520, %get3A_521, %get3A_522] {strides = array<i32>} : memref<4x128x32xf32, #tpu.memory_space<vmem>>, vector<16xf32>,
      tpu.vector_store_idx %arg7[%add3A_64, %broadcast_in_dim3A_513], %get3A_523 : memref<32x129xf32, #tpu.memory_space<vmem>>[vector<16xi32>, vector<16xi32>], vector<16xf32>,
      %broadcast_in_dim3A_524 = arith.constant 34 : i32
      %broadcast_in_dim3A_525 = vector.broadcast %broadcast_in_dim3A_524 : i32 to vector<16xi32>
      %get3A_526 = arith.constant 34 : i32
      %get3A_527 = arith.index_cast %rem3A_74 : i32 to index
      %get3A_528 = arith.index_cast %get3A_526 : i32 to index
      %get3A_529 = arith.constant 0 : index
      %get3A_530 = tpu.vector_load %arg6[%get3A_527, %get3A_528, %get3A_529] {strides = array<i32>} : memref<4x128x32xf32, #tpu.memory_space<vmem>>, vector<16xf32>,
      tpu.vector_store_idx %arg7[%iota3A, %broadcast_in_dim3A_525], %get3A_530 : memref<32x129xf32, #tpu.memory_space<vmem>>[vector<16xi32>, vector<16xi32>], vector<16xf32>,
      %get3A_531 = arith.constant 34 : i32
      %get3A_532 = arith.index_cast %rem3A_74 : i32 to index
      %get3A_533 = arith.index_cast %get3A_531 : i32 to index
      %get3A_534 = arith.constant 16 : index
      %get3A_535 = tpu.vector_load %arg6[%get3A_532, %get3A_533, %get3A_534] {strides = array<i32>} : memref<4x128x32xf32, #tpu.memory_space<vmem>>, vector<16xf32>,
      tpu.vector_store_idx %arg7[%add3A_64, %broadcast_in_dim3A_525], %get3A_535 : memref<32x129xf32, #tpu.memory_space<vmem>>[vector<16xi32>, vector<16xi32>], vector<16xf32>,
      %broadcast_in_dim3A_536 = arith.constant 35 : i32
      %broadcast_in_dim3A_537 = vector.broadcast %broadcast_in_dim3A_536 : i32 to vector<16xi32>
      %get3A_538 = arith.constant 35 : i32
      %get3A_539 = arith.index_cast %rem3A_74 : i32 to index
      %get3A_540 = arith.index_cast %get3A_538 : i32 to index
      %get3A_541 = arith.constant 0 : index
      %get3A_542 = tpu.vector_load %arg6[%get3A_539, %get3A_540, %get3A_541] {strides = array<i32>} : memref<4x128x32xf32, #tpu.memory_space<vmem>>, vector<16xf32>,
      tpu.vector_store_idx %arg7[%iota3A, %broadcast_in_dim3A_537], %get3A_542 : memref<32x129xf32, #tpu.memory_space<vmem>>[vector<16xi32>, vector<16xi32>], vector<16xf32>,
      %get3A_543 = arith.constant 35 : i32
      %get3A_544 = arith.index_cast %rem3A_74 : i32 to index
      %get3A_545 = arith.index_cast %get3A_543 : i32 to index
      %get3A_546 = arith.constant 16 : index
      %get3A_547 = tpu.vector_load %arg6[%get3A_544, %get3A_545, %get3A_546] {strides = array<i32>} : memref<4x128x32xf32, #tpu.memory_space<vmem>>, vector<16xf32>,
      tpu.vector_store_idx %arg7[%add3A_64, %broadcast_in_dim3A_537], %get3A_547 : memref<32x129xf32, #tpu.memory_space<vmem>>[vector<16xi32>, vector<16xi32>], vector<16xf32>,
      %broadcast_in_dim3A_548 = arith.constant 36 : i32
      %broadcast_in_dim3A_549 = vector.broadcast %broadcast_in_dim3A_548 : i32 to vector<16xi32>
      %get3A_550 = arith.constant 36 : i32
      %get3A_551 = arith.index_cast %rem3A_74 : i32 to index
      %get3A_552 = arith.index_cast %get3A_550 : i32 to index
      %get3A_553 = arith.constant 0 : index
      %get3A_554 = tpu.vector_load %arg6[%get3A_551, %get3A_552, %get3A_553] {strides = array<i32>} : memref<4x128x32xf32, #tpu.memory_space<vmem>>, vector<16xf32>,
      tpu.vector_store_idx %arg7[%iota3A, %broadcast_in_dim3A_549], %get3A_554 : memref<32x129xf32, #tpu.memory_space<vmem>>[vector<16xi32>, vector<16xi32>], vector<16xf32>,
      %get3A_555 = arith.constant 36 : i32
      %get3A_556 = arith.index_cast %rem3A_74 : i32 to index
      %get3A_557 = arith.index_cast %get3A_555 : i32 to index
      %get3A_558 = arith.constant 16 : index
      %get3A_559 = tpu.vector_load %arg6[%get3A_556, %get3A_557, %get3A_558] {strides = array<i32>} : memref<4x128x32xf32, #tpu.memory_space<vmem>>, vector<16xf32>,
      tpu.vector_store_idx %arg7[%add3A_64, %broadcast_in_dim3A_549], %get3A_559 : memref<32x129xf32, #tpu.memory_space<vmem>>[vector<16xi32>, vector<16xi32>], vector<16xf32>,
      %broadcast_in_dim3A_560 = arith.constant 37 : i32
      %broadcast_in_dim3A_561 = vector.broadcast %broadcast_in_dim3A_560 : i32 to vector<16xi32>
      %get3A_562 = arith.constant 37 : i32
      %get3A_563 = arith.index_cast %rem3A_74 : i32 to index
      %get3A_564 = arith.index_cast %get3A_562 : i32 to index
      %get3A_565 = arith.constant 0 : index
      %get3A_566 = tpu.vector_load %arg6[%get3A_563, %get3A_564, %get3A_565] {strides = array<i32>} : memref<4x128x32xf32, #tpu.memory_space<vmem>>, vector<16xf32>,
      tpu.vector_store_idx %arg7[%iota3A, %broadcast_in_dim3A_561], %get3A_566 : memref<32x129xf32, #tpu.memory_space<vmem>>[vector<16xi32>, vector<16xi32>], vector<16xf32>,
      %get3A_567 = arith.constant 37 : i32
      %get3A_568 = arith.index_cast %rem3A_74 : i32 to index
      %get3A_569 = arith.index_cast %get3A_567 : i32 to index
      %get3A_570 = arith.constant 16 : index
      %get3A_571 = tpu.vector_load %arg6[%get3A_568, %get3A_569, %get3A_570] {strides = array<i32>} : memref<4x128x32xf32, #tpu.memory_space<vmem>>, vector<16xf32>,
      tpu.vector_store_idx %arg7[%add3A_64, %broadcast_in_dim3A_561], %get3A_571 : memref<32x129xf32, #tpu.memory_space<vmem>>[vector<16xi32>, vector<16xi32>], vector<16xf32>,
      %broadcast_in_dim3A_572 = arith.constant 38 : i32
      %broadcast_in_dim3A_573 = vector.broadcast %broadcast_in_dim3A_572 : i32 to vector<16xi32>
      %get3A_574 = arith.constant 38 : i32
      %get3A_575 = arith.index_cast %rem3A_74 : i32 to index
      %get3A_576 = arith.index_cast %get3A_574 : i32 to index
      %get3A_577 = arith.constant 0 : index
      %get3A_578 = tpu.vector_load %arg6[%get3A_575, %get3A_576, %get3A_577] {strides = array<i32>} : memref<4x128x32xf32, #tpu.memory_space<vmem>>, vector<16xf32>,
      tpu.vector_store_idx %arg7[%iota3A, %broadcast_in_dim3A_573], %get3A_578 : memref<32x129xf32, #tpu.memory_space<vmem>>[vector<16xi32>, vector<16xi32>], vector<16xf32>,
      %get3A_579 = arith.constant 38 : i32
      %get3A_580 = arith.index_cast %rem3A_74 : i32 to index
      %get3A_581 = arith.index_cast %get3A_579 : i32 to index
      %get3A_582 = arith.constant 16 : index
      %get3A_583 = tpu.vector_load %arg6[%get3A_580, %get3A_581, %get3A_582] {strides = array<i32>} : memref<4x128x32xf32, #tpu.memory_space<vmem>>, vector<16xf32>,
      tpu.vector_store_idx %arg7[%add3A_64, %broadcast_in_dim3A_573], %get3A_583 : memref<32x129xf32, #tpu.memory_space<vmem>>[vector<16xi32>, vector<16xi32>], vector<16xf32>,
      %broadcast_in_dim3A_584 = arith.constant 39 : i32
      %broadcast_in_dim3A_585 = vector.broadcast %broadcast_in_dim3A_584 : i32 to vector<16xi32>
      %get3A_586 = arith.constant 39 : i32
      %get3A_587 = arith.index_cast %rem3A_74 : i32 to index
      %get3A_588 = arith.index_cast %get3A_586 : i32 to index
      %get3A_589 = arith.constant 0 : index
      %get3A_590 = tpu.vector_load %arg6[%get3A_587, %get3A_588, %get3A_589] {strides = array<i32>} : memref<4x128x32xf32, #tpu.memory_space<vmem>>, vector<16xf32>,
      tpu.vector_store_idx %arg7[%iota3A, %broadcast_in_dim3A_585], %get3A_590 : memref<32x129xf32, #tpu.memory_space<vmem>>[vector<16xi32>, vector<16xi32>], vector<16xf32>,
      %get3A_591 = arith.constant 39 : i32
      %get3A_592 = arith.index_cast %rem3A_74 : i32 to index
      %get3A_593 = arith.index_cast %get3A_591 : i32 to index
      %get3A_594 = arith.constant 16 : index
      %get3A_595 = tpu.vector_load %arg6[%get3A_592, %get3A_593, %get3A_594] {strides = array<i32>} : memref<4x128x32xf32, #tpu.memory_space<vmem>>, vector<16xf32>,
      tpu.vector_store_idx %arg7[%add3A_64, %broadcast_in_dim3A_585], %get3A_595 : memref<32x129xf32, #tpu.memory_space<vmem>>[vector<16xi32>, vector<16xi32>], vector<16xf32>,
      %broadcast_in_dim3A_596 = arith.constant 40 : i32
      %broadcast_in_dim3A_597 = vector.broadcast %broadcast_in_dim3A_596 : i32 to vector<16xi32>
      %get3A_598 = arith.constant 40 : i32
      %get3A_599 = arith.index_cast %rem3A_74 : i32 to index
      %get3A_600 = arith.index_cast %get3A_598 : i32 to index
      %get3A_601 = arith.constant 0 : index
      %get3A_602 = tpu.vector_load %arg6[%get3A_599, %get3A_600, %get3A_601] {strides = array<i32>} : memref<4x128x32xf32, #tpu.memory_space<vmem>>, vector<16xf32>,
      tpu.vector_store_idx %arg7[%iota3A, %broadcast_in_dim3A_597], %get3A_602 : memref<32x129xf32, #tpu.memory_space<vmem>>[vector<16xi32>, vector<16xi32>], vector<16xf32>,
      %get3A_603 = arith.constant 40 : i32
      %get3A_604 = arith.index_cast %rem3A_74 : i32 to index
      %get3A_605 = arith.index_cast %get3A_603 : i32 to index
      %get3A_606 = arith.constant 16 : index
      %get3A_607 = tpu.vector_load %arg6[%get3A_604, %get3A_605, %get3A_606] {strides = array<i32>} : memref<4x128x32xf32, #tpu.memory_space<vmem>>, vector<16xf32>,
      tpu.vector_store_idx %arg7[%add3A_64, %broadcast_in_dim3A_597], %get3A_607 : memref<32x129xf32, #tpu.memory_space<vmem>>[vector<16xi32>, vector<16xi32>], vector<16xf32>,
      %broadcast_in_dim3A_608 = arith.constant 41 : i32
      %broadcast_in_dim3A_609 = vector.broadcast %broadcast_in_dim3A_608 : i32 to vector<16xi32>
      %get3A_610 = arith.constant 41 : i32
      %get3A_611 = arith.index_cast %rem3A_74 : i32 to index
      %get3A_612 = arith.index_cast %get3A_610 : i32 to index
      %get3A_613 = arith.constant 0 : index
      %get3A_614 = tpu.vector_load %arg6[%get3A_611, %get3A_612, %get3A_613] {strides = array<i32>} : memref<4x128x32xf32, #tpu.memory_space<vmem>>, vector<16xf32>,
      tpu.vector_store_idx %arg7[%iota3A, %broadcast_in_dim3A_609], %get3A_614 : memref<32x129xf32, #tpu.memory_space<vmem>>[vector<16xi32>, vector<16xi32>], vector<16xf32>,
      %get3A_615 = arith.constant 41 : i32
      %get3A_616 = arith.index_cast %rem3A_74 : i32 to index
      %get3A_617 = arith.index_cast %get3A_615 : i32 to index
      %get3A_618 = arith.constant 16 : index
      %get3A_619 = tpu.vector_load %arg6[%get3A_616, %get3A_617, %get3A_618] {strides = array<i32>} : memref<4x128x32xf32, #tpu.memory_space<vmem>>, vector<16xf32>,
      tpu.vector_store_idx %arg7[%add3A_64, %broadcast_in_dim3A_609], %get3A_619 : memref<32x129xf32, #tpu.memory_space<vmem>>[vector<16xi32>, vector<16xi32>], vector<16xf32>,
      %broadcast_in_dim3A_620 = arith.constant 42 : i32
      %broadcast_in_dim3A_621 = vector.broadcast %broadcast_in_dim3A_620 : i32 to vector<16xi32>
      %get3A_622 = arith.constant 42 : i32
      %get3A_623 = arith.index_cast %rem3A_74 : i32 to index
      %get3A_624 = arith.index_cast %get3A_622 : i32 to index
      %get3A_625 = arith.constant 0 : index
      %get3A_626 = tpu.vector_load %arg6[%get3A_623, %get3A_624, %get3A_625] {strides = array<i32>} : memref<4x128x32xf32, #tpu.memory_space<vmem>>, vector<16xf32>,
      tpu.vector_store_idx %arg7[%iota3A, %broadcast_in_dim3A_621], %get3A_626 : memref<32x129xf32, #tpu.memory_space<vmem>>[vector<16xi32>, vector<16xi32>], vector<16xf32>,
      %get3A_627 = arith.constant 42 : i32
      %get3A_628 = arith.index_cast %rem3A_74 : i32 to index
      %get3A_629 = arith.index_cast %get3A_627 : i32 to index
      %get3A_630 = arith.constant 16 : index
      %get3A_631 = tpu.vector_load %arg6[%get3A_628, %get3A_629, %get3A_630] {strides = array<i32>} : memref<4x128x32xf32, #tpu.memory_space<vmem>>, vector<16xf32>,
      tpu.vector_store_idx %arg7[%add3A_64, %broadcast_in_dim3A_621], %get3A_631 : memref<32x129xf32, #tpu.memory_space<vmem>>[vector<16xi32>, vector<16xi32>], vector<16xf32>,
      %broadcast_in_dim3A_632 = arith.constant 43 : i32
      %broadcast_in_dim3A_633 = vector.broadcast %broadcast_in_dim3A_632 : i32 to vector<16xi32>
      %get3A_634 = arith.constant 43 : i32
      %get3A_635 = arith.index_cast %rem3A_74 : i32 to index
      %get3A_636 = arith.index_cast %get3A_634 : i32 to index
      %get3A_637 = arith.constant 0 : index
      %get3A_638 = tpu.vector_load %arg6[%get3A_635, %get3A_636, %get3A_637] {strides = array<i32>} : memref<4x128x32xf32, #tpu.memory_space<vmem>>, vector<16xf32>,
      tpu.vector_store_idx %arg7[%iota3A, %broadcast_in_dim3A_633], %get3A_638 : memref<32x129xf32, #tpu.memory_space<vmem>>[vector<16xi32>, vector<16xi32>], vector<16xf32>,
      %get3A_639 = arith.constant 43 : i32
      %get3A_640 = arith.index_cast %rem3A_74 : i32 to index
      %get3A_641 = arith.index_cast %get3A_639 : i32 to index
      %get3A_642 = arith.constant 16 : index
      %get3A_643 = tpu.vector_load %arg6[%get3A_640, %get3A_641, %get3A_642] {strides = array<i32>} : memref<4x128x32xf32, #tpu.memory_space<vmem>>, vector<16xf32>,
      tpu.vector_store_idx %arg7[%add3A_64, %broadcast_in_dim3A_633], %get3A_643 : memref<32x129xf32, #tpu.memory_space<vmem>>[vector<16xi32>, vector<16xi32>], vector<16xf32>,
      %broadcast_in_dim3A_644 = arith.constant 44 : i32
      %broadcast_in_dim3A_645 = vector.broadcast %broadcast_in_dim3A_644 : i32 to vector<16xi32>
      %get3A_646 = arith.constant 44 : i32
      %get3A_647 = arith.index_cast %rem3A_74 : i32 to index
      %get3A_648 = arith.index_cast %get3A_646 : i32 to index
      %get3A_649 = arith.constant 0 : index
      %get3A_650 = tpu.vector_load %arg6[%get3A_647, %get3A_648, %get3A_649] {strides = array<i32>} : memref<4x128x32xf32, #tpu.memory_space<vmem>>, vector<16xf32>,
      tpu.vector_store_idx %arg7[%iota3A, %broadcast_in_dim3A_645], %get3A_650 : memref<32x129xf32, #tpu.memory_space<vmem>>[vector<16xi32>, vector<16xi32>], vector<16xf32>,
      %get3A_651 = arith.constant 44 : i32
      %get3A_652 = arith.index_cast %rem3A_74 : i32 to index
      %get3A_653 = arith.index_cast %get3A_651 : i32 to index
      %get3A_654 = arith.constant 16 : index
      %get3A_655 = tpu.vector_load %arg6[%get3A_652, %get3A_653, %get3A_654] {strides = array<i32>} : memref<4x128x32xf32, #tpu.memory_space<vmem>>, vector<16xf32>,
      tpu.vector_store_idx %arg7[%add3A_64, %broadcast_in_dim3A_645], %get3A_655 : memref<32x129xf32, #tpu.memory_space<vmem>>[vector<16xi32>, vector<16xi32>], vector<16xf32>,
      %broadcast_in_dim3A_656 = arith.constant 45 : i32
      %broadcast_in_dim3A_657 = vector.broadcast %broadcast_in_dim3A_656 : i32 to vector<16xi32>
      %get3A_658 = arith.constant 45 : i32
      %get3A_659 = arith.index_cast %rem3A_74 : i32 to index
      %get3A_660 = arith.index_cast %get3A_658 : i32 to index
      %get3A_661 = arith.constant 0 : index
      %get3A_662 = tpu.vector_load %arg6[%get3A_659, %get3A_660, %get3A_661] {strides = array<i32>} : memref<4x128x32xf32, #tpu.memory_space<vmem>>, vector<16xf32>,
      tpu.vector_store_idx %arg7[%iota3A, %broadcast_in_dim3A_657], %get3A_662 : memref<32x129xf32, #tpu.memory_space<vmem>>[vector<16xi32>, vector<16xi32>], vector<16xf32>,
      %get3A_663 = arith.constant 45 : i32
      %get3A_664 = arith.index_cast %rem3A_74 : i32 to index
      %get3A_665 = arith.index_cast %get3A_663 : i32 to index
      %get3A_666 = arith.constant 16 : index
      %get3A_667 = tpu.vector_load %arg6[%get3A_664, %get3A_665, %get3A_666] {strides = array<i32>} : memref<4x128x32xf32, #tpu.memory_space<vmem>>, vector<16xf32>,
      tpu.vector_store_idx %arg7[%add3A_64, %broadcast_in_dim3A_657], %get3A_667 : memref<32x129xf32, #tpu.memory_space<vmem>>[vector<16xi32>, vector<16xi32>], vector<16xf32>,
      %broadcast_in_dim3A_668 = arith.constant 46 : i32
      %broadcast_in_dim3A_669 = vector.broadcast %broadcast_in_dim3A_668 : i32 to vector<16xi32>
      %get3A_670 = arith.constant 46 : i32
      %get3A_671 = arith.index_cast %rem3A_74 : i32 to index
      %get3A_672 = arith.index_cast %get3A_670 : i32 to index
      %get3A_673 = arith.constant 0 : index
      %get3A_674 = tpu.vector_load %arg6[%get3A_671, %get3A_672, %get3A_673] {strides = array<i32>} : memref<4x128x32xf32, #tpu.memory_space<vmem>>, vector<16xf32>,
      tpu.vector_store_idx %arg7[%iota3A, %broadcast_in_dim3A_669], %get3A_674 : memref<32x129xf32, #tpu.memory_space<vmem>>[vector<16xi32>, vector<16xi32>], vector<16xf32>,
      %get3A_675 = arith.constant 46 : i32
      %get3A_676 = arith.index_cast %rem3A_74 : i32 to index
      %get3A_677 = arith.index_cast %get3A_675 : i32 to index
      %get3A_678 = arith.constant 16 : index
      %get3A_679 = tpu.vector_load %arg6[%get3A_676, %get3A_677, %get3A_678] {strides = array<i32>} : memref<4x128x32xf32, #tpu.memory_space<vmem>>, vector<16xf32>,
      tpu.vector_store_idx %arg7[%add3A_64, %broadcast_in_dim3A_669], %get3A_679 : memref<32x129xf32, #tpu.memory_space<vmem>>[vector<16xi32>, vector<16xi32>], vector<16xf32>,
      %broadcast_in_dim3A_680 = arith.constant 47 : i32
      %broadcast_in_dim3A_681 = vector.broadcast %broadcast_in_dim3A_680 : i32 to vector<16xi32>
      %get3A_682 = arith.constant 47 : i32
      %get3A_683 = arith.index_cast %rem3A_74 : i32 to index
      %get3A_684 = arith.index_cast %get3A_682 : i32 to index
      %get3A_685 = arith.constant 0 : index
      %get3A_686 = tpu.vector_load %arg6[%get3A_683, %get3A_684, %get3A_685] {strides = array<i32>} : memref<4x128x32xf32, #tpu.memory_space<vmem>>, vector<16xf32>,
      tpu.vector_store_idx %arg7[%iota3A, %broadcast_in_dim3A_681], %get3A_686 : memref<32x129xf32, #tpu.memory_space<vmem>>[vector<16xi32>, vector<16xi32>], vector<16xf32>,
      %get3A_687 = arith.constant 47 : i32
      %get3A_688 = arith.index_cast %rem3A_74 : i32 to index
      %get3A_689 = arith.index_cast %get3A_687 : i32 to index
      %get3A_690 = arith.constant 16 : index
      %get3A_691 = tpu.vector_load %arg6[%get3A_688, %get3A_689, %get3A_690] {strides = array<i32>} : memref<4x128x32xf32, #tpu.memory_space<vmem>>, vector<16xf32>,
      tpu.vector_store_idx %arg7[%add3A_64, %broadcast_in_dim3A_681], %get3A_691 : memref<32x129xf32, #tpu.memory_space<vmem>>[vector<16xi32>, vector<16xi32>], vector<16xf32>,
      %broadcast_in_dim3A_692 = arith.constant 48 : i32
      %broadcast_in_dim3A_693 = vector.broadcast %broadcast_in_dim3A_692 : i32 to vector<16xi32>
      %get3A_694 = arith.constant 48 : i32
      %get3A_695 = arith.index_cast %rem3A_74 : i32 to index
      %get3A_696 = arith.index_cast %get3A_694 : i32 to index
      %get3A_697 = arith.constant 0 : index
      %get3A_698 = tpu.vector_load %arg6[%get3A_695, %get3A_696, %get3A_697] {strides = array<i32>} : memref<4x128x32xf32, #tpu.memory_space<vmem>>, vector<16xf32>,
      tpu.vector_store_idx %arg7[%iota3A, %broadcast_in_dim3A_693], %get3A_698 : memref<32x129xf32, #tpu.memory_space<vmem>>[vector<16xi32>, vector<16xi32>], vector<16xf32>,
      %get3A_699 = arith.constant 48 : i32
      %get3A_700 = arith.index_cast %rem3A_74 : i32 to index
      %get3A_701 = arith.index_cast %get3A_699 : i32 to index
      %get3A_702 = arith.constant 16 : index
      %get3A_703 = tpu.vector_load %arg6[%get3A_700, %get3A_701, %get3A_702] {strides = array<i32>} : memref<4x128x32xf32, #tpu.memory_space<vmem>>, vector<16xf32>,
      tpu.vector_store_idx %arg7[%add3A_64, %broadcast_in_dim3A_693], %get3A_703 : memref<32x129xf32, #tpu.memory_space<vmem>>[vector<16xi32>, vector<16xi32>], vector<16xf32>,
      %broadcast_in_dim3A_704 = arith.constant 49 : i32
      %broadcast_in_dim3A_705 = vector.broadcast %broadcast_in_dim3A_704 : i32 to vector<16xi32>
      %get3A_706 = arith.constant 49 : i32
      %get3A_707 = arith.index_cast %rem3A_74 : i32 to index
      %get3A_708 = arith.index_cast %get3A_706 : i32 to index
      %get3A_709 = arith.constant 0 : index
      %get3A_710 = tpu.vector_load %arg6[%get3A_707, %get3A_708, %get3A_709] {strides = array<i32>} : memref<4x128x32xf32, #tpu.memory_space<vmem>>, vector<16xf32>,
      tpu.vector_store_idx %arg7[%iota3A, %broadcast_in_dim3A_705], %get3A_710 : memref<32x129xf32, #tpu.memory_space<vmem>>[vector<16xi32>, vector<16xi32>], vector<16xf32>,
      %get3A_711 = arith.constant 49 : i32
      %get3A_712 = arith.index_cast %rem3A_74 : i32 to index
      %get3A_713 = arith.index_cast %get3A_711 : i32 to index
      %get3A_714 = arith.constant 16 : index
      %get3A_715 = tpu.vector_load %arg6[%get3A_712, %get3A_713, %get3A_714] {strides = array<i32>} : memref<4x128x32xf32, #tpu.memory_space<vmem>>, vector<16xf32>,
      tpu.vector_store_idx %arg7[%add3A_64, %broadcast_in_dim3A_705], %get3A_715 : memref<32x129xf32, #tpu.memory_space<vmem>>[vector<16xi32>, vector<16xi32>], vector<16xf32>,
      %broadcast_in_dim3A_716 = arith.constant 50 : i32
      %broadcast_in_dim3A_717 = vector.broadcast %broadcast_in_dim3A_716 : i32 to vector<16xi32>
      %get3A_718 = arith.constant 50 : i32
      %get3A_719 = arith.index_cast %rem3A_74 : i32 to index
      %get3A_720 = arith.index_cast %get3A_718 : i32 to index
      %get3A_721 = arith.constant 0 : index
      %get3A_722 = tpu.vector_load %arg6[%get3A_719, %get3A_720, %get3A_721] {strides = array<i32>} : memref<4x128x32xf32, #tpu.memory_space<vmem>>, vector<16xf32>,
      tpu.vector_store_idx %arg7[%iota3A, %broadcast_in_dim3A_717], %get3A_722 : memref<32x129xf32, #tpu.memory_space<vmem>>[vector<16xi32>, vector<16xi32>], vector<16xf32>,
      %get3A_723 = arith.constant 50 : i32
      %get3A_724 = arith.index_cast %rem3A_74 : i32 to index
      %get3A_725 = arith.index_cast %get3A_723 : i32 to index
      %get3A_726 = arith.constant 16 : index
      %get3A_727 = tpu.vector_load %arg6[%get3A_724, %get3A_725, %get3A_726] {strides = array<i32>} : memref<4x128x32xf32, #tpu.memory_space<vmem>>, vector<16xf32>,
      tpu.vector_store_idx %arg7[%add3A_64, %broadcast_in_dim3A_717], %get3A_727 : memref<32x129xf32, #tpu.memory_space<vmem>>[vector<16xi32>, vector<16xi32>], vector<16xf32>,
      %broadcast_in_dim3A_728 = arith.constant 51 : i32
      %broadcast_in_dim3A_729 = vector.broadcast %broadcast_in_dim3A_728 : i32 to vector<16xi32>
      %get3A_730 = arith.constant 51 : i32
      %get3A_731 = arith.index_cast %rem3A_74 : i32 to index
      %get3A_732 = arith.index_cast %get3A_730 : i32 to index
      %get3A_733 = arith.constant 0 : index
      %get3A_734 = tpu.vector_load %arg6[%get3A_731, %get3A_732, %get3A_733] {strides = array<i32>} : memref<4x128x32xf32, #tpu.memory_space<vmem>>, vector<16xf32>,
      tpu.vector_store_idx %arg7[%iota3A, %broadcast_in_dim3A_729], %get3A_734 : memref<32x129xf32, #tpu.memory_space<vmem>>[vector<16xi32>, vector<16xi32>], vector<16xf32>,
      %get3A_735 = arith.constant 51 : i32
      %get3A_736 = arith.index_cast %rem3A_74 : i32 to index
      %get3A_737 = arith.index_cast %get3A_735 : i32 to index
      %get3A_738 = arith.constant 16 : index
      %get3A_739 = tpu.vector_load %arg6[%get3A_736, %get3A_737, %get3A_738] {strides = array<i32>} : memref<4x128x32xf32, #tpu.memory_space<vmem>>, vector<16xf32>,
      tpu.vector_store_idx %arg7[%add3A_64, %broadcast_in_dim3A_729], %get3A_739 : memref<32x129xf32, #tpu.memory_space<vmem>>[vector<16xi32>, vector<16xi32>], vector<16xf32>,
      %broadcast_in_dim3A_740 = arith.constant 52 : i32
      %broadcast_in_dim3A_741 = vector.broadcast %broadcast_in_dim3A_740 : i32 to vector<16xi32>
      %get3A_742 = arith.constant 52 : i32
      %get3A_743 = arith.index_cast %rem3A_74 : i32 to index
      %get3A_744 = arith.index_cast %get3A_742 : i32 to index
      %get3A_745 = arith.constant 0 : index
      %get3A_746 = tpu.vector_load %arg6[%get3A_743, %get3A_744, %get3A_745] {strides = array<i32>} : memref<4x128x32xf32, #tpu.memory_space<vmem>>, vector<16xf32>,
      tpu.vector_store_idx %arg7[%iota3A, %broadcast_in_dim3A_741], %get3A_746 : memref<32x129xf32, #tpu.memory_space<vmem>>[vector<16xi32>, vector<16xi32>], vector<16xf32>,
      %get3A_747 = arith.constant 52 : i32
      %get3A_748 = arith.index_cast %rem3A_74 : i32 to index
      %get3A_749 = arith.index_cast %get3A_747 : i32 to index
      %get3A_750 = arith.constant 16 : index
      %get3A_751 = tpu.vector_load %arg6[%get3A_748, %get3A_749, %get3A_750] {strides = array<i32>} : memref<4x128x32xf32, #tpu.memory_space<vmem>>, vector<16xf32>,
      tpu.vector_store_idx %arg7[%add3A_64, %broadcast_in_dim3A_741], %get3A_751 : memref<32x129xf32, #tpu.memory_space<vmem>>[vector<16xi32>, vector<16xi32>], vector<16xf32>,
      %broadcast_in_dim3A_752 = arith.constant 53 : i32
      %broadcast_in_dim3A_753 = vector.broadcast %broadcast_in_dim3A_752 : i32 to vector<16xi32>
      %get3A_754 = arith.constant 53 : i32
      %get3A_755 = arith.index_cast %rem3A_74 : i32 to index
      %get3A_756 = arith.index_cast %get3A_754 : i32 to index
      %get3A_757 = arith.constant 0 : index
      %get3A_758 = tpu.vector_load %arg6[%get3A_755, %get3A_756, %get3A_757] {strides = array<i32>} : memref<4x128x32xf32, #tpu.memory_space<vmem>>, vector<16xf32>,
      tpu.vector_store_idx %arg7[%iota3A, %broadcast_in_dim3A_753], %get3A_758 : memref<32x129xf32, #tpu.memory_space<vmem>>[vector<16xi32>, vector<16xi32>], vector<16xf32>,
      %get3A_759 = arith.constant 53 : i32
      %get3A_760 = arith.index_cast %rem3A_74 : i32 to index
      %get3A_761 = arith.index_cast %get3A_759 : i32 to index
      %get3A_762 = arith.constant 16 : index
      %get3A_763 = tpu.vector_load %arg6[%get3A_760, %get3A_761, %get3A_762] {strides = array<i32>} : memref<4x128x32xf32, #tpu.memory_space<vmem>>, vector<16xf32>,
      tpu.vector_store_idx %arg7[%add3A_64, %broadcast_in_dim3A_753], %get3A_763 : memref<32x129xf32, #tpu.memory_space<vmem>>[vector<16xi32>, vector<16xi32>], vector<16xf32>,
      %broadcast_in_dim3A_764 = arith.constant 54 : i32
      %broadcast_in_dim3A_765 = vector.broadcast %broadcast_in_dim3A_764 : i32 to vector<16xi32>
      %get3A_766 = arith.constant 54 : i32
      %get3A_767 = arith.index_cast %rem3A_74 : i32 to index
      %get3A_768 = arith.index_cast %get3A_766 : i32 to index
      %get3A_769 = arith.constant 0 : index
      %get3A_770 = tpu.vector_load %arg6[%get3A_767, %get3A_768, %get3A_769] {strides = array<i32>} : memref<4x128x32xf32, #tpu.memory_space<vmem>>, vector<16xf32>,
      tpu.vector_store_idx %arg7[%iota3A, %broadcast_in_dim3A_765], %get3A_770 : memref<32x129xf32, #tpu.memory_space<vmem>>[vector<16xi32>, vector<16xi32>], vector<16xf32>,
      %get3A_771 = arith.constant 54 : i32
      %get3A_772 = arith.index_cast %rem3A_74 : i32 to index
      %get3A_773 = arith.index_cast %get3A_771 : i32 to index
      %get3A_774 = arith.constant 16 : index
      %get3A_775 = tpu.vector_load %arg6[%get3A_772, %get3A_773, %get3A_774] {strides = array<i32>} : memref<4x128x32xf32, #tpu.memory_space<vmem>>, vector<16xf32>,
      tpu.vector_store_idx %arg7[%add3A_64, %broadcast_in_dim3A_765], %get3A_775 : memref<32x129xf32, #tpu.memory_space<vmem>>[vector<16xi32>, vector<16xi32>], vector<16xf32>,
      %broadcast_in_dim3A_776 = arith.constant 55 : i32
      %broadcast_in_dim3A_777 = vector.broadcast %broadcast_in_dim3A_776 : i32 to vector<16xi32>
      %get3A_778 = arith.constant 55 : i32
      %get3A_779 = arith.index_cast %rem3A_74 : i32 to index
      %get3A_780 = arith.index_cast %get3A_778 : i32 to index
      %get3A_781 = arith.constant 0 : index
      %get3A_782 = tpu.vector_load %arg6[%get3A_779, %get3A_780, %get3A_781] {strides = array<i32>} : memref<4x128x32xf32, #tpu.memory_space<vmem>>, vector<16xf32>,
      tpu.vector_store_idx %arg7[%iota3A, %broadcast_in_dim3A_777], %get3A_782 : memref<32x129xf32, #tpu.memory_space<vmem>>[vector<16xi32>, vector<16xi32>], vector<16xf32>,
      %get3A_783 = arith.constant 55 : i32
      %get3A_784 = arith.index_cast %rem3A_74 : i32 to index
      %get3A_785 = arith.index_cast %get3A_783 : i32 to index
      %get3A_786 = arith.constant 16 : index
      %get3A_787 = tpu.vector_load %arg6[%get3A_784, %get3A_785, %get3A_786] {strides = array<i32>} : memref<4x128x32xf32, #tpu.memory_space<vmem>>, vector<16xf32>,
      tpu.vector_store_idx %arg7[%add3A_64, %broadcast_in_dim3A_777], %get3A_787 : memref<32x129xf32, #tpu.memory_space<vmem>>[vector<16xi32>, vector<16xi32>], vector<16xf32>,
      %broadcast_in_dim3A_788 = arith.constant 56 : i32
      %broadcast_in_dim3A_789 = vector.broadcast %broadcast_in_dim3A_788 : i32 to vector<16xi32>
      %get3A_790 = arith.constant 56 : i32
      %get3A_791 = arith.index_cast %rem3A_74 : i32 to index
      %get3A_792 = arith.index_cast %get3A_790 : i32 to index
      %get3A_793 = arith.constant 0 : index
      %get3A_794 = tpu.vector_load %arg6[%get3A_791, %get3A_792, %get3A_793] {strides = array<i32>} : memref<4x128x32xf32, #tpu.memory_space<vmem>>, vector<16xf32>,
      tpu.vector_store_idx %arg7[%iota3A, %broadcast_in_dim3A_789], %get3A_794 : memref<32x129xf32, #tpu.memory_space<vmem>>[vector<16xi32>, vector<16xi32>], vector<16xf32>,
      %get3A_795 = arith.constant 56 : i32
      %get3A_796 = arith.index_cast %rem3A_74 : i32 to index
      %get3A_797 = arith.index_cast %get3A_795 : i32 to index
      %get3A_798 = arith.constant 16 : index
      %get3A_799 = tpu.vector_load %arg6[%get3A_796, %get3A_797, %get3A_798] {strides = array<i32>} : memref<4x128x32xf32, #tpu.memory_space<vmem>>, vector<16xf32>,
      tpu.vector_store_idx %arg7[%add3A_64, %broadcast_in_dim3A_789], %get3A_799 : memref<32x129xf32, #tpu.memory_space<vmem>>[vector<16xi32>, vector<16xi32>], vector<16xf32>,
      %broadcast_in_dim3A_800 = arith.constant 57 : i32
      %broadcast_in_dim3A_801 = vector.broadcast %broadcast_in_dim3A_800 : i32 to vector<16xi32>
      %get3A_802 = arith.constant 57 : i32
      %get3A_803 = arith.index_cast %rem3A_74 : i32 to index
      %get3A_804 = arith.index_cast %get3A_802 : i32 to index
      %get3A_805 = arith.constant 0 : index
      %get3A_806 = tpu.vector_load %arg6[%get3A_803, %get3A_804, %get3A_805] {strides = array<i32>} : memref<4x128x32xf32, #tpu.memory_space<vmem>>, vector<16xf32>,
      tpu.vector_store_idx %arg7[%iota3A, %broadcast_in_dim3A_801], %get3A_806 : memref<32x129xf32, #tpu.memory_space<vmem>>[vector<16xi32>, vector<16xi32>], vector<16xf32>,
      %get3A_807 = arith.constant 57 : i32
      %get3A_808 = arith.index_cast %rem3A_74 : i32 to index
      %get3A_809 = arith.index_cast %get3A_807 : i32 to index
      %get3A_810 = arith.constant 16 : index
      %get3A_811 = tpu.vector_load %arg6[%get3A_808, %get3A_809, %get3A_810] {strides = array<i32>} : memref<4x128x32xf32, #tpu.memory_space<vmem>>, vector<16xf32>,
      tpu.vector_store_idx %arg7[%add3A_64, %broadcast_in_dim3A_801], %get3A_811 : memref<32x129xf32, #tpu.memory_space<vmem>>[vector<16xi32>, vector<16xi32>], vector<16xf32>,
      %broadcast_in_dim3A_812 = arith.constant 58 : i32
      %broadcast_in_dim3A_813 = vector.broadcast %broadcast_in_dim3A_812 : i32 to vector<16xi32>
      %get3A_814 = arith.constant 58 : i32
      %get3A_815 = arith.index_cast %rem3A_74 : i32 to index
      %get3A_816 = arith.index_cast %get3A_814 : i32 to index
      %get3A_817 = arith.constant 0 : index
      %get3A_818 = tpu.vector_load %arg6[%get3A_815, %get3A_816, %get3A_817] {strides = array<i32>} : memref<4x128x32xf32, #tpu.memory_space<vmem>>, vector<16xf32>,
      tpu.vector_store_idx %arg7[%iota3A, %broadcast_in_dim3A_813], %get3A_818 : memref<32x129xf32, #tpu.memory_space<vmem>>[vector<16xi32>, vector<16xi32>], vector<16xf32>,
      %get3A_819 = arith.constant 58 : i32
      %get3A_820 = arith.index_cast %rem3A_74 : i32 to index
      %get3A_821 = arith.index_cast %get3A_819 : i32 to index
      %get3A_822 = arith.constant 16 : index
      %get3A_823 = tpu.vector_load %arg6[%get3A_820, %get3A_821, %get3A_822] {strides = array<i32>} : memref<4x128x32xf32, #tpu.memory_space<vmem>>, vector<16xf32>,
      tpu.vector_store_idx %arg7[%add3A_64, %broadcast_in_dim3A_813], %get3A_823 : memref<32x129xf32, #tpu.memory_space<vmem>>[vector<16xi32>, vector<16xi32>], vector<16xf32>,
      %broadcast_in_dim3A_824 = arith.constant 59 : i32
      %broadcast_in_dim3A_825 = vector.broadcast %broadcast_in_dim3A_824 : i32 to vector<16xi32>
      %get3A_826 = arith.constant 59 : i32
      %get3A_827 = arith.index_cast %rem3A_74 : i32 to index
      %get3A_828 = arith.index_cast %get3A_826 : i32 to index
      %get3A_829 = arith.constant 0 : index
      %get3A_830 = tpu.vector_load %arg6[%get3A_827, %get3A_828, %get3A_829] {strides = array<i32>} : memref<4x128x32xf32, #tpu.memory_space<vmem>>, vector<16xf32>,
      tpu.vector_store_idx %arg7[%iota3A, %broadcast_in_dim3A_825], %get3A_830 : memref<32x129xf32, #tpu.memory_space<vmem>>[vector<16xi32>, vector<16xi32>], vector<16xf32>,
      %get3A_831 = arith.constant 59 : i32
      %get3A_832 = arith.index_cast %rem3A_74 : i32 to index
      %get3A_833 = arith.index_cast %get3A_831 : i32 to index
      %get3A_834 = arith.constant 16 : index
      %get3A_835 = tpu.vector_load %arg6[%get3A_832, %get3A_833, %get3A_834] {strides = array<i32>} : memref<4x128x32xf32, #tpu.memory_space<vmem>>, vector<16xf32>,
      tpu.vector_store_idx %arg7[%add3A_64, %broadcast_in_dim3A_825], %get3A_835 : memref<32x129xf32, #tpu.memory_space<vmem>>[vector<16xi32>, vector<16xi32>], vector<16xf32>,
      %broadcast_in_dim3A_836 = arith.constant 60 : i32
      %broadcast_in_dim3A_837 = vector.broadcast %broadcast_in_dim3A_836 : i32 to vector<16xi32>
      %get3A_838 = arith.constant 60 : i32
      %get3A_839 = arith.index_cast %rem3A_74 : i32 to index
      %get3A_840 = arith.index_cast %get3A_838 : i32 to index
      %get3A_841 = arith.constant 0 : index
      %get3A_842 = tpu.vector_load %arg6[%get3A_839, %get3A_840, %get3A_841] {strides = array<i32>} : memref<4x128x32xf32, #tpu.memory_space<vmem>>, vector<16xf32>,
      tpu.vector_store_idx %arg7[%iota3A, %broadcast_in_dim3A_837], %get3A_842 : memref<32x129xf32, #tpu.memory_space<vmem>>[vector<16xi32>, vector<16xi32>], vector<16xf32>,
      %get3A_843 = arith.constant 60 : i32
      %get3A_844 = arith.index_cast %rem3A_74 : i32 to index
      %get3A_845 = arith.index_cast %get3A_843 : i32 to index
      %get3A_846 = arith.constant 16 : index
      %get3A_847 = tpu.vector_load %arg6[%get3A_844, %get3A_845, %get3A_846] {strides = array<i32>} : memref<4x128x32xf32, #tpu.memory_space<vmem>>, vector<16xf32>,
      tpu.vector_store_idx %arg7[%add3A_64, %broadcast_in_dim3A_837], %get3A_847 : memref<32x129xf32, #tpu.memory_space<vmem>>[vector<16xi32>, vector<16xi32>], vector<16xf32>,
      %broadcast_in_dim3A_848 = arith.constant 61 : i32
      %broadcast_in_dim3A_849 = vector.broadcast %broadcast_in_dim3A_848 : i32 to vector<16xi32>
      %get3A_850 = arith.constant 61 : i32
      %get3A_851 = arith.index_cast %rem3A_74 : i32 to index
      %get3A_852 = arith.index_cast %get3A_850 : i32 to index
      %get3A_853 = arith.constant 0 : index
      %get3A_854 = tpu.vector_load %arg6[%get3A_851, %get3A_852, %get3A_853] {strides = array<i32>} : memref<4x128x32xf32, #tpu.memory_space<vmem>>, vector<16xf32>,
      tpu.vector_store_idx %arg7[%iota3A, %broadcast_in_dim3A_849], %get3A_854 : memref<32x129xf32, #tpu.memory_space<vmem>>[vector<16xi32>, vector<16xi32>], vector<16xf32>,
      %get3A_855 = arith.constant 61 : i32
      %get3A_856 = arith.index_cast %rem3A_74 : i32 to index
      %get3A_857 = arith.index_cast %get3A_855 : i32 to index
      %get3A_858 = arith.constant 16 : index
      %get3A_859 = tpu.vector_load %arg6[%get3A_856, %get3A_857, %get3A_858] {strides = array<i32>} : memref<4x128x32xf32, #tpu.memory_space<vmem>>, vector<16xf32>,
      tpu.vector_store_idx %arg7[%add3A_64, %broadcast_in_dim3A_849], %get3A_859 : memref<32x129xf32, #tpu.memory_space<vmem>>[vector<16xi32>, vector<16xi32>], vector<16xf32>,
      %broadcast_in_dim3A_860 = arith.constant 62 : i32
      %broadcast_in_dim3A_861 = vector.broadcast %broadcast_in_dim3A_860 : i32 to vector<16xi32>
      %get3A_862 = arith.constant 62 : i32
      %get3A_863 = arith.index_cast %rem3A_74 : i32 to index
      %get3A_864 = arith.index_cast %get3A_862 : i32 to index
      %get3A_865 = arith.constant 0 : index
      %get3A_866 = tpu.vector_load %arg6[%get3A_863, %get3A_864, %get3A_865] {strides = array<i32>} : memref<4x128x32xf32, #tpu.memory_space<vmem>>, vector<16xf32>,
      tpu.vector_store_idx %arg7[%iota3A, %broadcast_in_dim3A_861], %get3A_866 : memref<32x129xf32, #tpu.memory_space<vmem>>[vector<16xi32>, vector<16xi32>], vector<16xf32>,
      %get3A_867 = arith.constant 62 : i32
      %get3A_868 = arith.index_cast %rem3A_74 : i32 to index
      %get3A_869 = arith.index_cast %get3A_867 : i32 to index
      %get3A_870 = arith.constant 16 : index
      %get3A_871 = tpu.vector_load %arg6[%get3A_868, %get3A_869, %get3A_870] {strides = array<i32>} : memref<4x128x32xf32, #tpu.memory_space<vmem>>, vector<16xf32>,
      tpu.vector_store_idx %arg7[%add3A_64, %broadcast_in_dim3A_861], %get3A_871 : memref<32x129xf32, #tpu.memory_space<vmem>>[vector<16xi32>, vector<16xi32>], vector<16xf32>,
      %broadcast_in_dim3A_872 = arith.constant 63 : i32
      %broadcast_in_dim3A_873 = vector.broadcast %broadcast_in_dim3A_872 : i32 to vector<16xi32>
      %get3A_874 = arith.constant 63 : i32
      %get3A_875 = arith.index_cast %rem3A_74 : i32 to index
      %get3A_876 = arith.index_cast %get3A_874 : i32 to index
      %get3A_877 = arith.constant 0 : index
      %get3A_878 = tpu.vector_load %arg6[%get3A_875, %get3A_876, %get3A_877] {strides = array<i32>} : memref<4x128x32xf32, #tpu.memory_space<vmem>>, vector<16xf32>,
      tpu.vector_store_idx %arg7[%iota3A, %broadcast_in_dim3A_873], %get3A_878 : memref<32x129xf32, #tpu.memory_space<vmem>>[vector<16xi32>, vector<16xi32>], vector<16xf32>,
      %get3A_879 = arith.constant 63 : i32
      %get3A_880 = arith.index_cast %rem3A_74 : i32 to index
      %get3A_881 = arith.index_cast %get3A_879 : i32 to index
      %get3A_882 = arith.constant 16 : index
      %get3A_883 = tpu.vector_load %arg6[%get3A_880, %get3A_881, %get3A_882] {strides = array<i32>} : memref<4x128x32xf32, #tpu.memory_space<vmem>>, vector<16xf32>,
      tpu.vector_store_idx %arg7[%add3A_64, %broadcast_in_dim3A_873], %get3A_883 : memref<32x129xf32, #tpu.memory_space<vmem>>[vector<16xi32>, vector<16xi32>], vector<16xf32>,
      %broadcast_in_dim3A_884 = arith.constant 64 : i32
      %broadcast_in_dim3A_885 = vector.broadcast %broadcast_in_dim3A_884 : i32 to vector<16xi32>
      %get3A_886 = arith.constant 64 : i32
      %get3A_887 = arith.index_cast %rem3A_74 : i32 to index
      %get3A_888 = arith.index_cast %get3A_886 : i32 to index
      %get3A_889 = arith.constant 0 : index
      %get3A_890 = tpu.vector_load %arg6[%get3A_887, %get3A_888, %get3A_889] {strides = array<i32>} : memref<4x128x32xf32, #tpu.memory_space<vmem>>, vector<16xf32>,
      tpu.vector_store_idx %arg7[%iota3A, %broadcast_in_dim3A_885], %get3A_890 : memref<32x129xf32, #tpu.memory_space<vmem>>[vector<16xi32>, vector<16xi32>], vector<16xf32>,
      %get3A_891 = arith.constant 64 : i32
      %get3A_892 = arith.index_cast %rem3A_74 : i32 to index
      %get3A_893 = arith.index_cast %get3A_891 : i32 to index
      %get3A_894 = arith.constant 16 : index
      %get3A_895 = tpu.vector_load %arg6[%get3A_892, %get3A_893, %get3A_894] {strides = array<i32>} : memref<4x128x32xf32, #tpu.memory_space<vmem>>, vector<16xf32>,
      tpu.vector_store_idx %arg7[%add3A_64, %broadcast_in_dim3A_885], %get3A_895 : memref<32x129xf32, #tpu.memory_space<vmem>>[vector<16xi32>, vector<16xi32>], vector<16xf32>,
      %broadcast_in_dim3A_896 = arith.constant 65 : i32
      %broadcast_in_dim3A_897 = vector.broadcast %broadcast_in_dim3A_896 : i32 to vector<16xi32>
      %get3A_898 = arith.constant 65 : i32
      %get3A_899 = arith.index_cast %rem3A_74 : i32 to index
      %get3A_900 = arith.index_cast %get3A_898 : i32 to index
      %get3A_901 = arith.constant 0 : index
      %get3A_902 = tpu.vector_load %arg6[%get3A_899, %get3A_900, %get3A_901] {strides = array<i32>} : memref<4x128x32xf32, #tpu.memory_space<vmem>>, vector<16xf32>,
      tpu.vector_store_idx %arg7[%iota3A, %broadcast_in_dim3A_897], %get3A_902 : memref<32x129xf32, #tpu.memory_space<vmem>>[vector<16xi32>, vector<16xi32>], vector<16xf32>,
      %get3A_903 = arith.constant 65 : i32
      %get3A_904 = arith.index_cast %rem3A_74 : i32 to index
      %get3A_905 = arith.index_cast %get3A_903 : i32 to index
      %get3A_906 = arith.constant 16 : index
      %get3A_907 = tpu.vector_load %arg6[%get3A_904, %get3A_905, %get3A_906] {strides = array<i32>} : memref<4x128x32xf32, #tpu.memory_space<vmem>>, vector<16xf32>,
      tpu.vector_store_idx %arg7[%add3A_64, %broadcast_in_dim3A_897], %get3A_907 : memref<32x129xf32, #tpu.memory_space<vmem>>[vector<16xi32>, vector<16xi32>], vector<16xf32>,
      %broadcast_in_dim3A_908 = arith.constant 66 : i32
      %broadcast_in_dim3A_909 = vector.broadcast %broadcast_in_dim3A_908 : i32 to vector<16xi32>
      %get3A_910 = arith.constant 66 : i32
      %get3A_911 = arith.index_cast %rem3A_74 : i32 to index
      %get3A_912 = arith.index_cast %get3A_910 : i32 to index
      %get3A_913 = arith.constant 0 : index
      %get3A_914 = tpu.vector_load %arg6[%get3A_911, %get3A_912, %get3A_913] {strides = array<i32>} : memref<4x128x32xf32, #tpu.memory_space<vmem>>, vector<16xf32>,
      tpu.vector_store_idx %arg7[%iota3A, %broadcast_in_dim3A_909], %get3A_914 : memref<32x129xf32, #tpu.memory_space<vmem>>[vector<16xi32>, vector<16xi32>], vector<16xf32>,
      %get3A_915 = arith.constant 66 : i32
      %get3A_916 = arith.index_cast %rem3A_74 : i32 to index
      %get3A_917 = arith.index_cast %get3A_915 : i32 to index
      %get3A_918 = arith.constant 16 : index
      %get3A_919 = tpu.vector_load %arg6[%get3A_916, %get3A_917, %get3A_918] {strides = array<i32>} : memref<4x128x32xf32, #tpu.memory_space<vmem>>, vector<16xf32>,
      tpu.vector_store_idx %arg7[%add3A_64, %broadcast_in_dim3A_909], %get3A_919 : memref<32x129xf32, #tpu.memory_space<vmem>>[vector<16xi32>, vector<16xi32>], vector<16xf32>,
      %broadcast_in_dim3A_920 = arith.constant 67 : i32
      %broadcast_in_dim3A_921 = vector.broadcast %broadcast_in_dim3A_920 : i32 to vector<16xi32>
      %get3A_922 = arith.constant 67 : i32
      %get3A_923 = arith.index_cast %rem3A_74 : i32 to index
      %get3A_924 = arith.index_cast %get3A_922 : i32 to index
      %get3A_925 = arith.constant 0 : index
      %get3A_926 = tpu.vector_load %arg6[%get3A_923, %get3A_924, %get3A_925] {strides = array<i32>} : memref<4x128x32xf32, #tpu.memory_space<vmem>>, vector<16xf32>,
      tpu.vector_store_idx %arg7[%iota3A, %broadcast_in_dim3A_921], %get3A_926 : memref<32x129xf32, #tpu.memory_space<vmem>>[vector<16xi32>, vector<16xi32>], vector<16xf32>,
      %get3A_927 = arith.constant 67 : i32
      %get3A_928 = arith.index_cast %rem3A_74 : i32 to index
      %get3A_929 = arith.index_cast %get3A_927 : i32 to index
      %get3A_930 = arith.constant 16 : index
      %get3A_931 = tpu.vector_load %arg6[%get3A_928, %get3A_929, %get3A_930] {strides = array<i32>} : memref<4x128x32xf32, #tpu.memory_space<vmem>>, vector<16xf32>,
      tpu.vector_store_idx %arg7[%add3A_64, %broadcast_in_dim3A_921], %get3A_931 : memref<32x129xf32, #tpu.memory_space<vmem>>[vector<16xi32>, vector<16xi32>], vector<16xf32>,
      %broadcast_in_dim3A_932 = arith.constant 68 : i32
      %broadcast_in_dim3A_933 = vector.broadcast %broadcast_in_dim3A_932 : i32 to vector<16xi32>
      %get3A_934 = arith.constant 68 : i32
      %get3A_935 = arith.index_cast %rem3A_74 : i32 to index
      %get3A_936 = arith.index_cast %get3A_934 : i32 to index
      %get3A_937 = arith.constant 0 : index
      %get3A_938 = tpu.vector_load %arg6[%get3A_935, %get3A_936, %get3A_937] {strides = array<i32>} : memref<4x128x32xf32, #tpu.memory_space<vmem>>, vector<16xf32>,
      tpu.vector_store_idx %arg7[%iota3A, %broadcast_in_dim3A_933], %get3A_938 : memref<32x129xf32, #tpu.memory_space<vmem>>[vector<16xi32>, vector<16xi32>], vector<16xf32>,
      %get3A_939 = arith.constant 68 : i32
      %get3A_940 = arith.index_cast %rem3A_74 : i32 to index
      %get3A_941 = arith.index_cast %get3A_939 : i32 to index
      %get3A_942 = arith.constant 16 : index
      %get3A_943 = tpu.vector_load %arg6[%get3A_940, %get3A_941, %get3A_942] {strides = array<i32>} : memref<4x128x32xf32, #tpu.memory_space<vmem>>, vector<16xf32>,
      tpu.vector_store_idx %arg7[%add3A_64, %broadcast_in_dim3A_933], %get3A_943 : memref<32x129xf32, #tpu.memory_space<vmem>>[vector<16xi32>, vector<16xi32>], vector<16xf32>,
      %broadcast_in_dim3A_944 = arith.constant 69 : i32
      %broadcast_in_dim3A_945 = vector.broadcast %broadcast_in_dim3A_944 : i32 to vector<16xi32>
      %get3A_946 = arith.constant 69 : i32
      %get3A_947 = arith.index_cast %rem3A_74 : i32 to index
      %get3A_948 = arith.index_cast %get3A_946 : i32 to index
      %get3A_949 = arith.constant 0 : index
      %get3A_950 = tpu.vector_load %arg6[%get3A_947, %get3A_948, %get3A_949] {strides = array<i32>} : memref<4x128x32xf32, #tpu.memory_space<vmem>>, vector<16xf32>,
      tpu.vector_store_idx %arg7[%iota3A, %broadcast_in_dim3A_945], %get3A_950 : memref<32x129xf32, #tpu.memory_space<vmem>>[vector<16xi32>, vector<16xi32>], vector<16xf32>,
      %get3A_951 = arith.constant 69 : i32
      %get3A_952 = arith.index_cast %rem3A_74 : i32 to index
      %get3A_953 = arith.index_cast %get3A_951 : i32 to index
      %get3A_954 = arith.constant 16 : index
      %get3A_955 = tpu.vector_load %arg6[%get3A_952, %get3A_953, %get3A_954] {strides = array<i32>} : memref<4x128x32xf32, #tpu.memory_space<vmem>>, vector<16xf32>,
      tpu.vector_store_idx %arg7[%add3A_64, %broadcast_in_dim3A_945], %get3A_955 : memref<32x129xf32, #tpu.memory_space<vmem>>[vector<16xi32>, vector<16xi32>], vector<16xf32>,
      %broadcast_in_dim3A_956 = arith.constant 70 : i32
      %broadcast_in_dim3A_957 = vector.broadcast %broadcast_in_dim3A_956 : i32 to vector<16xi32>
      %get3A_958 = arith.constant 70 : i32
      %get3A_959 = arith.index_cast %rem3A_74 : i32 to index
      %get3A_960 = arith.index_cast %get3A_958 : i32 to index
      %get3A_961 = arith.constant 0 : index
      %get3A_962 = tpu.vector_load %arg6[%get3A_959, %get3A_960, %get3A_961] {strides = array<i32>} : memref<4x128x32xf32, #tpu.memory_space<vmem>>, vector<16xf32>,
      tpu.vector_store_idx %arg7[%iota3A, %broadcast_in_dim3A_957], %get3A_962 : memref<32x129xf32, #tpu.memory_space<vmem>>[vector<16xi32>, vector<16xi32>], vector<16xf32>,
      %get3A_963 = arith.constant 70 : i32
      %get3A_964 = arith.index_cast %rem3A_74 : i32 to index
      %get3A_965 = arith.index_cast %get3A_963 : i32 to index
      %get3A_966 = arith.constant 16 : index
      %get3A_967 = tpu.vector_load %arg6[%get3A_964, %get3A_965, %get3A_966] {strides = array<i32>} : memref<4x128x32xf32, #tpu.memory_space<vmem>>, vector<16xf32>,
      tpu.vector_store_idx %arg7[%add3A_64, %broadcast_in_dim3A_957], %get3A_967 : memref<32x129xf32, #tpu.memory_space<vmem>>[vector<16xi32>, vector<16xi32>], vector<16xf32>,
      %broadcast_in_dim3A_968 = arith.constant 71 : i32
      %broadcast_in_dim3A_969 = vector.broadcast %broadcast_in_dim3A_968 : i32 to vector<16xi32>
      %get3A_970 = arith.constant 71 : i32
      %get3A_971 = arith.index_cast %rem3A_74 : i32 to index
      %get3A_972 = arith.index_cast %get3A_970 : i32 to index
      %get3A_973 = arith.constant 0 : index
      %get3A_974 = tpu.vector_load %arg6[%get3A_971, %get3A_972, %get3A_973] {strides = array<i32>} : memref<4x128x32xf32, #tpu.memory_space<vmem>>, vector<16xf32>,
      tpu.vector_store_idx %arg7[%iota3A, %broadcast_in_dim3A_969], %get3A_974 : memref<32x129xf32, #tpu.memory_space<vmem>>[vector<16xi32>, vector<16xi32>], vector<16xf32>,
      %get3A_975 = arith.constant 71 : i32
      %get3A_976 = arith.index_cast %rem3A_74 : i32 to index
      %get3A_977 = arith.index_cast %get3A_975 : i32 to index
      %get3A_978 = arith.constant 16 : index
      %get3A_979 = tpu.vector_load %arg6[%get3A_976, %get3A_977, %get3A_978] {strides = array<i32>} : memref<4x128x32xf32, #tpu.memory_space<vmem>>, vector<16xf32>,
      tpu.vector_store_idx %arg7[%add3A_64, %broadcast_in_dim3A_969], %get3A_979 : memref<32x129xf32, #tpu.memory_space<vmem>>[vector<16xi32>, vector<16xi32>], vector<16xf32>,
      %broadcast_in_dim3A_980 = arith.constant 72 : i32
      %broadcast_in_dim3A_981 = vector.broadcast %broadcast_in_dim3A_980 : i32 to vector<16xi32>
      %get3A_982 = arith.constant 72 : i32
      %get3A_983 = arith.index_cast %rem3A_74 : i32 to index
      %get3A_984 = arith.index_cast %get3A_982 : i32 to index
      %get3A_985 = arith.constant 0 : index
      %get3A_986 = tpu.vector_load %arg6[%get3A_983, %get3A_984, %get3A_985] {strides = array<i32>} : memref<4x128x32xf32, #tpu.memory_space<vmem>>, vector<16xf32>,
      tpu.vector_store_idx %arg7[%iota3A, %broadcast_in_dim3A_981], %get3A_986 : memref<32x129xf32, #tpu.memory_space<vmem>>[vector<16xi32>, vector<16xi32>], vector<16xf32>,
      %get3A_987 = arith.constant 72 : i32
      %get3A_988 = arith.index_cast %rem3A_74 : i32 to index
      %get3A_989 = arith.index_cast %get3A_987 : i32 to index
      %get3A_990 = arith.constant 16 : index
      %get3A_991 = tpu.vector_load %arg6[%get3A_988, %get3A_989, %get3A_990] {strides = array<i32>} : memref<4x128x32xf32, #tpu.memory_space<vmem>>, vector<16xf32>,
      tpu.vector_store_idx %arg7[%add3A_64, %broadcast_in_dim3A_981], %get3A_991 : memref<32x129xf32, #tpu.memory_space<vmem>>[vector<16xi32>, vector<16xi32>], vector<16xf32>,
      %broadcast_in_dim3A_992 = arith.constant 73 : i32
      %broadcast_in_dim3A_993 = vector.broadcast %broadcast_in_dim3A_992 : i32 to vector<16xi32>
      %get3A_994 = arith.constant 73 : i32
      %get3A_995 = arith.index_cast %rem3A_74 : i32 to index
      %get3A_996 = arith.index_cast %get3A_994 : i32 to index
      %get3A_997 = arith.constant 0 : index
      %get3A_998 = tpu.vector_load %arg6[%get3A_995, %get3A_996, %get3A_997] {strides = array<i32>} : memref<4x128x32xf32, #tpu.memory_space<vmem>>, vector<16xf32>,
      tpu.vector_store_idx %arg7[%iota3A, %broadcast_in_dim3A_993], %get3A_998 : memref<32x129xf32, #tpu.memory_space<vmem>>[vector<16xi32>, vector<16xi32>], vector<16xf32>,
      %get3A_999 = arith.constant 73 : i32
      %get3A_1000 = arith.index_cast %rem3A_74 : i32 to index
      %get3A_1001 = arith.index_cast %get3A_999 : i32 to index
      %get3A_1002 = arith.constant 16 : index
      %get3A_1003 = tpu.vector_load %arg6[%get3A_1000, %get3A_1001, %get3A_1002] {strides = array<i32>} : memref<4x128x32xf32, #tpu.memory_space<vmem>>, vector<16xf32>,
      tpu.vector_store_idx %arg7[%add3A_64, %broadcast_in_dim3A_993], %get3A_1003 : memref<32x129xf32, #tpu.memory_space<vmem>>[vector<16xi32>, vector<16xi32>], vector<16xf32>,
      %broadcast_in_dim3A_1004 = arith.constant 74 : i32
      %broadcast_in_dim3A_1005 = vector.broadcast %broadcast_in_dim3A_1004 : i32 to vector<16xi32>
      %get3A_1006 = arith.constant 74 : i32
      %get3A_1007 = arith.index_cast %rem3A_74 : i32 to index
      %get3A_1008 = arith.index_cast %get3A_1006 : i32 to index
      %get3A_1009 = arith.constant 0 : index
      %get3A_1010 = tpu.vector_load %arg6[%get3A_1007, %get3A_1008, %get3A_1009] {strides = array<i32>} : memref<4x128x32xf32, #tpu.memory_space<vmem>>, vector<16xf32>,
      tpu.vector_store_idx %arg7[%iota3A, %broadcast_in_dim3A_1005], %get3A_1010 : memref<32x129xf32, #tpu.memory_space<vmem>>[vector<16xi32>, vector<16xi32>], vector<16xf32>,
      %get3A_1011 = arith.constant 74 : i32
      %get3A_1012 = arith.index_cast %rem3A_74 : i32 to index
      %get3A_1013 = arith.index_cast %get3A_1011 : i32 to index
      %get3A_1014 = arith.constant 16 : index
      %get3A_1015 = tpu.vector_load %arg6[%get3A_1012, %get3A_1013, %get3A_1014] {strides = array<i32>} : memref<4x128x32xf32, #tpu.memory_space<vmem>>, vector<16xf32>,
      tpu.vector_store_idx %arg7[%add3A_64, %broadcast_in_dim3A_1005], %get3A_1015 : memref<32x129xf32, #tpu.memory_space<vmem>>[vector<16xi32>, vector<16xi32>], vector<16xf32>,
      %broadcast_in_dim3A_1016 = arith.constant 75 : i32
      %broadcast_in_dim3A_1017 = vector.broadcast %broadcast_in_dim3A_1016 : i32 to vector<16xi32>
      %get3A_1018 = arith.constant 75 : i32
      %get3A_1019 = arith.index_cast %rem3A_74 : i32 to index
      %get3A_1020 = arith.index_cast %get3A_1018 : i32 to index
      %get3A_1021 = arith.constant 0 : index
      %get3A_1022 = tpu.vector_load %arg6[%get3A_1019, %get3A_1020, %get3A_1021] {strides = array<i32>} : memref<4x128x32xf32, #tpu.memory_space<vmem>>, vector<16xf32>,
      tpu.vector_store_idx %arg7[%iota3A, %broadcast_in_dim3A_1017], %get3A_1022 : memref<32x129xf32, #tpu.memory_space<vmem>>[vector<16xi32>, vector<16xi32>], vector<16xf32>,
      %get3A_1023 = arith.constant 75 : i32
      %get3A_1024 = arith.index_cast %rem3A_74 : i32 to index
      %get3A_1025 = arith.index_cast %get3A_1023 : i32 to index
      %get3A_1026 = arith.constant 16 : index
      %get3A_1027 = tpu.vector_load %arg6[%get3A_1024, %get3A_1025, %get3A_1026] {strides = array<i32>} : memref<4x128x32xf32, #tpu.memory_space<vmem>>, vector<16xf32>,
      tpu.vector_store_idx %arg7[%add3A_64, %broadcast_in_dim3A_1017], %get3A_1027 : memref<32x129xf32, #tpu.memory_space<vmem>>[vector<16xi32>, vector<16xi32>], vector<16xf32>,
      %broadcast_in_dim3A_1028 = arith.constant 76 : i32
      %broadcast_in_dim3A_1029 = vector.broadcast %broadcast_in_dim3A_1028 : i32 to vector<16xi32>
      %get3A_1030 = arith.constant 76 : i32
      %get3A_1031 = arith.index_cast %rem3A_74 : i32 to index
      %get3A_1032 = arith.index_cast %get3A_1030 : i32 to index
      %get3A_1033 = arith.constant 0 : index
      %get3A_1034 = tpu.vector_load %arg6[%get3A_1031, %get3A_1032, %get3A_1033] {strides = array<i32>} : memref<4x128x32xf32, #tpu.memory_space<vmem>>, vector<16xf32>,
      tpu.vector_store_idx %arg7[%iota3A, %broadcast_in_dim3A_1029], %get3A_1034 : memref<32x129xf32, #tpu.memory_space<vmem>>[vector<16xi32>, vector<16xi32>], vector<16xf32>,
      %get3A_1035 = arith.constant 76 : i32
      %get3A_1036 = arith.index_cast %rem3A_74 : i32 to index
      %get3A_1037 = arith.index_cast %get3A_1035 : i32 to index
      %get3A_1038 = arith.constant 16 : index
      %get3A_1039 = tpu.vector_load %arg6[%get3A_1036, %get3A_1037, %get3A_1038] {strides = array<i32>} : memref<4x128x32xf32, #tpu.memory_space<vmem>>, vector<16xf32>,
      tpu.vector_store_idx %arg7[%add3A_64, %broadcast_in_dim3A_1029], %get3A_1039 : memref<32x129xf32, #tpu.memory_space<vmem>>[vector<16xi32>, vector<16xi32>], vector<16xf32>,
      %broadcast_in_dim3A_1040 = arith.constant 77 : i32
      %broadcast_in_dim3A_1041 = vector.broadcast %broadcast_in_dim3A_1040 : i32 to vector<16xi32>
      %get3A_1042 = arith.constant 77 : i32
      %get3A_1043 = arith.index_cast %rem3A_74 : i32 to index
      %get3A_1044 = arith.index_cast %get3A_1042 : i32 to index
      %get3A_1045 = arith.constant 0 : index
      %get3A_1046 = tpu.vector_load %arg6[%get3A_1043, %get3A_1044, %get3A_1045] {strides = array<i32>} : memref<4x128x32xf32, #tpu.memory_space<vmem>>, vector<16xf32>,
      tpu.vector_store_idx %arg7[%iota3A, %broadcast_in_dim3A_1041], %get3A_1046 : memref<32x129xf32, #tpu.memory_space<vmem>>[vector<16xi32>, vector<16xi32>], vector<16xf32>,
      %get3A_1047 = arith.constant 77 : i32
      %get3A_1048 = arith.index_cast %rem3A_74 : i32 to index
      %get3A_1049 = arith.index_cast %get3A_1047 : i32 to index
      %get3A_1050 = arith.constant 16 : index
      %get3A_1051 = tpu.vector_load %arg6[%get3A_1048, %get3A_1049, %get3A_1050] {strides = array<i32>} : memref<4x128x32xf32, #tpu.memory_space<vmem>>, vector<16xf32>,
      tpu.vector_store_idx %arg7[%add3A_64, %broadcast_in_dim3A_1041], %get3A_1051 : memref<32x129xf32, #tpu.memory_space<vmem>>[vector<16xi32>, vector<16xi32>], vector<16xf32>,
      %broadcast_in_dim3A_1052 = arith.constant 78 : i32
      %broadcast_in_dim3A_1053 = vector.broadcast %broadcast_in_dim3A_1052 : i32 to vector<16xi32>
      %get3A_1054 = arith.constant 78 : i32
      %get3A_1055 = arith.index_cast %rem3A_74 : i32 to index
      %get3A_1056 = arith.index_cast %get3A_1054 : i32 to index
      %get3A_1057 = arith.constant 0 : index
      %get3A_1058 = tpu.vector_load %arg6[%get3A_1055, %get3A_1056, %get3A_1057] {strides = array<i32>} : memref<4x128x32xf32, #tpu.memory_space<vmem>>, vector<16xf32>,
      tpu.vector_store_idx %arg7[%iota3A, %broadcast_in_dim3A_1053], %get3A_1058 : memref<32x129xf32, #tpu.memory_space<vmem>>[vector<16xi32>, vector<16xi32>], vector<16xf32>,
      %get3A_1059 = arith.constant 78 : i32
      %get3A_1060 = arith.index_cast %rem3A_74 : i32 to index
      %get3A_1061 = arith.index_cast %get3A_1059 : i32 to index
      %get3A_1062 = arith.constant 16 : index
      %get3A_1063 = tpu.vector_load %arg6[%get3A_1060, %get3A_1061, %get3A_1062] {strides = array<i32>} : memref<4x128x32xf32, #tpu.memory_space<vmem>>, vector<16xf32>,
      tpu.vector_store_idx %arg7[%add3A_64, %broadcast_in_dim3A_1053], %get3A_1063 : memref<32x129xf32, #tpu.memory_space<vmem>>[vector<16xi32>, vector<16xi32>], vector<16xf32>,
      %broadcast_in_dim3A_1064 = arith.constant 79 : i32
      %broadcast_in_dim3A_1065 = vector.broadcast %broadcast_in_dim3A_1064 : i32 to vector<16xi32>
      %get3A_1066 = arith.constant 79 : i32
      %get3A_1067 = arith.index_cast %rem3A_74 : i32 to index
      %get3A_1068 = arith.index_cast %get3A_1066 : i32 to index
      %get3A_1069 = arith.constant 0 : index
      %get3A_1070 = tpu.vector_load %arg6[%get3A_1067, %get3A_1068, %get3A_1069] {strides = array<i32>} : memref<4x128x32xf32, #tpu.memory_space<vmem>>, vector<16xf32>,
      tpu.vector_store_idx %arg7[%iota3A, %broadcast_in_dim3A_1065], %get3A_1070 : memref<32x129xf32, #tpu.memory_space<vmem>>[vector<16xi32>, vector<16xi32>], vector<16xf32>,
      %get3A_1071 = arith.constant 79 : i32
      %get3A_1072 = arith.index_cast %rem3A_74 : i32 to index
      %get3A_1073 = arith.index_cast %get3A_1071 : i32 to index
      %get3A_1074 = arith.constant 16 : index
      %get3A_1075 = tpu.vector_load %arg6[%get3A_1072, %get3A_1073, %get3A_1074] {strides = array<i32>} : memref<4x128x32xf32, #tpu.memory_space<vmem>>, vector<16xf32>,
      tpu.vector_store_idx %arg7[%add3A_64, %broadcast_in_dim3A_1065], %get3A_1075 : memref<32x129xf32, #tpu.memory_space<vmem>>[vector<16xi32>, vector<16xi32>], vector<16xf32>,
      %broadcast_in_dim3A_1076 = arith.constant 80 : i32
      %broadcast_in_dim3A_1077 = vector.broadcast %broadcast_in_dim3A_1076 : i32 to vector<16xi32>
      %get3A_1078 = arith.constant 80 : i32
      %get3A_1079 = arith.index_cast %rem3A_74 : i32 to index
      %get3A_1080 = arith.index_cast %get3A_1078 : i32 to index
      %get3A_1081 = arith.constant 0 : index
      %get3A_1082 = tpu.vector_load %arg6[%get3A_1079, %get3A_1080, %get3A_1081] {strides = array<i32>} : memref<4x128x32xf32, #tpu.memory_space<vmem>>, vector<16xf32>,
      tpu.vector_store_idx %arg7[%iota3A, %broadcast_in_dim3A_1077], %get3A_1082 : memref<32x129xf32, #tpu.memory_space<vmem>>[vector<16xi32>, vector<16xi32>], vector<16xf32>,
      %get3A_1083 = arith.constant 80 : i32
      %get3A_1084 = arith.index_cast %rem3A_74 : i32 to index
      %get3A_1085 = arith.index_cast %get3A_1083 : i32 to index
      %get3A_1086 = arith.constant 16 : index
      %get3A_1087 = tpu.vector_load %arg6[%get3A_1084, %get3A_1085, %get3A_1086] {strides = array<i32>} : memref<4x128x32xf32, #tpu.memory_space<vmem>>, vector<16xf32>,
      tpu.vector_store_idx %arg7[%add3A_64, %broadcast_in_dim3A_1077], %get3A_1087 : memref<32x129xf32, #tpu.memory_space<vmem>>[vector<16xi32>, vector<16xi32>], vector<16xf32>,
      %broadcast_in_dim3A_1088 = arith.constant 81 : i32
      %broadcast_in_dim3A_1089 = vector.broadcast %broadcast_in_dim3A_1088 : i32 to vector<16xi32>
      %get3A_1090 = arith.constant 81 : i32
      %get3A_1091 = arith.index_cast %rem3A_74 : i32 to index
      %get3A_1092 = arith.index_cast %get3A_1090 : i32 to index
      %get3A_1093 = arith.constant 0 : index
      %get3A_1094 = tpu.vector_load %arg6[%get3A_1091, %get3A_1092, %get3A_1093] {strides = array<i32>} : memref<4x128x32xf32, #tpu.memory_space<vmem>>, vector<16xf32>,
      tpu.vector_store_idx %arg7[%iota3A, %broadcast_in_dim3A_1089], %get3A_1094 : memref<32x129xf32, #tpu.memory_space<vmem>>[vector<16xi32>, vector<16xi32>], vector<16xf32>,
      %get3A_1095 = arith.constant 81 : i32
      %get3A_1096 = arith.index_cast %rem3A_74 : i32 to index
      %get3A_1097 = arith.index_cast %get3A_1095 : i32 to index
      %get3A_1098 = arith.constant 16 : index
      %get3A_1099 = tpu.vector_load %arg6[%get3A_1096, %get3A_1097, %get3A_1098] {strides = array<i32>} : memref<4x128x32xf32, #tpu.memory_space<vmem>>, vector<16xf32>,
      tpu.vector_store_idx %arg7[%add3A_64, %broadcast_in_dim3A_1089], %get3A_1099 : memref<32x129xf32, #tpu.memory_space<vmem>>[vector<16xi32>, vector<16xi32>], vector<16xf32>,
      %broadcast_in_dim3A_1100 = arith.constant 82 : i32
      %broadcast_in_dim3A_1101 = vector.broadcast %broadcast_in_dim3A_1100 : i32 to vector<16xi32>
      %get3A_1102 = arith.constant 82 : i32
      %get3A_1103 = arith.index_cast %rem3A_74 : i32 to index
      %get3A_1104 = arith.index_cast %get3A_1102 : i32 to index
      %get3A_1105 = arith.constant 0 : index
      %get3A_1106 = tpu.vector_load %arg6[%get3A_1103, %get3A_1104, %get3A_1105] {strides = array<i32>} : memref<4x128x32xf32, #tpu.memory_space<vmem>>, vector<16xf32>,
      tpu.vector_store_idx %arg7[%iota3A, %broadcast_in_dim3A_1101], %get3A_1106 : memref<32x129xf32, #tpu.memory_space<vmem>>[vector<16xi32>, vector<16xi32>], vector<16xf32>,
      %get3A_1107 = arith.constant 82 : i32
      %get3A_1108 = arith.index_cast %rem3A_74 : i32 to index
      %get3A_1109 = arith.index_cast %get3A_1107 : i32 to index
      %get3A_1110 = arith.constant 16 : index
      %get3A_1111 = tpu.vector_load %arg6[%get3A_1108, %get3A_1109, %get3A_1110] {strides = array<i32>} : memref<4x128x32xf32, #tpu.memory_space<vmem>>, vector<16xf32>,
      tpu.vector_store_idx %arg7[%add3A_64, %broadcast_in_dim3A_1101], %get3A_1111 : memref<32x129xf32, #tpu.memory_space<vmem>>[vector<16xi32>, vector<16xi32>], vector<16xf32>,
      %broadcast_in_dim3A_1112 = arith.constant 83 : i32
      %broadcast_in_dim3A_1113 = vector.broadcast %broadcast_in_dim3A_1112 : i32 to vector<16xi32>
      %get3A_1114 = arith.constant 83 : i32
      %get3A_1115 = arith.index_cast %rem3A_74 : i32 to index
      %get3A_1116 = arith.index_cast %get3A_1114 : i32 to index
      %get3A_1117 = arith.constant 0 : index
      %get3A_1118 = tpu.vector_load %arg6[%get3A_1115, %get3A_1116, %get3A_1117] {strides = array<i32>} : memref<4x128x32xf32, #tpu.memory_space<vmem>>, vector<16xf32>,
      tpu.vector_store_idx %arg7[%iota3A, %broadcast_in_dim3A_1113], %get3A_1118 : memref<32x129xf32, #tpu.memory_space<vmem>>[vector<16xi32>, vector<16xi32>], vector<16xf32>,
      %get3A_1119 = arith.constant 83 : i32
      %get3A_1120 = arith.index_cast %rem3A_74 : i32 to index
      %get3A_1121 = arith.index_cast %get3A_1119 : i32 to index
      %get3A_1122 = arith.constant 16 : index
      %get3A_1123 = tpu.vector_load %arg6[%get3A_1120, %get3A_1121, %get3A_1122] {strides = array<i32>} : memref<4x128x32xf32, #tpu.memory_space<vmem>>, vector<16xf32>,
      tpu.vector_store_idx %arg7[%add3A_64, %broadcast_in_dim3A_1113], %get3A_1123 : memref<32x129xf32, #tpu.memory_space<vmem>>[vector<16xi32>, vector<16xi32>], vector<16xf32>,
      %broadcast_in_dim3A_1124 = arith.constant 84 : i32
      %broadcast_in_dim3A_1125 = vector.broadcast %broadcast_in_dim3A_1124 : i32 to vector<16xi32>
      %get3A_1126 = arith.constant 84 : i32
      %get3A_1127 = arith.index_cast %rem3A_74 : i32 to index
      %get3A_1128 = arith.index_cast %get3A_1126 : i32 to index
      %get3A_1129 = arith.constant 0 : index
      %get3A_1130 = tpu.vector_load %arg6[%get3A_1127, %get3A_1128, %get3A_1129] {strides = array<i32>} : memref<4x128x32xf32, #tpu.memory_space<vmem>>, vector<16xf32>,
      tpu.vector_store_idx %arg7[%iota3A, %broadcast_in_dim3A_1125], %get3A_1130 : memref<32x129xf32, #tpu.memory_space<vmem>>[vector<16xi32>, vector<16xi32>], vector<16xf32>,
      %get3A_1131 = arith.constant 84 : i32
      %get3A_1132 = arith.index_cast %rem3A_74 : i32 to index
      %get3A_1133 = arith.index_cast %get3A_1131 : i32 to index
      %get3A_1134 = arith.constant 16 : index
      %get3A_1135 = tpu.vector_load %arg6[%get3A_1132, %get3A_1133, %get3A_1134] {strides = array<i32>} : memref<4x128x32xf32, #tpu.memory_space<vmem>>, vector<16xf32>,
      tpu.vector_store_idx %arg7[%add3A_64, %broadcast_in_dim3A_1125], %get3A_1135 : memref<32x129xf32, #tpu.memory_space<vmem>>[vector<16xi32>, vector<16xi32>], vector<16xf32>,
      %broadcast_in_dim3A_1136 = arith.constant 85 : i32
      %broadcast_in_dim3A_1137 = vector.broadcast %broadcast_in_dim3A_1136 : i32 to vector<16xi32>
      %get3A_1138 = arith.constant 85 : i32
      %get3A_1139 = arith.index_cast %rem3A_74 : i32 to index
      %get3A_1140 = arith.index_cast %get3A_1138 : i32 to index
      %get3A_1141 = arith.constant 0 : index
      %get3A_1142 = tpu.vector_load %arg6[%get3A_1139, %get3A_1140, %get3A_1141] {strides = array<i32>} : memref<4x128x32xf32, #tpu.memory_space<vmem>>, vector<16xf32>,
      tpu.vector_store_idx %arg7[%iota3A, %broadcast_in_dim3A_1137], %get3A_1142 : memref<32x129xf32, #tpu.memory_space<vmem>>[vector<16xi32>, vector<16xi32>], vector<16xf32>,
      %get3A_1143 = arith.constant 85 : i32
      %get3A_1144 = arith.index_cast %rem3A_74 : i32 to index
      %get3A_1145 = arith.index_cast %get3A_1143 : i32 to index
      %get3A_1146 = arith.constant 16 : index
      %get3A_1147 = tpu.vector_load %arg6[%get3A_1144, %get3A_1145, %get3A_1146] {strides = array<i32>} : memref<4x128x32xf32, #tpu.memory_space<vmem>>, vector<16xf32>,
      tpu.vector_store_idx %arg7[%add3A_64, %broadcast_in_dim3A_1137], %get3A_1147 : memref<32x129xf32, #tpu.memory_space<vmem>>[vector<16xi32>, vector<16xi32>], vector<16xf32>,
      %broadcast_in_dim3A_1148 = arith.constant 86 : i32
      %broadcast_in_dim3A_1149 = vector.broadcast %broadcast_in_dim3A_1148 : i32 to vector<16xi32>
      %get3A_1150 = arith.constant 86 : i32
      %get3A_1151 = arith.index_cast %rem3A_74 : i32 to index
      %get3A_1152 = arith.index_cast %get3A_1150 : i32 to index
      %get3A_1153 = arith.constant 0 : index
      %get3A_1154 = tpu.vector_load %arg6[%get3A_1151, %get3A_1152, %get3A_1153] {strides = array<i32>} : memref<4x128x32xf32, #tpu.memory_space<vmem>>, vector<16xf32>,
      tpu.vector_store_idx %arg7[%iota3A, %broadcast_in_dim3A_1149], %get3A_1154 : memref<32x129xf32, #tpu.memory_space<vmem>>[vector<16xi32>, vector<16xi32>], vector<16xf32>,
      %get3A_1155 = arith.constant 86 : i32
      %get3A_1156 = arith.index_cast %rem3A_74 : i32 to index
      %get3A_1157 = arith.index_cast %get3A_1155 : i32 to index
      %get3A_1158 = arith.constant 16 : index
      %get3A_1159 = tpu.vector_load %arg6[%get3A_1156, %get3A_1157, %get3A_1158] {strides = array<i32>} : memref<4x128x32xf32, #tpu.memory_space<vmem>>, vector<16xf32>,
      tpu.vector_store_idx %arg7[%add3A_64, %broadcast_in_dim3A_1149], %get3A_1159 : memref<32x129xf32, #tpu.memory_space<vmem>>[vector<16xi32>, vector<16xi32>], vector<16xf32>,
      %broadcast_in_dim3A_1160 = arith.constant 87 : i32
      %broadcast_in_dim3A_1161 = vector.broadcast %broadcast_in_dim3A_1160 : i32 to vector<16xi32>
      %get3A_1162 = arith.constant 87 : i32
      %get3A_1163 = arith.index_cast %rem3A_74 : i32 to index
      %get3A_1164 = arith.index_cast %get3A_1162 : i32 to index
      %get3A_1165 = arith.constant 0 : index
      %get3A_1166 = tpu.vector_load %arg6[%get3A_1163, %get3A_1164, %get3A_1165] {strides = array<i32>} : memref<4x128x32xf32, #tpu.memory_space<vmem>>, vector<16xf32>,
      tpu.vector_store_idx %arg7[%iota3A, %broadcast_in_dim3A_1161], %get3A_1166 : memref<32x129xf32, #tpu.memory_space<vmem>>[vector<16xi32>, vector<16xi32>], vector<16xf32>,
      %get3A_1167 = arith.constant 87 : i32
      %get3A_1168 = arith.index_cast %rem3A_74 : i32 to index
      %get3A_1169 = arith.index_cast %get3A_1167 : i32 to index
      %get3A_1170 = arith.constant 16 : index
      %get3A_1171 = tpu.vector_load %arg6[%get3A_1168, %get3A_1169, %get3A_1170] {strides = array<i32>} : memref<4x128x32xf32, #tpu.memory_space<vmem>>, vector<16xf32>,
      tpu.vector_store_idx %arg7[%add3A_64, %broadcast_in_dim3A_1161], %get3A_1171 : memref<32x129xf32, #tpu.memory_space<vmem>>[vector<16xi32>, vector<16xi32>], vector<16xf32>,
      %broadcast_in_dim3A_1172 = arith.constant 88 : i32
      %broadcast_in_dim3A_1173 = vector.broadcast %broadcast_in_dim3A_1172 : i32 to vector<16xi32>
      %get3A_1174 = arith.constant 88 : i32
      %get3A_1175 = arith.index_cast %rem3A_74 : i32 to index
      %get3A_1176 = arith.index_cast %get3A_1174 : i32 to index
      %get3A_1177 = arith.constant 0 : index
      %get3A_1178 = tpu.vector_load %arg6[%get3A_1175, %get3A_1176, %get3A_1177] {strides = array<i32>} : memref<4x128x32xf32, #tpu.memory_space<vmem>>, vector<16xf32>,
      tpu.vector_store_idx %arg7[%iota3A, %broadcast_in_dim3A_1173], %get3A_1178 : memref<32x129xf32, #tpu.memory_space<vmem>>[vector<16xi32>, vector<16xi32>], vector<16xf32>,
      %get3A_1179 = arith.constant 88 : i32
      %get3A_1180 = arith.index_cast %rem3A_74 : i32 to index
      %get3A_1181 = arith.index_cast %get3A_1179 : i32 to index
      %get3A_1182 = arith.constant 16 : index
      %get3A_1183 = tpu.vector_load %arg6[%get3A_1180, %get3A_1181, %get3A_1182] {strides = array<i32>} : memref<4x128x32xf32, #tpu.memory_space<vmem>>, vector<16xf32>,
      tpu.vector_store_idx %arg7[%add3A_64, %broadcast_in_dim3A_1173], %get3A_1183 : memref<32x129xf32, #tpu.memory_space<vmem>>[vector<16xi32>, vector<16xi32>], vector<16xf32>,
      %broadcast_in_dim3A_1184 = arith.constant 89 : i32
      %broadcast_in_dim3A_1185 = vector.broadcast %broadcast_in_dim3A_1184 : i32 to vector<16xi32>
      %get3A_1186 = arith.constant 89 : i32
      %get3A_1187 = arith.index_cast %rem3A_74 : i32 to index
      %get3A_1188 = arith.index_cast %get3A_1186 : i32 to index
      %get3A_1189 = arith.constant 0 : index
      %get3A_1190 = tpu.vector_load %arg6[%get3A_1187, %get3A_1188, %get3A_1189] {strides = array<i32>} : memref<4x128x32xf32, #tpu.memory_space<vmem>>, vector<16xf32>,
      tpu.vector_store_idx %arg7[%iota3A, %broadcast_in_dim3A_1185], %get3A_1190 : memref<32x129xf32, #tpu.memory_space<vmem>>[vector<16xi32>, vector<16xi32>], vector<16xf32>,
      %get3A_1191 = arith.constant 89 : i32
      %get3A_1192 = arith.index_cast %rem3A_74 : i32 to index
      %get3A_1193 = arith.index_cast %get3A_1191 : i32 to index
      %get3A_1194 = arith.constant 16 : index
      %get3A_1195 = tpu.vector_load %arg6[%get3A_1192, %get3A_1193, %get3A_1194] {strides = array<i32>} : memref<4x128x32xf32, #tpu.memory_space<vmem>>, vector<16xf32>,
      tpu.vector_store_idx %arg7[%add3A_64, %broadcast_in_dim3A_1185], %get3A_1195 : memref<32x129xf32, #tpu.memory_space<vmem>>[vector<16xi32>, vector<16xi32>], vector<16xf32>,
      %broadcast_in_dim3A_1196 = arith.constant 90 : i32
      %broadcast_in_dim3A_1197 = vector.broadcast %broadcast_in_dim3A_1196 : i32 to vector<16xi32>
      %get3A_1198 = arith.constant 90 : i32
      %get3A_1199 = arith.index_cast %rem3A_74 : i32 to index
      %get3A_1200 = arith.index_cast %get3A_1198 : i32 to index
      %get3A_1201 = arith.constant 0 : index
      %get3A_1202 = tpu.vector_load %arg6[%get3A_1199, %get3A_1200, %get3A_1201] {strides = array<i32>} : memref<4x128x32xf32, #tpu.memory_space<vmem>>, vector<16xf32>,
      tpu.vector_store_idx %arg7[%iota3A, %broadcast_in_dim3A_1197], %get3A_1202 : memref<32x129xf32, #tpu.memory_space<vmem>>[vector<16xi32>, vector<16xi32>], vector<16xf32>,
      %get3A_1203 = arith.constant 90 : i32
      %get3A_1204 = arith.index_cast %rem3A_74 : i32 to index
      %get3A_1205 = arith.index_cast %get3A_1203 : i32 to index
      %get3A_1206 = arith.constant 16 : index
      %get3A_1207 = tpu.vector_load %arg6[%get3A_1204, %get3A_1205, %get3A_1206] {strides = array<i32>} : memref<4x128x32xf32, #tpu.memory_space<vmem>>, vector<16xf32>,
      tpu.vector_store_idx %arg7[%add3A_64, %broadcast_in_dim3A_1197], %get3A_1207 : memref<32x129xf32, #tpu.memory_space<vmem>>[vector<16xi32>, vector<16xi32>], vector<16xf32>,
      %broadcast_in_dim3A_1208 = arith.constant 91 : i32
      %broadcast_in_dim3A_1209 = vector.broadcast %broadcast_in_dim3A_1208 : i32 to vector<16xi32>
      %get3A_1210 = arith.constant 91 : i32
      %get3A_1211 = arith.index_cast %rem3A_74 : i32 to index
      %get3A_1212 = arith.index_cast %get3A_1210 : i32 to index
      %get3A_1213 = arith.constant 0 : index
      %get3A_1214 = tpu.vector_load %arg6[%get3A_1211, %get3A_1212, %get3A_1213] {strides = array<i32>} : memref<4x128x32xf32, #tpu.memory_space<vmem>>, vector<16xf32>,
      tpu.vector_store_idx %arg7[%iota3A, %broadcast_in_dim3A_1209], %get3A_1214 : memref<32x129xf32, #tpu.memory_space<vmem>>[vector<16xi32>, vector<16xi32>], vector<16xf32>,
      %get3A_1215 = arith.constant 91 : i32
      %get3A_1216 = arith.index_cast %rem3A_74 : i32 to index
      %get3A_1217 = arith.index_cast %get3A_1215 : i32 to index
      %get3A_1218 = arith.constant 16 : index
      %get3A_1219 = tpu.vector_load %arg6[%get3A_1216, %get3A_1217, %get3A_1218] {strides = array<i32>} : memref<4x128x32xf32, #tpu.memory_space<vmem>>, vector<16xf32>,
      tpu.vector_store_idx %arg7[%add3A_64, %broadcast_in_dim3A_1209], %get3A_1219 : memref<32x129xf32, #tpu.memory_space<vmem>>[vector<16xi32>, vector<16xi32>], vector<16xf32>,
      %broadcast_in_dim3A_1220 = arith.constant 92 : i32
      %broadcast_in_dim3A_1221 = vector.broadcast %broadcast_in_dim3A_1220 : i32 to vector<16xi32>
      %get3A_1222 = arith.constant 92 : i32
      %get3A_1223 = arith.index_cast %rem3A_74 : i32 to index
      %get3A_1224 = arith.index_cast %get3A_1222 : i32 to index
      %get3A_1225 = arith.constant 0 : index
      %get3A_1226 = tpu.vector_load %arg6[%get3A_1223, %get3A_1224, %get3A_1225] {strides = array<i32>} : memref<4x128x32xf32, #tpu.memory_space<vmem>>, vector<16xf32>,
      tpu.vector_store_idx %arg7[%iota3A, %broadcast_in_dim3A_1221], %get3A_1226 : memref<32x129xf32, #tpu.memory_space<vmem>>[vector<16xi32>, vector<16xi32>], vector<16xf32>,
      %get3A_1227 = arith.constant 92 : i32
      %get3A_1228 = arith.index_cast %rem3A_74 : i32 to index
      %get3A_1229 = arith.index_cast %get3A_1227 : i32 to index
      %get3A_1230 = arith.constant 16 : index
      %get3A_1231 = tpu.vector_load %arg6[%get3A_1228, %get3A_1229, %get3A_1230] {strides = array<i32>} : memref<4x128x32xf32, #tpu.memory_space<vmem>>, vector<16xf32>,
      tpu.vector_store_idx %arg7[%add3A_64, %broadcast_in_dim3A_1221], %get3A_1231 : memref<32x129xf32, #tpu.memory_space<vmem>>[vector<16xi32>, vector<16xi32>], vector<16xf32>,
      %broadcast_in_dim3A_1232 = arith.constant 93 : i32
      %broadcast_in_dim3A_1233 = vector.broadcast %broadcast_in_dim3A_1232 : i32 to vector<16xi32>
      %get3A_1234 = arith.constant 93 : i32
      %get3A_1235 = arith.index_cast %rem3A_74 : i32 to index
      %get3A_1236 = arith.index_cast %get3A_1234 : i32 to index
      %get3A_1237 = arith.constant 0 : index
      %get3A_1238 = tpu.vector_load %arg6[%get3A_1235, %get3A_1236, %get3A_1237] {strides = array<i32>} : memref<4x128x32xf32, #tpu.memory_space<vmem>>, vector<16xf32>,
      tpu.vector_store_idx %arg7[%iota3A, %broadcast_in_dim3A_1233], %get3A_1238 : memref<32x129xf32, #tpu.memory_space<vmem>>[vector<16xi32>, vector<16xi32>], vector<16xf32>,
      %get3A_1239 = arith.constant 93 : i32
      %get3A_1240 = arith.index_cast %rem3A_74 : i32 to index
      %get3A_1241 = arith.index_cast %get3A_1239 : i32 to index
      %get3A_1242 = arith.constant 16 : index
      %get3A_1243 = tpu.vector_load %arg6[%get3A_1240, %get3A_1241, %get3A_1242] {strides = array<i32>} : memref<4x128x32xf32, #tpu.memory_space<vmem>>, vector<16xf32>,
      tpu.vector_store_idx %arg7[%add3A_64, %broadcast_in_dim3A_1233], %get3A_1243 : memref<32x129xf32, #tpu.memory_space<vmem>>[vector<16xi32>, vector<16xi32>], vector<16xf32>,
      %broadcast_in_dim3A_1244 = arith.constant 94 : i32
      %broadcast_in_dim3A_1245 = vector.broadcast %broadcast_in_dim3A_1244 : i32 to vector<16xi32>
      %get3A_1246 = arith.constant 94 : i32
      %get3A_1247 = arith.index_cast %rem3A_74 : i32 to index
      %get3A_1248 = arith.index_cast %get3A_1246 : i32 to index
      %get3A_1249 = arith.constant 0 : index
      %get3A_1250 = tpu.vector_load %arg6[%get3A_1247, %get3A_1248, %get3A_1249] {strides = array<i32>} : memref<4x128x32xf32, #tpu.memory_space<vmem>>, vector<16xf32>,
      tpu.vector_store_idx %arg7[%iota3A, %broadcast_in_dim3A_1245], %get3A_1250 : memref<32x129xf32, #tpu.memory_space<vmem>>[vector<16xi32>, vector<16xi32>], vector<16xf32>,
      %get3A_1251 = arith.constant 94 : i32
      %get3A_1252 = arith.index_cast %rem3A_74 : i32 to index
      %get3A_1253 = arith.index_cast %get3A_1251 : i32 to index
      %get3A_1254 = arith.constant 16 : index
      %get3A_1255 = tpu.vector_load %arg6[%get3A_1252, %get3A_1253, %get3A_1254] {strides = array<i32>} : memref<4x128x32xf32, #tpu.memory_space<vmem>>, vector<16xf32>,
      tpu.vector_store_idx %arg7[%add3A_64, %broadcast_in_dim3A_1245], %get3A_1255 : memref<32x129xf32, #tpu.memory_space<vmem>>[vector<16xi32>, vector<16xi32>], vector<16xf32>,
      %broadcast_in_dim3A_1256 = arith.constant 95 : i32
      %broadcast_in_dim3A_1257 = vector.broadcast %broadcast_in_dim3A_1256 : i32 to vector<16xi32>
      %get3A_1258 = arith.constant 95 : i32
      %get3A_1259 = arith.index_cast %rem3A_74 : i32 to index
      %get3A_1260 = arith.index_cast %get3A_1258 : i32 to index
      %get3A_1261 = arith.constant 0 : index
      %get3A_1262 = tpu.vector_load %arg6[%get3A_1259, %get3A_1260, %get3A_1261] {strides = array<i32>} : memref<4x128x32xf32, #tpu.memory_space<vmem>>, vector<16xf32>,
      tpu.vector_store_idx %arg7[%iota3A, %broadcast_in_dim3A_1257], %get3A_1262 : memref<32x129xf32, #tpu.memory_space<vmem>>[vector<16xi32>, vector<16xi32>], vector<16xf32>,
      %get3A_1263 = arith.constant 95 : i32
      %get3A_1264 = arith.index_cast %rem3A_74 : i32 to index
      %get3A_1265 = arith.index_cast %get3A_1263 : i32 to index
      %get3A_1266 = arith.constant 16 : index
      %get3A_1267 = tpu.vector_load %arg6[%get3A_1264, %get3A_1265, %get3A_1266] {strides = array<i32>} : memref<4x128x32xf32, #tpu.memory_space<vmem>>, vector<16xf32>,
      tpu.vector_store_idx %arg7[%add3A_64, %broadcast_in_dim3A_1257], %get3A_1267 : memref<32x129xf32, #tpu.memory_space<vmem>>[vector<16xi32>, vector<16xi32>], vector<16xf32>,
      %broadcast_in_dim3A_1268 = arith.constant 96 : i32
      %broadcast_in_dim3A_1269 = vector.broadcast %broadcast_in_dim3A_1268 : i32 to vector<16xi32>
      %get3A_1270 = arith.constant 96 : i32
      %get3A_1271 = arith.index_cast %rem3A_74 : i32 to index
      %get3A_1272 = arith.index_cast %get3A_1270 : i32 to index
      %get3A_1273 = arith.constant 0 : index
      %get3A_1274 = tpu.vector_load %arg6[%get3A_1271, %get3A_1272, %get3A_1273] {strides = array<i32>} : memref<4x128x32xf32, #tpu.memory_space<vmem>>, vector<16xf32>,
      tpu.vector_store_idx %arg7[%iota3A, %broadcast_in_dim3A_1269], %get3A_1274 : memref<32x129xf32, #tpu.memory_space<vmem>>[vector<16xi32>, vector<16xi32>], vector<16xf32>,
      %get3A_1275 = arith.constant 96 : i32
      %get3A_1276 = arith.index_cast %rem3A_74 : i32 to index
      %get3A_1277 = arith.index_cast %get3A_1275 : i32 to index
      %get3A_1278 = arith.constant 16 : index
      %get3A_1279 = tpu.vector_load %arg6[%get3A_1276, %get3A_1277, %get3A_1278] {strides = array<i32>} : memref<4x128x32xf32, #tpu.memory_space<vmem>>, vector<16xf32>,
      tpu.vector_store_idx %arg7[%add3A_64, %broadcast_in_dim3A_1269], %get3A_1279 : memref<32x129xf32, #tpu.memory_space<vmem>>[vector<16xi32>, vector<16xi32>], vector<16xf32>,
      %broadcast_in_dim3A_1280 = arith.constant 97 : i32
      %broadcast_in_dim3A_1281 = vector.broadcast %broadcast_in_dim3A_1280 : i32 to vector<16xi32>
      %get3A_1282 = arith.constant 97 : i32
      %get3A_1283 = arith.index_cast %rem3A_74 : i32 to index
      %get3A_1284 = arith.index_cast %get3A_1282 : i32 to index
      %get3A_1285 = arith.constant 0 : index
      %get3A_1286 = tpu.vector_load %arg6[%get3A_1283, %get3A_1284, %get3A_1285] {strides = array<i32>} : memref<4x128x32xf32, #tpu.memory_space<vmem>>, vector<16xf32>,
      tpu.vector_store_idx %arg7[%iota3A, %broadcast_in_dim3A_1281], %get3A_1286 : memref<32x129xf32, #tpu.memory_space<vmem>>[vector<16xi32>, vector<16xi32>], vector<16xf32>,
      %get3A_1287 = arith.constant 97 : i32
      %get3A_1288 = arith.index_cast %rem3A_74 : i32 to index
      %get3A_1289 = arith.index_cast %get3A_1287 : i32 to index
      %get3A_1290 = arith.constant 16 : index
      %get3A_1291 = tpu.vector_load %arg6[%get3A_1288, %get3A_1289, %get3A_1290] {strides = array<i32>} : memref<4x128x32xf32, #tpu.memory_space<vmem>>, vector<16xf32>,
      tpu.vector_store_idx %arg7[%add3A_64, %broadcast_in_dim3A_1281], %get3A_1291 : memref<32x129xf32, #tpu.memory_space<vmem>>[vector<16xi32>, vector<16xi32>], vector<16xf32>,
      %broadcast_in_dim3A_1292 = arith.constant 98 : i32
      %broadcast_in_dim3A_1293 = vector.broadcast %broadcast_in_dim3A_1292 : i32 to vector<16xi32>
      %get3A_1294 = arith.constant 98 : i32
      %get3A_1295 = arith.index_cast %rem3A_74 : i32 to index
      %get3A_1296 = arith.index_cast %get3A_1294 : i32 to index
      %get3A_1297 = arith.constant 0 : index
      %get3A_1298 = tpu.vector_load %arg6[%get3A_1295, %get3A_1296, %get3A_1297] {strides = array<i32>} : memref<4x128x32xf32, #tpu.memory_space<vmem>>, vector<16xf32>,
      tpu.vector_store_idx %arg7[%iota3A, %broadcast_in_dim3A_1293], %get3A_1298 : memref<32x129xf32, #tpu.memory_space<vmem>>[vector<16xi32>, vector<16xi32>], vector<16xf32>,
      %get3A_1299 = arith.constant 98 : i32
      %get3A_1300 = arith.index_cast %rem3A_74 : i32 to index
      %get3A_1301 = arith.index_cast %get3A_1299 : i32 to index
      %get3A_1302 = arith.constant 16 : index
      %get3A_1303 = tpu.vector_load %arg6[%get3A_1300, %get3A_1301, %get3A_1302] {strides = array<i32>} : memref<4x128x32xf32, #tpu.memory_space<vmem>>, vector<16xf32>,
      tpu.vector_store_idx %arg7[%add3A_64, %broadcast_in_dim3A_1293], %get3A_1303 : memref<32x129xf32, #tpu.memory_space<vmem>>[vector<16xi32>, vector<16xi32>], vector<16xf32>,
      %broadcast_in_dim3A_1304 = arith.constant 99 : i32
      %broadcast_in_dim3A_1305 = vector.broadcast %broadcast_in_dim3A_1304 : i32 to vector<16xi32>
      %get3A_1306 = arith.constant 99 : i32
      %get3A_1307 = arith.index_cast %rem3A_74 : i32 to index
      %get3A_1308 = arith.index_cast %get3A_1306 : i32 to index
      %get3A_1309 = arith.constant 0 : index
      %get3A_1310 = tpu.vector_load %arg6[%get3A_1307, %get3A_1308, %get3A_1309] {strides = array<i32>} : memref<4x128x32xf32, #tpu.memory_space<vmem>>, vector<16xf32>,
      tpu.vector_store_idx %arg7[%iota3A, %broadcast_in_dim3A_1305], %get3A_1310 : memref<32x129xf32, #tpu.memory_space<vmem>>[vector<16xi32>, vector<16xi32>], vector<16xf32>,
      %get3A_1311 = arith.constant 99 : i32
      %get3A_1312 = arith.index_cast %rem3A_74 : i32 to index
      %get3A_1313 = arith.index_cast %get3A_1311 : i32 to index
      %get3A_1314 = arith.constant 16 : index
      %get3A_1315 = tpu.vector_load %arg6[%get3A_1312, %get3A_1313, %get3A_1314] {strides = array<i32>} : memref<4x128x32xf32, #tpu.memory_space<vmem>>, vector<16xf32>,
      tpu.vector_store_idx %arg7[%add3A_64, %broadcast_in_dim3A_1305], %get3A_1315 : memref<32x129xf32, #tpu.memory_space<vmem>>[vector<16xi32>, vector<16xi32>], vector<16xf32>,
      %broadcast_in_dim3A_1316 = arith.constant 100 : i32
      %broadcast_in_dim3A_1317 = vector.broadcast %broadcast_in_dim3A_1316 : i32 to vector<16xi32>
      %get3A_1318 = arith.constant 100 : i32
      %get3A_1319 = arith.index_cast %rem3A_74 : i32 to index
      %get3A_1320 = arith.index_cast %get3A_1318 : i32 to index
      %get3A_1321 = arith.constant 0 : index
      %get3A_1322 = tpu.vector_load %arg6[%get3A_1319, %get3A_1320, %get3A_1321] {strides = array<i32>} : memref<4x128x32xf32, #tpu.memory_space<vmem>>, vector<16xf32>,
      tpu.vector_store_idx %arg7[%iota3A, %broadcast_in_dim3A_1317], %get3A_1322 : memref<32x129xf32, #tpu.memory_space<vmem>>[vector<16xi32>, vector<16xi32>], vector<16xf32>,
      %get3A_1323 = arith.constant 100 : i32
      %get3A_1324 = arith.index_cast %rem3A_74 : i32 to index
      %get3A_1325 = arith.index_cast %get3A_1323 : i32 to index
      %get3A_1326 = arith.constant 16 : index
      %get3A_1327 = tpu.vector_load %arg6[%get3A_1324, %get3A_1325, %get3A_1326] {strides = array<i32>} : memref<4x128x32xf32, #tpu.memory_space<vmem>>, vector<16xf32>,
      tpu.vector_store_idx %arg7[%add3A_64, %broadcast_in_dim3A_1317], %get3A_1327 : memref<32x129xf32, #tpu.memory_space<vmem>>[vector<16xi32>, vector<16xi32>], vector<16xf32>,
      %broadcast_in_dim3A_1328 = arith.constant 101 : i32
      %broadcast_in_dim3A_1329 = vector.broadcast %broadcast_in_dim3A_1328 : i32 to vector<16xi32>
      %get3A_1330 = arith.constant 101 : i32
      %get3A_1331 = arith.index_cast %rem3A_74 : i32 to index
      %get3A_1332 = arith.index_cast %get3A_1330 : i32 to index
      %get3A_1333 = arith.constant 0 : index
      %get3A_1334 = tpu.vector_load %arg6[%get3A_1331, %get3A_1332, %get3A_1333] {strides = array<i32>} : memref<4x128x32xf32, #tpu.memory_space<vmem>>, vector<16xf32>,
      tpu.vector_store_idx %arg7[%iota3A, %broadcast_in_dim3A_1329], %get3A_1334 : memref<32x129xf32, #tpu.memory_space<vmem>>[vector<16xi32>, vector<16xi32>], vector<16xf32>,
      %get3A_1335 = arith.constant 101 : i32
      %get3A_1336 = arith.index_cast %rem3A_74 : i32 to index
      %get3A_1337 = arith.index_cast %get3A_1335 : i32 to index
      %get3A_1338 = arith.constant 16 : index
      %get3A_1339 = tpu.vector_load %arg6[%get3A_1336, %get3A_1337, %get3A_1338] {strides = array<i32>} : memref<4x128x32xf32, #tpu.memory_space<vmem>>, vector<16xf32>,
      tpu.vector_store_idx %arg7[%add3A_64, %broadcast_in_dim3A_1329], %get3A_1339 : memref<32x129xf32, #tpu.memory_space<vmem>>[vector<16xi32>, vector<16xi32>], vector<16xf32>,
      %broadcast_in_dim3A_1340 = arith.constant 102 : i32
      %broadcast_in_dim3A_1341 = vector.broadcast %broadcast_in_dim3A_1340 : i32 to vector<16xi32>
      %get3A_1342 = arith.constant 102 : i32
      %get3A_1343 = arith.index_cast %rem3A_74 : i32 to index
      %get3A_1344 = arith.index_cast %get3A_1342 : i32 to index
      %get3A_1345 = arith.constant 0 : index
      %get3A_1346 = tpu.vector_load %arg6[%get3A_1343, %get3A_1344, %get3A_1345] {strides = array<i32>} : memref<4x128x32xf32, #tpu.memory_space<vmem>>, vector<16xf32>,
      tpu.vector_store_idx %arg7[%iota3A, %broadcast_in_dim3A_1341], %get3A_1346 : memref<32x129xf32, #tpu.memory_space<vmem>>[vector<16xi32>, vector<16xi32>], vector<16xf32>,
      %get3A_1347 = arith.constant 102 : i32
      %get3A_1348 = arith.index_cast %rem3A_74 : i32 to index
      %get3A_1349 = arith.index_cast %get3A_1347 : i32 to index
      %get3A_1350 = arith.constant 16 : index
      %get3A_1351 = tpu.vector_load %arg6[%get3A_1348, %get3A_1349, %get3A_1350] {strides = array<i32>} : memref<4x128x32xf32, #tpu.memory_space<vmem>>, vector<16xf32>,
      tpu.vector_store_idx %arg7[%add3A_64, %broadcast_in_dim3A_1341], %get3A_1351 : memref<32x129xf32, #tpu.memory_space<vmem>>[vector<16xi32>, vector<16xi32>], vector<16xf32>,
      %broadcast_in_dim3A_1352 = arith.constant 103 : i32
      %broadcast_in_dim3A_1353 = vector.broadcast %broadcast_in_dim3A_1352 : i32 to vector<16xi32>
      %get3A_1354 = arith.constant 103 : i32
      %get3A_1355 = arith.index_cast %rem3A_74 : i32 to index
      %get3A_1356 = arith.index_cast %get3A_1354 : i32 to index
      %get3A_1357 = arith.constant 0 : index
      %get3A_1358 = tpu.vector_load %arg6[%get3A_1355, %get3A_1356, %get3A_1357] {strides = array<i32>} : memref<4x128x32xf32, #tpu.memory_space<vmem>>, vector<16xf32>,
      tpu.vector_store_idx %arg7[%iota3A, %broadcast_in_dim3A_1353], %get3A_1358 : memref<32x129xf32, #tpu.memory_space<vmem>>[vector<16xi32>, vector<16xi32>], vector<16xf32>,
      %get3A_1359 = arith.constant 103 : i32
      %get3A_1360 = arith.index_cast %rem3A_74 : i32 to index
      %get3A_1361 = arith.index_cast %get3A_1359 : i32 to index
      %get3A_1362 = arith.constant 16 : index
      %get3A_1363 = tpu.vector_load %arg6[%get3A_1360, %get3A_1361, %get3A_1362] {strides = array<i32>} : memref<4x128x32xf32, #tpu.memory_space<vmem>>, vector<16xf32>,
      tpu.vector_store_idx %arg7[%add3A_64, %broadcast_in_dim3A_1353], %get3A_1363 : memref<32x129xf32, #tpu.memory_space<vmem>>[vector<16xi32>, vector<16xi32>], vector<16xf32>,
      %broadcast_in_dim3A_1364 = arith.constant 104 : i32
      %broadcast_in_dim3A_1365 = vector.broadcast %broadcast_in_dim3A_1364 : i32 to vector<16xi32>
      %get3A_1366 = arith.constant 104 : i32
      %get3A_1367 = arith.index_cast %rem3A_74 : i32 to index
      %get3A_1368 = arith.index_cast %get3A_1366 : i32 to index
      %get3A_1369 = arith.constant 0 : index
      %get3A_1370 = tpu.vector_load %arg6[%get3A_1367, %get3A_1368, %get3A_1369] {strides = array<i32>} : memref<4x128x32xf32, #tpu.memory_space<vmem>>, vector<16xf32>,
      tpu.vector_store_idx %arg7[%iota3A, %broadcast_in_dim3A_1365], %get3A_1370 : memref<32x129xf32, #tpu.memory_space<vmem>>[vector<16xi32>, vector<16xi32>], vector<16xf32>,
      %get3A_1371 = arith.constant 104 : i32
      %get3A_1372 = arith.index_cast %rem3A_74 : i32 to index
      %get3A_1373 = arith.index_cast %get3A_1371 : i32 to index
      %get3A_1374 = arith.constant 16 : index
      %get3A_1375 = tpu.vector_load %arg6[%get3A_1372, %get3A_1373, %get3A_1374] {strides = array<i32>} : memref<4x128x32xf32, #tpu.memory_space<vmem>>, vector<16xf32>,
      tpu.vector_store_idx %arg7[%add3A_64, %broadcast_in_dim3A_1365], %get3A_1375 : memref<32x129xf32, #tpu.memory_space<vmem>>[vector<16xi32>, vector<16xi32>], vector<16xf32>,
      %broadcast_in_dim3A_1376 = arith.constant 105 : i32
      %broadcast_in_dim3A_1377 = vector.broadcast %broadcast_in_dim3A_1376 : i32 to vector<16xi32>
      %get3A_1378 = arith.constant 105 : i32
      %get3A_1379 = arith.index_cast %rem3A_74 : i32 to index
      %get3A_1380 = arith.index_cast %get3A_1378 : i32 to index
      %get3A_1381 = arith.constant 0 : index
      %get3A_1382 = tpu.vector_load %arg6[%get3A_1379, %get3A_1380, %get3A_1381] {strides = array<i32>} : memref<4x128x32xf32, #tpu.memory_space<vmem>>, vector<16xf32>,
      tpu.vector_store_idx %arg7[%iota3A, %broadcast_in_dim3A_1377], %get3A_1382 : memref<32x129xf32, #tpu.memory_space<vmem>>[vector<16xi32>, vector<16xi32>], vector<16xf32>,
      %get3A_1383 = arith.constant 105 : i32
      %get3A_1384 = arith.index_cast %rem3A_74 : i32 to index
      %get3A_1385 = arith.index_cast %get3A_1383 : i32 to index
      %get3A_1386 = arith.constant 16 : index
      %get3A_1387 = tpu.vector_load %arg6[%get3A_1384, %get3A_1385, %get3A_1386] {strides = array<i32>} : memref<4x128x32xf32, #tpu.memory_space<vmem>>, vector<16xf32>,
      tpu.vector_store_idx %arg7[%add3A_64, %broadcast_in_dim3A_1377], %get3A_1387 : memref<32x129xf32, #tpu.memory_space<vmem>>[vector<16xi32>, vector<16xi32>], vector<16xf32>,
      %broadcast_in_dim3A_1388 = arith.constant 106 : i32
      %broadcast_in_dim3A_1389 = vector.broadcast %broadcast_in_dim3A_1388 : i32 to vector<16xi32>
      %get3A_1390 = arith.constant 106 : i32
      %get3A_1391 = arith.index_cast %rem3A_74 : i32 to index
      %get3A_1392 = arith.index_cast %get3A_1390 : i32 to index
      %get3A_1393 = arith.constant 0 : index
      %get3A_1394 = tpu.vector_load %arg6[%get3A_1391, %get3A_1392, %get3A_1393] {strides = array<i32>} : memref<4x128x32xf32, #tpu.memory_space<vmem>>, vector<16xf32>,
      tpu.vector_store_idx %arg7[%iota3A, %broadcast_in_dim3A_1389], %get3A_1394 : memref<32x129xf32, #tpu.memory_space<vmem>>[vector<16xi32>, vector<16xi32>], vector<16xf32>,
      %get3A_1395 = arith.constant 106 : i32
      %get3A_1396 = arith.index_cast %rem3A_74 : i32 to index
      %get3A_1397 = arith.index_cast %get3A_1395 : i32 to index
      %get3A_1398 = arith.constant 16 : index
      %get3A_1399 = tpu.vector_load %arg6[%get3A_1396, %get3A_1397, %get3A_1398] {strides = array<i32>} : memref<4x128x32xf32, #tpu.memory_space<vmem>>, vector<16xf32>,
      tpu.vector_store_idx %arg7[%add3A_64, %broadcast_in_dim3A_1389], %get3A_1399 : memref<32x129xf32, #tpu.memory_space<vmem>>[vector<16xi32>, vector<16xi32>], vector<16xf32>,
      %broadcast_in_dim3A_1400 = arith.constant 107 : i32
      %broadcast_in_dim3A_1401 = vector.broadcast %broadcast_in_dim3A_1400 : i32 to vector<16xi32>
      %get3A_1402 = arith.constant 107 : i32
      %get3A_1403 = arith.index_cast %rem3A_74 : i32 to index
      %get3A_1404 = arith.index_cast %get3A_1402 : i32 to index
      %get3A_1405 = arith.constant 0 : index
      %get3A_1406 = tpu.vector_load %arg6[%get3A_1403, %get3A_1404, %get3A_1405] {strides = array<i32>} : memref<4x128x32xf32, #tpu.memory_space<vmem>>, vector<16xf32>,
      tpu.vector_store_idx %arg7[%iota3A, %broadcast_in_dim3A_1401], %get3A_1406 : memref<32x129xf32, #tpu.memory_space<vmem>>[vector<16xi32>, vector<16xi32>], vector<16xf32>,
      %get3A_1407 = arith.constant 107 : i32
      %get3A_1408 = arith.index_cast %rem3A_74 : i32 to index
      %get3A_1409 = arith.index_cast %get3A_1407 : i32 to index
      %get3A_1410 = arith.constant 16 : index
      %get3A_1411 = tpu.vector_load %arg6[%get3A_1408, %get3A_1409, %get3A_1410] {strides = array<i32>} : memref<4x128x32xf32, #tpu.memory_space<vmem>>, vector<16xf32>,
      tpu.vector_store_idx %arg7[%add3A_64, %broadcast_in_dim3A_1401], %get3A_1411 : memref<32x129xf32, #tpu.memory_space<vmem>>[vector<16xi32>, vector<16xi32>], vector<16xf32>,
      %broadcast_in_dim3A_1412 = arith.constant 108 : i32
      %broadcast_in_dim3A_1413 = vector.broadcast %broadcast_in_dim3A_1412 : i32 to vector<16xi32>
      %get3A_1414 = arith.constant 108 : i32
      %get3A_1415 = arith.index_cast %rem3A_74 : i32 to index
      %get3A_1416 = arith.index_cast %get3A_1414 : i32 to index
      %get3A_1417 = arith.constant 0 : index
      %get3A_1418 = tpu.vector_load %arg6[%get3A_1415, %get3A_1416, %get3A_1417] {strides = array<i32>} : memref<4x128x32xf32, #tpu.memory_space<vmem>>, vector<16xf32>,
      tpu.vector_store_idx %arg7[%iota3A, %broadcast_in_dim3A_1413], %get3A_1418 : memref<32x129xf32, #tpu.memory_space<vmem>>[vector<16xi32>, vector<16xi32>], vector<16xf32>,
      %get3A_1419 = arith.constant 108 : i32
      %get3A_1420 = arith.index_cast %rem3A_74 : i32 to index
      %get3A_1421 = arith.index_cast %get3A_1419 : i32 to index
      %get3A_1422 = arith.constant 16 : index
      %get3A_1423 = tpu.vector_load %arg6[%get3A_1420, %get3A_1421, %get3A_1422] {strides = array<i32>} : memref<4x128x32xf32, #tpu.memory_space<vmem>>, vector<16xf32>,
      tpu.vector_store_idx %arg7[%add3A_64, %broadcast_in_dim3A_1413], %get3A_1423 : memref<32x129xf32, #tpu.memory_space<vmem>>[vector<16xi32>, vector<16xi32>], vector<16xf32>,
      %broadcast_in_dim3A_1424 = arith.constant 109 : i32
      %broadcast_in_dim3A_1425 = vector.broadcast %broadcast_in_dim3A_1424 : i32 to vector<16xi32>
      %get3A_1426 = arith.constant 109 : i32
      %get3A_1427 = arith.index_cast %rem3A_74 : i32 to index
      %get3A_1428 = arith.index_cast %get3A_1426 : i32 to index
      %get3A_1429 = arith.constant 0 : index
      %get3A_1430 = tpu.vector_load %arg6[%get3A_1427, %get3A_1428, %get3A_1429] {strides = array<i32>} : memref<4x128x32xf32, #tpu.memory_space<vmem>>, vector<16xf32>,
      tpu.vector_store_idx %arg7[%iota3A, %broadcast_in_dim3A_1425], %get3A_1430 : memref<32x129xf32, #tpu.memory_space<vmem>>[vector<16xi32>, vector<16xi32>], vector<16xf32>,
      %get3A_1431 = arith.constant 109 : i32
      %get3A_1432 = arith.index_cast %rem3A_74 : i32 to index
      %get3A_1433 = arith.index_cast %get3A_1431 : i32 to index
      %get3A_1434 = arith.constant 16 : index
      %get3A_1435 = tpu.vector_load %arg6[%get3A_1432, %get3A_1433, %get3A_1434] {strides = array<i32>} : memref<4x128x32xf32, #tpu.memory_space<vmem>>, vector<16xf32>,
      tpu.vector_store_idx %arg7[%add3A_64, %broadcast_in_dim3A_1425], %get3A_1435 : memref<32x129xf32, #tpu.memory_space<vmem>>[vector<16xi32>, vector<16xi32>], vector<16xf32>,
      %broadcast_in_dim3A_1436 = arith.constant 110 : i32
      %broadcast_in_dim3A_1437 = vector.broadcast %broadcast_in_dim3A_1436 : i32 to vector<16xi32>
      %get3A_1438 = arith.constant 110 : i32
      %get3A_1439 = arith.index_cast %rem3A_74 : i32 to index
      %get3A_1440 = arith.index_cast %get3A_1438 : i32 to index
      %get3A_1441 = arith.constant 0 : index
      %get3A_1442 = tpu.vector_load %arg6[%get3A_1439, %get3A_1440, %get3A_1441] {strides = array<i32>} : memref<4x128x32xf32, #tpu.memory_space<vmem>>, vector<16xf32>,
      tpu.vector_store_idx %arg7[%iota3A, %broadcast_in_dim3A_1437], %get3A_1442 : memref<32x129xf32, #tpu.memory_space<vmem>>[vector<16xi32>, vector<16xi32>], vector<16xf32>,
      %get3A_1443 = arith.constant 110 : i32
      %get3A_1444 = arith.index_cast %rem3A_74 : i32 to index
      %get3A_1445 = arith.index_cast %get3A_1443 : i32 to index
      %get3A_1446 = arith.constant 16 : index
      %get3A_1447 = tpu.vector_load %arg6[%get3A_1444, %get3A_1445, %get3A_1446] {strides = array<i32>} : memref<4x128x32xf32, #tpu.memory_space<vmem>>, vector<16xf32>,
      tpu.vector_store_idx %arg7[%add3A_64, %broadcast_in_dim3A_1437], %get3A_1447 : memref<32x129xf32, #tpu.memory_space<vmem>>[vector<16xi32>, vector<16xi32>], vector<16xf32>,
      %broadcast_in_dim3A_1448 = arith.constant 111 : i32
      %broadcast_in_dim3A_1449 = vector.broadcast %broadcast_in_dim3A_1448 : i32 to vector<16xi32>
      %get3A_1450 = arith.constant 111 : i32
      %get3A_1451 = arith.index_cast %rem3A_74 : i32 to index
      %get3A_1452 = arith.index_cast %get3A_1450 : i32 to index
      %get3A_1453 = arith.constant 0 : index
      %get3A_1454 = tpu.vector_load %arg6[%get3A_1451, %get3A_1452, %get3A_1453] {strides = array<i32>} : memref<4x128x32xf32, #tpu.memory_space<vmem>>, vector<16xf32>,
      tpu.vector_store_idx %arg7[%iota3A, %broadcast_in_dim3A_1449], %get3A_1454 : memref<32x129xf32, #tpu.memory_space<vmem>>[vector<16xi32>, vector<16xi32>], vector<16xf32>,
      %get3A_1455 = arith.constant 111 : i32
      %get3A_1456 = arith.index_cast %rem3A_74 : i32 to index
      %get3A_1457 = arith.index_cast %get3A_1455 : i32 to index
      %get3A_1458 = arith.constant 16 : index
      %get3A_1459 = tpu.vector_load %arg6[%get3A_1456, %get3A_1457, %get3A_1458] {strides = array<i32>} : memref<4x128x32xf32, #tpu.memory_space<vmem>>, vector<16xf32>,
      tpu.vector_store_idx %arg7[%add3A_64, %broadcast_in_dim3A_1449], %get3A_1459 : memref<32x129xf32, #tpu.memory_space<vmem>>[vector<16xi32>, vector<16xi32>], vector<16xf32>,
      %broadcast_in_dim3A_1460 = arith.constant 112 : i32
      %broadcast_in_dim3A_1461 = vector.broadcast %broadcast_in_dim3A_1460 : i32 to vector<16xi32>
      %get3A_1462 = arith.constant 112 : i32
      %get3A_1463 = arith.index_cast %rem3A_74 : i32 to index
      %get3A_1464 = arith.index_cast %get3A_1462 : i32 to index
      %get3A_1465 = arith.constant 0 : index
      %get3A_1466 = tpu.vector_load %arg6[%get3A_1463, %get3A_1464, %get3A_1465] {strides = array<i32>} : memref<4x128x32xf32, #tpu.memory_space<vmem>>, vector<16xf32>,
      tpu.vector_store_idx %arg7[%iota3A, %broadcast_in_dim3A_1461], %get3A_1466 : memref<32x129xf32, #tpu.memory_space<vmem>>[vector<16xi32>, vector<16xi32>], vector<16xf32>,
      %get3A_1467 = arith.constant 112 : i32
      %get3A_1468 = arith.index_cast %rem3A_74 : i32 to index
      %get3A_1469 = arith.index_cast %get3A_1467 : i32 to index
      %get3A_1470 = arith.constant 16 : index
      %get3A_1471 = tpu.vector_load %arg6[%get3A_1468, %get3A_1469, %get3A_1470] {strides = array<i32>} : memref<4x128x32xf32, #tpu.memory_space<vmem>>, vector<16xf32>,
      tpu.vector_store_idx %arg7[%add3A_64, %broadcast_in_dim3A_1461], %get3A_1471 : memref<32x129xf32, #tpu.memory_space<vmem>>[vector<16xi32>, vector<16xi32>], vector<16xf32>,
      %broadcast_in_dim3A_1472 = arith.constant 113 : i32
      %broadcast_in_dim3A_1473 = vector.broadcast %broadcast_in_dim3A_1472 : i32 to vector<16xi32>
      %get3A_1474 = arith.constant 113 : i32
      %get3A_1475 = arith.index_cast %rem3A_74 : i32 to index
      %get3A_1476 = arith.index_cast %get3A_1474 : i32 to index
      %get3A_1477 = arith.constant 0 : index
      %get3A_1478 = tpu.vector_load %arg6[%get3A_1475, %get3A_1476, %get3A_1477] {strides = array<i32>} : memref<4x128x32xf32, #tpu.memory_space<vmem>>, vector<16xf32>,
      tpu.vector_store_idx %arg7[%iota3A, %broadcast_in_dim3A_1473], %get3A_1478 : memref<32x129xf32, #tpu.memory_space<vmem>>[vector<16xi32>, vector<16xi32>], vector<16xf32>,
      %get3A_1479 = arith.constant 113 : i32
      %get3A_1480 = arith.index_cast %rem3A_74 : i32 to index
      %get3A_1481 = arith.index_cast %get3A_1479 : i32 to index
      %get3A_1482 = arith.constant 16 : index
      %get3A_1483 = tpu.vector_load %arg6[%get3A_1480, %get3A_1481, %get3A_1482] {strides = array<i32>} : memref<4x128x32xf32, #tpu.memory_space<vmem>>, vector<16xf32>,
      tpu.vector_store_idx %arg7[%add3A_64, %broadcast_in_dim3A_1473], %get3A_1483 : memref<32x129xf32, #tpu.memory_space<vmem>>[vector<16xi32>, vector<16xi32>], vector<16xf32>,
      %broadcast_in_dim3A_1484 = arith.constant 114 : i32
      %broadcast_in_dim3A_1485 = vector.broadcast %broadcast_in_dim3A_1484 : i32 to vector<16xi32>
      %get3A_1486 = arith.constant 114 : i32
      %get3A_1487 = arith.index_cast %rem3A_74 : i32 to index
      %get3A_1488 = arith.index_cast %get3A_1486 : i32 to index
      %get3A_1489 = arith.constant 0 : index
      %get3A_1490 = tpu.vector_load %arg6[%get3A_1487, %get3A_1488, %get3A_1489] {strides = array<i32>} : memref<4x128x32xf32, #tpu.memory_space<vmem>>, vector<16xf32>,
      tpu.vector_store_idx %arg7[%iota3A, %broadcast_in_dim3A_1485], %get3A_1490 : memref<32x129xf32, #tpu.memory_space<vmem>>[vector<16xi32>, vector<16xi32>], vector<16xf32>,
      %get3A_1491 = arith.constant 114 : i32
      %get3A_1492 = arith.index_cast %rem3A_74 : i32 to index
      %get3A_1493 = arith.index_cast %get3A_1491 : i32 to index
      %get3A_1494 = arith.constant 16 : index
      %get3A_1495 = tpu.vector_load %arg6[%get3A_1492, %get3A_1493, %get3A_1494] {strides = array<i32>} : memref<4x128x32xf32, #tpu.memory_space<vmem>>, vector<16xf32>,
      tpu.vector_store_idx %arg7[%add3A_64, %broadcast_in_dim3A_1485], %get3A_1495 : memref<32x129xf32, #tpu.memory_space<vmem>>[vector<16xi32>, vector<16xi32>], vector<16xf32>,
      %broadcast_in_dim3A_1496 = arith.constant 115 : i32
      %broadcast_in_dim3A_1497 = vector.broadcast %broadcast_in_dim3A_1496 : i32 to vector<16xi32>
      %get3A_1498 = arith.constant 115 : i32
      %get3A_1499 = arith.index_cast %rem3A_74 : i32 to index
      %get3A_1500 = arith.index_cast %get3A_1498 : i32 to index
      %get3A_1501 = arith.constant 0 : index
      %get3A_1502 = tpu.vector_load %arg6[%get3A_1499, %get3A_1500, %get3A_1501] {strides = array<i32>} : memref<4x128x32xf32, #tpu.memory_space<vmem>>, vector<16xf32>,
      tpu.vector_store_idx %arg7[%iota3A, %broadcast_in_dim3A_1497], %get3A_1502 : memref<32x129xf32, #tpu.memory_space<vmem>>[vector<16xi32>, vector<16xi32>], vector<16xf32>,
      %get3A_1503 = arith.constant 115 : i32
      %get3A_1504 = arith.index_cast %rem3A_74 : i32 to index
      %get3A_1505 = arith.index_cast %get3A_1503 : i32 to index
      %get3A_1506 = arith.constant 16 : index
      %get3A_1507 = tpu.vector_load %arg6[%get3A_1504, %get3A_1505, %get3A_1506] {strides = array<i32>} : memref<4x128x32xf32, #tpu.memory_space<vmem>>, vector<16xf32>,
      tpu.vector_store_idx %arg7[%add3A_64, %broadcast_in_dim3A_1497], %get3A_1507 : memref<32x129xf32, #tpu.memory_space<vmem>>[vector<16xi32>, vector<16xi32>], vector<16xf32>,
      %broadcast_in_dim3A_1508 = arith.constant 116 : i32
      %broadcast_in_dim3A_1509 = vector.broadcast %broadcast_in_dim3A_1508 : i32 to vector<16xi32>
      %get3A_1510 = arith.constant 116 : i32
      %get3A_1511 = arith.index_cast %rem3A_74 : i32 to index
      %get3A_1512 = arith.index_cast %get3A_1510 : i32 to index
      %get3A_1513 = arith.constant 0 : index
      %get3A_1514 = tpu.vector_load %arg6[%get3A_1511, %get3A_1512, %get3A_1513] {strides = array<i32>} : memref<4x128x32xf32, #tpu.memory_space<vmem>>, vector<16xf32>,
      tpu.vector_store_idx %arg7[%iota3A, %broadcast_in_dim3A_1509], %get3A_1514 : memref<32x129xf32, #tpu.memory_space<vmem>>[vector<16xi32>, vector<16xi32>], vector<16xf32>,
      %get3A_1515 = arith.constant 116 : i32
      %get3A_1516 = arith.index_cast %rem3A_74 : i32 to index
      %get3A_1517 = arith.index_cast %get3A_1515 : i32 to index
      %get3A_1518 = arith.constant 16 : index
      %get3A_1519 = tpu.vector_load %arg6[%get3A_1516, %get3A_1517, %get3A_1518] {strides = array<i32>} : memref<4x128x32xf32, #tpu.memory_space<vmem>>, vector<16xf32>,
      tpu.vector_store_idx %arg7[%add3A_64, %broadcast_in_dim3A_1509], %get3A_1519 : memref<32x129xf32, #tpu.memory_space<vmem>>[vector<16xi32>, vector<16xi32>], vector<16xf32>,
      %broadcast_in_dim3A_1520 = arith.constant 117 : i32
      %broadcast_in_dim3A_1521 = vector.broadcast %broadcast_in_dim3A_1520 : i32 to vector<16xi32>
      %get3A_1522 = arith.constant 117 : i32
      %get3A_1523 = arith.index_cast %rem3A_74 : i32 to index
      %get3A_1524 = arith.index_cast %get3A_1522 : i32 to index
      %get3A_1525 = arith.constant 0 : index
      %get3A_1526 = tpu.vector_load %arg6[%get3A_1523, %get3A_1524, %get3A_1525] {strides = array<i32>} : memref<4x128x32xf32, #tpu.memory_space<vmem>>, vector<16xf32>,
      tpu.vector_store_idx %arg7[%iota3A, %broadcast_in_dim3A_1521], %get3A_1526 : memref<32x129xf32, #tpu.memory_space<vmem>>[vector<16xi32>, vector<16xi32>], vector<16xf32>,
      %get3A_1527 = arith.constant 117 : i32
      %get3A_1528 = arith.index_cast %rem3A_74 : i32 to index
      %get3A_1529 = arith.index_cast %get3A_1527 : i32 to index
      %get3A_1530 = arith.constant 16 : index
      %get3A_1531 = tpu.vector_load %arg6[%get3A_1528, %get3A_1529, %get3A_1530] {strides = array<i32>} : memref<4x128x32xf32, #tpu.memory_space<vmem>>, vector<16xf32>,
      tpu.vector_store_idx %arg7[%add3A_64, %broadcast_in_dim3A_1521], %get3A_1531 : memref<32x129xf32, #tpu.memory_space<vmem>>[vector<16xi32>, vector<16xi32>], vector<16xf32>,
      %broadcast_in_dim3A_1532 = arith.constant 118 : i32
      %broadcast_in_dim3A_1533 = vector.broadcast %broadcast_in_dim3A_1532 : i32 to vector<16xi32>
      %get3A_1534 = arith.constant 118 : i32
      %get3A_1535 = arith.index_cast %rem3A_74 : i32 to index
      %get3A_1536 = arith.index_cast %get3A_1534 : i32 to index
      %get3A_1537 = arith.constant 0 : index
      %get3A_1538 = tpu.vector_load %arg6[%get3A_1535, %get3A_1536, %get3A_1537] {strides = array<i32>} : memref<4x128x32xf32, #tpu.memory_space<vmem>>, vector<16xf32>,
      tpu.vector_store_idx %arg7[%iota3A, %broadcast_in_dim3A_1533], %get3A_1538 : memref<32x129xf32, #tpu.memory_space<vmem>>[vector<16xi32>, vector<16xi32>], vector<16xf32>,
      %get3A_1539 = arith.constant 118 : i32
      %get3A_1540 = arith.index_cast %rem3A_74 : i32 to index
      %get3A_1541 = arith.index_cast %get3A_1539 : i32 to index
      %get3A_1542 = arith.constant 16 : index
      %get3A_1543 = tpu.vector_load %arg6[%get3A_1540, %get3A_1541, %get3A_1542] {strides = array<i32>} : memref<4x128x32xf32, #tpu.memory_space<vmem>>, vector<16xf32>,
      tpu.vector_store_idx %arg7[%add3A_64, %broadcast_in_dim3A_1533], %get3A_1543 : memref<32x129xf32, #tpu.memory_space<vmem>>[vector<16xi32>, vector<16xi32>], vector<16xf32>,
      %broadcast_in_dim3A_1544 = arith.constant 119 : i32
      %broadcast_in_dim3A_1545 = vector.broadcast %broadcast_in_dim3A_1544 : i32 to vector<16xi32>
      %get3A_1546 = arith.constant 119 : i32
      %get3A_1547 = arith.index_cast %rem3A_74 : i32 to index
      %get3A_1548 = arith.index_cast %get3A_1546 : i32 to index
      %get3A_1549 = arith.constant 0 : index
      %get3A_1550 = tpu.vector_load %arg6[%get3A_1547, %get3A_1548, %get3A_1549] {strides = array<i32>} : memref<4x128x32xf32, #tpu.memory_space<vmem>>, vector<16xf32>,
      tpu.vector_store_idx %arg7[%iota3A, %broadcast_in_dim3A_1545], %get3A_1550 : memref<32x129xf32, #tpu.memory_space<vmem>>[vector<16xi32>, vector<16xi32>], vector<16xf32>,
      %get3A_1551 = arith.constant 119 : i32
      %get3A_1552 = arith.index_cast %rem3A_74 : i32 to index
      %get3A_1553 = arith.index_cast %get3A_1551 : i32 to index
      %get3A_1554 = arith.constant 16 : index
      %get3A_1555 = tpu.vector_load %arg6[%get3A_1552, %get3A_1553, %get3A_1554] {strides = array<i32>} : memref<4x128x32xf32, #tpu.memory_space<vmem>>, vector<16xf32>,
      tpu.vector_store_idx %arg7[%add3A_64, %broadcast_in_dim3A_1545], %get3A_1555 : memref<32x129xf32, #tpu.memory_space<vmem>>[vector<16xi32>, vector<16xi32>], vector<16xf32>,
      %broadcast_in_dim3A_1556 = arith.constant 120 : i32
      %broadcast_in_dim3A_1557 = vector.broadcast %broadcast_in_dim3A_1556 : i32 to vector<16xi32>
      %get3A_1558 = arith.constant 120 : i32
      %get3A_1559 = arith.index_cast %rem3A_74 : i32 to index
      %get3A_1560 = arith.index_cast %get3A_1558 : i32 to index
      %get3A_1561 = arith.constant 0 : index
      %get3A_1562 = tpu.vector_load %arg6[%get3A_1559, %get3A_1560, %get3A_1561] {strides = array<i32>} : memref<4x128x32xf32, #tpu.memory_space<vmem>>, vector<16xf32>,
      tpu.vector_store_idx %arg7[%iota3A, %broadcast_in_dim3A_1557], %get3A_1562 : memref<32x129xf32, #tpu.memory_space<vmem>>[vector<16xi32>, vector<16xi32>], vector<16xf32>,
      %get3A_1563 = arith.constant 120 : i32
      %get3A_1564 = arith.index_cast %rem3A_74 : i32 to index
      %get3A_1565 = arith.index_cast %get3A_1563 : i32 to index
      %get3A_1566 = arith.constant 16 : index
      %get3A_1567 = tpu.vector_load %arg6[%get3A_1564, %get3A_1565, %get3A_1566] {strides = array<i32>} : memref<4x128x32xf32, #tpu.memory_space<vmem>>, vector<16xf32>,
      tpu.vector_store_idx %arg7[%add3A_64, %broadcast_in_dim3A_1557], %get3A_1567 : memref<32x129xf32, #tpu.memory_space<vmem>>[vector<16xi32>, vector<16xi32>], vector<16xf32>,
      %broadcast_in_dim3A_1568 = arith.constant 121 : i32
      %broadcast_in_dim3A_1569 = vector.broadcast %broadcast_in_dim3A_1568 : i32 to vector<16xi32>
      %get3A_1570 = arith.constant 121 : i32
      %get3A_1571 = arith.index_cast %rem3A_74 : i32 to index
      %get3A_1572 = arith.index_cast %get3A_1570 : i32 to index
      %get3A_1573 = arith.constant 0 : index
      %get3A_1574 = tpu.vector_load %arg6[%get3A_1571, %get3A_1572, %get3A_1573] {strides = array<i32>} : memref<4x128x32xf32, #tpu.memory_space<vmem>>, vector<16xf32>,
      tpu.vector_store_idx %arg7[%iota3A, %broadcast_in_dim3A_1569], %get3A_1574 : memref<32x129xf32, #tpu.memory_space<vmem>>[vector<16xi32>, vector<16xi32>], vector<16xf32>,
      %get3A_1575 = arith.constant 121 : i32
      %get3A_1576 = arith.index_cast %rem3A_74 : i32 to index
      %get3A_1577 = arith.index_cast %get3A_1575 : i32 to index
      %get3A_1578 = arith.constant 16 : index
      %get3A_1579 = tpu.vector_load %arg6[%get3A_1576, %get3A_1577, %get3A_1578] {strides = array<i32>} : memref<4x128x32xf32, #tpu.memory_space<vmem>>, vector<16xf32>,
      tpu.vector_store_idx %arg7[%add3A_64, %broadcast_in_dim3A_1569], %get3A_1579 : memref<32x129xf32, #tpu.memory_space<vmem>>[vector<16xi32>, vector<16xi32>], vector<16xf32>,
      %broadcast_in_dim3A_1580 = arith.constant 122 : i32
      %broadcast_in_dim3A_1581 = vector.broadcast %broadcast_in_dim3A_1580 : i32 to vector<16xi32>
      %get3A_1582 = arith.constant 122 : i32
      %get3A_1583 = arith.index_cast %rem3A_74 : i32 to index
      %get3A_1584 = arith.index_cast %get3A_1582 : i32 to index
      %get3A_1585 = arith.constant 0 : index
      %get3A_1586 = tpu.vector_load %arg6[%get3A_1583, %get3A_1584, %get3A_1585] {strides = array<i32>} : memref<4x128x32xf32, #tpu.memory_space<vmem>>, vector<16xf32>,
      tpu.vector_store_idx %arg7[%iota3A, %broadcast_in_dim3A_1581], %get3A_1586 : memref<32x129xf32, #tpu.memory_space<vmem>>[vector<16xi32>, vector<16xi32>], vector<16xf32>,
      %get3A_1587 = arith.constant 122 : i32
      %get3A_1588 = arith.index_cast %rem3A_74 : i32 to index
      %get3A_1589 = arith.index_cast %get3A_1587 : i32 to index
      %get3A_1590 = arith.constant 16 : index
      %get3A_1591 = tpu.vector_load %arg6[%get3A_1588, %get3A_1589, %get3A_1590] {strides = array<i32>} : memref<4x128x32xf32, #tpu.memory_space<vmem>>, vector<16xf32>,
      tpu.vector_store_idx %arg7[%add3A_64, %broadcast_in_dim3A_1581], %get3A_1591 : memref<32x129xf32, #tpu.memory_space<vmem>>[vector<16xi32>, vector<16xi32>], vector<16xf32>,
      %broadcast_in_dim3A_1592 = arith.constant 123 : i32
      %broadcast_in_dim3A_1593 = vector.broadcast %broadcast_in_dim3A_1592 : i32 to vector<16xi32>
      %get3A_1594 = arith.constant 123 : i32
      %get3A_1595 = arith.index_cast %rem3A_74 : i32 to index
      %get3A_1596 = arith.index_cast %get3A_1594 : i32 to index
      %get3A_1597 = arith.constant 0 : index
      %get3A_1598 = tpu.vector_load %arg6[%get3A_1595, %get3A_1596, %get3A_1597] {strides = array<i32>} : memref<4x128x32xf32, #tpu.memory_space<vmem>>, vector<16xf32>,
      tpu.vector_store_idx %arg7[%iota3A, %broadcast_in_dim3A_1593], %get3A_1598 : memref<32x129xf32, #tpu.memory_space<vmem>>[vector<16xi32>, vector<16xi32>], vector<16xf32>,
      %get3A_1599 = arith.constant 123 : i32
      %get3A_1600 = arith.index_cast %rem3A_74 : i32 to index
      %get3A_1601 = arith.index_cast %get3A_1599 : i32 to index
      %get3A_1602 = arith.constant 16 : index
      %get3A_1603 = tpu.vector_load %arg6[%get3A_1600, %get3A_1601, %get3A_1602] {strides = array<i32>} : memref<4x128x32xf32, #tpu.memory_space<vmem>>, vector<16xf32>,
      tpu.vector_store_idx %arg7[%add3A_64, %broadcast_in_dim3A_1593], %get3A_1603 : memref<32x129xf32, #tpu.memory_space<vmem>>[vector<16xi32>, vector<16xi32>], vector<16xf32>,
      %broadcast_in_dim3A_1604 = arith.constant 124 : i32
      %broadcast_in_dim3A_1605 = vector.broadcast %broadcast_in_dim3A_1604 : i32 to vector<16xi32>
      %get3A_1606 = arith.constant 124 : i32
      %get3A_1607 = arith.index_cast %rem3A_74 : i32 to index
      %get3A_1608 = arith.index_cast %get3A_1606 : i32 to index
      %get3A_1609 = arith.constant 0 : index
      %get3A_1610 = tpu.vector_load %arg6[%get3A_1607, %get3A_1608, %get3A_1609] {strides = array<i32>} : memref<4x128x32xf32, #tpu.memory_space<vmem>>, vector<16xf32>,
      tpu.vector_store_idx %arg7[%iota3A, %broadcast_in_dim3A_1605], %get3A_1610 : memref<32x129xf32, #tpu.memory_space<vmem>>[vector<16xi32>, vector<16xi32>], vector<16xf32>,
      %get3A_1611 = arith.constant 124 : i32
      %get3A_1612 = arith.index_cast %rem3A_74 : i32 to index
      %get3A_1613 = arith.index_cast %get3A_1611 : i32 to index
      %get3A_1614 = arith.constant 16 : index
      %get3A_1615 = tpu.vector_load %arg6[%get3A_1612, %get3A_1613, %get3A_1614] {strides = array<i32>} : memref<4x128x32xf32, #tpu.memory_space<vmem>>, vector<16xf32>,
      tpu.vector_store_idx %arg7[%add3A_64, %broadcast_in_dim3A_1605], %get3A_1615 : memref<32x129xf32, #tpu.memory_space<vmem>>[vector<16xi32>, vector<16xi32>], vector<16xf32>,
      %broadcast_in_dim3A_1616 = arith.constant 125 : i32
      %broadcast_in_dim3A_1617 = vector.broadcast %broadcast_in_dim3A_1616 : i32 to vector<16xi32>
      %get3A_1618 = arith.constant 125 : i32
      %get3A_1619 = arith.index_cast %rem3A_74 : i32 to index
      %get3A_1620 = arith.index_cast %get3A_1618 : i32 to index
      %get3A_1621 = arith.constant 0 : index
      %get3A_1622 = tpu.vector_load %arg6[%get3A_1619, %get3A_1620, %get3A_1621] {strides = array<i32>} : memref<4x128x32xf32, #tpu.memory_space<vmem>>, vector<16xf32>,
      tpu.vector_store_idx %arg7[%iota3A, %broadcast_in_dim3A_1617], %get3A_1622 : memref<32x129xf32, #tpu.memory_space<vmem>>[vector<16xi32>, vector<16xi32>], vector<16xf32>,
      %get3A_1623 = arith.constant 125 : i32
      %get3A_1624 = arith.index_cast %rem3A_74 : i32 to index
      %get3A_1625 = arith.index_cast %get3A_1623 : i32 to index
      %get3A_1626 = arith.constant 16 : index
      %get3A_1627 = tpu.vector_load %arg6[%get3A_1624, %get3A_1625, %get3A_1626] {strides = array<i32>} : memref<4x128x32xf32, #tpu.memory_space<vmem>>, vector<16xf32>,
      tpu.vector_store_idx %arg7[%add3A_64, %broadcast_in_dim3A_1617], %get3A_1627 : memref<32x129xf32, #tpu.memory_space<vmem>>[vector<16xi32>, vector<16xi32>], vector<16xf32>,
      %broadcast_in_dim3A_1628 = arith.constant 126 : i32
      %broadcast_in_dim3A_1629 = vector.broadcast %broadcast_in_dim3A_1628 : i32 to vector<16xi32>
      %get3A_1630 = arith.constant 126 : i32
      %get3A_1631 = arith.index_cast %rem3A_74 : i32 to index
      %get3A_1632 = arith.index_cast %get3A_1630 : i32 to index
      %get3A_1633 = arith.constant 0 : index
      %get3A_1634 = tpu.vector_load %arg6[%get3A_1631, %get3A_1632, %get3A_1633] {strides = array<i32>} : memref<4x128x32xf32, #tpu.memory_space<vmem>>, vector<16xf32>,
      tpu.vector_store_idx %arg7[%iota3A, %broadcast_in_dim3A_1629], %get3A_1634 : memref<32x129xf32, #tpu.memory_space<vmem>>[vector<16xi32>, vector<16xi32>], vector<16xf32>,
      %get3A_1635 = arith.constant 126 : i32
      %get3A_1636 = arith.index_cast %rem3A_74 : i32 to index
      %get3A_1637 = arith.index_cast %get3A_1635 : i32 to index
      %get3A_1638 = arith.constant 16 : index
      %get3A_1639 = tpu.vector_load %arg6[%get3A_1636, %get3A_1637, %get3A_1638] {strides = array<i32>} : memref<4x128x32xf32, #tpu.memory_space<vmem>>, vector<16xf32>,
      tpu.vector_store_idx %arg7[%add3A_64, %broadcast_in_dim3A_1629], %get3A_1639 : memref<32x129xf32, #tpu.memory_space<vmem>>[vector<16xi32>, vector<16xi32>], vector<16xf32>,
      %broadcast_in_dim3A_1640 = arith.constant 127 : i32
      %broadcast_in_dim3A_1641 = vector.broadcast %broadcast_in_dim3A_1640 : i32 to vector<16xi32>
      %get3A_1642 = arith.constant 127 : i32
      %get3A_1643 = arith.index_cast %rem3A_74 : i32 to index
      %get3A_1644 = arith.index_cast %get3A_1642 : i32 to index
      %get3A_1645 = arith.constant 0 : index
      %get3A_1646 = tpu.vector_load %arg6[%get3A_1643, %get3A_1644, %get3A_1645] {strides = array<i32>} : memref<4x128x32xf32, #tpu.memory_space<vmem>>, vector<16xf32>,
      tpu.vector_store_idx %arg7[%iota3A, %broadcast_in_dim3A_1641], %get3A_1646 : memref<32x129xf32, #tpu.memory_space<vmem>>[vector<16xi32>, vector<16xi32>], vector<16xf32>,
      %get3A_1647 = arith.constant 127 : i32
      %get3A_1648 = arith.index_cast %rem3A_74 : i32 to index
      %get3A_1649 = arith.index_cast %get3A_1647 : i32 to index
      %get3A_1650 = arith.constant 16 : index
      %get3A_1651 = tpu.vector_load %arg6[%get3A_1648, %get3A_1649, %get3A_1650] {strides = array<i32>} : memref<4x128x32xf32, #tpu.memory_space<vmem>>, vector<16xf32>,
      tpu.vector_store_idx %arg7[%add3A_64, %broadcast_in_dim3A_1641], %get3A_1651 : memref<32x129xf32, #tpu.memory_space<vmem>>[vector<16xi32>, vector<16xi32>], vector<16xf32>,
      %add3A_1652 = arith.constant 4 : i32
      %add3A_1653 = arith.addi %add3A_73, %add3A_1652 : i32
      %lt3A_1654 = arith.constant 200 : i32
      %lt3A_1655 = arith.cmpi slt, %add3A_1653, %lt3A_1654 : i32
      %convert_element_type3A = arith.extui %lt3A_1655 : i1 to i32
      %cond3A = arith.constant 0 : i32
      %cond3A_1656 = arith.cmpi ne, %convert_element_type3A, %cond3A : i32
      scf.if %cond3A_1656 {
        %add3A_1700 = arith.constant 4 : i32
        %add3A_1701 = arith.addi %add3A_73, %add3A_1700 : i32
        %jit3A_1702 = arith.constant 4 : i32
        %div3A_1703 = arith.divsi %add3A_1701, %jit3A_1702 : i32
        %sign3A_1704 = arith.constant 0 : i32
        %sign3A_1705 = arith.cmpi sgt, %add3A_1701, %sign3A_1704 : i32
        %sign3A_1706 = arith.extui %sign3A_1705 : i1 to i32
        %sign3A_1707 = arith.constant 0 : i32
        %sign3A_1708 = arith.cmpi slt, %add3A_1701, %sign3A_1707 : i32
        %sign3A_1709 = arith.extui %sign3A_1708 : i1 to i32
        %sign3A_1710 = arith.subi %sign3A_1706, %sign3A_1709 : i32
        %sign3A_1711 = arith.constant 0 : i32
        %sign3A_1712 = arith.cmpi sgt, %jit3A_1702, %sign3A_1711 : i32
        %sign3A_1713 = arith.extui %sign3A_1712 : i1 to i32
        %sign3A_1714 = arith.constant 0 : i32
        %sign3A_1715 = arith.cmpi slt, %jit3A_1702, %sign3A_1714 : i32
        %sign3A_1716 = arith.extui %sign3A_1715 : i1 to i32
        %sign3A_1717 = arith.subi %sign3A_1713, %sign3A_1716 : i32
        %ne3A_1718 = arith.cmpi ne, %sign3A_1710, %sign3A_1717 : i32
        %rem3A_1719 = arith.remsi %add3A_1701, %jit3A_1702 : i32
        %ne3A_1720 = arith.constant 0 : i32
        %ne3A_1721 = arith.cmpi ne, %rem3A_1719, %ne3A_1720 : i32
        %and3A_1722 = arith.andi %ne3A_1718, %ne3A_1721 : i1
        %sub3A_1723 = arith.constant 1 : i32
        %sub3A_1724 = arith.subi %div3A_1703, %sub3A_1723 : i32
        %select_n3A_1725 = arith.select %and3A_1722, %sub3A_1724, %div3A_1703 : i32
        %jit3A_1726 = arith.constant 4 : i32
        %eq3A_1727 = arith.constant 0 : i32
        %eq3A_1728 = arith.cmpi eq, %jit3A_1726, %eq3A_1727 : i32
        %jit3A_1729 = arith.constant 1 : i32
        %select_n3A_1730 = arith.select %eq3A_1728, %jit3A_1729, %jit3A_1726 : i32
        %rem3A_1731 = arith.remsi %add3A_1701, %select_n3A_1730 : i32
        %ne3A_1732 = arith.constant 0 : i32
        %ne3A_1733 = arith.cmpi ne, %rem3A_1731, %ne3A_1732 : i32
        %lt3A_1734 = arith.constant 0 : i32
        %lt3A_1735 = arith.cmpi slt, %rem3A_1731, %lt3A_1734 : i32
        %lt3A_1736 = arith.constant 0 : i32
        %lt3A_1737 = arith.cmpi slt, %select_n3A_1730, %lt3A_1736 : i32
        %ne3A_1738 = arith.xori %lt3A_1735, %lt3A_1737 : i1
        %and3A_1739 = arith.andi %ne3A_1738, %ne3A_1733 : i1
        %add3A_1740 = arith.addi %rem3A_1731, %select_n3A_1730 : i32
        %select_n3A_1741 = arith.select %and3A_1739, %add3A_1740, %rem3A_1731 : i32
        %mul3A_1742 = arith.constant 128 : i32
        %mul3A_1743 = arith.muli %select_n3A_1741, %mul3A_1742 : i32
        %dma_start3A_1744 = arith.constant 0 : i32
        %dma_start3A_1745 = arith.constant 0 : i32
        %dma_start3A_1746 = tpu.memref_slice %arg6[%rem3A_74, %dma_start3A_1744, %dma_start3A_1745] : memref<4x128x32xf32, #tpu.memory_space<vmem>> -> memref<1x128x32xf32, #tpu.memory_space<vmem>>
        %dma_start3A_1747 = tpu.memref_squeeze %dma_start3A_1746 : memref<1x128x32xf32, #tpu.memory_space<vmem>> -> memref<128x32xf32, #tpu.memory_space<vmem>>
        %dma_start3A_1748 = tpu.memref_slice %arg5[%select_n3A_1725, %mul3A_1743] : memref<50x512xi32, #tpu.memory_space<vmem>> -> memref<1x128xi32, #tpu.memory_space<vmem>>
        %dma_start3A_1749 = tpu.memref_squeeze %dma_start3A_1748 : memref<1x128xi32, #tpu.memory_space<vmem>> -> memref<128xi32, #tpu.memory_space<vmem>>
        %dma_start3A_1750 = arith.constant 0 : i32
        %dma_start3A_1751 = arith.constant 0 : i32
        %dma_start3A_1752 = tpu.memref_slice %arg3[%dma_start3A_1750, %dma_start3A_1751] : memref<1000000x32xf32, #tpu.memory_space<hbm>> -> memref<1000000x32xf32, #tpu.memory_space<hbm>>
        %dma_start3A_1753 = tpu.memref_slice %arg8[%rem3A_74] : memref<4x!tpu.dma_semaphore, #tpu.memory_space<semaphore_mem>> -> memref<1x!tpu.dma_semaphore, #tpu.memory_space<semaphore_mem>>
        %dma_start3A_1754 = tpu.memref_squeeze %dma_start3A_1753 : memref<1x!tpu.dma_semaphore, #tpu.memory_space<semaphore_mem>> -> memref<!tpu.dma_semaphore, #tpu.memory_space<semaphore_mem>>
        tpu.enqueue_indirect_dma source(%dma_start3A_1752 : memref<1000000x32xf32, #tpu.memory_space<hbm>>) target(%dma_start3A_1747 : memref<128x32xf32, #tpu.memory_space<vmem>>) offsets(%dma_start3A_1749 : memref<128xi32, #tpu.memory_space<vmem>>) semaphore(%dma_start3A_1754 : memref<!tpu.dma_semaphore, #tpu.memory_space<semaphore_mem>>)
      } else {
      }
      %jit3A_1657 = arith.constant 4 : i32
      %div3A_1658 = arith.divsi %add3A_73, %jit3A_1657 : i32
      %sign3A_1659 = arith.constant 0 : i32
      %sign3A_1660 = arith.cmpi sgt, %add3A_73, %sign3A_1659 : i32
      %sign3A_1661 = arith.extui %sign3A_1660 : i1 to i32
      %sign3A_1662 = arith.constant 0 : i32
      %sign3A_1663 = arith.cmpi slt, %add3A_73, %sign3A_1662 : i32
      %sign3A_1664 = arith.extui %sign3A_1663 : i1 to i32
      %sign3A_1665 = arith.subi %sign3A_1661, %sign3A_1664 : i32
      %sign3A_1666 = arith.constant 0 : i32
      %sign3A_1667 = arith.cmpi sgt, %jit3A_1657, %sign3A_1666 : i32
      %sign3A_1668 = arith.extui %sign3A_1667 : i1 to i32
      %sign3A_1669 = arith.constant 0 : i32
      %sign3A_1670 = arith.cmpi slt, %jit3A_1657, %sign3A_1669 : i32
      %sign3A_1671 = arith.extui %sign3A_1670 : i1 to i32
      %sign3A_1672 = arith.subi %sign3A_1668, %sign3A_1671 : i32
      %ne3A_1673 = arith.cmpi ne, %sign3A_1665, %sign3A_1672 : i32
      %rem3A_1674 = arith.remsi %add3A_73, %jit3A_1657 : i32
      %ne3A_1675 = arith.constant 0 : i32
      %ne3A_1676 = arith.cmpi ne, %rem3A_1674, %ne3A_1675 : i32
      %and3A_1677 = arith.andi %ne3A_1673, %ne3A_1676 : i1
      %sub3A_1678 = arith.constant 1 : i32
      %sub3A_1679 = arith.subi %div3A_1658, %sub3A_1678 : i32
      %select_n3A_1680 = arith.select %and3A_1677, %sub3A_1679, %div3A_1658 : i32
      %jit3A_1681 = arith.constant 4 : i32
      %eq3A_1682 = arith.constant 0 : i32
      %eq3A_1683 = arith.cmpi eq, %jit3A_1681, %eq3A_1682 : i32
      %jit3A_1684 = arith.constant 1 : i32
      %select_n3A_1685 = arith.select %eq3A_1683, %jit3A_1684, %jit3A_1681 : i32
      %rem3A_1686 = arith.remsi %add3A_73, %select_n3A_1685 : i32
      %ne3A_1687 = arith.constant 0 : i32
      %ne3A_1688 = arith.cmpi ne, %rem3A_1686, %ne3A_1687 : i32
      %lt3A_1689 = arith.constant 0 : i32
      %lt3A_1690 = arith.cmpi slt, %rem3A_1686, %lt3A_1689 : i32
      %lt3A_1691 = arith.constant 0 : i32
      %lt3A_1692 = arith.cmpi slt, %select_n3A_1685, %lt3A_1691 : i32
      %ne3A_1693 = arith.xori %lt3A_1690, %lt3A_1692 : i1
      %and3A_1694 = arith.andi %ne3A_1693, %ne3A_1688 : i1
      %add3A_1695 = arith.addi %rem3A_1686, %select_n3A_1685 : i32
      %select_n3A_1696 = arith.select %and3A_1694, %add3A_1695, %rem3A_1686 : i32
      %mul3A_1697 = arith.constant 128 : i32
      %mul3A_1698 = arith.muli %select_n3A_1696, %mul3A_1697 : i32
      %add3A_1699 = arith.addi %mul3A_2, %mul3A_1698 : i32
      "tpu.region"() ({
        %run_scoped3A = tpu.sem_alloc : memref<!tpu.dma_semaphore, #tpu.memory_space<semaphore_mem>>
        %dma_start3A_1700 = arith.constant 0 : i32
        %dma_start3A_1701 = arith.constant 0 : i32
        %dma_start3A_1702 = tpu.memref_slice %arg7[%dma_start3A_1700, %dma_start3A_1701] : memref<32x129xf32, #tpu.memory_space<vmem>> -> memref<32x128xf32, #tpu.memory_space<vmem>>
        %dma_start3A_1703 = arith.constant 0 : i32
        %dma_start3A_1704 = tpu.memref_slice %arg4[%select_n3A_1680, %dma_start3A_1703, %add3A_1699] : memref<50x32x16384xf32, #tpu.memory_space<hbm>> -> memref<1x32x128xf32, #tpu.memory_space<hbm>>
        %dma_start3A_1705 = tpu.memref_squeeze %dma_start3A_1704 : memref<1x32x128xf32, #tpu.memory_space<hbm>> -> memref<32x128xf32, #tpu.memory_space<hbm>>
        %dma_start3A_1706 = arith.constant 0 : i32
        %dma_start3A_1707 = tpu.memref_slice %arg4[%select_n3A_1680, %dma_start3A_1706, %add3A_1699] : memref<50x32x16384xf32, #tpu.memory_space<hbm>> -> memref<1x32x128xf32, #tpu.memory_space<hbm>>
        %dma_start3A_1708 = tpu.memref_squeeze %dma_start3A_1707 : memref<1x32x128xf32, #tpu.memory_space<hbm>> -> memref<32x128xf32, #tpu.memory_space<hbm>>
        %dma_start3A_1709 = arith.constant 0 : i32
        %dma_start3A_1710 = arith.constant 0 : i32
        %dma_start3A_1711 = tpu.memref_slice %arg7[%dma_start3A_1709, %dma_start3A_1710] : memref<32x129xf32, #tpu.memory_space<vmem>> -> memref<32x128xf32, #tpu.memory_space<vmem>>
        tpu.enqueue_dma source(%dma_start3A_1711 : memref<32x128xf32, #tpu.memory_space<vmem>>) target(%dma_start3A_1708 : memref<32x128xf32, #tpu.memory_space<hbm>>) target_semaphore(%run_scoped3A : memref<!tpu.dma_semaphore, #tpu.memory_space<semaphore_mem>>)
        %dma_wait3A_1712 = arith.constant 0 : i32
        %dma_wait3A_1713 = arith.constant 0 : i32
        %dma_wait3A_1714 = tpu.memref_slice %arg7[%dma_wait3A_1712, %dma_wait3A_1713] : memref<32x129xf32, #tpu.memory_space<vmem>> -> memref<32x128xf32, #tpu.memory_space<vmem>>
        %dma_wait3A_1715 = arith.constant 0 : i32
        %dma_wait3A_1716 = tpu.memref_slice %arg4[%select_n3A_1680, %dma_wait3A_1715, %add3A_1699] : memref<50x32x16384xf32, #tpu.memory_space<hbm>> -> memref<1x32x128xf32, #tpu.memory_space<hbm>>
        %dma_wait3A_1717 = tpu.memref_squeeze %dma_wait3A_1716 : memref<1x32x128xf32, #tpu.memory_space<hbm>> -> memref<32x128xf32, #tpu.memory_space<hbm>>
        %dma_wait3A_1718 = arith.constant 0 : i32
        %dma_wait3A_1719 = tpu.memref_slice %arg4[%select_n3A_1680, %dma_wait3A_1718, %add3A_1699] : memref<50x32x16384xf32, #tpu.memory_space<hbm>> -> memref<1x32x128xf32, #tpu.memory_space<hbm>>
        %dma_wait3A_1720 = tpu.memref_squeeze %dma_wait3A_1719 : memref<1x32x128xf32, #tpu.memory_space<hbm>> -> memref<32x128xf32, #tpu.memory_space<hbm>>
        %dma_wait3A_1721 = arith.constant 0 : i32
        %dma_wait3A_1722 = arith.constant 0 : i32
        %dma_wait3A_1723 = tpu.memref_slice %arg7[%dma_wait3A_1721, %dma_wait3A_1722] : memref<32x129xf32, #tpu.memory_space<vmem>> -> memref<32x128xf32, #tpu.memory_space<vmem>>
        tpu.wait_dma2 semaphore(%run_scoped3A : memref<!tpu.dma_semaphore, #tpu.memory_space<semaphore_mem>>) src(%dma_wait3A_1723 : memref<32x128xf32, #tpu.memory_space<vmem>>) dst(%dma_wait3A_1720 : memref<32x128xf32, #tpu.memory_space<hbm>>)
        tpu.yield
      }) : () -> ()
    }
    %scan3A_68 = arith.constant 200 : i32
    return
  }
}

#map = affine_map<(d0, d1) -> (0, 0)>
#map1 = affine_map<(d0, d1) -> (0, 0, 0)>
module attributes {stable_mosaic.version = 14 : i64} {
  func.func @_gather_one(%arg0: i32, %arg1: i32, %arg2: memref<50x16384xi32, #tpu.memory_space<hbm>>, %arg3: memref<1000000x32xf32, #tpu.memory_space<hbm>>, %arg4: memref<50x32x16384xf32, #tpu.memory_space<hbm>>, %arg5: memref<50x512xi32, #tpu.memory_space<vmem>>, %arg6: memref<4x128x32xf32, #tpu.memory_space<vmem>>, %arg7: memref<32x129xf32, #tpu.memory_space<vmem>>, %arg8: memref<4x!tpu.dma_semaphore, #tpu.memory_space<semaphore_mem>>) attributes {dimension_semantics = [#tpu.dimension_semantics<core_parallel>, #tpu.dimension_semantics<subcore_parallel>], iteration_bounds = array<i64: 2, 16>, scalar_prefetch = 0 : i64, scratch_operands = 4 : i64, tpu.core_type = #tpu.core_type<sc_vector_subcore>, window_params = [{transform_indices = #map}, {transform_indices = #map}, {transform_indices = #map1}]} {
    %mul3A = arith.constant 2 : i32
    %mul3A_0 = arith.muli %arg1, %mul3A : i32
    %add3A = arith.addi %mul3A_0, %arg0 : i32
    %mul3A_1 = arith.constant 512 : i32
    %mul3A_2 = arith.muli %add3A, %mul3A_1 : i32
    "tpu.region"() ({
      %run_scoped3A = tpu.sem_alloc : memref<!tpu.dma_semaphore, #tpu.memory_space<semaphore_mem>>
      %dma_start3A_69 = arith.constant 0 : i32
      %dma_start3A_70 = tpu.memref_slice %arg2[%dma_start3A_69, %mul3A_2] : memref<50x16384xi32, #tpu.memory_space<hbm>> -> memref<50x512xi32, #tpu.memory_space<hbm>>
      %dma_start3A_71 = arith.constant 0 : i32
      %dma_start3A_72 = tpu.memref_slice %arg2[%dma_start3A_71, %mul3A_2] : memref<50x16384xi32, #tpu.memory_space<hbm>> -> memref<50x512xi32, #tpu.memory_space<hbm>>
      tpu.enqueue_dma source(%dma_start3A_72 : memref<50x512xi32, #tpu.memory_space<hbm>>) target(%arg5 : memref<50x512xi32, #tpu.memory_space<vmem>>) target_semaphore(%run_scoped3A : memref<!tpu.dma_semaphore, #tpu.memory_space<semaphore_mem>>)
      %dma_wait3A = arith.constant 0 : i32
      %dma_wait3A_73 = tpu.memref_slice %arg2[%dma_wait3A, %mul3A_2] : memref<50x16384xi32, #tpu.memory_space<hbm>> -> memref<50x512xi32, #tpu.memory_space<hbm>>
      %dma_wait3A_74 = arith.constant 0 : i32
      %dma_wait3A_75 = tpu.memref_slice %arg2[%dma_wait3A_74, %mul3A_2] : memref<50x16384xi32, #tpu.memory_space<hbm>> -> memref<50x512xi32, #tpu.memory_space<hbm>>
      tpu.wait_dma2 semaphore(%run_scoped3A : memref<!tpu.dma_semaphore, #tpu.memory_space<semaphore_mem>>) src(%dma_wait3A_75 : memref<50x512xi32, #tpu.memory_space<hbm>>) dst(%arg5 : memref<50x512xi32, #tpu.memory_space<vmem>>)
      tpu.yield
    }) : () -> ()
    %dma_start3A = arith.constant 0 : i32
    %dma_start3A_3 = arith.constant 0 : i32
    %dma_start3A_4 = arith.constant 0 : i32
    %dma_start3A_5 = arith.constant 0 : i32
    %dma_start3A_6 = arith.constant 0 : i32
    %dma_start3A_7 = tpu.memref_slice %arg6[%dma_start3A_3, %dma_start3A_5, %dma_start3A_6] : memref<4x128x32xf32, #tpu.memory_space<vmem>> -> memref<1x128x32xf32, #tpu.memory_space<vmem>>
    %dma_start3A_8 = tpu.memref_squeeze %dma_start3A_7 : memref<1x128x32xf32, #tpu.memory_space<vmem>> -> memref<128x32xf32, #tpu.memory_space<vmem>>
    %dma_start3A_9 = arith.constant 0 : i32
    %dma_start3A_10 = tpu.memref_slice %arg5[%dma_start3A, %dma_start3A_9] : memref<50x512xi32, #tpu.memory_space<vmem>> -> memref<1x128xi32, #tpu.memory_space<vmem>>
    %dma_start3A_11 = tpu.memref_squeeze %dma_start3A_10 : memref<1x128xi32, #tpu.memory_space<vmem>> -> memref<128xi32, #tpu.memory_space<vmem>>
    %dma_start3A_12 = arith.constant 0 : i32
    %dma_start3A_13 = arith.constant 0 : i32
    %dma_start3A_14 = tpu.memref_slice %arg3[%dma_start3A_12, %dma_start3A_13] : memref<1000000x32xf32, #tpu.memory_space<hbm>> -> memref<1000000x32xf32, #tpu.memory_space<hbm>>
    %dma_start3A_15 = tpu.memref_slice %arg8[%dma_start3A_4] : memref<4x!tpu.dma_semaphore, #tpu.memory_space<semaphore_mem>> -> memref<1x!tpu.dma_semaphore, #tpu.memory_space<semaphore_mem>>
    %dma_start3A_16 = tpu.memref_squeeze %dma_start3A_15 : memref<1x!tpu.dma_semaphore, #tpu.memory_space<semaphore_mem>> -> memref<!tpu.dma_semaphore, #tpu.memory_space<semaphore_mem>>
    tpu.enqueue_indirect_dma source(%dma_start3A_14 : memref<1000000x32xf32, #tpu.memory_space<hbm>>) target(%dma_start3A_8 : memref<128x32xf32, #tpu.memory_space<vmem>>) offsets(%dma_start3A_11 : memref<128xi32, #tpu.memory_space<vmem>>) semaphore(%dma_start3A_16 : memref<!tpu.dma_semaphore, #tpu.memory_space<semaphore_mem>>)
    %dma_start3A_17 = arith.constant 0 : i32
    %dma_start3A_18 = arith.constant 1 : i32
    %dma_start3A_19 = arith.constant 1 : i32
    %dma_start3A_20 = arith.constant 0 : i32
    %dma_start3A_21 = arith.constant 0 : i32
    %dma_start3A_22 = tpu.memref_slice %arg6[%dma_start3A_18, %dma_start3A_20, %dma_start3A_21] : memref<4x128x32xf32, #tpu.memory_space<vmem>> -> memref<1x128x32xf32, #tpu.memory_space<vmem>>
    %dma_start3A_23 = tpu.memref_squeeze %dma_start3A_22 : memref<1x128x32xf32, #tpu.memory_space<vmem>> -> memref<128x32xf32, #tpu.memory_space<vmem>>
    %dma_start3A_24 = arith.constant 128 : i32
    %dma_start3A_25 = tpu.memref_slice %arg5[%dma_start3A_17, %dma_start3A_24] : memref<50x512xi32, #tpu.memory_space<vmem>> -> memref<1x128xi32, #tpu.memory_space<vmem>>
    %dma_start3A_26 = tpu.memref_squeeze %dma_start3A_25 : memref<1x128xi32, #tpu.memory_space<vmem>> -> memref<128xi32, #tpu.memory_space<vmem>>
    %dma_start3A_27 = arith.constant 0 : i32
    %dma_start3A_28 = arith.constant 0 : i32
    %dma_start3A_29 = tpu.memref_slice %arg3[%dma_start3A_27, %dma_start3A_28] : memref<1000000x32xf32, #tpu.memory_space<hbm>> -> memref<1000000x32xf32, #tpu.memory_space<hbm>>
    %dma_start3A_30 = tpu.memref_slice %arg8[%dma_start3A_19] : memref<4x!tpu.dma_semaphore, #tpu.memory_space<semaphore_mem>> -> memref<1x!tpu.dma_semaphore, #tpu.memory_space<semaphore_mem>>
    %dma_start3A_31 = tpu.memref_squeeze %dma_start3A_30 : memref<1x!tpu.dma_semaphore, #tpu.memory_space<semaphore_mem>> -> memref<!tpu.dma_semaphore, #tpu.memory_space<semaphore_mem>>
    tpu.enqueue_indirect_dma source(%dma_start3A_29 : memref<1000000x32xf32, #tpu.memory_space<hbm>>) target(%dma_start3A_23 : memref<128x32xf32, #tpu.memory_space<vmem>>) offsets(%dma_start3A_26 : memref<128xi32, #tpu.memory_space<vmem>>) semaphore(%dma_start3A_31 : memref<!tpu.dma_semaphore, #tpu.memory_space<semaphore_mem>>)
    %dma_start3A_32 = arith.constant 0 : i32
    %dma_start3A_33 = arith.constant 2 : i32
    %dma_start3A_34 = arith.constant 2 : i32
    %dma_start3A_35 = arith.constant 0 : i32
    %dma_start3A_36 = arith.constant 0 : i32
    %dma_start3A_37 = tpu.memref_slice %arg6[%dma_start3A_33, %dma_start3A_35, %dma_start3A_36] : memref<4x128x32xf32, #tpu.memory_space<vmem>> -> memref<1x128x32xf32, #tpu.memory_space<vmem>>
    %dma_start3A_38 = tpu.memref_squeeze %dma_start3A_37 : memref<1x128x32xf32, #tpu.memory_space<vmem>> -> memref<128x32xf32, #tpu.memory_space<vmem>>
    %dma_start3A_39 = arith.constant 256 : i32
    %dma_start3A_40 = tpu.memref_slice %arg5[%dma_start3A_32, %dma_start3A_39] : memref<50x512xi32, #tpu.memory_space<vmem>> -> memref<1x128xi32, #tpu.memory_space<vmem>>
    %dma_start3A_41 = tpu.memref_squeeze %dma_start3A_40 : memref<1x128xi32, #tpu.memory_space<vmem>> -> memref<128xi32, #tpu.memory_space<vmem>>
    %dma_start3A_42 = arith.constant 0 : i32
    %dma_start3A_43 = arith.constant 0 : i32
    %dma_start3A_44 = tpu.memref_slice %arg3[%dma_start3A_42, %dma_start3A_43] : memref<1000000x32xf32, #tpu.memory_space<hbm>> -> memref<1000000x32xf32, #tpu.memory_space<hbm>>
    %dma_start3A_45 = tpu.memref_slice %arg8[%dma_start3A_34] : memref<4x!tpu.dma_semaphore, #tpu.memory_space<semaphore_mem>> -> memref<1x!tpu.dma_semaphore, #tpu.memory_space<semaphore_mem>>
    %dma_start3A_46 = tpu.memref_squeeze %dma_start3A_45 : memref<1x!tpu.dma_semaphore, #tpu.memory_space<semaphore_mem>> -> memref<!tpu.dma_semaphore, #tpu.memory_space<semaphore_mem>>
    tpu.enqueue_indirect_dma source(%dma_start3A_44 : memref<1000000x32xf32, #tpu.memory_space<hbm>>) target(%dma_start3A_38 : memref<128x32xf32, #tpu.memory_space<vmem>>) offsets(%dma_start3A_41 : memref<128xi32, #tpu.memory_space<vmem>>) semaphore(%dma_start3A_46 : memref<!tpu.dma_semaphore, #tpu.memory_space<semaphore_mem>>)
    %dma_start3A_47 = arith.constant 0 : i32
    %dma_start3A_48 = arith.constant 3 : i32
    %dma_start3A_49 = arith.constant 3 : i32
    %dma_start3A_50 = arith.constant 0 : i32
    %dma_start3A_51 = arith.constant 0 : i32
    %dma_start3A_52 = tpu.memref_slice %arg6[%dma_start3A_48, %dma_start3A_50, %dma_start3A_51] : memref<4x128x32xf32, #tpu.memory_space<vmem>> -> memref<1x128x32xf32, #tpu.memory_space<vmem>>
    %dma_start3A_53 = tpu.memref_squeeze %dma_start3A_52 : memref<1x128x32xf32, #tpu.memory_space<vmem>> -> memref<128x32xf32, #tpu.memory_space<vmem>>
    %dma_start3A_54 = arith.constant 384 : i32
    %dma_start3A_55 = tpu.memref_slice %arg5[%dma_start3A_47, %dma_start3A_54] : memref<50x512xi32, #tpu.memory_space<vmem>> -> memref<1x128xi32, #tpu.memory_space<vmem>>
    %dma_start3A_56 = tpu.memref_squeeze %dma_start3A_55 : memref<1x128xi32, #tpu.memory_space<vmem>> -> memref<128xi32, #tpu.memory_space<vmem>>
    %dma_start3A_57 = arith.constant 0 : i32
    %dma_start3A_58 = arith.constant 0 : i32
    %dma_start3A_59 = tpu.memref_slice %arg3[%dma_start3A_57, %dma_start3A_58] : memref<1000000x32xf32, #tpu.memory_space<hbm>> -> memref<1000000x32xf32, #tpu.memory_space<hbm>>
    %dma_start3A_60 = tpu.memref_slice %arg8[%dma_start3A_49] : memref<4x!tpu.dma_semaphore, #tpu.memory_space<semaphore_mem>> -> memref<1x!tpu.dma_semaphore, #tpu.memory_space<semaphore_mem>>
    %dma_start3A_61 = tpu.memref_squeeze %dma_start3A_60 : memref<1x!tpu.dma_semaphore, #tpu.memory_space<semaphore_mem>> -> memref<!tpu.dma_semaphore, #tpu.memory_space<semaphore_mem>>
    tpu.enqueue_indirect_dma source(%dma_start3A_59 : memref<1000000x32xf32, #tpu.memory_space<hbm>>) target(%dma_start3A_53 : memref<128x32xf32, #tpu.memory_space<vmem>>) offsets(%dma_start3A_56 : memref<128xi32, #tpu.memory_space<vmem>>) semaphore(%dma_start3A_61 : memref<!tpu.dma_semaphore, #tpu.memory_space<semaphore_mem>>)
    %iota3A = tpu.iota {dimensions = array<i32: 0>} : vector<16xi32>
    %add3A_62 = arith.constant 16 : i32
    %add3A_63 = vector.broadcast %add3A_62 : i32 to vector<16xi32>
    %add3A_64 = arith.addi %iota3A, %add3A_63 : vector<16xi32>
    %scan3A = arith.constant 0 : i32
    %scan3A_65 = arith.constant 200 : i32
    %scan3A_66 = arith.addi %scan3A, %scan3A_65 : i32
    %scan3A_67 = arith.constant 1 : i32
    scf.for %scan3A_69 = %scan3A to %scan3A_66 step %scan3A_67  : i32 {
      %mul3A_70 = arith.constant 1 : i32
      %mul3A_71 = arith.muli %scan3A_69, %mul3A_70 : i32
      %add3A_72 = arith.constant 0 : i32
      %add3A_73 = arith.addi %add3A_72, %mul3A_71 : i32
      %rem3A = arith.constant 4 : i32
      %rem3A_74 = arith.remsi %add3A_73, %rem3A : i32
      %jit3A = arith.constant 4 : i32
      %div3A = arith.divsi %add3A_73, %jit3A : i32
      %sign3A = arith.constant 0 : i32
      %sign3A_75 = arith.cmpi sgt, %add3A_73, %sign3A : i32
      %sign3A_76 = arith.extui %sign3A_75 : i1 to i32
      %sign3A_77 = arith.constant 0 : i32
      %sign3A_78 = arith.cmpi slt, %add3A_73, %sign3A_77 : i32
      %sign3A_79 = arith.extui %sign3A_78 : i1 to i32
      %sign3A_80 = arith.subi %sign3A_76, %sign3A_79 : i32
      %sign3A_81 = arith.constant 0 : i32
      %sign3A_82 = arith.cmpi sgt, %jit3A, %sign3A_81 : i32
      %sign3A_83 = arith.extui %sign3A_82 : i1 to i32
      %sign3A_84 = arith.constant 0 : i32
      %sign3A_85 = arith.cmpi slt, %jit3A, %sign3A_84 : i32
      %sign3A_86 = arith.extui %sign3A_85 : i1 to i32
      %sign3A_87 = arith.subi %sign3A_83, %sign3A_86 : i32
      %ne3A = arith.cmpi ne, %sign3A_80, %sign3A_87 : i32
      %rem3A_88 = arith.remsi %add3A_73, %jit3A : i32
      %ne3A_89 = arith.constant 0 : i32
      %ne3A_90 = arith.cmpi ne, %rem3A_88, %ne3A_89 : i32
      %and3A = arith.andi %ne3A, %ne3A_90 : i1
      %sub3A = arith.constant 1 : i32
      %sub3A_91 = arith.subi %div3A, %sub3A : i32
      %select_n3A = arith.select %and3A, %sub3A_91, %div3A : i32
      %jit3A_92 = arith.constant 4 : i32
      %eq3A = arith.constant 0 : i32
      %eq3A_93 = arith.cmpi eq, %jit3A_92, %eq3A : i32
      %jit3A_94 = arith.constant 1 : i32
      %select_n3A_95 = arith.select %eq3A_93, %jit3A_94, %jit3A_92 : i32
      %rem3A_96 = arith.remsi %add3A_73, %select_n3A_95 : i32
      %ne3A_97 = arith.constant 0 : i32
      %ne3A_98 = arith.cmpi ne, %rem3A_96, %ne3A_97 : i32
      %lt3A = arith.constant 0 : i32
      %lt3A_99 = arith.cmpi slt, %rem3A_96, %lt3A : i32
      %lt3A_100 = arith.constant 0 : i32
      %lt3A_101 = arith.cmpi slt, %select_n3A_95, %lt3A_100 : i32
      %ne3A_102 = arith.xori %lt3A_99, %lt3A_101 : i1
      %and3A_103 = arith.andi %ne3A_102, %ne3A_98 : i1
      %add3A_104 = arith.addi %rem3A_96, %select_n3A_95 : i32
      %select_n3A_105 = arith.select %and3A_103, %add3A_104, %rem3A_96 : i32
      %mul3A_106 = arith.constant 128 : i32
      %mul3A_107 = arith.muli %select_n3A_105, %mul3A_106 : i32
      %dma_wait3A = arith.constant 0 : i32
      %dma_wait3A_108 = arith.constant 0 : i32
      %dma_wait3A_109 = tpu.memref_slice %arg6[%rem3A_74, %dma_wait3A, %dma_wait3A_108] : memref<4x128x32xf32, #tpu.memory_space<vmem>> -> memref<1x128x32xf32, #tpu.memory_space<vmem>>
      %dma_wait3A_110 = tpu.memref_squeeze %dma_wait3A_109 : memref<1x128x32xf32, #tpu.memory_space<vmem>> -> memref<128x32xf32, #tpu.memory_space<vmem>>
      %dma_wait3A_111 = tpu.memref_slice %arg5[%select_n3A, %mul3A_107] : memref<50x512xi32, #tpu.memory_space<vmem>> -> memref<1x128xi32, #tpu.memory_space<vmem>>
      %dma_wait3A_112 = tpu.memref_squeeze %dma_wait3A_111 : memref<1x128xi32, #tpu.memory_space<vmem>> -> memref<128xi32, #tpu.memory_space<vmem>>
      %dma_wait3A_113 = arith.constant 0 : i32
      %dma_wait3A_114 = arith.constant 0 : i32
      %dma_wait3A_115 = tpu.memref_slice %arg3[%dma_wait3A_113, %dma_wait3A_114] : memref<1000000x32xf32, #tpu.memory_space<hbm>> -> memref<1000000x32xf32, #tpu.memory_space<hbm>>
      %dma_wait3A_116 = tpu.memref_slice %arg8[%rem3A_74] : memref<4x!tpu.dma_semaphore, #tpu.memory_space<semaphore_mem>> -> memref<1x!tpu.dma_semaphore, #tpu.memory_space<semaphore_mem>>
      %dma_wait3A_117 = tpu.memref_squeeze %dma_wait3A_116 : memref<1x!tpu.dma_semaphore, #tpu.memory_space<semaphore_mem>> -> memref<!tpu.dma_semaphore, #tpu.memory_space<semaphore_mem>>
      tpu.wait_indirect_dma semaphore(%dma_wait3A_117 : memref<!tpu.dma_semaphore, #tpu.memory_space<semaphore_mem>>) src(%dma_wait3A_115 : memref<1000000x32xf32, #tpu.memory_space<hbm>>) dst(%dma_wait3A_110 : memref<128x32xf32, #tpu.memory_space<vmem>>)
      %broadcast_in_dim3A = arith.constant 0 : i32
      %broadcast_in_dim3A_118 = vector.broadcast %broadcast_in_dim3A : i32 to vector<16xi32>
      %get3A = arith.constant 0 : i32
      %get3A_119 = arith.index_cast %rem3A_74 : i32 to index
      %get3A_120 = arith.index_cast %get3A : i32 to index
      %get3A_121 = arith.constant 0 : index
      %get3A_122 = tpu.vector_load %arg6[%get3A_119, %get3A_120, %get3A_121] {strides = array<i32>} : memref<4x128x32xf32, #tpu.memory_space<vmem>>, vector<16xf32>,
      tpu.vector_store_idx %arg7[%iota3A, %broadcast_in_dim3A_118], %get3A_122 : memref<32x129xf32, #tpu.memory_space<vmem>>[vector<16xi32>, vector<16xi32>], vector<16xf32>,
      %get3A_123 = arith.constant 0 : i32
      %get3A_124 = arith.index_cast %rem3A_74 : i32 to index
      %get3A_125 = arith.index_cast %get3A_123 : i32 to index
      %get3A_126 = arith.constant 16 : index
      %get3A_127 = tpu.vector_load %arg6[%get3A_124, %get3A_125, %get3A_126] {strides = array<i32>} : memref<4x128x32xf32, #tpu.memory_space<vmem>>, vector<16xf32>,
      tpu.vector_store_idx %arg7[%add3A_64, %broadcast_in_dim3A_118], %get3A_127 : memref<32x129xf32, #tpu.memory_space<vmem>>[vector<16xi32>, vector<16xi32>], vector<16xf32>,
      %broadcast_in_dim3A_128 = arith.constant 1 : i32
      %broadcast_in_dim3A_129 = vector.broadcast %broadcast_in_dim3A_128 : i32 to vector<16xi32>
      %get3A_130 = arith.constant 1 : i32
      %get3A_131 = arith.index_cast %rem3A_74 : i32 to index
      %get3A_132 = arith.index_cast %get3A_130 : i32 to index
      %get3A_133 = arith.constant 0 : index
      %get3A_134 = tpu.vector_load %arg6[%get3A_131, %get3A_132, %get3A_133] {strides = array<i32>} : memref<4x128x32xf32, #tpu.memory_space<vmem>>, vector<16xf32>,
      tpu.vector_store_idx %arg7[%iota3A, %broadcast_in_dim3A_129], %get3A_134 : memref<32x129xf32, #tpu.memory_space<vmem>>[vector<16xi32>, vector<16xi32>], vector<16xf32>,
      %get3A_135 = arith.constant 1 : i32
      %get3A_136 = arith.index_cast %rem3A_74 : i32 to index
      %get3A_137 = arith.index_cast %get3A_135 : i32 to index
      %get3A_138 = arith.constant 16 : index
      %get3A_139 = tpu.vector_load %arg6[%get3A_136, %get3A_137, %get3A_138] {strides = array<i32>} : memref<4x128x32xf32, #tpu.memory_space<vmem>>, vector<16xf32>,
      tpu.vector_store_idx %arg7[%add3A_64, %broadcast_in_dim3A_129], %get3A_139 : memref<32x129xf32, #tpu.memory_space<vmem>>[vector<16xi32>, vector<16xi32>], vector<16xf32>,
      %broadcast_in_dim3A_140 = arith.constant 2 : i32
      %broadcast_in_dim3A_141 = vector.broadcast %broadcast_in_dim3A_140 : i32 to vector<16xi32>
      %get3A_142 = arith.constant 2 : i32
      %get3A_143 = arith.index_cast %rem3A_74 : i32 to index
      %get3A_144 = arith.index_cast %get3A_142 : i32 to index
      %get3A_145 = arith.constant 0 : index
      %get3A_146 = tpu.vector_load %arg6[%get3A_143, %get3A_144, %get3A_145] {strides = array<i32>} : memref<4x128x32xf32, #tpu.memory_space<vmem>>, vector<16xf32>,
      tpu.vector_store_idx %arg7[%iota3A, %broadcast_in_dim3A_141], %get3A_146 : memref<32x129xf32, #tpu.memory_space<vmem>>[vector<16xi32>, vector<16xi32>], vector<16xf32>,
      %get3A_147 = arith.constant 2 : i32
      %get3A_148 = arith.index_cast %rem3A_74 : i32 to index
      %get3A_149 = arith.index_cast %get3A_147 : i32 to index
      %get3A_150 = arith.constant 16 : index
      %get3A_151 = tpu.vector_load %arg6[%get3A_148, %get3A_149, %get3A_150] {strides = array<i32>} : memref<4x128x32xf32, #tpu.memory_space<vmem>>, vector<16xf32>,
      tpu.vector_store_idx %arg7[%add3A_64, %broadcast_in_dim3A_141], %get3A_151 : memref<32x129xf32, #tpu.memory_space<vmem>>[vector<16xi32>, vector<16xi32>], vector<16xf32>,
      %broadcast_in_dim3A_152 = arith.constant 3 : i32
      %broadcast_in_dim3A_153 = vector.broadcast %broadcast_in_dim3A_152 : i32 to vector<16xi32>
      %get3A_154 = arith.constant 3 : i32
      %get3A_155 = arith.index_cast %rem3A_74 : i32 to index
      %get3A_156 = arith.index_cast %get3A_154 : i32 to index
      %get3A_157 = arith.constant 0 : index
      %get3A_158 = tpu.vector_load %arg6[%get3A_155, %get3A_156, %get3A_157] {strides = array<i32>} : memref<4x128x32xf32, #tpu.memory_space<vmem>>, vector<16xf32>,
      tpu.vector_store_idx %arg7[%iota3A, %broadcast_in_dim3A_153], %get3A_158 : memref<32x129xf32, #tpu.memory_space<vmem>>[vector<16xi32>, vector<16xi32>], vector<16xf32>,
      %get3A_159 = arith.constant 3 : i32
      %get3A_160 = arith.index_cast %rem3A_74 : i32 to index
      %get3A_161 = arith.index_cast %get3A_159 : i32 to index
      %get3A_162 = arith.constant 16 : index
      %get3A_163 = tpu.vector_load %arg6[%get3A_160, %get3A_161, %get3A_162] {strides = array<i32>} : memref<4x128x32xf32, #tpu.memory_space<vmem>>, vector<16xf32>,
      tpu.vector_store_idx %arg7[%add3A_64, %broadcast_in_dim3A_153], %get3A_163 : memref<32x129xf32, #tpu.memory_space<vmem>>[vector<16xi32>, vector<16xi32>], vector<16xf32>,
      %broadcast_in_dim3A_164 = arith.constant 4 : i32
      %broadcast_in_dim3A_165 = vector.broadcast %broadcast_in_dim3A_164 : i32 to vector<16xi32>
      %get3A_166 = arith.constant 4 : i32
      %get3A_167 = arith.index_cast %rem3A_74 : i32 to index
      %get3A_168 = arith.index_cast %get3A_166 : i32 to index
      %get3A_169 = arith.constant 0 : index
      %get3A_170 = tpu.vector_load %arg6[%get3A_167, %get3A_168, %get3A_169] {strides = array<i32>} : memref<4x128x32xf32, #tpu.memory_space<vmem>>, vector<16xf32>,
      tpu.vector_store_idx %arg7[%iota3A, %broadcast_in_dim3A_165], %get3A_170 : memref<32x129xf32, #tpu.memory_space<vmem>>[vector<16xi32>, vector<16xi32>], vector<16xf32>,
      %get3A_171 = arith.constant 4 : i32
      %get3A_172 = arith.index_cast %rem3A_74 : i32 to index
      %get3A_173 = arith.index_cast %get3A_171 : i32 to index
      %get3A_174 = arith.constant 16 : index
      %get3A_175 = tpu.vector_load %arg6[%get3A_172, %get3A_173, %get3A_174] {strides = array<i32>} : memref<4x128x32xf32, #tpu.memory_space<vmem>>, vector<16xf32>,
      tpu.vector_store_idx %arg7[%add3A_64, %broadcast_in_dim3A_165], %get3A_175 : memref<32x129xf32, #tpu.memory_space<vmem>>[vector<16xi32>, vector<16xi32>], vector<16xf32>,
      %broadcast_in_dim3A_176 = arith.constant 5 : i32
      %broadcast_in_dim3A_177 = vector.broadcast %broadcast_in_dim3A_176 : i32 to vector<16xi32>
      %get3A_178 = arith.constant 5 : i32
      %get3A_179 = arith.index_cast %rem3A_74 : i32 to index
      %get3A_180 = arith.index_cast %get3A_178 : i32 to index
      %get3A_181 = arith.constant 0 : index
      %get3A_182 = tpu.vector_load %arg6[%get3A_179, %get3A_180, %get3A_181] {strides = array<i32>} : memref<4x128x32xf32, #tpu.memory_space<vmem>>, vector<16xf32>,
      tpu.vector_store_idx %arg7[%iota3A, %broadcast_in_dim3A_177], %get3A_182 : memref<32x129xf32, #tpu.memory_space<vmem>>[vector<16xi32>, vector<16xi32>], vector<16xf32>,
      %get3A_183 = arith.constant 5 : i32
      %get3A_184 = arith.index_cast %rem3A_74 : i32 to index
      %get3A_185 = arith.index_cast %get3A_183 : i32 to index
      %get3A_186 = arith.constant 16 : index
      %get3A_187 = tpu.vector_load %arg6[%get3A_184, %get3A_185, %get3A_186] {strides = array<i32>} : memref<4x128x32xf32, #tpu.memory_space<vmem>>, vector<16xf32>,
      tpu.vector_store_idx %arg7[%add3A_64, %broadcast_in_dim3A_177], %get3A_187 : memref<32x129xf32, #tpu.memory_space<vmem>>[vector<16xi32>, vector<16xi32>], vector<16xf32>,
      %broadcast_in_dim3A_188 = arith.constant 6 : i32
      %broadcast_in_dim3A_189 = vector.broadcast %broadcast_in_dim3A_188 : i32 to vector<16xi32>
      %get3A_190 = arith.constant 6 : i32
      %get3A_191 = arith.index_cast %rem3A_74 : i32 to index
      %get3A_192 = arith.index_cast %get3A_190 : i32 to index
      %get3A_193 = arith.constant 0 : index
      %get3A_194 = tpu.vector_load %arg6[%get3A_191, %get3A_192, %get3A_193] {strides = array<i32>} : memref<4x128x32xf32, #tpu.memory_space<vmem>>, vector<16xf32>,
      tpu.vector_store_idx %arg7[%iota3A, %broadcast_in_dim3A_189], %get3A_194 : memref<32x129xf32, #tpu.memory_space<vmem>>[vector<16xi32>, vector<16xi32>], vector<16xf32>,
      %get3A_195 = arith.constant 6 : i32
      %get3A_196 = arith.index_cast %rem3A_74 : i32 to index
      %get3A_197 = arith.index_cast %get3A_195 : i32 to index
      %get3A_198 = arith.constant 16 : index
      %get3A_199 = tpu.vector_load %arg6[%get3A_196, %get3A_197, %get3A_198] {strides = array<i32>} : memref<4x128x32xf32, #tpu.memory_space<vmem>>, vector<16xf32>,
      tpu.vector_store_idx %arg7[%add3A_64, %broadcast_in_dim3A_189], %get3A_199 : memref<32x129xf32, #tpu.memory_space<vmem>>[vector<16xi32>, vector<16xi32>], vector<16xf32>,
      %broadcast_in_dim3A_200 = arith.constant 7 : i32
      %broadcast_in_dim3A_201 = vector.broadcast %broadcast_in_dim3A_200 : i32 to vector<16xi32>
      %get3A_202 = arith.constant 7 : i32
      %get3A_203 = arith.index_cast %rem3A_74 : i32 to index
      %get3A_204 = arith.index_cast %get3A_202 : i32 to index
      %get3A_205 = arith.constant 0 : index
      %get3A_206 = tpu.vector_load %arg6[%get3A_203, %get3A_204, %get3A_205] {strides = array<i32>} : memref<4x128x32xf32, #tpu.memory_space<vmem>>, vector<16xf32>,
      tpu.vector_store_idx %arg7[%iota3A, %broadcast_in_dim3A_201], %get3A_206 : memref<32x129xf32, #tpu.memory_space<vmem>>[vector<16xi32>, vector<16xi32>], vector<16xf32>,
      %get3A_207 = arith.constant 7 : i32
      %get3A_208 = arith.index_cast %rem3A_74 : i32 to index
      %get3A_209 = arith.index_cast %get3A_207 : i32 to index
      %get3A_210 = arith.constant 16 : index
      %get3A_211 = tpu.vector_load %arg6[%get3A_208, %get3A_209, %get3A_210] {strides = array<i32>} : memref<4x128x32xf32, #tpu.memory_space<vmem>>, vector<16xf32>,
      tpu.vector_store_idx %arg7[%add3A_64, %broadcast_in_dim3A_201], %get3A_211 : memref<32x129xf32, #tpu.memory_space<vmem>>[vector<16xi32>, vector<16xi32>], vector<16xf32>,
      %broadcast_in_dim3A_212 = arith.constant 8 : i32
      %broadcast_in_dim3A_213 = vector.broadcast %broadcast_in_dim3A_212 : i32 to vector<16xi32>
      %get3A_214 = arith.constant 8 : i32
      %get3A_215 = arith.index_cast %rem3A_74 : i32 to index
      %get3A_216 = arith.index_cast %get3A_214 : i32 to index
      %get3A_217 = arith.constant 0 : index
      %get3A_218 = tpu.vector_load %arg6[%get3A_215, %get3A_216, %get3A_217] {strides = array<i32>} : memref<4x128x32xf32, #tpu.memory_space<vmem>>, vector<16xf32>,
      tpu.vector_store_idx %arg7[%iota3A, %broadcast_in_dim3A_213], %get3A_218 : memref<32x129xf32, #tpu.memory_space<vmem>>[vector<16xi32>, vector<16xi32>], vector<16xf32>,
      %get3A_219 = arith.constant 8 : i32
      %get3A_220 = arith.index_cast %rem3A_74 : i32 to index
      %get3A_221 = arith.index_cast %get3A_219 : i32 to index
      %get3A_222 = arith.constant 16 : index
      %get3A_223 = tpu.vector_load %arg6[%get3A_220, %get3A_221, %get3A_222] {strides = array<i32>} : memref<4x128x32xf32, #tpu.memory_space<vmem>>, vector<16xf32>,
      tpu.vector_store_idx %arg7[%add3A_64, %broadcast_in_dim3A_213], %get3A_223 : memref<32x129xf32, #tpu.memory_space<vmem>>[vector<16xi32>, vector<16xi32>], vector<16xf32>,
      %broadcast_in_dim3A_224 = arith.constant 9 : i32
      %broadcast_in_dim3A_225 = vector.broadcast %broadcast_in_dim3A_224 : i32 to vector<16xi32>
      %get3A_226 = arith.constant 9 : i32
      %get3A_227 = arith.index_cast %rem3A_74 : i32 to index
      %get3A_228 = arith.index_cast %get3A_226 : i32 to index
      %get3A_229 = arith.constant 0 : index
      %get3A_230 = tpu.vector_load %arg6[%get3A_227, %get3A_228, %get3A_229] {strides = array<i32>} : memref<4x128x32xf32, #tpu.memory_space<vmem>>, vector<16xf32>,
      tpu.vector_store_idx %arg7[%iota3A, %broadcast_in_dim3A_225], %get3A_230 : memref<32x129xf32, #tpu.memory_space<vmem>>[vector<16xi32>, vector<16xi32>], vector<16xf32>,
      %get3A_231 = arith.constant 9 : i32
      %get3A_232 = arith.index_cast %rem3A_74 : i32 to index
      %get3A_233 = arith.index_cast %get3A_231 : i32 to index
      %get3A_234 = arith.constant 16 : index
      %get3A_235 = tpu.vector_load %arg6[%get3A_232, %get3A_233, %get3A_234] {strides = array<i32>} : memref<4x128x32xf32, #tpu.memory_space<vmem>>, vector<16xf32>,
      tpu.vector_store_idx %arg7[%add3A_64, %broadcast_in_dim3A_225], %get3A_235 : memref<32x129xf32, #tpu.memory_space<vmem>>[vector<16xi32>, vector<16xi32>], vector<16xf32>,
      %broadcast_in_dim3A_236 = arith.constant 10 : i32
      %broadcast_in_dim3A_237 = vector.broadcast %broadcast_in_dim3A_236 : i32 to vector<16xi32>
      %get3A_238 = arith.constant 10 : i32
      %get3A_239 = arith.index_cast %rem3A_74 : i32 to index
      %get3A_240 = arith.index_cast %get3A_238 : i32 to index
      %get3A_241 = arith.constant 0 : index
      %get3A_242 = tpu.vector_load %arg6[%get3A_239, %get3A_240, %get3A_241] {strides = array<i32>} : memref<4x128x32xf32, #tpu.memory_space<vmem>>, vector<16xf32>,
      tpu.vector_store_idx %arg7[%iota3A, %broadcast_in_dim3A_237], %get3A_242 : memref<32x129xf32, #tpu.memory_space<vmem>>[vector<16xi32>, vector<16xi32>], vector<16xf32>,
      %get3A_243 = arith.constant 10 : i32
      %get3A_244 = arith.index_cast %rem3A_74 : i32 to index
      %get3A_245 = arith.index_cast %get3A_243 : i32 to index
      %get3A_246 = arith.constant 16 : index
      %get3A_247 = tpu.vector_load %arg6[%get3A_244, %get3A_245, %get3A_246] {strides = array<i32>} : memref<4x128x32xf32, #tpu.memory_space<vmem>>, vector<16xf32>,
      tpu.vector_store_idx %arg7[%add3A_64, %broadcast_in_dim3A_237], %get3A_247 : memref<32x129xf32, #tpu.memory_space<vmem>>[vector<16xi32>, vector<16xi32>], vector<16xf32>,
      %broadcast_in_dim3A_248 = arith.constant 11 : i32
      %broadcast_in_dim3A_249 = vector.broadcast %broadcast_in_dim3A_248 : i32 to vector<16xi32>
      %get3A_250 = arith.constant 11 : i32
      %get3A_251 = arith.index_cast %rem3A_74 : i32 to index
      %get3A_252 = arith.index_cast %get3A_250 : i32 to index
      %get3A_253 = arith.constant 0 : index
      %get3A_254 = tpu.vector_load %arg6[%get3A_251, %get3A_252, %get3A_253] {strides = array<i32>} : memref<4x128x32xf32, #tpu.memory_space<vmem>>, vector<16xf32>,
      tpu.vector_store_idx %arg7[%iota3A, %broadcast_in_dim3A_249], %get3A_254 : memref<32x129xf32, #tpu.memory_space<vmem>>[vector<16xi32>, vector<16xi32>], vector<16xf32>,
      %get3A_255 = arith.constant 11 : i32
      %get3A_256 = arith.index_cast %rem3A_74 : i32 to index
      %get3A_257 = arith.index_cast %get3A_255 : i32 to index
      %get3A_258 = arith.constant 16 : index
      %get3A_259 = tpu.vector_load %arg6[%get3A_256, %get3A_257, %get3A_258] {strides = array<i32>} : memref<4x128x32xf32, #tpu.memory_space<vmem>>, vector<16xf32>,
      tpu.vector_store_idx %arg7[%add3A_64, %broadcast_in_dim3A_249], %get3A_259 : memref<32x129xf32, #tpu.memory_space<vmem>>[vector<16xi32>, vector<16xi32>], vector<16xf32>,
      %broadcast_in_dim3A_260 = arith.constant 12 : i32
      %broadcast_in_dim3A_261 = vector.broadcast %broadcast_in_dim3A_260 : i32 to vector<16xi32>
      %get3A_262 = arith.constant 12 : i32
      %get3A_263 = arith.index_cast %rem3A_74 : i32 to index
      %get3A_264 = arith.index_cast %get3A_262 : i32 to index
      %get3A_265 = arith.constant 0 : index
      %get3A_266 = tpu.vector_load %arg6[%get3A_263, %get3A_264, %get3A_265] {strides = array<i32>} : memref<4x128x32xf32, #tpu.memory_space<vmem>>, vector<16xf32>,
      tpu.vector_store_idx %arg7[%iota3A, %broadcast_in_dim3A_261], %get3A_266 : memref<32x129xf32, #tpu.memory_space<vmem>>[vector<16xi32>, vector<16xi32>], vector<16xf32>,
      %get3A_267 = arith.constant 12 : i32
      %get3A_268 = arith.index_cast %rem3A_74 : i32 to index
      %get3A_269 = arith.index_cast %get3A_267 : i32 to index
      %get3A_270 = arith.constant 16 : index
      %get3A_271 = tpu.vector_load %arg6[%get3A_268, %get3A_269, %get3A_270] {strides = array<i32>} : memref<4x128x32xf32, #tpu.memory_space<vmem>>, vector<16xf32>,
      tpu.vector_store_idx %arg7[%add3A_64, %broadcast_in_dim3A_261], %get3A_271 : memref<32x129xf32, #tpu.memory_space<vmem>>[vector<16xi32>, vector<16xi32>], vector<16xf32>,
      %broadcast_in_dim3A_272 = arith.constant 13 : i32
      %broadcast_in_dim3A_273 = vector.broadcast %broadcast_in_dim3A_272 : i32 to vector<16xi32>
      %get3A_274 = arith.constant 13 : i32
      %get3A_275 = arith.index_cast %rem3A_74 : i32 to index
      %get3A_276 = arith.index_cast %get3A_274 : i32 to index
      %get3A_277 = arith.constant 0 : index
      %get3A_278 = tpu.vector_load %arg6[%get3A_275, %get3A_276, %get3A_277] {strides = array<i32>} : memref<4x128x32xf32, #tpu.memory_space<vmem>>, vector<16xf32>,
      tpu.vector_store_idx %arg7[%iota3A, %broadcast_in_dim3A_273], %get3A_278 : memref<32x129xf32, #tpu.memory_space<vmem>>[vector<16xi32>, vector<16xi32>], vector<16xf32>,
      %get3A_279 = arith.constant 13 : i32
      %get3A_280 = arith.index_cast %rem3A_74 : i32 to index
      %get3A_281 = arith.index_cast %get3A_279 : i32 to index
      %get3A_282 = arith.constant 16 : index
      %get3A_283 = tpu.vector_load %arg6[%get3A_280, %get3A_281, %get3A_282] {strides = array<i32>} : memref<4x128x32xf32, #tpu.memory_space<vmem>>, vector<16xf32>,
      tpu.vector_store_idx %arg7[%add3A_64, %broadcast_in_dim3A_273], %get3A_283 : memref<32x129xf32, #tpu.memory_space<vmem>>[vector<16xi32>, vector<16xi32>], vector<16xf32>,
      %broadcast_in_dim3A_284 = arith.constant 14 : i32
      %broadcast_in_dim3A_285 = vector.broadcast %broadcast_in_dim3A_284 : i32 to vector<16xi32>
      %get3A_286 = arith.constant 14 : i32
      %get3A_287 = arith.index_cast %rem3A_74 : i32 to index
      %get3A_288 = arith.index_cast %get3A_286 : i32 to index
      %get3A_289 = arith.constant 0 : index
      %get3A_290 = tpu.vector_load %arg6[%get3A_287, %get3A_288, %get3A_289] {strides = array<i32>} : memref<4x128x32xf32, #tpu.memory_space<vmem>>, vector<16xf32>,
      tpu.vector_store_idx %arg7[%iota3A, %broadcast_in_dim3A_285], %get3A_290 : memref<32x129xf32, #tpu.memory_space<vmem>>[vector<16xi32>, vector<16xi32>], vector<16xf32>,
      %get3A_291 = arith.constant 14 : i32
      %get3A_292 = arith.index_cast %rem3A_74 : i32 to index
      %get3A_293 = arith.index_cast %get3A_291 : i32 to index
      %get3A_294 = arith.constant 16 : index
      %get3A_295 = tpu.vector_load %arg6[%get3A_292, %get3A_293, %get3A_294] {strides = array<i32>} : memref<4x128x32xf32, #tpu.memory_space<vmem>>, vector<16xf32>,
      tpu.vector_store_idx %arg7[%add3A_64, %broadcast_in_dim3A_285], %get3A_295 : memref<32x129xf32, #tpu.memory_space<vmem>>[vector<16xi32>, vector<16xi32>], vector<16xf32>,
      %broadcast_in_dim3A_296 = arith.constant 15 : i32
      %broadcast_in_dim3A_297 = vector.broadcast %broadcast_in_dim3A_296 : i32 to vector<16xi32>
      %get3A_298 = arith.constant 15 : i32
      %get3A_299 = arith.index_cast %rem3A_74 : i32 to index
      %get3A_300 = arith.index_cast %get3A_298 : i32 to index
      %get3A_301 = arith.constant 0 : index
      %get3A_302 = tpu.vector_load %arg6[%get3A_299, %get3A_300, %get3A_301] {strides = array<i32>} : memref<4x128x32xf32, #tpu.memory_space<vmem>>, vector<16xf32>,
      tpu.vector_store_idx %arg7[%iota3A, %broadcast_in_dim3A_297], %get3A_302 : memref<32x129xf32, #tpu.memory_space<vmem>>[vector<16xi32>, vector<16xi32>], vector<16xf32>,
      %get3A_303 = arith.constant 15 : i32
      %get3A_304 = arith.index_cast %rem3A_74 : i32 to index
      %get3A_305 = arith.index_cast %get3A_303 : i32 to index
      %get3A_306 = arith.constant 16 : index
      %get3A_307 = tpu.vector_load %arg6[%get3A_304, %get3A_305, %get3A_306] {strides = array<i32>} : memref<4x128x32xf32, #tpu.memory_space<vmem>>, vector<16xf32>,
      tpu.vector_store_idx %arg7[%add3A_64, %broadcast_in_dim3A_297], %get3A_307 : memref<32x129xf32, #tpu.memory_space<vmem>>[vector<16xi32>, vector<16xi32>], vector<16xf32>,
      %broadcast_in_dim3A_308 = arith.constant 16 : i32
      %broadcast_in_dim3A_309 = vector.broadcast %broadcast_in_dim3A_308 : i32 to vector<16xi32>
      %get3A_310 = arith.constant 16 : i32
      %get3A_311 = arith.index_cast %rem3A_74 : i32 to index
      %get3A_312 = arith.index_cast %get3A_310 : i32 to index
      %get3A_313 = arith.constant 0 : index
      %get3A_314 = tpu.vector_load %arg6[%get3A_311, %get3A_312, %get3A_313] {strides = array<i32>} : memref<4x128x32xf32, #tpu.memory_space<vmem>>, vector<16xf32>,
      tpu.vector_store_idx %arg7[%iota3A, %broadcast_in_dim3A_309], %get3A_314 : memref<32x129xf32, #tpu.memory_space<vmem>>[vector<16xi32>, vector<16xi32>], vector<16xf32>,
      %get3A_315 = arith.constant 16 : i32
      %get3A_316 = arith.index_cast %rem3A_74 : i32 to index
      %get3A_317 = arith.index_cast %get3A_315 : i32 to index
      %get3A_318 = arith.constant 16 : index
      %get3A_319 = tpu.vector_load %arg6[%get3A_316, %get3A_317, %get3A_318] {strides = array<i32>} : memref<4x128x32xf32, #tpu.memory_space<vmem>>, vector<16xf32>,
      tpu.vector_store_idx %arg7[%add3A_64, %broadcast_in_dim3A_309], %get3A_319 : memref<32x129xf32, #tpu.memory_space<vmem>>[vector<16xi32>, vector<16xi32>], vector<16xf32>,
      %broadcast_in_dim3A_320 = arith.constant 17 : i32
      %broadcast_in_dim3A_321 = vector.broadcast %broadcast_in_dim3A_320 : i32 to vector<16xi32>
      %get3A_322 = arith.constant 17 : i32
      %get3A_323 = arith.index_cast %rem3A_74 : i32 to index
      %get3A_324 = arith.index_cast %get3A_322 : i32 to index
      %get3A_325 = arith.constant 0 : index
      %get3A_326 = tpu.vector_load %arg6[%get3A_323, %get3A_324, %get3A_325] {strides = array<i32>} : memref<4x128x32xf32, #tpu.memory_space<vmem>>, vector<16xf32>,
      tpu.vector_store_idx %arg7[%iota3A, %broadcast_in_dim3A_321], %get3A_326 : memref<32x129xf32, #tpu.memory_space<vmem>>[vector<16xi32>, vector<16xi32>], vector<16xf32>,
      %get3A_327 = arith.constant 17 : i32
      %get3A_328 = arith.index_cast %rem3A_74 : i32 to index
      %get3A_329 = arith.index_cast %get3A_327 : i32 to index
      %get3A_330 = arith.constant 16 : index
      %get3A_331 = tpu.vector_load %arg6[%get3A_328, %get3A_329, %get3A_330] {strides = array<i32>} : memref<4x128x32xf32, #tpu.memory_space<vmem>>, vector<16xf32>,
      tpu.vector_store_idx %arg7[%add3A_64, %broadcast_in_dim3A_321], %get3A_331 : memref<32x129xf32, #tpu.memory_space<vmem>>[vector<16xi32>, vector<16xi32>], vector<16xf32>,
      %broadcast_in_dim3A_332 = arith.constant 18 : i32
      %broadcast_in_dim3A_333 = vector.broadcast %broadcast_in_dim3A_332 : i32 to vector<16xi32>
      %get3A_334 = arith.constant 18 : i32
      %get3A_335 = arith.index_cast %rem3A_74 : i32 to index
      %get3A_336 = arith.index_cast %get3A_334 : i32 to index
      %get3A_337 = arith.constant 0 : index
      %get3A_338 = tpu.vector_load %arg6[%get3A_335, %get3A_336, %get3A_337] {strides = array<i32>} : memref<4x128x32xf32, #tpu.memory_space<vmem>>, vector<16xf32>,
      tpu.vector_store_idx %arg7[%iota3A, %broadcast_in_dim3A_333], %get3A_338 : memref<32x129xf32, #tpu.memory_space<vmem>>[vector<16xi32>, vector<16xi32>], vector<16xf32>,
      %get3A_339 = arith.constant 18 : i32
      %get3A_340 = arith.index_cast %rem3A_74 : i32 to index
      %get3A_341 = arith.index_cast %get3A_339 : i32 to index
      %get3A_342 = arith.constant 16 : index
      %get3A_343 = tpu.vector_load %arg6[%get3A_340, %get3A_341, %get3A_342] {strides = array<i32>} : memref<4x128x32xf32, #tpu.memory_space<vmem>>, vector<16xf32>,
      tpu.vector_store_idx %arg7[%add3A_64, %broadcast_in_dim3A_333], %get3A_343 : memref<32x129xf32, #tpu.memory_space<vmem>>[vector<16xi32>, vector<16xi32>], vector<16xf32>,
      %broadcast_in_dim3A_344 = arith.constant 19 : i32
      %broadcast_in_dim3A_345 = vector.broadcast %broadcast_in_dim3A_344 : i32 to vector<16xi32>
      %get3A_346 = arith.constant 19 : i32
      %get3A_347 = arith.index_cast %rem3A_74 : i32 to index
      %get3A_348 = arith.index_cast %get3A_346 : i32 to index
      %get3A_349 = arith.constant 0 : index
      %get3A_350 = tpu.vector_load %arg6[%get3A_347, %get3A_348, %get3A_349] {strides = array<i32>} : memref<4x128x32xf32, #tpu.memory_space<vmem>>, vector<16xf32>,
      tpu.vector_store_idx %arg7[%iota3A, %broadcast_in_dim3A_345], %get3A_350 : memref<32x129xf32, #tpu.memory_space<vmem>>[vector<16xi32>, vector<16xi32>], vector<16xf32>,
      %get3A_351 = arith.constant 19 : i32
      %get3A_352 = arith.index_cast %rem3A_74 : i32 to index
      %get3A_353 = arith.index_cast %get3A_351 : i32 to index
      %get3A_354 = arith.constant 16 : index
      %get3A_355 = tpu.vector_load %arg6[%get3A_352, %get3A_353, %get3A_354] {strides = array<i32>} : memref<4x128x32xf32, #tpu.memory_space<vmem>>, vector<16xf32>,
      tpu.vector_store_idx %arg7[%add3A_64, %broadcast_in_dim3A_345], %get3A_355 : memref<32x129xf32, #tpu.memory_space<vmem>>[vector<16xi32>, vector<16xi32>], vector<16xf32>,
      %broadcast_in_dim3A_356 = arith.constant 20 : i32
      %broadcast_in_dim3A_357 = vector.broadcast %broadcast_in_dim3A_356 : i32 to vector<16xi32>
      %get3A_358 = arith.constant 20 : i32
      %get3A_359 = arith.index_cast %rem3A_74 : i32 to index
      %get3A_360 = arith.index_cast %get3A_358 : i32 to index
      %get3A_361 = arith.constant 0 : index
      %get3A_362 = tpu.vector_load %arg6[%get3A_359, %get3A_360, %get3A_361] {strides = array<i32>} : memref<4x128x32xf32, #tpu.memory_space<vmem>>, vector<16xf32>,
      tpu.vector_store_idx %arg7[%iota3A, %broadcast_in_dim3A_357], %get3A_362 : memref<32x129xf32, #tpu.memory_space<vmem>>[vector<16xi32>, vector<16xi32>], vector<16xf32>,
      %get3A_363 = arith.constant 20 : i32
      %get3A_364 = arith.index_cast %rem3A_74 : i32 to index
      %get3A_365 = arith.index_cast %get3A_363 : i32 to index
      %get3A_366 = arith.constant 16 : index
      %get3A_367 = tpu.vector_load %arg6[%get3A_364, %get3A_365, %get3A_366] {strides = array<i32>} : memref<4x128x32xf32, #tpu.memory_space<vmem>>, vector<16xf32>,
      tpu.vector_store_idx %arg7[%add3A_64, %broadcast_in_dim3A_357], %get3A_367 : memref<32x129xf32, #tpu.memory_space<vmem>>[vector<16xi32>, vector<16xi32>], vector<16xf32>,
      %broadcast_in_dim3A_368 = arith.constant 21 : i32
      %broadcast_in_dim3A_369 = vector.broadcast %broadcast_in_dim3A_368 : i32 to vector<16xi32>
      %get3A_370 = arith.constant 21 : i32
      %get3A_371 = arith.index_cast %rem3A_74 : i32 to index
      %get3A_372 = arith.index_cast %get3A_370 : i32 to index
      %get3A_373 = arith.constant 0 : index
      %get3A_374 = tpu.vector_load %arg6[%get3A_371, %get3A_372, %get3A_373] {strides = array<i32>} : memref<4x128x32xf32, #tpu.memory_space<vmem>>, vector<16xf32>,
      tpu.vector_store_idx %arg7[%iota3A, %broadcast_in_dim3A_369], %get3A_374 : memref<32x129xf32, #tpu.memory_space<vmem>>[vector<16xi32>, vector<16xi32>], vector<16xf32>,
      %get3A_375 = arith.constant 21 : i32
      %get3A_376 = arith.index_cast %rem3A_74 : i32 to index
      %get3A_377 = arith.index_cast %get3A_375 : i32 to index
      %get3A_378 = arith.constant 16 : index
      %get3A_379 = tpu.vector_load %arg6[%get3A_376, %get3A_377, %get3A_378] {strides = array<i32>} : memref<4x128x32xf32, #tpu.memory_space<vmem>>, vector<16xf32>,
      tpu.vector_store_idx %arg7[%add3A_64, %broadcast_in_dim3A_369], %get3A_379 : memref<32x129xf32, #tpu.memory_space<vmem>>[vector<16xi32>, vector<16xi32>], vector<16xf32>,
      %broadcast_in_dim3A_380 = arith.constant 22 : i32
      %broadcast_in_dim3A_381 = vector.broadcast %broadcast_in_dim3A_380 : i32 to vector<16xi32>
      %get3A_382 = arith.constant 22 : i32
      %get3A_383 = arith.index_cast %rem3A_74 : i32 to index
      %get3A_384 = arith.index_cast %get3A_382 : i32 to index
      %get3A_385 = arith.constant 0 : index
      %get3A_386 = tpu.vector_load %arg6[%get3A_383, %get3A_384, %get3A_385] {strides = array<i32>} : memref<4x128x32xf32, #tpu.memory_space<vmem>>, vector<16xf32>,
      tpu.vector_store_idx %arg7[%iota3A, %broadcast_in_dim3A_381], %get3A_386 : memref<32x129xf32, #tpu.memory_space<vmem>>[vector<16xi32>, vector<16xi32>], vector<16xf32>,
      %get3A_387 = arith.constant 22 : i32
      %get3A_388 = arith.index_cast %rem3A_74 : i32 to index
      %get3A_389 = arith.index_cast %get3A_387 : i32 to index
      %get3A_390 = arith.constant 16 : index
      %get3A_391 = tpu.vector_load %arg6[%get3A_388, %get3A_389, %get3A_390] {strides = array<i32>} : memref<4x128x32xf32, #tpu.memory_space<vmem>>, vector<16xf32>,
      tpu.vector_store_idx %arg7[%add3A_64, %broadcast_in_dim3A_381], %get3A_391 : memref<32x129xf32, #tpu.memory_space<vmem>>[vector<16xi32>, vector<16xi32>], vector<16xf32>,
      %broadcast_in_dim3A_392 = arith.constant 23 : i32
      %broadcast_in_dim3A_393 = vector.broadcast %broadcast_in_dim3A_392 : i32 to vector<16xi32>
      %get3A_394 = arith.constant 23 : i32
      %get3A_395 = arith.index_cast %rem3A_74 : i32 to index
      %get3A_396 = arith.index_cast %get3A_394 : i32 to index
      %get3A_397 = arith.constant 0 : index
      %get3A_398 = tpu.vector_load %arg6[%get3A_395, %get3A_396, %get3A_397] {strides = array<i32>} : memref<4x128x32xf32, #tpu.memory_space<vmem>>, vector<16xf32>,
      tpu.vector_store_idx %arg7[%iota3A, %broadcast_in_dim3A_393], %get3A_398 : memref<32x129xf32, #tpu.memory_space<vmem>>[vector<16xi32>, vector<16xi32>], vector<16xf32>,
      %get3A_399 = arith.constant 23 : i32
      %get3A_400 = arith.index_cast %rem3A_74 : i32 to index
      %get3A_401 = arith.index_cast %get3A_399 : i32 to index
      %get3A_402 = arith.constant 16 : index
      %get3A_403 = tpu.vector_load %arg6[%get3A_400, %get3A_401, %get3A_402] {strides = array<i32>} : memref<4x128x32xf32, #tpu.memory_space<vmem>>, vector<16xf32>,
      tpu.vector_store_idx %arg7[%add3A_64, %broadcast_in_dim3A_393], %get3A_403 : memref<32x129xf32, #tpu.memory_space<vmem>>[vector<16xi32>, vector<16xi32>], vector<16xf32>,
      %broadcast_in_dim3A_404 = arith.constant 24 : i32
      %broadcast_in_dim3A_405 = vector.broadcast %broadcast_in_dim3A_404 : i32 to vector<16xi32>
      %get3A_406 = arith.constant 24 : i32
      %get3A_407 = arith.index_cast %rem3A_74 : i32 to index
      %get3A_408 = arith.index_cast %get3A_406 : i32 to index
      %get3A_409 = arith.constant 0 : index
      %get3A_410 = tpu.vector_load %arg6[%get3A_407, %get3A_408, %get3A_409] {strides = array<i32>} : memref<4x128x32xf32, #tpu.memory_space<vmem>>, vector<16xf32>,
      tpu.vector_store_idx %arg7[%iota3A, %broadcast_in_dim3A_405], %get3A_410 : memref<32x129xf32, #tpu.memory_space<vmem>>[vector<16xi32>, vector<16xi32>], vector<16xf32>,
      %get3A_411 = arith.constant 24 : i32
      %get3A_412 = arith.index_cast %rem3A_74 : i32 to index
      %get3A_413 = arith.index_cast %get3A_411 : i32 to index
      %get3A_414 = arith.constant 16 : index
      %get3A_415 = tpu.vector_load %arg6[%get3A_412, %get3A_413, %get3A_414] {strides = array<i32>} : memref<4x128x32xf32, #tpu.memory_space<vmem>>, vector<16xf32>,
      tpu.vector_store_idx %arg7[%add3A_64, %broadcast_in_dim3A_405], %get3A_415 : memref<32x129xf32, #tpu.memory_space<vmem>>[vector<16xi32>, vector<16xi32>], vector<16xf32>,
      %broadcast_in_dim3A_416 = arith.constant 25 : i32
      %broadcast_in_dim3A_417 = vector.broadcast %broadcast_in_dim3A_416 : i32 to vector<16xi32>
      %get3A_418 = arith.constant 25 : i32
      %get3A_419 = arith.index_cast %rem3A_74 : i32 to index
      %get3A_420 = arith.index_cast %get3A_418 : i32 to index
      %get3A_421 = arith.constant 0 : index
      %get3A_422 = tpu.vector_load %arg6[%get3A_419, %get3A_420, %get3A_421] {strides = array<i32>} : memref<4x128x32xf32, #tpu.memory_space<vmem>>, vector<16xf32>,
      tpu.vector_store_idx %arg7[%iota3A, %broadcast_in_dim3A_417], %get3A_422 : memref<32x129xf32, #tpu.memory_space<vmem>>[vector<16xi32>, vector<16xi32>], vector<16xf32>,
      %get3A_423 = arith.constant 25 : i32
      %get3A_424 = arith.index_cast %rem3A_74 : i32 to index
      %get3A_425 = arith.index_cast %get3A_423 : i32 to index
      %get3A_426 = arith.constant 16 : index
      %get3A_427 = tpu.vector_load %arg6[%get3A_424, %get3A_425, %get3A_426] {strides = array<i32>} : memref<4x128x32xf32, #tpu.memory_space<vmem>>, vector<16xf32>,
      tpu.vector_store_idx %arg7[%add3A_64, %broadcast_in_dim3A_417], %get3A_427 : memref<32x129xf32, #tpu.memory_space<vmem>>[vector<16xi32>, vector<16xi32>], vector<16xf32>,
      %broadcast_in_dim3A_428 = arith.constant 26 : i32
      %broadcast_in_dim3A_429 = vector.broadcast %broadcast_in_dim3A_428 : i32 to vector<16xi32>
      %get3A_430 = arith.constant 26 : i32
      %get3A_431 = arith.index_cast %rem3A_74 : i32 to index
      %get3A_432 = arith.index_cast %get3A_430 : i32 to index
      %get3A_433 = arith.constant 0 : index
      %get3A_434 = tpu.vector_load %arg6[%get3A_431, %get3A_432, %get3A_433] {strides = array<i32>} : memref<4x128x32xf32, #tpu.memory_space<vmem>>, vector<16xf32>,
      tpu.vector_store_idx %arg7[%iota3A, %broadcast_in_dim3A_429], %get3A_434 : memref<32x129xf32, #tpu.memory_space<vmem>>[vector<16xi32>, vector<16xi32>], vector<16xf32>,
      %get3A_435 = arith.constant 26 : i32
      %get3A_436 = arith.index_cast %rem3A_74 : i32 to index
      %get3A_437 = arith.index_cast %get3A_435 : i32 to index
      %get3A_438 = arith.constant 16 : index
      %get3A_439 = tpu.vector_load %arg6[%get3A_436, %get3A_437, %get3A_438] {strides = array<i32>} : memref<4x128x32xf32, #tpu.memory_space<vmem>>, vector<16xf32>,
      tpu.vector_store_idx %arg7[%add3A_64, %broadcast_in_dim3A_429], %get3A_439 : memref<32x129xf32, #tpu.memory_space<vmem>>[vector<16xi32>, vector<16xi32>], vector<16xf32>,
      %broadcast_in_dim3A_440 = arith.constant 27 : i32
      %broadcast_in_dim3A_441 = vector.broadcast %broadcast_in_dim3A_440 : i32 to vector<16xi32>
      %get3A_442 = arith.constant 27 : i32
      %get3A_443 = arith.index_cast %rem3A_74 : i32 to index
      %get3A_444 = arith.index_cast %get3A_442 : i32 to index
      %get3A_445 = arith.constant 0 : index
      %get3A_446 = tpu.vector_load %arg6[%get3A_443, %get3A_444, %get3A_445] {strides = array<i32>} : memref<4x128x32xf32, #tpu.memory_space<vmem>>, vector<16xf32>,
      tpu.vector_store_idx %arg7[%iota3A, %broadcast_in_dim3A_441], %get3A_446 : memref<32x129xf32, #tpu.memory_space<vmem>>[vector<16xi32>, vector<16xi32>], vector<16xf32>,
      %get3A_447 = arith.constant 27 : i32
      %get3A_448 = arith.index_cast %rem3A_74 : i32 to index
      %get3A_449 = arith.index_cast %get3A_447 : i32 to index
      %get3A_450 = arith.constant 16 : index
      %get3A_451 = tpu.vector_load %arg6[%get3A_448, %get3A_449, %get3A_450] {strides = array<i32>} : memref<4x128x32xf32, #tpu.memory_space<vmem>>, vector<16xf32>,
      tpu.vector_store_idx %arg7[%add3A_64, %broadcast_in_dim3A_441], %get3A_451 : memref<32x129xf32, #tpu.memory_space<vmem>>[vector<16xi32>, vector<16xi32>], vector<16xf32>,
      %broadcast_in_dim3A_452 = arith.constant 28 : i32
      %broadcast_in_dim3A_453 = vector.broadcast %broadcast_in_dim3A_452 : i32 to vector<16xi32>
      %get3A_454 = arith.constant 28 : i32
      %get3A_455 = arith.index_cast %rem3A_74 : i32 to index
      %get3A_456 = arith.index_cast %get3A_454 : i32 to index
      %get3A_457 = arith.constant 0 : index
      %get3A_458 = tpu.vector_load %arg6[%get3A_455, %get3A_456, %get3A_457] {strides = array<i32>} : memref<4x128x32xf32, #tpu.memory_space<vmem>>, vector<16xf32>,
      tpu.vector_store_idx %arg7[%iota3A, %broadcast_in_dim3A_453], %get3A_458 : memref<32x129xf32, #tpu.memory_space<vmem>>[vector<16xi32>, vector<16xi32>], vector<16xf32>,
      %get3A_459 = arith.constant 28 : i32
      %get3A_460 = arith.index_cast %rem3A_74 : i32 to index
      %get3A_461 = arith.index_cast %get3A_459 : i32 to index
      %get3A_462 = arith.constant 16 : index
      %get3A_463 = tpu.vector_load %arg6[%get3A_460, %get3A_461, %get3A_462] {strides = array<i32>} : memref<4x128x32xf32, #tpu.memory_space<vmem>>, vector<16xf32>,
      tpu.vector_store_idx %arg7[%add3A_64, %broadcast_in_dim3A_453], %get3A_463 : memref<32x129xf32, #tpu.memory_space<vmem>>[vector<16xi32>, vector<16xi32>], vector<16xf32>,
      %broadcast_in_dim3A_464 = arith.constant 29 : i32
      %broadcast_in_dim3A_465 = vector.broadcast %broadcast_in_dim3A_464 : i32 to vector<16xi32>
      %get3A_466 = arith.constant 29 : i32
      %get3A_467 = arith.index_cast %rem3A_74 : i32 to index
      %get3A_468 = arith.index_cast %get3A_466 : i32 to index
      %get3A_469 = arith.constant 0 : index
      %get3A_470 = tpu.vector_load %arg6[%get3A_467, %get3A_468, %get3A_469] {strides = array<i32>} : memref<4x128x32xf32, #tpu.memory_space<vmem>>, vector<16xf32>,
      tpu.vector_store_idx %arg7[%iota3A, %broadcast_in_dim3A_465], %get3A_470 : memref<32x129xf32, #tpu.memory_space<vmem>>[vector<16xi32>, vector<16xi32>], vector<16xf32>,
      %get3A_471 = arith.constant 29 : i32
      %get3A_472 = arith.index_cast %rem3A_74 : i32 to index
      %get3A_473 = arith.index_cast %get3A_471 : i32 to index
      %get3A_474 = arith.constant 16 : index
      %get3A_475 = tpu.vector_load %arg6[%get3A_472, %get3A_473, %get3A_474] {strides = array<i32>} : memref<4x128x32xf32, #tpu.memory_space<vmem>>, vector<16xf32>,
      tpu.vector_store_idx %arg7[%add3A_64, %broadcast_in_dim3A_465], %get3A_475 : memref<32x129xf32, #tpu.memory_space<vmem>>[vector<16xi32>, vector<16xi32>], vector<16xf32>,
      %broadcast_in_dim3A_476 = arith.constant 30 : i32
      %broadcast_in_dim3A_477 = vector.broadcast %broadcast_in_dim3A_476 : i32 to vector<16xi32>
      %get3A_478 = arith.constant 30 : i32
      %get3A_479 = arith.index_cast %rem3A_74 : i32 to index
      %get3A_480 = arith.index_cast %get3A_478 : i32 to index
      %get3A_481 = arith.constant 0 : index
      %get3A_482 = tpu.vector_load %arg6[%get3A_479, %get3A_480, %get3A_481] {strides = array<i32>} : memref<4x128x32xf32, #tpu.memory_space<vmem>>, vector<16xf32>,
      tpu.vector_store_idx %arg7[%iota3A, %broadcast_in_dim3A_477], %get3A_482 : memref<32x129xf32, #tpu.memory_space<vmem>>[vector<16xi32>, vector<16xi32>], vector<16xf32>,
      %get3A_483 = arith.constant 30 : i32
      %get3A_484 = arith.index_cast %rem3A_74 : i32 to index
      %get3A_485 = arith.index_cast %get3A_483 : i32 to index
      %get3A_486 = arith.constant 16 : index
      %get3A_487 = tpu.vector_load %arg6[%get3A_484, %get3A_485, %get3A_486] {strides = array<i32>} : memref<4x128x32xf32, #tpu.memory_space<vmem>>, vector<16xf32>,
      tpu.vector_store_idx %arg7[%add3A_64, %broadcast_in_dim3A_477], %get3A_487 : memref<32x129xf32, #tpu.memory_space<vmem>>[vector<16xi32>, vector<16xi32>], vector<16xf32>,
      %broadcast_in_dim3A_488 = arith.constant 31 : i32
      %broadcast_in_dim3A_489 = vector.broadcast %broadcast_in_dim3A_488 : i32 to vector<16xi32>
      %get3A_490 = arith.constant 31 : i32
      %get3A_491 = arith.index_cast %rem3A_74 : i32 to index
      %get3A_492 = arith.index_cast %get3A_490 : i32 to index
      %get3A_493 = arith.constant 0 : index
      %get3A_494 = tpu.vector_load %arg6[%get3A_491, %get3A_492, %get3A_493] {strides = array<i32>} : memref<4x128x32xf32, #tpu.memory_space<vmem>>, vector<16xf32>,
      tpu.vector_store_idx %arg7[%iota3A, %broadcast_in_dim3A_489], %get3A_494 : memref<32x129xf32, #tpu.memory_space<vmem>>[vector<16xi32>, vector<16xi32>], vector<16xf32>,
      %get3A_495 = arith.constant 31 : i32
      %get3A_496 = arith.index_cast %rem3A_74 : i32 to index
      %get3A_497 = arith.index_cast %get3A_495 : i32 to index
      %get3A_498 = arith.constant 16 : index
      %get3A_499 = tpu.vector_load %arg6[%get3A_496, %get3A_497, %get3A_498] {strides = array<i32>} : memref<4x128x32xf32, #tpu.memory_space<vmem>>, vector<16xf32>,
      tpu.vector_store_idx %arg7[%add3A_64, %broadcast_in_dim3A_489], %get3A_499 : memref<32x129xf32, #tpu.memory_space<vmem>>[vector<16xi32>, vector<16xi32>], vector<16xf32>,
      %broadcast_in_dim3A_500 = arith.constant 32 : i32
      %broadcast_in_dim3A_501 = vector.broadcast %broadcast_in_dim3A_500 : i32 to vector<16xi32>
      %get3A_502 = arith.constant 32 : i32
      %get3A_503 = arith.index_cast %rem3A_74 : i32 to index
      %get3A_504 = arith.index_cast %get3A_502 : i32 to index
      %get3A_505 = arith.constant 0 : index
      %get3A_506 = tpu.vector_load %arg6[%get3A_503, %get3A_504, %get3A_505] {strides = array<i32>} : memref<4x128x32xf32, #tpu.memory_space<vmem>>, vector<16xf32>,
      tpu.vector_store_idx %arg7[%iota3A, %broadcast_in_dim3A_501], %get3A_506 : memref<32x129xf32, #tpu.memory_space<vmem>>[vector<16xi32>, vector<16xi32>], vector<16xf32>,
      %get3A_507 = arith.constant 32 : i32
      %get3A_508 = arith.index_cast %rem3A_74 : i32 to index
      %get3A_509 = arith.index_cast %get3A_507 : i32 to index
      %get3A_510 = arith.constant 16 : index
      %get3A_511 = tpu.vector_load %arg6[%get3A_508, %get3A_509, %get3A_510] {strides = array<i32>} : memref<4x128x32xf32, #tpu.memory_space<vmem>>, vector<16xf32>,
      tpu.vector_store_idx %arg7[%add3A_64, %broadcast_in_dim3A_501], %get3A_511 : memref<32x129xf32, #tpu.memory_space<vmem>>[vector<16xi32>, vector<16xi32>], vector<16xf32>,
      %broadcast_in_dim3A_512 = arith.constant 33 : i32
      %broadcast_in_dim3A_513 = vector.broadcast %broadcast_in_dim3A_512 : i32 to vector<16xi32>
      %get3A_514 = arith.constant 33 : i32
      %get3A_515 = arith.index_cast %rem3A_74 : i32 to index
      %get3A_516 = arith.index_cast %get3A_514 : i32 to index
      %get3A_517 = arith.constant 0 : index
      %get3A_518 = tpu.vector_load %arg6[%get3A_515, %get3A_516, %get3A_517] {strides = array<i32>} : memref<4x128x32xf32, #tpu.memory_space<vmem>>, vector<16xf32>,
      tpu.vector_store_idx %arg7[%iota3A, %broadcast_in_dim3A_513], %get3A_518 : memref<32x129xf32, #tpu.memory_space<vmem>>[vector<16xi32>, vector<16xi32>], vector<16xf32>,
      %get3A_519 = arith.constant 33 : i32
      %get3A_520 = arith.index_cast %rem3A_74 : i32 to index
      %get3A_521 = arith.index_cast %get3A_519 : i32 to index
      %get3A_522 = arith.constant 16 : index
      %get3A_523 = tpu.vector_load %arg6[%get3A_520, %get3A_521, %get3A_522] {strides = array<i32>} : memref<4x128x32xf32, #tpu.memory_space<vmem>>, vector<16xf32>,
      tpu.vector_store_idx %arg7[%add3A_64, %broadcast_in_dim3A_513], %get3A_523 : memref<32x129xf32, #tpu.memory_space<vmem>>[vector<16xi32>, vector<16xi32>], vector<16xf32>,
      %broadcast_in_dim3A_524 = arith.constant 34 : i32
      %broadcast_in_dim3A_525 = vector.broadcast %broadcast_in_dim3A_524 : i32 to vector<16xi32>
      %get3A_526 = arith.constant 34 : i32
      %get3A_527 = arith.index_cast %rem3A_74 : i32 to index
      %get3A_528 = arith.index_cast %get3A_526 : i32 to index
      %get3A_529 = arith.constant 0 : index
      %get3A_530 = tpu.vector_load %arg6[%get3A_527, %get3A_528, %get3A_529] {strides = array<i32>} : memref<4x128x32xf32, #tpu.memory_space<vmem>>, vector<16xf32>,
      tpu.vector_store_idx %arg7[%iota3A, %broadcast_in_dim3A_525], %get3A_530 : memref<32x129xf32, #tpu.memory_space<vmem>>[vector<16xi32>, vector<16xi32>], vector<16xf32>,
      %get3A_531 = arith.constant 34 : i32
      %get3A_532 = arith.index_cast %rem3A_74 : i32 to index
      %get3A_533 = arith.index_cast %get3A_531 : i32 to index
      %get3A_534 = arith.constant 16 : index
      %get3A_535 = tpu.vector_load %arg6[%get3A_532, %get3A_533, %get3A_534] {strides = array<i32>} : memref<4x128x32xf32, #tpu.memory_space<vmem>>, vector<16xf32>,
      tpu.vector_store_idx %arg7[%add3A_64, %broadcast_in_dim3A_525], %get3A_535 : memref<32x129xf32, #tpu.memory_space<vmem>>[vector<16xi32>, vector<16xi32>], vector<16xf32>,
      %broadcast_in_dim3A_536 = arith.constant 35 : i32
      %broadcast_in_dim3A_537 = vector.broadcast %broadcast_in_dim3A_536 : i32 to vector<16xi32>
      %get3A_538 = arith.constant 35 : i32
      %get3A_539 = arith.index_cast %rem3A_74 : i32 to index
      %get3A_540 = arith.index_cast %get3A_538 : i32 to index
      %get3A_541 = arith.constant 0 : index
      %get3A_542 = tpu.vector_load %arg6[%get3A_539, %get3A_540, %get3A_541] {strides = array<i32>} : memref<4x128x32xf32, #tpu.memory_space<vmem>>, vector<16xf32>,
      tpu.vector_store_idx %arg7[%iota3A, %broadcast_in_dim3A_537], %get3A_542 : memref<32x129xf32, #tpu.memory_space<vmem>>[vector<16xi32>, vector<16xi32>], vector<16xf32>,
      %get3A_543 = arith.constant 35 : i32
      %get3A_544 = arith.index_cast %rem3A_74 : i32 to index
      %get3A_545 = arith.index_cast %get3A_543 : i32 to index
      %get3A_546 = arith.constant 16 : index
      %get3A_547 = tpu.vector_load %arg6[%get3A_544, %get3A_545, %get3A_546] {strides = array<i32>} : memref<4x128x32xf32, #tpu.memory_space<vmem>>, vector<16xf32>,
      tpu.vector_store_idx %arg7[%add3A_64, %broadcast_in_dim3A_537], %get3A_547 : memref<32x129xf32, #tpu.memory_space<vmem>>[vector<16xi32>, vector<16xi32>], vector<16xf32>,
      %broadcast_in_dim3A_548 = arith.constant 36 : i32
      %broadcast_in_dim3A_549 = vector.broadcast %broadcast_in_dim3A_548 : i32 to vector<16xi32>
      %get3A_550 = arith.constant 36 : i32
      %get3A_551 = arith.index_cast %rem3A_74 : i32 to index
      %get3A_552 = arith.index_cast %get3A_550 : i32 to index
      %get3A_553 = arith.constant 0 : index
      %get3A_554 = tpu.vector_load %arg6[%get3A_551, %get3A_552, %get3A_553] {strides = array<i32>} : memref<4x128x32xf32, #tpu.memory_space<vmem>>, vector<16xf32>,
      tpu.vector_store_idx %arg7[%iota3A, %broadcast_in_dim3A_549], %get3A_554 : memref<32x129xf32, #tpu.memory_space<vmem>>[vector<16xi32>, vector<16xi32>], vector<16xf32>,
      %get3A_555 = arith.constant 36 : i32
      %get3A_556 = arith.index_cast %rem3A_74 : i32 to index
      %get3A_557 = arith.index_cast %get3A_555 : i32 to index
      %get3A_558 = arith.constant 16 : index
      %get3A_559 = tpu.vector_load %arg6[%get3A_556, %get3A_557, %get3A_558] {strides = array<i32>} : memref<4x128x32xf32, #tpu.memory_space<vmem>>, vector<16xf32>,
      tpu.vector_store_idx %arg7[%add3A_64, %broadcast_in_dim3A_549], %get3A_559 : memref<32x129xf32, #tpu.memory_space<vmem>>[vector<16xi32>, vector<16xi32>], vector<16xf32>,
      %broadcast_in_dim3A_560 = arith.constant 37 : i32
      %broadcast_in_dim3A_561 = vector.broadcast %broadcast_in_dim3A_560 : i32 to vector<16xi32>
      %get3A_562 = arith.constant 37 : i32
      %get3A_563 = arith.index_cast %rem3A_74 : i32 to index
      %get3A_564 = arith.index_cast %get3A_562 : i32 to index
      %get3A_565 = arith.constant 0 : index
      %get3A_566 = tpu.vector_load %arg6[%get3A_563, %get3A_564, %get3A_565] {strides = array<i32>} : memref<4x128x32xf32, #tpu.memory_space<vmem>>, vector<16xf32>,
      tpu.vector_store_idx %arg7[%iota3A, %broadcast_in_dim3A_561], %get3A_566 : memref<32x129xf32, #tpu.memory_space<vmem>>[vector<16xi32>, vector<16xi32>], vector<16xf32>,
      %get3A_567 = arith.constant 37 : i32
      %get3A_568 = arith.index_cast %rem3A_74 : i32 to index
      %get3A_569 = arith.index_cast %get3A_567 : i32 to index
      %get3A_570 = arith.constant 16 : index
      %get3A_571 = tpu.vector_load %arg6[%get3A_568, %get3A_569, %get3A_570] {strides = array<i32>} : memref<4x128x32xf32, #tpu.memory_space<vmem>>, vector<16xf32>,
      tpu.vector_store_idx %arg7[%add3A_64, %broadcast_in_dim3A_561], %get3A_571 : memref<32x129xf32, #tpu.memory_space<vmem>>[vector<16xi32>, vector<16xi32>], vector<16xf32>,
      %broadcast_in_dim3A_572 = arith.constant 38 : i32
      %broadcast_in_dim3A_573 = vector.broadcast %broadcast_in_dim3A_572 : i32 to vector<16xi32>
      %get3A_574 = arith.constant 38 : i32
      %get3A_575 = arith.index_cast %rem3A_74 : i32 to index
      %get3A_576 = arith.index_cast %get3A_574 : i32 to index
      %get3A_577 = arith.constant 0 : index
      %get3A_578 = tpu.vector_load %arg6[%get3A_575, %get3A_576, %get3A_577] {strides = array<i32>} : memref<4x128x32xf32, #tpu.memory_space<vmem>>, vector<16xf32>,
      tpu.vector_store_idx %arg7[%iota3A, %broadcast_in_dim3A_573], %get3A_578 : memref<32x129xf32, #tpu.memory_space<vmem>>[vector<16xi32>, vector<16xi32>], vector<16xf32>,
      %get3A_579 = arith.constant 38 : i32
      %get3A_580 = arith.index_cast %rem3A_74 : i32 to index
      %get3A_581 = arith.index_cast %get3A_579 : i32 to index
      %get3A_582 = arith.constant 16 : index
      %get3A_583 = tpu.vector_load %arg6[%get3A_580, %get3A_581, %get3A_582] {strides = array<i32>} : memref<4x128x32xf32, #tpu.memory_space<vmem>>, vector<16xf32>,
      tpu.vector_store_idx %arg7[%add3A_64, %broadcast_in_dim3A_573], %get3A_583 : memref<32x129xf32, #tpu.memory_space<vmem>>[vector<16xi32>, vector<16xi32>], vector<16xf32>,
      %broadcast_in_dim3A_584 = arith.constant 39 : i32
      %broadcast_in_dim3A_585 = vector.broadcast %broadcast_in_dim3A_584 : i32 to vector<16xi32>
      %get3A_586 = arith.constant 39 : i32
      %get3A_587 = arith.index_cast %rem3A_74 : i32 to index
      %get3A_588 = arith.index_cast %get3A_586 : i32 to index
      %get3A_589 = arith.constant 0 : index
      %get3A_590 = tpu.vector_load %arg6[%get3A_587, %get3A_588, %get3A_589] {strides = array<i32>} : memref<4x128x32xf32, #tpu.memory_space<vmem>>, vector<16xf32>,
      tpu.vector_store_idx %arg7[%iota3A, %broadcast_in_dim3A_585], %get3A_590 : memref<32x129xf32, #tpu.memory_space<vmem>>[vector<16xi32>, vector<16xi32>], vector<16xf32>,
      %get3A_591 = arith.constant 39 : i32
      %get3A_592 = arith.index_cast %rem3A_74 : i32 to index
      %get3A_593 = arith.index_cast %get3A_591 : i32 to index
      %get3A_594 = arith.constant 16 : index
      %get3A_595 = tpu.vector_load %arg6[%get3A_592, %get3A_593, %get3A_594] {strides = array<i32>} : memref<4x128x32xf32, #tpu.memory_space<vmem>>, vector<16xf32>,
      tpu.vector_store_idx %arg7[%add3A_64, %broadcast_in_dim3A_585], %get3A_595 : memref<32x129xf32, #tpu.memory_space<vmem>>[vector<16xi32>, vector<16xi32>], vector<16xf32>,
      %broadcast_in_dim3A_596 = arith.constant 40 : i32
      %broadcast_in_dim3A_597 = vector.broadcast %broadcast_in_dim3A_596 : i32 to vector<16xi32>
      %get3A_598 = arith.constant 40 : i32
      %get3A_599 = arith.index_cast %rem3A_74 : i32 to index
      %get3A_600 = arith.index_cast %get3A_598 : i32 to index
      %get3A_601 = arith.constant 0 : index
      %get3A_602 = tpu.vector_load %arg6[%get3A_599, %get3A_600, %get3A_601] {strides = array<i32>} : memref<4x128x32xf32, #tpu.memory_space<vmem>>, vector<16xf32>,
      tpu.vector_store_idx %arg7[%iota3A, %broadcast_in_dim3A_597], %get3A_602 : memref<32x129xf32, #tpu.memory_space<vmem>>[vector<16xi32>, vector<16xi32>], vector<16xf32>,
      %get3A_603 = arith.constant 40 : i32
      %get3A_604 = arith.index_cast %rem3A_74 : i32 to index
      %get3A_605 = arith.index_cast %get3A_603 : i32 to index
      %get3A_606 = arith.constant 16 : index
      %get3A_607 = tpu.vector_load %arg6[%get3A_604, %get3A_605, %get3A_606] {strides = array<i32>} : memref<4x128x32xf32, #tpu.memory_space<vmem>>, vector<16xf32>,
      tpu.vector_store_idx %arg7[%add3A_64, %broadcast_in_dim3A_597], %get3A_607 : memref<32x129xf32, #tpu.memory_space<vmem>>[vector<16xi32>, vector<16xi32>], vector<16xf32>,
      %broadcast_in_dim3A_608 = arith.constant 41 : i32
      %broadcast_in_dim3A_609 = vector.broadcast %broadcast_in_dim3A_608 : i32 to vector<16xi32>
      %get3A_610 = arith.constant 41 : i32
      %get3A_611 = arith.index_cast %rem3A_74 : i32 to index
      %get3A_612 = arith.index_cast %get3A_610 : i32 to index
      %get3A_613 = arith.constant 0 : index
      %get3A_614 = tpu.vector_load %arg6[%get3A_611, %get3A_612, %get3A_613] {strides = array<i32>} : memref<4x128x32xf32, #tpu.memory_space<vmem>>, vector<16xf32>,
      tpu.vector_store_idx %arg7[%iota3A, %broadcast_in_dim3A_609], %get3A_614 : memref<32x129xf32, #tpu.memory_space<vmem>>[vector<16xi32>, vector<16xi32>], vector<16xf32>,
      %get3A_615 = arith.constant 41 : i32
      %get3A_616 = arith.index_cast %rem3A_74 : i32 to index
      %get3A_617 = arith.index_cast %get3A_615 : i32 to index
      %get3A_618 = arith.constant 16 : index
      %get3A_619 = tpu.vector_load %arg6[%get3A_616, %get3A_617, %get3A_618] {strides = array<i32>} : memref<4x128x32xf32, #tpu.memory_space<vmem>>, vector<16xf32>,
      tpu.vector_store_idx %arg7[%add3A_64, %broadcast_in_dim3A_609], %get3A_619 : memref<32x129xf32, #tpu.memory_space<vmem>>[vector<16xi32>, vector<16xi32>], vector<16xf32>,
      %broadcast_in_dim3A_620 = arith.constant 42 : i32
      %broadcast_in_dim3A_621 = vector.broadcast %broadcast_in_dim3A_620 : i32 to vector<16xi32>
      %get3A_622 = arith.constant 42 : i32
      %get3A_623 = arith.index_cast %rem3A_74 : i32 to index
      %get3A_624 = arith.index_cast %get3A_622 : i32 to index
      %get3A_625 = arith.constant 0 : index
      %get3A_626 = tpu.vector_load %arg6[%get3A_623, %get3A_624, %get3A_625] {strides = array<i32>} : memref<4x128x32xf32, #tpu.memory_space<vmem>>, vector<16xf32>,
      tpu.vector_store_idx %arg7[%iota3A, %broadcast_in_dim3A_621], %get3A_626 : memref<32x129xf32, #tpu.memory_space<vmem>>[vector<16xi32>, vector<16xi32>], vector<16xf32>,
      %get3A_627 = arith.constant 42 : i32
      %get3A_628 = arith.index_cast %rem3A_74 : i32 to index
      %get3A_629 = arith.index_cast %get3A_627 : i32 to index
      %get3A_630 = arith.constant 16 : index
      %get3A_631 = tpu.vector_load %arg6[%get3A_628, %get3A_629, %get3A_630] {strides = array<i32>} : memref<4x128x32xf32, #tpu.memory_space<vmem>>, vector<16xf32>,
      tpu.vector_store_idx %arg7[%add3A_64, %broadcast_in_dim3A_621], %get3A_631 : memref<32x129xf32, #tpu.memory_space<vmem>>[vector<16xi32>, vector<16xi32>], vector<16xf32>,
      %broadcast_in_dim3A_632 = arith.constant 43 : i32
      %broadcast_in_dim3A_633 = vector.broadcast %broadcast_in_dim3A_632 : i32 to vector<16xi32>
      %get3A_634 = arith.constant 43 : i32
      %get3A_635 = arith.index_cast %rem3A_74 : i32 to index
      %get3A_636 = arith.index_cast %get3A_634 : i32 to index
      %get3A_637 = arith.constant 0 : index
      %get3A_638 = tpu.vector_load %arg6[%get3A_635, %get3A_636, %get3A_637] {strides = array<i32>} : memref<4x128x32xf32, #tpu.memory_space<vmem>>, vector<16xf32>,
      tpu.vector_store_idx %arg7[%iota3A, %broadcast_in_dim3A_633], %get3A_638 : memref<32x129xf32, #tpu.memory_space<vmem>>[vector<16xi32>, vector<16xi32>], vector<16xf32>,
      %get3A_639 = arith.constant 43 : i32
      %get3A_640 = arith.index_cast %rem3A_74 : i32 to index
      %get3A_641 = arith.index_cast %get3A_639 : i32 to index
      %get3A_642 = arith.constant 16 : index
      %get3A_643 = tpu.vector_load %arg6[%get3A_640, %get3A_641, %get3A_642] {strides = array<i32>} : memref<4x128x32xf32, #tpu.memory_space<vmem>>, vector<16xf32>,
      tpu.vector_store_idx %arg7[%add3A_64, %broadcast_in_dim3A_633], %get3A_643 : memref<32x129xf32, #tpu.memory_space<vmem>>[vector<16xi32>, vector<16xi32>], vector<16xf32>,
      %broadcast_in_dim3A_644 = arith.constant 44 : i32
      %broadcast_in_dim3A_645 = vector.broadcast %broadcast_in_dim3A_644 : i32 to vector<16xi32>
      %get3A_646 = arith.constant 44 : i32
      %get3A_647 = arith.index_cast %rem3A_74 : i32 to index
      %get3A_648 = arith.index_cast %get3A_646 : i32 to index
      %get3A_649 = arith.constant 0 : index
      %get3A_650 = tpu.vector_load %arg6[%get3A_647, %get3A_648, %get3A_649] {strides = array<i32>} : memref<4x128x32xf32, #tpu.memory_space<vmem>>, vector<16xf32>,
      tpu.vector_store_idx %arg7[%iota3A, %broadcast_in_dim3A_645], %get3A_650 : memref<32x129xf32, #tpu.memory_space<vmem>>[vector<16xi32>, vector<16xi32>], vector<16xf32>,
      %get3A_651 = arith.constant 44 : i32
      %get3A_652 = arith.index_cast %rem3A_74 : i32 to index
      %get3A_653 = arith.index_cast %get3A_651 : i32 to index
      %get3A_654 = arith.constant 16 : index
      %get3A_655 = tpu.vector_load %arg6[%get3A_652, %get3A_653, %get3A_654] {strides = array<i32>} : memref<4x128x32xf32, #tpu.memory_space<vmem>>, vector<16xf32>,
      tpu.vector_store_idx %arg7[%add3A_64, %broadcast_in_dim3A_645], %get3A_655 : memref<32x129xf32, #tpu.memory_space<vmem>>[vector<16xi32>, vector<16xi32>], vector<16xf32>,
      %broadcast_in_dim3A_656 = arith.constant 45 : i32
      %broadcast_in_dim3A_657 = vector.broadcast %broadcast_in_dim3A_656 : i32 to vector<16xi32>
      %get3A_658 = arith.constant 45 : i32
      %get3A_659 = arith.index_cast %rem3A_74 : i32 to index
      %get3A_660 = arith.index_cast %get3A_658 : i32 to index
      %get3A_661 = arith.constant 0 : index
      %get3A_662 = tpu.vector_load %arg6[%get3A_659, %get3A_660, %get3A_661] {strides = array<i32>} : memref<4x128x32xf32, #tpu.memory_space<vmem>>, vector<16xf32>,
      tpu.vector_store_idx %arg7[%iota3A, %broadcast_in_dim3A_657], %get3A_662 : memref<32x129xf32, #tpu.memory_space<vmem>>[vector<16xi32>, vector<16xi32>], vector<16xf32>,
      %get3A_663 = arith.constant 45 : i32
      %get3A_664 = arith.index_cast %rem3A_74 : i32 to index
      %get3A_665 = arith.index_cast %get3A_663 : i32 to index
      %get3A_666 = arith.constant 16 : index
      %get3A_667 = tpu.vector_load %arg6[%get3A_664, %get3A_665, %get3A_666] {strides = array<i32>} : memref<4x128x32xf32, #tpu.memory_space<vmem>>, vector<16xf32>,
      tpu.vector_store_idx %arg7[%add3A_64, %broadcast_in_dim3A_657], %get3A_667 : memref<32x129xf32, #tpu.memory_space<vmem>>[vector<16xi32>, vector<16xi32>], vector<16xf32>,
      %broadcast_in_dim3A_668 = arith.constant 46 : i32
      %broadcast_in_dim3A_669 = vector.broadcast %broadcast_in_dim3A_668 : i32 to vector<16xi32>
      %get3A_670 = arith.constant 46 : i32
      %get3A_671 = arith.index_cast %rem3A_74 : i32 to index
      %get3A_672 = arith.index_cast %get3A_670 : i32 to index
      %get3A_673 = arith.constant 0 : index
      %get3A_674 = tpu.vector_load %arg6[%get3A_671, %get3A_672, %get3A_673] {strides = array<i32>} : memref<4x128x32xf32, #tpu.memory_space<vmem>>, vector<16xf32>,
      tpu.vector_store_idx %arg7[%iota3A, %broadcast_in_dim3A_669], %get3A_674 : memref<32x129xf32, #tpu.memory_space<vmem>>[vector<16xi32>, vector<16xi32>], vector<16xf32>,
      %get3A_675 = arith.constant 46 : i32
      %get3A_676 = arith.index_cast %rem3A_74 : i32 to index
      %get3A_677 = arith.index_cast %get3A_675 : i32 to index
      %get3A_678 = arith.constant 16 : index
      %get3A_679 = tpu.vector_load %arg6[%get3A_676, %get3A_677, %get3A_678] {strides = array<i32>} : memref<4x128x32xf32, #tpu.memory_space<vmem>>, vector<16xf32>,
      tpu.vector_store_idx %arg7[%add3A_64, %broadcast_in_dim3A_669], %get3A_679 : memref<32x129xf32, #tpu.memory_space<vmem>>[vector<16xi32>, vector<16xi32>], vector<16xf32>,
      %broadcast_in_dim3A_680 = arith.constant 47 : i32
      %broadcast_in_dim3A_681 = vector.broadcast %broadcast_in_dim3A_680 : i32 to vector<16xi32>
      %get3A_682 = arith.constant 47 : i32
      %get3A_683 = arith.index_cast %rem3A_74 : i32 to index
      %get3A_684 = arith.index_cast %get3A_682 : i32 to index
      %get3A_685 = arith.constant 0 : index
      %get3A_686 = tpu.vector_load %arg6[%get3A_683, %get3A_684, %get3A_685] {strides = array<i32>} : memref<4x128x32xf32, #tpu.memory_space<vmem>>, vector<16xf32>,
      tpu.vector_store_idx %arg7[%iota3A, %broadcast_in_dim3A_681], %get3A_686 : memref<32x129xf32, #tpu.memory_space<vmem>>[vector<16xi32>, vector<16xi32>], vector<16xf32>,
      %get3A_687 = arith.constant 47 : i32
      %get3A_688 = arith.index_cast %rem3A_74 : i32 to index
      %get3A_689 = arith.index_cast %get3A_687 : i32 to index
      %get3A_690 = arith.constant 16 : index
      %get3A_691 = tpu.vector_load %arg6[%get3A_688, %get3A_689, %get3A_690] {strides = array<i32>} : memref<4x128x32xf32, #tpu.memory_space<vmem>>, vector<16xf32>,
      tpu.vector_store_idx %arg7[%add3A_64, %broadcast_in_dim3A_681], %get3A_691 : memref<32x129xf32, #tpu.memory_space<vmem>>[vector<16xi32>, vector<16xi32>], vector<16xf32>,
      %broadcast_in_dim3A_692 = arith.constant 48 : i32
      %broadcast_in_dim3A_693 = vector.broadcast %broadcast_in_dim3A_692 : i32 to vector<16xi32>
      %get3A_694 = arith.constant 48 : i32
      %get3A_695 = arith.index_cast %rem3A_74 : i32 to index
      %get3A_696 = arith.index_cast %get3A_694 : i32 to index
      %get3A_697 = arith.constant 0 : index
      %get3A_698 = tpu.vector_load %arg6[%get3A_695, %get3A_696, %get3A_697] {strides = array<i32>} : memref<4x128x32xf32, #tpu.memory_space<vmem>>, vector<16xf32>,
      tpu.vector_store_idx %arg7[%iota3A, %broadcast_in_dim3A_693], %get3A_698 : memref<32x129xf32, #tpu.memory_space<vmem>>[vector<16xi32>, vector<16xi32>], vector<16xf32>,
      %get3A_699 = arith.constant 48 : i32
      %get3A_700 = arith.index_cast %rem3A_74 : i32 to index
      %get3A_701 = arith.index_cast %get3A_699 : i32 to index
      %get3A_702 = arith.constant 16 : index
      %get3A_703 = tpu.vector_load %arg6[%get3A_700, %get3A_701, %get3A_702] {strides = array<i32>} : memref<4x128x32xf32, #tpu.memory_space<vmem>>, vector<16xf32>,
      tpu.vector_store_idx %arg7[%add3A_64, %broadcast_in_dim3A_693], %get3A_703 : memref<32x129xf32, #tpu.memory_space<vmem>>[vector<16xi32>, vector<16xi32>], vector<16xf32>,
      %broadcast_in_dim3A_704 = arith.constant 49 : i32
      %broadcast_in_dim3A_705 = vector.broadcast %broadcast_in_dim3A_704 : i32 to vector<16xi32>
      %get3A_706 = arith.constant 49 : i32
      %get3A_707 = arith.index_cast %rem3A_74 : i32 to index
      %get3A_708 = arith.index_cast %get3A_706 : i32 to index
      %get3A_709 = arith.constant 0 : index
      %get3A_710 = tpu.vector_load %arg6[%get3A_707, %get3A_708, %get3A_709] {strides = array<i32>} : memref<4x128x32xf32, #tpu.memory_space<vmem>>, vector<16xf32>,
      tpu.vector_store_idx %arg7[%iota3A, %broadcast_in_dim3A_705], %get3A_710 : memref<32x129xf32, #tpu.memory_space<vmem>>[vector<16xi32>, vector<16xi32>], vector<16xf32>,
      %get3A_711 = arith.constant 49 : i32
      %get3A_712 = arith.index_cast %rem3A_74 : i32 to index
      %get3A_713 = arith.index_cast %get3A_711 : i32 to index
      %get3A_714 = arith.constant 16 : index
      %get3A_715 = tpu.vector_load %arg6[%get3A_712, %get3A_713, %get3A_714] {strides = array<i32>} : memref<4x128x32xf32, #tpu.memory_space<vmem>>, vector<16xf32>,
      tpu.vector_store_idx %arg7[%add3A_64, %broadcast_in_dim3A_705], %get3A_715 : memref<32x129xf32, #tpu.memory_space<vmem>>[vector<16xi32>, vector<16xi32>], vector<16xf32>,
      %broadcast_in_dim3A_716 = arith.constant 50 : i32
      %broadcast_in_dim3A_717 = vector.broadcast %broadcast_in_dim3A_716 : i32 to vector<16xi32>
      %get3A_718 = arith.constant 50 : i32
      %get3A_719 = arith.index_cast %rem3A_74 : i32 to index
      %get3A_720 = arith.index_cast %get3A_718 : i32 to index
      %get3A_721 = arith.constant 0 : index
      %get3A_722 = tpu.vector_load %arg6[%get3A_719, %get3A_720, %get3A_721] {strides = array<i32>} : memref<4x128x32xf32, #tpu.memory_space<vmem>>, vector<16xf32>,
      tpu.vector_store_idx %arg7[%iota3A, %broadcast_in_dim3A_717], %get3A_722 : memref<32x129xf32, #tpu.memory_space<vmem>>[vector<16xi32>, vector<16xi32>], vector<16xf32>,
      %get3A_723 = arith.constant 50 : i32
      %get3A_724 = arith.index_cast %rem3A_74 : i32 to index
      %get3A_725 = arith.index_cast %get3A_723 : i32 to index
      %get3A_726 = arith.constant 16 : index
      %get3A_727 = tpu.vector_load %arg6[%get3A_724, %get3A_725, %get3A_726] {strides = array<i32>} : memref<4x128x32xf32, #tpu.memory_space<vmem>>, vector<16xf32>,
      tpu.vector_store_idx %arg7[%add3A_64, %broadcast_in_dim3A_717], %get3A_727 : memref<32x129xf32, #tpu.memory_space<vmem>>[vector<16xi32>, vector<16xi32>], vector<16xf32>,
      %broadcast_in_dim3A_728 = arith.constant 51 : i32
      %broadcast_in_dim3A_729 = vector.broadcast %broadcast_in_dim3A_728 : i32 to vector<16xi32>
      %get3A_730 = arith.constant 51 : i32
      %get3A_731 = arith.index_cast %rem3A_74 : i32 to index
      %get3A_732 = arith.index_cast %get3A_730 : i32 to index
      %get3A_733 = arith.constant 0 : index
      %get3A_734 = tpu.vector_load %arg6[%get3A_731, %get3A_732, %get3A_733] {strides = array<i32>} : memref<4x128x32xf32, #tpu.memory_space<vmem>>, vector<16xf32>,
      tpu.vector_store_idx %arg7[%iota3A, %broadcast_in_dim3A_729], %get3A_734 : memref<32x129xf32, #tpu.memory_space<vmem>>[vector<16xi32>, vector<16xi32>], vector<16xf32>,
      %get3A_735 = arith.constant 51 : i32
      %get3A_736 = arith.index_cast %rem3A_74 : i32 to index
      %get3A_737 = arith.index_cast %get3A_735 : i32 to index
      %get3A_738 = arith.constant 16 : index
      %get3A_739 = tpu.vector_load %arg6[%get3A_736, %get3A_737, %get3A_738] {strides = array<i32>} : memref<4x128x32xf32, #tpu.memory_space<vmem>>, vector<16xf32>,
      tpu.vector_store_idx %arg7[%add3A_64, %broadcast_in_dim3A_729], %get3A_739 : memref<32x129xf32, #tpu.memory_space<vmem>>[vector<16xi32>, vector<16xi32>], vector<16xf32>,
      %broadcast_in_dim3A_740 = arith.constant 52 : i32
      %broadcast_in_dim3A_741 = vector.broadcast %broadcast_in_dim3A_740 : i32 to vector<16xi32>
      %get3A_742 = arith.constant 52 : i32
      %get3A_743 = arith.index_cast %rem3A_74 : i32 to index
      %get3A_744 = arith.index_cast %get3A_742 : i32 to index
      %get3A_745 = arith.constant 0 : index
      %get3A_746 = tpu.vector_load %arg6[%get3A_743, %get3A_744, %get3A_745] {strides = array<i32>} : memref<4x128x32xf32, #tpu.memory_space<vmem>>, vector<16xf32>,
      tpu.vector_store_idx %arg7[%iota3A, %broadcast_in_dim3A_741], %get3A_746 : memref<32x129xf32, #tpu.memory_space<vmem>>[vector<16xi32>, vector<16xi32>], vector<16xf32>,
      %get3A_747 = arith.constant 52 : i32
      %get3A_748 = arith.index_cast %rem3A_74 : i32 to index
      %get3A_749 = arith.index_cast %get3A_747 : i32 to index
      %get3A_750 = arith.constant 16 : index
      %get3A_751 = tpu.vector_load %arg6[%get3A_748, %get3A_749, %get3A_750] {strides = array<i32>} : memref<4x128x32xf32, #tpu.memory_space<vmem>>, vector<16xf32>,
      tpu.vector_store_idx %arg7[%add3A_64, %broadcast_in_dim3A_741], %get3A_751 : memref<32x129xf32, #tpu.memory_space<vmem>>[vector<16xi32>, vector<16xi32>], vector<16xf32>,
      %broadcast_in_dim3A_752 = arith.constant 53 : i32
      %broadcast_in_dim3A_753 = vector.broadcast %broadcast_in_dim3A_752 : i32 to vector<16xi32>
      %get3A_754 = arith.constant 53 : i32
      %get3A_755 = arith.index_cast %rem3A_74 : i32 to index
      %get3A_756 = arith.index_cast %get3A_754 : i32 to index
      %get3A_757 = arith.constant 0 : index
      %get3A_758 = tpu.vector_load %arg6[%get3A_755, %get3A_756, %get3A_757] {strides = array<i32>} : memref<4x128x32xf32, #tpu.memory_space<vmem>>, vector<16xf32>,
      tpu.vector_store_idx %arg7[%iota3A, %broadcast_in_dim3A_753], %get3A_758 : memref<32x129xf32, #tpu.memory_space<vmem>>[vector<16xi32>, vector<16xi32>], vector<16xf32>,
      %get3A_759 = arith.constant 53 : i32
      %get3A_760 = arith.index_cast %rem3A_74 : i32 to index
      %get3A_761 = arith.index_cast %get3A_759 : i32 to index
      %get3A_762 = arith.constant 16 : index
      %get3A_763 = tpu.vector_load %arg6[%get3A_760, %get3A_761, %get3A_762] {strides = array<i32>} : memref<4x128x32xf32, #tpu.memory_space<vmem>>, vector<16xf32>,
      tpu.vector_store_idx %arg7[%add3A_64, %broadcast_in_dim3A_753], %get3A_763 : memref<32x129xf32, #tpu.memory_space<vmem>>[vector<16xi32>, vector<16xi32>], vector<16xf32>,
      %broadcast_in_dim3A_764 = arith.constant 54 : i32
      %broadcast_in_dim3A_765 = vector.broadcast %broadcast_in_dim3A_764 : i32 to vector<16xi32>
      %get3A_766 = arith.constant 54 : i32
      %get3A_767 = arith.index_cast %rem3A_74 : i32 to index
      %get3A_768 = arith.index_cast %get3A_766 : i32 to index
      %get3A_769 = arith.constant 0 : index
      %get3A_770 = tpu.vector_load %arg6[%get3A_767, %get3A_768, %get3A_769] {strides = array<i32>} : memref<4x128x32xf32, #tpu.memory_space<vmem>>, vector<16xf32>,
      tpu.vector_store_idx %arg7[%iota3A, %broadcast_in_dim3A_765], %get3A_770 : memref<32x129xf32, #tpu.memory_space<vmem>>[vector<16xi32>, vector<16xi32>], vector<16xf32>,
      %get3A_771 = arith.constant 54 : i32
      %get3A_772 = arith.index_cast %rem3A_74 : i32 to index
      %get3A_773 = arith.index_cast %get3A_771 : i32 to index
      %get3A_774 = arith.constant 16 : index
      %get3A_775 = tpu.vector_load %arg6[%get3A_772, %get3A_773, %get3A_774] {strides = array<i32>} : memref<4x128x32xf32, #tpu.memory_space<vmem>>, vector<16xf32>,
      tpu.vector_store_idx %arg7[%add3A_64, %broadcast_in_dim3A_765], %get3A_775 : memref<32x129xf32, #tpu.memory_space<vmem>>[vector<16xi32>, vector<16xi32>], vector<16xf32>,
      %broadcast_in_dim3A_776 = arith.constant 55 : i32
      %broadcast_in_dim3A_777 = vector.broadcast %broadcast_in_dim3A_776 : i32 to vector<16xi32>
      %get3A_778 = arith.constant 55 : i32
      %get3A_779 = arith.index_cast %rem3A_74 : i32 to index
      %get3A_780 = arith.index_cast %get3A_778 : i32 to index
      %get3A_781 = arith.constant 0 : index
      %get3A_782 = tpu.vector_load %arg6[%get3A_779, %get3A_780, %get3A_781] {strides = array<i32>} : memref<4x128x32xf32, #tpu.memory_space<vmem>>, vector<16xf32>,
      tpu.vector_store_idx %arg7[%iota3A, %broadcast_in_dim3A_777], %get3A_782 : memref<32x129xf32, #tpu.memory_space<vmem>>[vector<16xi32>, vector<16xi32>], vector<16xf32>,
      %get3A_783 = arith.constant 55 : i32
      %get3A_784 = arith.index_cast %rem3A_74 : i32 to index
      %get3A_785 = arith.index_cast %get3A_783 : i32 to index
      %get3A_786 = arith.constant 16 : index
      %get3A_787 = tpu.vector_load %arg6[%get3A_784, %get3A_785, %get3A_786] {strides = array<i32>} : memref<4x128x32xf32, #tpu.memory_space<vmem>>, vector<16xf32>,
      tpu.vector_store_idx %arg7[%add3A_64, %broadcast_in_dim3A_777], %get3A_787 : memref<32x129xf32, #tpu.memory_space<vmem>>[vector<16xi32>, vector<16xi32>], vector<16xf32>,
      %broadcast_in_dim3A_788 = arith.constant 56 : i32
      %broadcast_in_dim3A_789 = vector.broadcast %broadcast_in_dim3A_788 : i32 to vector<16xi32>
      %get3A_790 = arith.constant 56 : i32
      %get3A_791 = arith.index_cast %rem3A_74 : i32 to index
      %get3A_792 = arith.index_cast %get3A_790 : i32 to index
      %get3A_793 = arith.constant 0 : index
      %get3A_794 = tpu.vector_load %arg6[%get3A_791, %get3A_792, %get3A_793] {strides = array<i32>} : memref<4x128x32xf32, #tpu.memory_space<vmem>>, vector<16xf32>,
      tpu.vector_store_idx %arg7[%iota3A, %broadcast_in_dim3A_789], %get3A_794 : memref<32x129xf32, #tpu.memory_space<vmem>>[vector<16xi32>, vector<16xi32>], vector<16xf32>,
      %get3A_795 = arith.constant 56 : i32
      %get3A_796 = arith.index_cast %rem3A_74 : i32 to index
      %get3A_797 = arith.index_cast %get3A_795 : i32 to index
      %get3A_798 = arith.constant 16 : index
      %get3A_799 = tpu.vector_load %arg6[%get3A_796, %get3A_797, %get3A_798] {strides = array<i32>} : memref<4x128x32xf32, #tpu.memory_space<vmem>>, vector<16xf32>,
      tpu.vector_store_idx %arg7[%add3A_64, %broadcast_in_dim3A_789], %get3A_799 : memref<32x129xf32, #tpu.memory_space<vmem>>[vector<16xi32>, vector<16xi32>], vector<16xf32>,
      %broadcast_in_dim3A_800 = arith.constant 57 : i32
      %broadcast_in_dim3A_801 = vector.broadcast %broadcast_in_dim3A_800 : i32 to vector<16xi32>
      %get3A_802 = arith.constant 57 : i32
      %get3A_803 = arith.index_cast %rem3A_74 : i32 to index
      %get3A_804 = arith.index_cast %get3A_802 : i32 to index
      %get3A_805 = arith.constant 0 : index
      %get3A_806 = tpu.vector_load %arg6[%get3A_803, %get3A_804, %get3A_805] {strides = array<i32>} : memref<4x128x32xf32, #tpu.memory_space<vmem>>, vector<16xf32>,
      tpu.vector_store_idx %arg7[%iota3A, %broadcast_in_dim3A_801], %get3A_806 : memref<32x129xf32, #tpu.memory_space<vmem>>[vector<16xi32>, vector<16xi32>], vector<16xf32>,
      %get3A_807 = arith.constant 57 : i32
      %get3A_808 = arith.index_cast %rem3A_74 : i32 to index
      %get3A_809 = arith.index_cast %get3A_807 : i32 to index
      %get3A_810 = arith.constant 16 : index
      %get3A_811 = tpu.vector_load %arg6[%get3A_808, %get3A_809, %get3A_810] {strides = array<i32>} : memref<4x128x32xf32, #tpu.memory_space<vmem>>, vector<16xf32>,
      tpu.vector_store_idx %arg7[%add3A_64, %broadcast_in_dim3A_801], %get3A_811 : memref<32x129xf32, #tpu.memory_space<vmem>>[vector<16xi32>, vector<16xi32>], vector<16xf32>,
      %broadcast_in_dim3A_812 = arith.constant 58 : i32
      %broadcast_in_dim3A_813 = vector.broadcast %broadcast_in_dim3A_812 : i32 to vector<16xi32>
      %get3A_814 = arith.constant 58 : i32
      %get3A_815 = arith.index_cast %rem3A_74 : i32 to index
      %get3A_816 = arith.index_cast %get3A_814 : i32 to index
      %get3A_817 = arith.constant 0 : index
      %get3A_818 = tpu.vector_load %arg6[%get3A_815, %get3A_816, %get3A_817] {strides = array<i32>} : memref<4x128x32xf32, #tpu.memory_space<vmem>>, vector<16xf32>,
      tpu.vector_store_idx %arg7[%iota3A, %broadcast_in_dim3A_813], %get3A_818 : memref<32x129xf32, #tpu.memory_space<vmem>>[vector<16xi32>, vector<16xi32>], vector<16xf32>,
      %get3A_819 = arith.constant 58 : i32
      %get3A_820 = arith.index_cast %rem3A_74 : i32 to index
      %get3A_821 = arith.index_cast %get3A_819 : i32 to index
      %get3A_822 = arith.constant 16 : index
      %get3A_823 = tpu.vector_load %arg6[%get3A_820, %get3A_821, %get3A_822] {strides = array<i32>} : memref<4x128x32xf32, #tpu.memory_space<vmem>>, vector<16xf32>,
      tpu.vector_store_idx %arg7[%add3A_64, %broadcast_in_dim3A_813], %get3A_823 : memref<32x129xf32, #tpu.memory_space<vmem>>[vector<16xi32>, vector<16xi32>], vector<16xf32>,
      %broadcast_in_dim3A_824 = arith.constant 59 : i32
      %broadcast_in_dim3A_825 = vector.broadcast %broadcast_in_dim3A_824 : i32 to vector<16xi32>
      %get3A_826 = arith.constant 59 : i32
      %get3A_827 = arith.index_cast %rem3A_74 : i32 to index
      %get3A_828 = arith.index_cast %get3A_826 : i32 to index
      %get3A_829 = arith.constant 0 : index
      %get3A_830 = tpu.vector_load %arg6[%get3A_827, %get3A_828, %get3A_829] {strides = array<i32>} : memref<4x128x32xf32, #tpu.memory_space<vmem>>, vector<16xf32>,
      tpu.vector_store_idx %arg7[%iota3A, %broadcast_in_dim3A_825], %get3A_830 : memref<32x129xf32, #tpu.memory_space<vmem>>[vector<16xi32>, vector<16xi32>], vector<16xf32>,
      %get3A_831 = arith.constant 59 : i32
      %get3A_832 = arith.index_cast %rem3A_74 : i32 to index
      %get3A_833 = arith.index_cast %get3A_831 : i32 to index
      %get3A_834 = arith.constant 16 : index
      %get3A_835 = tpu.vector_load %arg6[%get3A_832, %get3A_833, %get3A_834] {strides = array<i32>} : memref<4x128x32xf32, #tpu.memory_space<vmem>>, vector<16xf32>,
      tpu.vector_store_idx %arg7[%add3A_64, %broadcast_in_dim3A_825], %get3A_835 : memref<32x129xf32, #tpu.memory_space<vmem>>[vector<16xi32>, vector<16xi32>], vector<16xf32>,
      %broadcast_in_dim3A_836 = arith.constant 60 : i32
      %broadcast_in_dim3A_837 = vector.broadcast %broadcast_in_dim3A_836 : i32 to vector<16xi32>
      %get3A_838 = arith.constant 60 : i32
      %get3A_839 = arith.index_cast %rem3A_74 : i32 to index
      %get3A_840 = arith.index_cast %get3A_838 : i32 to index
      %get3A_841 = arith.constant 0 : index
      %get3A_842 = tpu.vector_load %arg6[%get3A_839, %get3A_840, %get3A_841] {strides = array<i32>} : memref<4x128x32xf32, #tpu.memory_space<vmem>>, vector<16xf32>,
      tpu.vector_store_idx %arg7[%iota3A, %broadcast_in_dim3A_837], %get3A_842 : memref<32x129xf32, #tpu.memory_space<vmem>>[vector<16xi32>, vector<16xi32>], vector<16xf32>,
      %get3A_843 = arith.constant 60 : i32
      %get3A_844 = arith.index_cast %rem3A_74 : i32 to index
      %get3A_845 = arith.index_cast %get3A_843 : i32 to index
      %get3A_846 = arith.constant 16 : index
      %get3A_847 = tpu.vector_load %arg6[%get3A_844, %get3A_845, %get3A_846] {strides = array<i32>} : memref<4x128x32xf32, #tpu.memory_space<vmem>>, vector<16xf32>,
      tpu.vector_store_idx %arg7[%add3A_64, %broadcast_in_dim3A_837], %get3A_847 : memref<32x129xf32, #tpu.memory_space<vmem>>[vector<16xi32>, vector<16xi32>], vector<16xf32>,
      %broadcast_in_dim3A_848 = arith.constant 61 : i32
      %broadcast_in_dim3A_849 = vector.broadcast %broadcast_in_dim3A_848 : i32 to vector<16xi32>
      %get3A_850 = arith.constant 61 : i32
      %get3A_851 = arith.index_cast %rem3A_74 : i32 to index
      %get3A_852 = arith.index_cast %get3A_850 : i32 to index
      %get3A_853 = arith.constant 0 : index
      %get3A_854 = tpu.vector_load %arg6[%get3A_851, %get3A_852, %get3A_853] {strides = array<i32>} : memref<4x128x32xf32, #tpu.memory_space<vmem>>, vector<16xf32>,
      tpu.vector_store_idx %arg7[%iota3A, %broadcast_in_dim3A_849], %get3A_854 : memref<32x129xf32, #tpu.memory_space<vmem>>[vector<16xi32>, vector<16xi32>], vector<16xf32>,
      %get3A_855 = arith.constant 61 : i32
      %get3A_856 = arith.index_cast %rem3A_74 : i32 to index
      %get3A_857 = arith.index_cast %get3A_855 : i32 to index
      %get3A_858 = arith.constant 16 : index
      %get3A_859 = tpu.vector_load %arg6[%get3A_856, %get3A_857, %get3A_858] {strides = array<i32>} : memref<4x128x32xf32, #tpu.memory_space<vmem>>, vector<16xf32>,
      tpu.vector_store_idx %arg7[%add3A_64, %broadcast_in_dim3A_849], %get3A_859 : memref<32x129xf32, #tpu.memory_space<vmem>>[vector<16xi32>, vector<16xi32>], vector<16xf32>,
      %broadcast_in_dim3A_860 = arith.constant 62 : i32
      %broadcast_in_dim3A_861 = vector.broadcast %broadcast_in_dim3A_860 : i32 to vector<16xi32>
      %get3A_862 = arith.constant 62 : i32
      %get3A_863 = arith.index_cast %rem3A_74 : i32 to index
      %get3A_864 = arith.index_cast %get3A_862 : i32 to index
      %get3A_865 = arith.constant 0 : index
      %get3A_866 = tpu.vector_load %arg6[%get3A_863, %get3A_864, %get3A_865] {strides = array<i32>} : memref<4x128x32xf32, #tpu.memory_space<vmem>>, vector<16xf32>,
      tpu.vector_store_idx %arg7[%iota3A, %broadcast_in_dim3A_861], %get3A_866 : memref<32x129xf32, #tpu.memory_space<vmem>>[vector<16xi32>, vector<16xi32>], vector<16xf32>,
      %get3A_867 = arith.constant 62 : i32
      %get3A_868 = arith.index_cast %rem3A_74 : i32 to index
      %get3A_869 = arith.index_cast %get3A_867 : i32 to index
      %get3A_870 = arith.constant 16 : index
      %get3A_871 = tpu.vector_load %arg6[%get3A_868, %get3A_869, %get3A_870] {strides = array<i32>} : memref<4x128x32xf32, #tpu.memory_space<vmem>>, vector<16xf32>,
      tpu.vector_store_idx %arg7[%add3A_64, %broadcast_in_dim3A_861], %get3A_871 : memref<32x129xf32, #tpu.memory_space<vmem>>[vector<16xi32>, vector<16xi32>], vector<16xf32>,
      %broadcast_in_dim3A_872 = arith.constant 63 : i32
      %broadcast_in_dim3A_873 = vector.broadcast %broadcast_in_dim3A_872 : i32 to vector<16xi32>
      %get3A_874 = arith.constant 63 : i32
      %get3A_875 = arith.index_cast %rem3A_74 : i32 to index
      %get3A_876 = arith.index_cast %get3A_874 : i32 to index
      %get3A_877 = arith.constant 0 : index
      %get3A_878 = tpu.vector_load %arg6[%get3A_875, %get3A_876, %get3A_877] {strides = array<i32>} : memref<4x128x32xf32, #tpu.memory_space<vmem>>, vector<16xf32>,
      tpu.vector_store_idx %arg7[%iota3A, %broadcast_in_dim3A_873], %get3A_878 : memref<32x129xf32, #tpu.memory_space<vmem>>[vector<16xi32>, vector<16xi32>], vector<16xf32>,
      %get3A_879 = arith.constant 63 : i32
      %get3A_880 = arith.index_cast %rem3A_74 : i32 to index
      %get3A_881 = arith.index_cast %get3A_879 : i32 to index
      %get3A_882 = arith.constant 16 : index
      %get3A_883 = tpu.vector_load %arg6[%get3A_880, %get3A_881, %get3A_882] {strides = array<i32>} : memref<4x128x32xf32, #tpu.memory_space<vmem>>, vector<16xf32>,
      tpu.vector_store_idx %arg7[%add3A_64, %broadcast_in_dim3A_873], %get3A_883 : memref<32x129xf32, #tpu.memory_space<vmem>>[vector<16xi32>, vector<16xi32>], vector<16xf32>,
      %broadcast_in_dim3A_884 = arith.constant 64 : i32
      %broadcast_in_dim3A_885 = vector.broadcast %broadcast_in_dim3A_884 : i32 to vector<16xi32>
      %get3A_886 = arith.constant 64 : i32
      %get3A_887 = arith.index_cast %rem3A_74 : i32 to index
      %get3A_888 = arith.index_cast %get3A_886 : i32 to index
      %get3A_889 = arith.constant 0 : index
      %get3A_890 = tpu.vector_load %arg6[%get3A_887, %get3A_888, %get3A_889] {strides = array<i32>} : memref<4x128x32xf32, #tpu.memory_space<vmem>>, vector<16xf32>,
      tpu.vector_store_idx %arg7[%iota3A, %broadcast_in_dim3A_885], %get3A_890 : memref<32x129xf32, #tpu.memory_space<vmem>>[vector<16xi32>, vector<16xi32>], vector<16xf32>,
      %get3A_891 = arith.constant 64 : i32
      %get3A_892 = arith.index_cast %rem3A_74 : i32 to index
      %get3A_893 = arith.index_cast %get3A_891 : i32 to index
      %get3A_894 = arith.constant 16 : index
      %get3A_895 = tpu.vector_load %arg6[%get3A_892, %get3A_893, %get3A_894] {strides = array<i32>} : memref<4x128x32xf32, #tpu.memory_space<vmem>>, vector<16xf32>,
      tpu.vector_store_idx %arg7[%add3A_64, %broadcast_in_dim3A_885], %get3A_895 : memref<32x129xf32, #tpu.memory_space<vmem>>[vector<16xi32>, vector<16xi32>], vector<16xf32>,
      %broadcast_in_dim3A_896 = arith.constant 65 : i32
      %broadcast_in_dim3A_897 = vector.broadcast %broadcast_in_dim3A_896 : i32 to vector<16xi32>
      %get3A_898 = arith.constant 65 : i32
      %get3A_899 = arith.index_cast %rem3A_74 : i32 to index
      %get3A_900 = arith.index_cast %get3A_898 : i32 to index
      %get3A_901 = arith.constant 0 : index
      %get3A_902 = tpu.vector_load %arg6[%get3A_899, %get3A_900, %get3A_901] {strides = array<i32>} : memref<4x128x32xf32, #tpu.memory_space<vmem>>, vector<16xf32>,
      tpu.vector_store_idx %arg7[%iota3A, %broadcast_in_dim3A_897], %get3A_902 : memref<32x129xf32, #tpu.memory_space<vmem>>[vector<16xi32>, vector<16xi32>], vector<16xf32>,
      %get3A_903 = arith.constant 65 : i32
      %get3A_904 = arith.index_cast %rem3A_74 : i32 to index
      %get3A_905 = arith.index_cast %get3A_903 : i32 to index
      %get3A_906 = arith.constant 16 : index
      %get3A_907 = tpu.vector_load %arg6[%get3A_904, %get3A_905, %get3A_906] {strides = array<i32>} : memref<4x128x32xf32, #tpu.memory_space<vmem>>, vector<16xf32>,
      tpu.vector_store_idx %arg7[%add3A_64, %broadcast_in_dim3A_897], %get3A_907 : memref<32x129xf32, #tpu.memory_space<vmem>>[vector<16xi32>, vector<16xi32>], vector<16xf32>,
      %broadcast_in_dim3A_908 = arith.constant 66 : i32
      %broadcast_in_dim3A_909 = vector.broadcast %broadcast_in_dim3A_908 : i32 to vector<16xi32>
      %get3A_910 = arith.constant 66 : i32
      %get3A_911 = arith.index_cast %rem3A_74 : i32 to index
      %get3A_912 = arith.index_cast %get3A_910 : i32 to index
      %get3A_913 = arith.constant 0 : index
      %get3A_914 = tpu.vector_load %arg6[%get3A_911, %get3A_912, %get3A_913] {strides = array<i32>} : memref<4x128x32xf32, #tpu.memory_space<vmem>>, vector<16xf32>,
      tpu.vector_store_idx %arg7[%iota3A, %broadcast_in_dim3A_909], %get3A_914 : memref<32x129xf32, #tpu.memory_space<vmem>>[vector<16xi32>, vector<16xi32>], vector<16xf32>,
      %get3A_915 = arith.constant 66 : i32
      %get3A_916 = arith.index_cast %rem3A_74 : i32 to index
      %get3A_917 = arith.index_cast %get3A_915 : i32 to index
      %get3A_918 = arith.constant 16 : index
      %get3A_919 = tpu.vector_load %arg6[%get3A_916, %get3A_917, %get3A_918] {strides = array<i32>} : memref<4x128x32xf32, #tpu.memory_space<vmem>>, vector<16xf32>,
      tpu.vector_store_idx %arg7[%add3A_64, %broadcast_in_dim3A_909], %get3A_919 : memref<32x129xf32, #tpu.memory_space<vmem>>[vector<16xi32>, vector<16xi32>], vector<16xf32>,
      %broadcast_in_dim3A_920 = arith.constant 67 : i32
      %broadcast_in_dim3A_921 = vector.broadcast %broadcast_in_dim3A_920 : i32 to vector<16xi32>
      %get3A_922 = arith.constant 67 : i32
      %get3A_923 = arith.index_cast %rem3A_74 : i32 to index
      %get3A_924 = arith.index_cast %get3A_922 : i32 to index
      %get3A_925 = arith.constant 0 : index
      %get3A_926 = tpu.vector_load %arg6[%get3A_923, %get3A_924, %get3A_925] {strides = array<i32>} : memref<4x128x32xf32, #tpu.memory_space<vmem>>, vector<16xf32>,
      tpu.vector_store_idx %arg7[%iota3A, %broadcast_in_dim3A_921], %get3A_926 : memref<32x129xf32, #tpu.memory_space<vmem>>[vector<16xi32>, vector<16xi32>], vector<16xf32>,
      %get3A_927 = arith.constant 67 : i32
      %get3A_928 = arith.index_cast %rem3A_74 : i32 to index
      %get3A_929 = arith.index_cast %get3A_927 : i32 to index
      %get3A_930 = arith.constant 16 : index
      %get3A_931 = tpu.vector_load %arg6[%get3A_928, %get3A_929, %get3A_930] {strides = array<i32>} : memref<4x128x32xf32, #tpu.memory_space<vmem>>, vector<16xf32>,
      tpu.vector_store_idx %arg7[%add3A_64, %broadcast_in_dim3A_921], %get3A_931 : memref<32x129xf32, #tpu.memory_space<vmem>>[vector<16xi32>, vector<16xi32>], vector<16xf32>,
      %broadcast_in_dim3A_932 = arith.constant 68 : i32
      %broadcast_in_dim3A_933 = vector.broadcast %broadcast_in_dim3A_932 : i32 to vector<16xi32>
      %get3A_934 = arith.constant 68 : i32
      %get3A_935 = arith.index_cast %rem3A_74 : i32 to index
      %get3A_936 = arith.index_cast %get3A_934 : i32 to index
      %get3A_937 = arith.constant 0 : index
      %get3A_938 = tpu.vector_load %arg6[%get3A_935, %get3A_936, %get3A_937] {strides = array<i32>} : memref<4x128x32xf32, #tpu.memory_space<vmem>>, vector<16xf32>,
      tpu.vector_store_idx %arg7[%iota3A, %broadcast_in_dim3A_933], %get3A_938 : memref<32x129xf32, #tpu.memory_space<vmem>>[vector<16xi32>, vector<16xi32>], vector<16xf32>,
      %get3A_939 = arith.constant 68 : i32
      %get3A_940 = arith.index_cast %rem3A_74 : i32 to index
      %get3A_941 = arith.index_cast %get3A_939 : i32 to index
      %get3A_942 = arith.constant 16 : index
      %get3A_943 = tpu.vector_load %arg6[%get3A_940, %get3A_941, %get3A_942] {strides = array<i32>} : memref<4x128x32xf32, #tpu.memory_space<vmem>>, vector<16xf32>,
      tpu.vector_store_idx %arg7[%add3A_64, %broadcast_in_dim3A_933], %get3A_943 : memref<32x129xf32, #tpu.memory_space<vmem>>[vector<16xi32>, vector<16xi32>], vector<16xf32>,
      %broadcast_in_dim3A_944 = arith.constant 69 : i32
      %broadcast_in_dim3A_945 = vector.broadcast %broadcast_in_dim3A_944 : i32 to vector<16xi32>
      %get3A_946 = arith.constant 69 : i32
      %get3A_947 = arith.index_cast %rem3A_74 : i32 to index
      %get3A_948 = arith.index_cast %get3A_946 : i32 to index
      %get3A_949 = arith.constant 0 : index
      %get3A_950 = tpu.vector_load %arg6[%get3A_947, %get3A_948, %get3A_949] {strides = array<i32>} : memref<4x128x32xf32, #tpu.memory_space<vmem>>, vector<16xf32>,
      tpu.vector_store_idx %arg7[%iota3A, %broadcast_in_dim3A_945], %get3A_950 : memref<32x129xf32, #tpu.memory_space<vmem>>[vector<16xi32>, vector<16xi32>], vector<16xf32>,
      %get3A_951 = arith.constant 69 : i32
      %get3A_952 = arith.index_cast %rem3A_74 : i32 to index
      %get3A_953 = arith.index_cast %get3A_951 : i32 to index
      %get3A_954 = arith.constant 16 : index
      %get3A_955 = tpu.vector_load %arg6[%get3A_952, %get3A_953, %get3A_954] {strides = array<i32>} : memref<4x128x32xf32, #tpu.memory_space<vmem>>, vector<16xf32>,
      tpu.vector_store_idx %arg7[%add3A_64, %broadcast_in_dim3A_945], %get3A_955 : memref<32x129xf32, #tpu.memory_space<vmem>>[vector<16xi32>, vector<16xi32>], vector<16xf32>,
      %broadcast_in_dim3A_956 = arith.constant 70 : i32
      %broadcast_in_dim3A_957 = vector.broadcast %broadcast_in_dim3A_956 : i32 to vector<16xi32>
      %get3A_958 = arith.constant 70 : i32
      %get3A_959 = arith.index_cast %rem3A_74 : i32 to index
      %get3A_960 = arith.index_cast %get3A_958 : i32 to index
      %get3A_961 = arith.constant 0 : index
      %get3A_962 = tpu.vector_load %arg6[%get3A_959, %get3A_960, %get3A_961] {strides = array<i32>} : memref<4x128x32xf32, #tpu.memory_space<vmem>>, vector<16xf32>,
      tpu.vector_store_idx %arg7[%iota3A, %broadcast_in_dim3A_957], %get3A_962 : memref<32x129xf32, #tpu.memory_space<vmem>>[vector<16xi32>, vector<16xi32>], vector<16xf32>,
      %get3A_963 = arith.constant 70 : i32
      %get3A_964 = arith.index_cast %rem3A_74 : i32 to index
      %get3A_965 = arith.index_cast %get3A_963 : i32 to index
      %get3A_966 = arith.constant 16 : index
      %get3A_967 = tpu.vector_load %arg6[%get3A_964, %get3A_965, %get3A_966] {strides = array<i32>} : memref<4x128x32xf32, #tpu.memory_space<vmem>>, vector<16xf32>,
      tpu.vector_store_idx %arg7[%add3A_64, %broadcast_in_dim3A_957], %get3A_967 : memref<32x129xf32, #tpu.memory_space<vmem>>[vector<16xi32>, vector<16xi32>], vector<16xf32>,
      %broadcast_in_dim3A_968 = arith.constant 71 : i32
      %broadcast_in_dim3A_969 = vector.broadcast %broadcast_in_dim3A_968 : i32 to vector<16xi32>
      %get3A_970 = arith.constant 71 : i32
      %get3A_971 = arith.index_cast %rem3A_74 : i32 to index
      %get3A_972 = arith.index_cast %get3A_970 : i32 to index
      %get3A_973 = arith.constant 0 : index
      %get3A_974 = tpu.vector_load %arg6[%get3A_971, %get3A_972, %get3A_973] {strides = array<i32>} : memref<4x128x32xf32, #tpu.memory_space<vmem>>, vector<16xf32>,
      tpu.vector_store_idx %arg7[%iota3A, %broadcast_in_dim3A_969], %get3A_974 : memref<32x129xf32, #tpu.memory_space<vmem>>[vector<16xi32>, vector<16xi32>], vector<16xf32>,
      %get3A_975 = arith.constant 71 : i32
      %get3A_976 = arith.index_cast %rem3A_74 : i32 to index
      %get3A_977 = arith.index_cast %get3A_975 : i32 to index
      %get3A_978 = arith.constant 16 : index
      %get3A_979 = tpu.vector_load %arg6[%get3A_976, %get3A_977, %get3A_978] {strides = array<i32>} : memref<4x128x32xf32, #tpu.memory_space<vmem>>, vector<16xf32>,
      tpu.vector_store_idx %arg7[%add3A_64, %broadcast_in_dim3A_969], %get3A_979 : memref<32x129xf32, #tpu.memory_space<vmem>>[vector<16xi32>, vector<16xi32>], vector<16xf32>,
      %broadcast_in_dim3A_980 = arith.constant 72 : i32
      %broadcast_in_dim3A_981 = vector.broadcast %broadcast_in_dim3A_980 : i32 to vector<16xi32>
      %get3A_982 = arith.constant 72 : i32
      %get3A_983 = arith.index_cast %rem3A_74 : i32 to index
      %get3A_984 = arith.index_cast %get3A_982 : i32 to index
      %get3A_985 = arith.constant 0 : index
      %get3A_986 = tpu.vector_load %arg6[%get3A_983, %get3A_984, %get3A_985] {strides = array<i32>} : memref<4x128x32xf32, #tpu.memory_space<vmem>>, vector<16xf32>,
      tpu.vector_store_idx %arg7[%iota3A, %broadcast_in_dim3A_981], %get3A_986 : memref<32x129xf32, #tpu.memory_space<vmem>>[vector<16xi32>, vector<16xi32>], vector<16xf32>,
      %get3A_987 = arith.constant 72 : i32
      %get3A_988 = arith.index_cast %rem3A_74 : i32 to index
      %get3A_989 = arith.index_cast %get3A_987 : i32 to index
      %get3A_990 = arith.constant 16 : index
      %get3A_991 = tpu.vector_load %arg6[%get3A_988, %get3A_989, %get3A_990] {strides = array<i32>} : memref<4x128x32xf32, #tpu.memory_space<vmem>>, vector<16xf32>,
      tpu.vector_store_idx %arg7[%add3A_64, %broadcast_in_dim3A_981], %get3A_991 : memref<32x129xf32, #tpu.memory_space<vmem>>[vector<16xi32>, vector<16xi32>], vector<16xf32>,
      %broadcast_in_dim3A_992 = arith.constant 73 : i32
      %broadcast_in_dim3A_993 = vector.broadcast %broadcast_in_dim3A_992 : i32 to vector<16xi32>
      %get3A_994 = arith.constant 73 : i32
      %get3A_995 = arith.index_cast %rem3A_74 : i32 to index
      %get3A_996 = arith.index_cast %get3A_994 : i32 to index
      %get3A_997 = arith.constant 0 : index
      %get3A_998 = tpu.vector_load %arg6[%get3A_995, %get3A_996, %get3A_997] {strides = array<i32>} : memref<4x128x32xf32, #tpu.memory_space<vmem>>, vector<16xf32>,
      tpu.vector_store_idx %arg7[%iota3A, %broadcast_in_dim3A_993], %get3A_998 : memref<32x129xf32, #tpu.memory_space<vmem>>[vector<16xi32>, vector<16xi32>], vector<16xf32>,
      %get3A_999 = arith.constant 73 : i32
      %get3A_1000 = arith.index_cast %rem3A_74 : i32 to index
      %get3A_1001 = arith.index_cast %get3A_999 : i32 to index
      %get3A_1002 = arith.constant 16 : index
      %get3A_1003 = tpu.vector_load %arg6[%get3A_1000, %get3A_1001, %get3A_1002] {strides = array<i32>} : memref<4x128x32xf32, #tpu.memory_space<vmem>>, vector<16xf32>,
      tpu.vector_store_idx %arg7[%add3A_64, %broadcast_in_dim3A_993], %get3A_1003 : memref<32x129xf32, #tpu.memory_space<vmem>>[vector<16xi32>, vector<16xi32>], vector<16xf32>,
      %broadcast_in_dim3A_1004 = arith.constant 74 : i32
      %broadcast_in_dim3A_1005 = vector.broadcast %broadcast_in_dim3A_1004 : i32 to vector<16xi32>
      %get3A_1006 = arith.constant 74 : i32
      %get3A_1007 = arith.index_cast %rem3A_74 : i32 to index
      %get3A_1008 = arith.index_cast %get3A_1006 : i32 to index
      %get3A_1009 = arith.constant 0 : index
      %get3A_1010 = tpu.vector_load %arg6[%get3A_1007, %get3A_1008, %get3A_1009] {strides = array<i32>} : memref<4x128x32xf32, #tpu.memory_space<vmem>>, vector<16xf32>,
      tpu.vector_store_idx %arg7[%iota3A, %broadcast_in_dim3A_1005], %get3A_1010 : memref<32x129xf32, #tpu.memory_space<vmem>>[vector<16xi32>, vector<16xi32>], vector<16xf32>,
      %get3A_1011 = arith.constant 74 : i32
      %get3A_1012 = arith.index_cast %rem3A_74 : i32 to index
      %get3A_1013 = arith.index_cast %get3A_1011 : i32 to index
      %get3A_1014 = arith.constant 16 : index
      %get3A_1015 = tpu.vector_load %arg6[%get3A_1012, %get3A_1013, %get3A_1014] {strides = array<i32>} : memref<4x128x32xf32, #tpu.memory_space<vmem>>, vector<16xf32>,
      tpu.vector_store_idx %arg7[%add3A_64, %broadcast_in_dim3A_1005], %get3A_1015 : memref<32x129xf32, #tpu.memory_space<vmem>>[vector<16xi32>, vector<16xi32>], vector<16xf32>,
      %broadcast_in_dim3A_1016 = arith.constant 75 : i32
      %broadcast_in_dim3A_1017 = vector.broadcast %broadcast_in_dim3A_1016 : i32 to vector<16xi32>
      %get3A_1018 = arith.constant 75 : i32
      %get3A_1019 = arith.index_cast %rem3A_74 : i32 to index
      %get3A_1020 = arith.index_cast %get3A_1018 : i32 to index
      %get3A_1021 = arith.constant 0 : index
      %get3A_1022 = tpu.vector_load %arg6[%get3A_1019, %get3A_1020, %get3A_1021] {strides = array<i32>} : memref<4x128x32xf32, #tpu.memory_space<vmem>>, vector<16xf32>,
      tpu.vector_store_idx %arg7[%iota3A, %broadcast_in_dim3A_1017], %get3A_1022 : memref<32x129xf32, #tpu.memory_space<vmem>>[vector<16xi32>, vector<16xi32>], vector<16xf32>,
      %get3A_1023 = arith.constant 75 : i32
      %get3A_1024 = arith.index_cast %rem3A_74 : i32 to index
      %get3A_1025 = arith.index_cast %get3A_1023 : i32 to index
      %get3A_1026 = arith.constant 16 : index
      %get3A_1027 = tpu.vector_load %arg6[%get3A_1024, %get3A_1025, %get3A_1026] {strides = array<i32>} : memref<4x128x32xf32, #tpu.memory_space<vmem>>, vector<16xf32>,
      tpu.vector_store_idx %arg7[%add3A_64, %broadcast_in_dim3A_1017], %get3A_1027 : memref<32x129xf32, #tpu.memory_space<vmem>>[vector<16xi32>, vector<16xi32>], vector<16xf32>,
      %broadcast_in_dim3A_1028 = arith.constant 76 : i32
      %broadcast_in_dim3A_1029 = vector.broadcast %broadcast_in_dim3A_1028 : i32 to vector<16xi32>
      %get3A_1030 = arith.constant 76 : i32
      %get3A_1031 = arith.index_cast %rem3A_74 : i32 to index
      %get3A_1032 = arith.index_cast %get3A_1030 : i32 to index
      %get3A_1033 = arith.constant 0 : index
      %get3A_1034 = tpu.vector_load %arg6[%get3A_1031, %get3A_1032, %get3A_1033] {strides = array<i32>} : memref<4x128x32xf32, #tpu.memory_space<vmem>>, vector<16xf32>,
      tpu.vector_store_idx %arg7[%iota3A, %broadcast_in_dim3A_1029], %get3A_1034 : memref<32x129xf32, #tpu.memory_space<vmem>>[vector<16xi32>, vector<16xi32>], vector<16xf32>,
      %get3A_1035 = arith.constant 76 : i32
      %get3A_1036 = arith.index_cast %rem3A_74 : i32 to index
      %get3A_1037 = arith.index_cast %get3A_1035 : i32 to index
      %get3A_1038 = arith.constant 16 : index
      %get3A_1039 = tpu.vector_load %arg6[%get3A_1036, %get3A_1037, %get3A_1038] {strides = array<i32>} : memref<4x128x32xf32, #tpu.memory_space<vmem>>, vector<16xf32>,
      tpu.vector_store_idx %arg7[%add3A_64, %broadcast_in_dim3A_1029], %get3A_1039 : memref<32x129xf32, #tpu.memory_space<vmem>>[vector<16xi32>, vector<16xi32>], vector<16xf32>,
      %broadcast_in_dim3A_1040 = arith.constant 77 : i32
      %broadcast_in_dim3A_1041 = vector.broadcast %broadcast_in_dim3A_1040 : i32 to vector<16xi32>
      %get3A_1042 = arith.constant 77 : i32
      %get3A_1043 = arith.index_cast %rem3A_74 : i32 to index
      %get3A_1044 = arith.index_cast %get3A_1042 : i32 to index
      %get3A_1045 = arith.constant 0 : index
      %get3A_1046 = tpu.vector_load %arg6[%get3A_1043, %get3A_1044, %get3A_1045] {strides = array<i32>} : memref<4x128x32xf32, #tpu.memory_space<vmem>>, vector<16xf32>,
      tpu.vector_store_idx %arg7[%iota3A, %broadcast_in_dim3A_1041], %get3A_1046 : memref<32x129xf32, #tpu.memory_space<vmem>>[vector<16xi32>, vector<16xi32>], vector<16xf32>,
      %get3A_1047 = arith.constant 77 : i32
      %get3A_1048 = arith.index_cast %rem3A_74 : i32 to index
      %get3A_1049 = arith.index_cast %get3A_1047 : i32 to index
      %get3A_1050 = arith.constant 16 : index
      %get3A_1051 = tpu.vector_load %arg6[%get3A_1048, %get3A_1049, %get3A_1050] {strides = array<i32>} : memref<4x128x32xf32, #tpu.memory_space<vmem>>, vector<16xf32>,
      tpu.vector_store_idx %arg7[%add3A_64, %broadcast_in_dim3A_1041], %get3A_1051 : memref<32x129xf32, #tpu.memory_space<vmem>>[vector<16xi32>, vector<16xi32>], vector<16xf32>,
      %broadcast_in_dim3A_1052 = arith.constant 78 : i32
      %broadcast_in_dim3A_1053 = vector.broadcast %broadcast_in_dim3A_1052 : i32 to vector<16xi32>
      %get3A_1054 = arith.constant 78 : i32
      %get3A_1055 = arith.index_cast %rem3A_74 : i32 to index
      %get3A_1056 = arith.index_cast %get3A_1054 : i32 to index
      %get3A_1057 = arith.constant 0 : index
      %get3A_1058 = tpu.vector_load %arg6[%get3A_1055, %get3A_1056, %get3A_1057] {strides = array<i32>} : memref<4x128x32xf32, #tpu.memory_space<vmem>>, vector<16xf32>,
      tpu.vector_store_idx %arg7[%iota3A, %broadcast_in_dim3A_1053], %get3A_1058 : memref<32x129xf32, #tpu.memory_space<vmem>>[vector<16xi32>, vector<16xi32>], vector<16xf32>,
      %get3A_1059 = arith.constant 78 : i32
      %get3A_1060 = arith.index_cast %rem3A_74 : i32 to index
      %get3A_1061 = arith.index_cast %get3A_1059 : i32 to index
      %get3A_1062 = arith.constant 16 : index
      %get3A_1063 = tpu.vector_load %arg6[%get3A_1060, %get3A_1061, %get3A_1062] {strides = array<i32>} : memref<4x128x32xf32, #tpu.memory_space<vmem>>, vector<16xf32>,
      tpu.vector_store_idx %arg7[%add3A_64, %broadcast_in_dim3A_1053], %get3A_1063 : memref<32x129xf32, #tpu.memory_space<vmem>>[vector<16xi32>, vector<16xi32>], vector<16xf32>,
      %broadcast_in_dim3A_1064 = arith.constant 79 : i32
      %broadcast_in_dim3A_1065 = vector.broadcast %broadcast_in_dim3A_1064 : i32 to vector<16xi32>
      %get3A_1066 = arith.constant 79 : i32
      %get3A_1067 = arith.index_cast %rem3A_74 : i32 to index
      %get3A_1068 = arith.index_cast %get3A_1066 : i32 to index
      %get3A_1069 = arith.constant 0 : index
      %get3A_1070 = tpu.vector_load %arg6[%get3A_1067, %get3A_1068, %get3A_1069] {strides = array<i32>} : memref<4x128x32xf32, #tpu.memory_space<vmem>>, vector<16xf32>,
      tpu.vector_store_idx %arg7[%iota3A, %broadcast_in_dim3A_1065], %get3A_1070 : memref<32x129xf32, #tpu.memory_space<vmem>>[vector<16xi32>, vector<16xi32>], vector<16xf32>,
      %get3A_1071 = arith.constant 79 : i32
      %get3A_1072 = arith.index_cast %rem3A_74 : i32 to index
      %get3A_1073 = arith.index_cast %get3A_1071 : i32 to index
      %get3A_1074 = arith.constant 16 : index
      %get3A_1075 = tpu.vector_load %arg6[%get3A_1072, %get3A_1073, %get3A_1074] {strides = array<i32>} : memref<4x128x32xf32, #tpu.memory_space<vmem>>, vector<16xf32>,
      tpu.vector_store_idx %arg7[%add3A_64, %broadcast_in_dim3A_1065], %get3A_1075 : memref<32x129xf32, #tpu.memory_space<vmem>>[vector<16xi32>, vector<16xi32>], vector<16xf32>,
      %broadcast_in_dim3A_1076 = arith.constant 80 : i32
      %broadcast_in_dim3A_1077 = vector.broadcast %broadcast_in_dim3A_1076 : i32 to vector<16xi32>
      %get3A_1078 = arith.constant 80 : i32
      %get3A_1079 = arith.index_cast %rem3A_74 : i32 to index
      %get3A_1080 = arith.index_cast %get3A_1078 : i32 to index
      %get3A_1081 = arith.constant 0 : index
      %get3A_1082 = tpu.vector_load %arg6[%get3A_1079, %get3A_1080, %get3A_1081] {strides = array<i32>} : memref<4x128x32xf32, #tpu.memory_space<vmem>>, vector<16xf32>,
      tpu.vector_store_idx %arg7[%iota3A, %broadcast_in_dim3A_1077], %get3A_1082 : memref<32x129xf32, #tpu.memory_space<vmem>>[vector<16xi32>, vector<16xi32>], vector<16xf32>,
      %get3A_1083 = arith.constant 80 : i32
      %get3A_1084 = arith.index_cast %rem3A_74 : i32 to index
      %get3A_1085 = arith.index_cast %get3A_1083 : i32 to index
      %get3A_1086 = arith.constant 16 : index
      %get3A_1087 = tpu.vector_load %arg6[%get3A_1084, %get3A_1085, %get3A_1086] {strides = array<i32>} : memref<4x128x32xf32, #tpu.memory_space<vmem>>, vector<16xf32>,
      tpu.vector_store_idx %arg7[%add3A_64, %broadcast_in_dim3A_1077], %get3A_1087 : memref<32x129xf32, #tpu.memory_space<vmem>>[vector<16xi32>, vector<16xi32>], vector<16xf32>,
      %broadcast_in_dim3A_1088 = arith.constant 81 : i32
      %broadcast_in_dim3A_1089 = vector.broadcast %broadcast_in_dim3A_1088 : i32 to vector<16xi32>
      %get3A_1090 = arith.constant 81 : i32
      %get3A_1091 = arith.index_cast %rem3A_74 : i32 to index
      %get3A_1092 = arith.index_cast %get3A_1090 : i32 to index
      %get3A_1093 = arith.constant 0 : index
      %get3A_1094 = tpu.vector_load %arg6[%get3A_1091, %get3A_1092, %get3A_1093] {strides = array<i32>} : memref<4x128x32xf32, #tpu.memory_space<vmem>>, vector<16xf32>,
      tpu.vector_store_idx %arg7[%iota3A, %broadcast_in_dim3A_1089], %get3A_1094 : memref<32x129xf32, #tpu.memory_space<vmem>>[vector<16xi32>, vector<16xi32>], vector<16xf32>,
      %get3A_1095 = arith.constant 81 : i32
      %get3A_1096 = arith.index_cast %rem3A_74 : i32 to index
      %get3A_1097 = arith.index_cast %get3A_1095 : i32 to index
      %get3A_1098 = arith.constant 16 : index
      %get3A_1099 = tpu.vector_load %arg6[%get3A_1096, %get3A_1097, %get3A_1098] {strides = array<i32>} : memref<4x128x32xf32, #tpu.memory_space<vmem>>, vector<16xf32>,
      tpu.vector_store_idx %arg7[%add3A_64, %broadcast_in_dim3A_1089], %get3A_1099 : memref<32x129xf32, #tpu.memory_space<vmem>>[vector<16xi32>, vector<16xi32>], vector<16xf32>,
      %broadcast_in_dim3A_1100 = arith.constant 82 : i32
      %broadcast_in_dim3A_1101 = vector.broadcast %broadcast_in_dim3A_1100 : i32 to vector<16xi32>
      %get3A_1102 = arith.constant 82 : i32
      %get3A_1103 = arith.index_cast %rem3A_74 : i32 to index
      %get3A_1104 = arith.index_cast %get3A_1102 : i32 to index
      %get3A_1105 = arith.constant 0 : index
      %get3A_1106 = tpu.vector_load %arg6[%get3A_1103, %get3A_1104, %get3A_1105] {strides = array<i32>} : memref<4x128x32xf32, #tpu.memory_space<vmem>>, vector<16xf32>,
      tpu.vector_store_idx %arg7[%iota3A, %broadcast_in_dim3A_1101], %get3A_1106 : memref<32x129xf32, #tpu.memory_space<vmem>>[vector<16xi32>, vector<16xi32>], vector<16xf32>,
      %get3A_1107 = arith.constant 82 : i32
      %get3A_1108 = arith.index_cast %rem3A_74 : i32 to index
      %get3A_1109 = arith.index_cast %get3A_1107 : i32 to index
      %get3A_1110 = arith.constant 16 : index
      %get3A_1111 = tpu.vector_load %arg6[%get3A_1108, %get3A_1109, %get3A_1110] {strides = array<i32>} : memref<4x128x32xf32, #tpu.memory_space<vmem>>, vector<16xf32>,
      tpu.vector_store_idx %arg7[%add3A_64, %broadcast_in_dim3A_1101], %get3A_1111 : memref<32x129xf32, #tpu.memory_space<vmem>>[vector<16xi32>, vector<16xi32>], vector<16xf32>,
      %broadcast_in_dim3A_1112 = arith.constant 83 : i32
      %broadcast_in_dim3A_1113 = vector.broadcast %broadcast_in_dim3A_1112 : i32 to vector<16xi32>
      %get3A_1114 = arith.constant 83 : i32
      %get3A_1115 = arith.index_cast %rem3A_74 : i32 to index
      %get3A_1116 = arith.index_cast %get3A_1114 : i32 to index
      %get3A_1117 = arith.constant 0 : index
      %get3A_1118 = tpu.vector_load %arg6[%get3A_1115, %get3A_1116, %get3A_1117] {strides = array<i32>} : memref<4x128x32xf32, #tpu.memory_space<vmem>>, vector<16xf32>,
      tpu.vector_store_idx %arg7[%iota3A, %broadcast_in_dim3A_1113], %get3A_1118 : memref<32x129xf32, #tpu.memory_space<vmem>>[vector<16xi32>, vector<16xi32>], vector<16xf32>,
      %get3A_1119 = arith.constant 83 : i32
      %get3A_1120 = arith.index_cast %rem3A_74 : i32 to index
      %get3A_1121 = arith.index_cast %get3A_1119 : i32 to index
      %get3A_1122 = arith.constant 16 : index
      %get3A_1123 = tpu.vector_load %arg6[%get3A_1120, %get3A_1121, %get3A_1122] {strides = array<i32>} : memref<4x128x32xf32, #tpu.memory_space<vmem>>, vector<16xf32>,
      tpu.vector_store_idx %arg7[%add3A_64, %broadcast_in_dim3A_1113], %get3A_1123 : memref<32x129xf32, #tpu.memory_space<vmem>>[vector<16xi32>, vector<16xi32>], vector<16xf32>,
      %broadcast_in_dim3A_1124 = arith.constant 84 : i32
      %broadcast_in_dim3A_1125 = vector.broadcast %broadcast_in_dim3A_1124 : i32 to vector<16xi32>
      %get3A_1126 = arith.constant 84 : i32
      %get3A_1127 = arith.index_cast %rem3A_74 : i32 to index
      %get3A_1128 = arith.index_cast %get3A_1126 : i32 to index
      %get3A_1129 = arith.constant 0 : index
      %get3A_1130 = tpu.vector_load %arg6[%get3A_1127, %get3A_1128, %get3A_1129] {strides = array<i32>} : memref<4x128x32xf32, #tpu.memory_space<vmem>>, vector<16xf32>,
      tpu.vector_store_idx %arg7[%iota3A, %broadcast_in_dim3A_1125], %get3A_1130 : memref<32x129xf32, #tpu.memory_space<vmem>>[vector<16xi32>, vector<16xi32>], vector<16xf32>,
      %get3A_1131 = arith.constant 84 : i32
      %get3A_1132 = arith.index_cast %rem3A_74 : i32 to index
      %get3A_1133 = arith.index_cast %get3A_1131 : i32 to index
      %get3A_1134 = arith.constant 16 : index
      %get3A_1135 = tpu.vector_load %arg6[%get3A_1132, %get3A_1133, %get3A_1134] {strides = array<i32>} : memref<4x128x32xf32, #tpu.memory_space<vmem>>, vector<16xf32>,
      tpu.vector_store_idx %arg7[%add3A_64, %broadcast_in_dim3A_1125], %get3A_1135 : memref<32x129xf32, #tpu.memory_space<vmem>>[vector<16xi32>, vector<16xi32>], vector<16xf32>,
      %broadcast_in_dim3A_1136 = arith.constant 85 : i32
      %broadcast_in_dim3A_1137 = vector.broadcast %broadcast_in_dim3A_1136 : i32 to vector<16xi32>
      %get3A_1138 = arith.constant 85 : i32
      %get3A_1139 = arith.index_cast %rem3A_74 : i32 to index
      %get3A_1140 = arith.index_cast %get3A_1138 : i32 to index
      %get3A_1141 = arith.constant 0 : index
      %get3A_1142 = tpu.vector_load %arg6[%get3A_1139, %get3A_1140, %get3A_1141] {strides = array<i32>} : memref<4x128x32xf32, #tpu.memory_space<vmem>>, vector<16xf32>,
      tpu.vector_store_idx %arg7[%iota3A, %broadcast_in_dim3A_1137], %get3A_1142 : memref<32x129xf32, #tpu.memory_space<vmem>>[vector<16xi32>, vector<16xi32>], vector<16xf32>,
      %get3A_1143 = arith.constant 85 : i32
      %get3A_1144 = arith.index_cast %rem3A_74 : i32 to index
      %get3A_1145 = arith.index_cast %get3A_1143 : i32 to index
      %get3A_1146 = arith.constant 16 : index
      %get3A_1147 = tpu.vector_load %arg6[%get3A_1144, %get3A_1145, %get3A_1146] {strides = array<i32>} : memref<4x128x32xf32, #tpu.memory_space<vmem>>, vector<16xf32>,
      tpu.vector_store_idx %arg7[%add3A_64, %broadcast_in_dim3A_1137], %get3A_1147 : memref<32x129xf32, #tpu.memory_space<vmem>>[vector<16xi32>, vector<16xi32>], vector<16xf32>,
      %broadcast_in_dim3A_1148 = arith.constant 86 : i32
      %broadcast_in_dim3A_1149 = vector.broadcast %broadcast_in_dim3A_1148 : i32 to vector<16xi32>
      %get3A_1150 = arith.constant 86 : i32
      %get3A_1151 = arith.index_cast %rem3A_74 : i32 to index
      %get3A_1152 = arith.index_cast %get3A_1150 : i32 to index
      %get3A_1153 = arith.constant 0 : index
      %get3A_1154 = tpu.vector_load %arg6[%get3A_1151, %get3A_1152, %get3A_1153] {strides = array<i32>} : memref<4x128x32xf32, #tpu.memory_space<vmem>>, vector<16xf32>,
      tpu.vector_store_idx %arg7[%iota3A, %broadcast_in_dim3A_1149], %get3A_1154 : memref<32x129xf32, #tpu.memory_space<vmem>>[vector<16xi32>, vector<16xi32>], vector<16xf32>,
      %get3A_1155 = arith.constant 86 : i32
      %get3A_1156 = arith.index_cast %rem3A_74 : i32 to index
      %get3A_1157 = arith.index_cast %get3A_1155 : i32 to index
      %get3A_1158 = arith.constant 16 : index
      %get3A_1159 = tpu.vector_load %arg6[%get3A_1156, %get3A_1157, %get3A_1158] {strides = array<i32>} : memref<4x128x32xf32, #tpu.memory_space<vmem>>, vector<16xf32>,
      tpu.vector_store_idx %arg7[%add3A_64, %broadcast_in_dim3A_1149], %get3A_1159 : memref<32x129xf32, #tpu.memory_space<vmem>>[vector<16xi32>, vector<16xi32>], vector<16xf32>,
      %broadcast_in_dim3A_1160 = arith.constant 87 : i32
      %broadcast_in_dim3A_1161 = vector.broadcast %broadcast_in_dim3A_1160 : i32 to vector<16xi32>
      %get3A_1162 = arith.constant 87 : i32
      %get3A_1163 = arith.index_cast %rem3A_74 : i32 to index
      %get3A_1164 = arith.index_cast %get3A_1162 : i32 to index
      %get3A_1165 = arith.constant 0 : index
      %get3A_1166 = tpu.vector_load %arg6[%get3A_1163, %get3A_1164, %get3A_1165] {strides = array<i32>} : memref<4x128x32xf32, #tpu.memory_space<vmem>>, vector<16xf32>,
      tpu.vector_store_idx %arg7[%iota3A, %broadcast_in_dim3A_1161], %get3A_1166 : memref<32x129xf32, #tpu.memory_space<vmem>>[vector<16xi32>, vector<16xi32>], vector<16xf32>,
      %get3A_1167 = arith.constant 87 : i32
      %get3A_1168 = arith.index_cast %rem3A_74 : i32 to index
      %get3A_1169 = arith.index_cast %get3A_1167 : i32 to index
      %get3A_1170 = arith.constant 16 : index
      %get3A_1171 = tpu.vector_load %arg6[%get3A_1168, %get3A_1169, %get3A_1170] {strides = array<i32>} : memref<4x128x32xf32, #tpu.memory_space<vmem>>, vector<16xf32>,
      tpu.vector_store_idx %arg7[%add3A_64, %broadcast_in_dim3A_1161], %get3A_1171 : memref<32x129xf32, #tpu.memory_space<vmem>>[vector<16xi32>, vector<16xi32>], vector<16xf32>,
      %broadcast_in_dim3A_1172 = arith.constant 88 : i32
      %broadcast_in_dim3A_1173 = vector.broadcast %broadcast_in_dim3A_1172 : i32 to vector<16xi32>
      %get3A_1174 = arith.constant 88 : i32
      %get3A_1175 = arith.index_cast %rem3A_74 : i32 to index
      %get3A_1176 = arith.index_cast %get3A_1174 : i32 to index
      %get3A_1177 = arith.constant 0 : index
      %get3A_1178 = tpu.vector_load %arg6[%get3A_1175, %get3A_1176, %get3A_1177] {strides = array<i32>} : memref<4x128x32xf32, #tpu.memory_space<vmem>>, vector<16xf32>,
      tpu.vector_store_idx %arg7[%iota3A, %broadcast_in_dim3A_1173], %get3A_1178 : memref<32x129xf32, #tpu.memory_space<vmem>>[vector<16xi32>, vector<16xi32>], vector<16xf32>,
      %get3A_1179 = arith.constant 88 : i32
      %get3A_1180 = arith.index_cast %rem3A_74 : i32 to index
      %get3A_1181 = arith.index_cast %get3A_1179 : i32 to index
      %get3A_1182 = arith.constant 16 : index
      %get3A_1183 = tpu.vector_load %arg6[%get3A_1180, %get3A_1181, %get3A_1182] {strides = array<i32>} : memref<4x128x32xf32, #tpu.memory_space<vmem>>, vector<16xf32>,
      tpu.vector_store_idx %arg7[%add3A_64, %broadcast_in_dim3A_1173], %get3A_1183 : memref<32x129xf32, #tpu.memory_space<vmem>>[vector<16xi32>, vector<16xi32>], vector<16xf32>,
      %broadcast_in_dim3A_1184 = arith.constant 89 : i32
      %broadcast_in_dim3A_1185 = vector.broadcast %broadcast_in_dim3A_1184 : i32 to vector<16xi32>
      %get3A_1186 = arith.constant 89 : i32
      %get3A_1187 = arith.index_cast %rem3A_74 : i32 to index
      %get3A_1188 = arith.index_cast %get3A_1186 : i32 to index
      %get3A_1189 = arith.constant 0 : index
      %get3A_1190 = tpu.vector_load %arg6[%get3A_1187, %get3A_1188, %get3A_1189] {strides = array<i32>} : memref<4x128x32xf32, #tpu.memory_space<vmem>>, vector<16xf32>,
      tpu.vector_store_idx %arg7[%iota3A, %broadcast_in_dim3A_1185], %get3A_1190 : memref<32x129xf32, #tpu.memory_space<vmem>>[vector<16xi32>, vector<16xi32>], vector<16xf32>,
      %get3A_1191 = arith.constant 89 : i32
      %get3A_1192 = arith.index_cast %rem3A_74 : i32 to index
      %get3A_1193 = arith.index_cast %get3A_1191 : i32 to index
      %get3A_1194 = arith.constant 16 : index
      %get3A_1195 = tpu.vector_load %arg6[%get3A_1192, %get3A_1193, %get3A_1194] {strides = array<i32>} : memref<4x128x32xf32, #tpu.memory_space<vmem>>, vector<16xf32>,
      tpu.vector_store_idx %arg7[%add3A_64, %broadcast_in_dim3A_1185], %get3A_1195 : memref<32x129xf32, #tpu.memory_space<vmem>>[vector<16xi32>, vector<16xi32>], vector<16xf32>,
      %broadcast_in_dim3A_1196 = arith.constant 90 : i32
      %broadcast_in_dim3A_1197 = vector.broadcast %broadcast_in_dim3A_1196 : i32 to vector<16xi32>
      %get3A_1198 = arith.constant 90 : i32
      %get3A_1199 = arith.index_cast %rem3A_74 : i32 to index
      %get3A_1200 = arith.index_cast %get3A_1198 : i32 to index
      %get3A_1201 = arith.constant 0 : index
      %get3A_1202 = tpu.vector_load %arg6[%get3A_1199, %get3A_1200, %get3A_1201] {strides = array<i32>} : memref<4x128x32xf32, #tpu.memory_space<vmem>>, vector<16xf32>,
      tpu.vector_store_idx %arg7[%iota3A, %broadcast_in_dim3A_1197], %get3A_1202 : memref<32x129xf32, #tpu.memory_space<vmem>>[vector<16xi32>, vector<16xi32>], vector<16xf32>,
      %get3A_1203 = arith.constant 90 : i32
      %get3A_1204 = arith.index_cast %rem3A_74 : i32 to index
      %get3A_1205 = arith.index_cast %get3A_1203 : i32 to index
      %get3A_1206 = arith.constant 16 : index
      %get3A_1207 = tpu.vector_load %arg6[%get3A_1204, %get3A_1205, %get3A_1206] {strides = array<i32>} : memref<4x128x32xf32, #tpu.memory_space<vmem>>, vector<16xf32>,
      tpu.vector_store_idx %arg7[%add3A_64, %broadcast_in_dim3A_1197], %get3A_1207 : memref<32x129xf32, #tpu.memory_space<vmem>>[vector<16xi32>, vector<16xi32>], vector<16xf32>,
      %broadcast_in_dim3A_1208 = arith.constant 91 : i32
      %broadcast_in_dim3A_1209 = vector.broadcast %broadcast_in_dim3A_1208 : i32 to vector<16xi32>
      %get3A_1210 = arith.constant 91 : i32
      %get3A_1211 = arith.index_cast %rem3A_74 : i32 to index
      %get3A_1212 = arith.index_cast %get3A_1210 : i32 to index
      %get3A_1213 = arith.constant 0 : index
      %get3A_1214 = tpu.vector_load %arg6[%get3A_1211, %get3A_1212, %get3A_1213] {strides = array<i32>} : memref<4x128x32xf32, #tpu.memory_space<vmem>>, vector<16xf32>,
      tpu.vector_store_idx %arg7[%iota3A, %broadcast_in_dim3A_1209], %get3A_1214 : memref<32x129xf32, #tpu.memory_space<vmem>>[vector<16xi32>, vector<16xi32>], vector<16xf32>,
      %get3A_1215 = arith.constant 91 : i32
      %get3A_1216 = arith.index_cast %rem3A_74 : i32 to index
      %get3A_1217 = arith.index_cast %get3A_1215 : i32 to index
      %get3A_1218 = arith.constant 16 : index
      %get3A_1219 = tpu.vector_load %arg6[%get3A_1216, %get3A_1217, %get3A_1218] {strides = array<i32>} : memref<4x128x32xf32, #tpu.memory_space<vmem>>, vector<16xf32>,
      tpu.vector_store_idx %arg7[%add3A_64, %broadcast_in_dim3A_1209], %get3A_1219 : memref<32x129xf32, #tpu.memory_space<vmem>>[vector<16xi32>, vector<16xi32>], vector<16xf32>,
      %broadcast_in_dim3A_1220 = arith.constant 92 : i32
      %broadcast_in_dim3A_1221 = vector.broadcast %broadcast_in_dim3A_1220 : i32 to vector<16xi32>
      %get3A_1222 = arith.constant 92 : i32
      %get3A_1223 = arith.index_cast %rem3A_74 : i32 to index
      %get3A_1224 = arith.index_cast %get3A_1222 : i32 to index
      %get3A_1225 = arith.constant 0 : index
      %get3A_1226 = tpu.vector_load %arg6[%get3A_1223, %get3A_1224, %get3A_1225] {strides = array<i32>} : memref<4x128x32xf32, #tpu.memory_space<vmem>>, vector<16xf32>,
      tpu.vector_store_idx %arg7[%iota3A, %broadcast_in_dim3A_1221], %get3A_1226 : memref<32x129xf32, #tpu.memory_space<vmem>>[vector<16xi32>, vector<16xi32>], vector<16xf32>,
      %get3A_1227 = arith.constant 92 : i32
      %get3A_1228 = arith.index_cast %rem3A_74 : i32 to index
      %get3A_1229 = arith.index_cast %get3A_1227 : i32 to index
      %get3A_1230 = arith.constant 16 : index
      %get3A_1231 = tpu.vector_load %arg6[%get3A_1228, %get3A_1229, %get3A_1230] {strides = array<i32>} : memref<4x128x32xf32, #tpu.memory_space<vmem>>, vector<16xf32>,
      tpu.vector_store_idx %arg7[%add3A_64, %broadcast_in_dim3A_1221], %get3A_1231 : memref<32x129xf32, #tpu.memory_space<vmem>>[vector<16xi32>, vector<16xi32>], vector<16xf32>,
      %broadcast_in_dim3A_1232 = arith.constant 93 : i32
      %broadcast_in_dim3A_1233 = vector.broadcast %broadcast_in_dim3A_1232 : i32 to vector<16xi32>
      %get3A_1234 = arith.constant 93 : i32
      %get3A_1235 = arith.index_cast %rem3A_74 : i32 to index
      %get3A_1236 = arith.index_cast %get3A_1234 : i32 to index
      %get3A_1237 = arith.constant 0 : index
      %get3A_1238 = tpu.vector_load %arg6[%get3A_1235, %get3A_1236, %get3A_1237] {strides = array<i32>} : memref<4x128x32xf32, #tpu.memory_space<vmem>>, vector<16xf32>,
      tpu.vector_store_idx %arg7[%iota3A, %broadcast_in_dim3A_1233], %get3A_1238 : memref<32x129xf32, #tpu.memory_space<vmem>>[vector<16xi32>, vector<16xi32>], vector<16xf32>,
      %get3A_1239 = arith.constant 93 : i32
      %get3A_1240 = arith.index_cast %rem3A_74 : i32 to index
      %get3A_1241 = arith.index_cast %get3A_1239 : i32 to index
      %get3A_1242 = arith.constant 16 : index
      %get3A_1243 = tpu.vector_load %arg6[%get3A_1240, %get3A_1241, %get3A_1242] {strides = array<i32>} : memref<4x128x32xf32, #tpu.memory_space<vmem>>, vector<16xf32>,
      tpu.vector_store_idx %arg7[%add3A_64, %broadcast_in_dim3A_1233], %get3A_1243 : memref<32x129xf32, #tpu.memory_space<vmem>>[vector<16xi32>, vector<16xi32>], vector<16xf32>,
      %broadcast_in_dim3A_1244 = arith.constant 94 : i32
      %broadcast_in_dim3A_1245 = vector.broadcast %broadcast_in_dim3A_1244 : i32 to vector<16xi32>
      %get3A_1246 = arith.constant 94 : i32
      %get3A_1247 = arith.index_cast %rem3A_74 : i32 to index
      %get3A_1248 = arith.index_cast %get3A_1246 : i32 to index
      %get3A_1249 = arith.constant 0 : index
      %get3A_1250 = tpu.vector_load %arg6[%get3A_1247, %get3A_1248, %get3A_1249] {strides = array<i32>} : memref<4x128x32xf32, #tpu.memory_space<vmem>>, vector<16xf32>,
      tpu.vector_store_idx %arg7[%iota3A, %broadcast_in_dim3A_1245], %get3A_1250 : memref<32x129xf32, #tpu.memory_space<vmem>>[vector<16xi32>, vector<16xi32>], vector<16xf32>,
      %get3A_1251 = arith.constant 94 : i32
      %get3A_1252 = arith.index_cast %rem3A_74 : i32 to index
      %get3A_1253 = arith.index_cast %get3A_1251 : i32 to index
      %get3A_1254 = arith.constant 16 : index
      %get3A_1255 = tpu.vector_load %arg6[%get3A_1252, %get3A_1253, %get3A_1254] {strides = array<i32>} : memref<4x128x32xf32, #tpu.memory_space<vmem>>, vector<16xf32>,
      tpu.vector_store_idx %arg7[%add3A_64, %broadcast_in_dim3A_1245], %get3A_1255 : memref<32x129xf32, #tpu.memory_space<vmem>>[vector<16xi32>, vector<16xi32>], vector<16xf32>,
      %broadcast_in_dim3A_1256 = arith.constant 95 : i32
      %broadcast_in_dim3A_1257 = vector.broadcast %broadcast_in_dim3A_1256 : i32 to vector<16xi32>
      %get3A_1258 = arith.constant 95 : i32
      %get3A_1259 = arith.index_cast %rem3A_74 : i32 to index
      %get3A_1260 = arith.index_cast %get3A_1258 : i32 to index
      %get3A_1261 = arith.constant 0 : index
      %get3A_1262 = tpu.vector_load %arg6[%get3A_1259, %get3A_1260, %get3A_1261] {strides = array<i32>} : memref<4x128x32xf32, #tpu.memory_space<vmem>>, vector<16xf32>,
      tpu.vector_store_idx %arg7[%iota3A, %broadcast_in_dim3A_1257], %get3A_1262 : memref<32x129xf32, #tpu.memory_space<vmem>>[vector<16xi32>, vector<16xi32>], vector<16xf32>,
      %get3A_1263 = arith.constant 95 : i32
      %get3A_1264 = arith.index_cast %rem3A_74 : i32 to index
      %get3A_1265 = arith.index_cast %get3A_1263 : i32 to index
      %get3A_1266 = arith.constant 16 : index
      %get3A_1267 = tpu.vector_load %arg6[%get3A_1264, %get3A_1265, %get3A_1266] {strides = array<i32>} : memref<4x128x32xf32, #tpu.memory_space<vmem>>, vector<16xf32>,
      tpu.vector_store_idx %arg7[%add3A_64, %broadcast_in_dim3A_1257], %get3A_1267 : memref<32x129xf32, #tpu.memory_space<vmem>>[vector<16xi32>, vector<16xi32>], vector<16xf32>,
      %broadcast_in_dim3A_1268 = arith.constant 96 : i32
      %broadcast_in_dim3A_1269 = vector.broadcast %broadcast_in_dim3A_1268 : i32 to vector<16xi32>
      %get3A_1270 = arith.constant 96 : i32
      %get3A_1271 = arith.index_cast %rem3A_74 : i32 to index
      %get3A_1272 = arith.index_cast %get3A_1270 : i32 to index
      %get3A_1273 = arith.constant 0 : index
      %get3A_1274 = tpu.vector_load %arg6[%get3A_1271, %get3A_1272, %get3A_1273] {strides = array<i32>} : memref<4x128x32xf32, #tpu.memory_space<vmem>>, vector<16xf32>,
      tpu.vector_store_idx %arg7[%iota3A, %broadcast_in_dim3A_1269], %get3A_1274 : memref<32x129xf32, #tpu.memory_space<vmem>>[vector<16xi32>, vector<16xi32>], vector<16xf32>,
      %get3A_1275 = arith.constant 96 : i32
      %get3A_1276 = arith.index_cast %rem3A_74 : i32 to index
      %get3A_1277 = arith.index_cast %get3A_1275 : i32 to index
      %get3A_1278 = arith.constant 16 : index
      %get3A_1279 = tpu.vector_load %arg6[%get3A_1276, %get3A_1277, %get3A_1278] {strides = array<i32>} : memref<4x128x32xf32, #tpu.memory_space<vmem>>, vector<16xf32>,
      tpu.vector_store_idx %arg7[%add3A_64, %broadcast_in_dim3A_1269], %get3A_1279 : memref<32x129xf32, #tpu.memory_space<vmem>>[vector<16xi32>, vector<16xi32>], vector<16xf32>,
      %broadcast_in_dim3A_1280 = arith.constant 97 : i32
      %broadcast_in_dim3A_1281 = vector.broadcast %broadcast_in_dim3A_1280 : i32 to vector<16xi32>
      %get3A_1282 = arith.constant 97 : i32
      %get3A_1283 = arith.index_cast %rem3A_74 : i32 to index
      %get3A_1284 = arith.index_cast %get3A_1282 : i32 to index
      %get3A_1285 = arith.constant 0 : index
      %get3A_1286 = tpu.vector_load %arg6[%get3A_1283, %get3A_1284, %get3A_1285] {strides = array<i32>} : memref<4x128x32xf32, #tpu.memory_space<vmem>>, vector<16xf32>,
      tpu.vector_store_idx %arg7[%iota3A, %broadcast_in_dim3A_1281], %get3A_1286 : memref<32x129xf32, #tpu.memory_space<vmem>>[vector<16xi32>, vector<16xi32>], vector<16xf32>,
      %get3A_1287 = arith.constant 97 : i32
      %get3A_1288 = arith.index_cast %rem3A_74 : i32 to index
      %get3A_1289 = arith.index_cast %get3A_1287 : i32 to index
      %get3A_1290 = arith.constant 16 : index
      %get3A_1291 = tpu.vector_load %arg6[%get3A_1288, %get3A_1289, %get3A_1290] {strides = array<i32>} : memref<4x128x32xf32, #tpu.memory_space<vmem>>, vector<16xf32>,
      tpu.vector_store_idx %arg7[%add3A_64, %broadcast_in_dim3A_1281], %get3A_1291 : memref<32x129xf32, #tpu.memory_space<vmem>>[vector<16xi32>, vector<16xi32>], vector<16xf32>,
      %broadcast_in_dim3A_1292 = arith.constant 98 : i32
      %broadcast_in_dim3A_1293 = vector.broadcast %broadcast_in_dim3A_1292 : i32 to vector<16xi32>
      %get3A_1294 = arith.constant 98 : i32
      %get3A_1295 = arith.index_cast %rem3A_74 : i32 to index
      %get3A_1296 = arith.index_cast %get3A_1294 : i32 to index
      %get3A_1297 = arith.constant 0 : index
      %get3A_1298 = tpu.vector_load %arg6[%get3A_1295, %get3A_1296, %get3A_1297] {strides = array<i32>} : memref<4x128x32xf32, #tpu.memory_space<vmem>>, vector<16xf32>,
      tpu.vector_store_idx %arg7[%iota3A, %broadcast_in_dim3A_1293], %get3A_1298 : memref<32x129xf32, #tpu.memory_space<vmem>>[vector<16xi32>, vector<16xi32>], vector<16xf32>,
      %get3A_1299 = arith.constant 98 : i32
      %get3A_1300 = arith.index_cast %rem3A_74 : i32 to index
      %get3A_1301 = arith.index_cast %get3A_1299 : i32 to index
      %get3A_1302 = arith.constant 16 : index
      %get3A_1303 = tpu.vector_load %arg6[%get3A_1300, %get3A_1301, %get3A_1302] {strides = array<i32>} : memref<4x128x32xf32, #tpu.memory_space<vmem>>, vector<16xf32>,
      tpu.vector_store_idx %arg7[%add3A_64, %broadcast_in_dim3A_1293], %get3A_1303 : memref<32x129xf32, #tpu.memory_space<vmem>>[vector<16xi32>, vector<16xi32>], vector<16xf32>,
      %broadcast_in_dim3A_1304 = arith.constant 99 : i32
      %broadcast_in_dim3A_1305 = vector.broadcast %broadcast_in_dim3A_1304 : i32 to vector<16xi32>
      %get3A_1306 = arith.constant 99 : i32
      %get3A_1307 = arith.index_cast %rem3A_74 : i32 to index
      %get3A_1308 = arith.index_cast %get3A_1306 : i32 to index
      %get3A_1309 = arith.constant 0 : index
      %get3A_1310 = tpu.vector_load %arg6[%get3A_1307, %get3A_1308, %get3A_1309] {strides = array<i32>} : memref<4x128x32xf32, #tpu.memory_space<vmem>>, vector<16xf32>,
      tpu.vector_store_idx %arg7[%iota3A, %broadcast_in_dim3A_1305], %get3A_1310 : memref<32x129xf32, #tpu.memory_space<vmem>>[vector<16xi32>, vector<16xi32>], vector<16xf32>,
      %get3A_1311 = arith.constant 99 : i32
      %get3A_1312 = arith.index_cast %rem3A_74 : i32 to index
      %get3A_1313 = arith.index_cast %get3A_1311 : i32 to index
      %get3A_1314 = arith.constant 16 : index
      %get3A_1315 = tpu.vector_load %arg6[%get3A_1312, %get3A_1313, %get3A_1314] {strides = array<i32>} : memref<4x128x32xf32, #tpu.memory_space<vmem>>, vector<16xf32>,
      tpu.vector_store_idx %arg7[%add3A_64, %broadcast_in_dim3A_1305], %get3A_1315 : memref<32x129xf32, #tpu.memory_space<vmem>>[vector<16xi32>, vector<16xi32>], vector<16xf32>,
      %broadcast_in_dim3A_1316 = arith.constant 100 : i32
      %broadcast_in_dim3A_1317 = vector.broadcast %broadcast_in_dim3A_1316 : i32 to vector<16xi32>
      %get3A_1318 = arith.constant 100 : i32
      %get3A_1319 = arith.index_cast %rem3A_74 : i32 to index
      %get3A_1320 = arith.index_cast %get3A_1318 : i32 to index
      %get3A_1321 = arith.constant 0 : index
      %get3A_1322 = tpu.vector_load %arg6[%get3A_1319, %get3A_1320, %get3A_1321] {strides = array<i32>} : memref<4x128x32xf32, #tpu.memory_space<vmem>>, vector<16xf32>,
      tpu.vector_store_idx %arg7[%iota3A, %broadcast_in_dim3A_1317], %get3A_1322 : memref<32x129xf32, #tpu.memory_space<vmem>>[vector<16xi32>, vector<16xi32>], vector<16xf32>,
      %get3A_1323 = arith.constant 100 : i32
      %get3A_1324 = arith.index_cast %rem3A_74 : i32 to index
      %get3A_1325 = arith.index_cast %get3A_1323 : i32 to index
      %get3A_1326 = arith.constant 16 : index
      %get3A_1327 = tpu.vector_load %arg6[%get3A_1324, %get3A_1325, %get3A_1326] {strides = array<i32>} : memref<4x128x32xf32, #tpu.memory_space<vmem>>, vector<16xf32>,
      tpu.vector_store_idx %arg7[%add3A_64, %broadcast_in_dim3A_1317], %get3A_1327 : memref<32x129xf32, #tpu.memory_space<vmem>>[vector<16xi32>, vector<16xi32>], vector<16xf32>,
      %broadcast_in_dim3A_1328 = arith.constant 101 : i32
      %broadcast_in_dim3A_1329 = vector.broadcast %broadcast_in_dim3A_1328 : i32 to vector<16xi32>
      %get3A_1330 = arith.constant 101 : i32
      %get3A_1331 = arith.index_cast %rem3A_74 : i32 to index
      %get3A_1332 = arith.index_cast %get3A_1330 : i32 to index
      %get3A_1333 = arith.constant 0 : index
      %get3A_1334 = tpu.vector_load %arg6[%get3A_1331, %get3A_1332, %get3A_1333] {strides = array<i32>} : memref<4x128x32xf32, #tpu.memory_space<vmem>>, vector<16xf32>,
      tpu.vector_store_idx %arg7[%iota3A, %broadcast_in_dim3A_1329], %get3A_1334 : memref<32x129xf32, #tpu.memory_space<vmem>>[vector<16xi32>, vector<16xi32>], vector<16xf32>,
      %get3A_1335 = arith.constant 101 : i32
      %get3A_1336 = arith.index_cast %rem3A_74 : i32 to index
      %get3A_1337 = arith.index_cast %get3A_1335 : i32 to index
      %get3A_1338 = arith.constant 16 : index
      %get3A_1339 = tpu.vector_load %arg6[%get3A_1336, %get3A_1337, %get3A_1338] {strides = array<i32>} : memref<4x128x32xf32, #tpu.memory_space<vmem>>, vector<16xf32>,
      tpu.vector_store_idx %arg7[%add3A_64, %broadcast_in_dim3A_1329], %get3A_1339 : memref<32x129xf32, #tpu.memory_space<vmem>>[vector<16xi32>, vector<16xi32>], vector<16xf32>,
      %broadcast_in_dim3A_1340 = arith.constant 102 : i32
      %broadcast_in_dim3A_1341 = vector.broadcast %broadcast_in_dim3A_1340 : i32 to vector<16xi32>
      %get3A_1342 = arith.constant 102 : i32
      %get3A_1343 = arith.index_cast %rem3A_74 : i32 to index
      %get3A_1344 = arith.index_cast %get3A_1342 : i32 to index
      %get3A_1345 = arith.constant 0 : index
      %get3A_1346 = tpu.vector_load %arg6[%get3A_1343, %get3A_1344, %get3A_1345] {strides = array<i32>} : memref<4x128x32xf32, #tpu.memory_space<vmem>>, vector<16xf32>,
      tpu.vector_store_idx %arg7[%iota3A, %broadcast_in_dim3A_1341], %get3A_1346 : memref<32x129xf32, #tpu.memory_space<vmem>>[vector<16xi32>, vector<16xi32>], vector<16xf32>,
      %get3A_1347 = arith.constant 102 : i32
      %get3A_1348 = arith.index_cast %rem3A_74 : i32 to index
      %get3A_1349 = arith.index_cast %get3A_1347 : i32 to index
      %get3A_1350 = arith.constant 16 : index
      %get3A_1351 = tpu.vector_load %arg6[%get3A_1348, %get3A_1349, %get3A_1350] {strides = array<i32>} : memref<4x128x32xf32, #tpu.memory_space<vmem>>, vector<16xf32>,
      tpu.vector_store_idx %arg7[%add3A_64, %broadcast_in_dim3A_1341], %get3A_1351 : memref<32x129xf32, #tpu.memory_space<vmem>>[vector<16xi32>, vector<16xi32>], vector<16xf32>,
      %broadcast_in_dim3A_1352 = arith.constant 103 : i32
      %broadcast_in_dim3A_1353 = vector.broadcast %broadcast_in_dim3A_1352 : i32 to vector<16xi32>
      %get3A_1354 = arith.constant 103 : i32
      %get3A_1355 = arith.index_cast %rem3A_74 : i32 to index
      %get3A_1356 = arith.index_cast %get3A_1354 : i32 to index
      %get3A_1357 = arith.constant 0 : index
      %get3A_1358 = tpu.vector_load %arg6[%get3A_1355, %get3A_1356, %get3A_1357] {strides = array<i32>} : memref<4x128x32xf32, #tpu.memory_space<vmem>>, vector<16xf32>,
      tpu.vector_store_idx %arg7[%iota3A, %broadcast_in_dim3A_1353], %get3A_1358 : memref<32x129xf32, #tpu.memory_space<vmem>>[vector<16xi32>, vector<16xi32>], vector<16xf32>,
      %get3A_1359 = arith.constant 103 : i32
      %get3A_1360 = arith.index_cast %rem3A_74 : i32 to index
      %get3A_1361 = arith.index_cast %get3A_1359 : i32 to index
      %get3A_1362 = arith.constant 16 : index
      %get3A_1363 = tpu.vector_load %arg6[%get3A_1360, %get3A_1361, %get3A_1362] {strides = array<i32>} : memref<4x128x32xf32, #tpu.memory_space<vmem>>, vector<16xf32>,
      tpu.vector_store_idx %arg7[%add3A_64, %broadcast_in_dim3A_1353], %get3A_1363 : memref<32x129xf32, #tpu.memory_space<vmem>>[vector<16xi32>, vector<16xi32>], vector<16xf32>,
      %broadcast_in_dim3A_1364 = arith.constant 104 : i32
      %broadcast_in_dim3A_1365 = vector.broadcast %broadcast_in_dim3A_1364 : i32 to vector<16xi32>
      %get3A_1366 = arith.constant 104 : i32
      %get3A_1367 = arith.index_cast %rem3A_74 : i32 to index
      %get3A_1368 = arith.index_cast %get3A_1366 : i32 to index
      %get3A_1369 = arith.constant 0 : index
      %get3A_1370 = tpu.vector_load %arg6[%get3A_1367, %get3A_1368, %get3A_1369] {strides = array<i32>} : memref<4x128x32xf32, #tpu.memory_space<vmem>>, vector<16xf32>,
      tpu.vector_store_idx %arg7[%iota3A, %broadcast_in_dim3A_1365], %get3A_1370 : memref<32x129xf32, #tpu.memory_space<vmem>>[vector<16xi32>, vector<16xi32>], vector<16xf32>,
      %get3A_1371 = arith.constant 104 : i32
      %get3A_1372 = arith.index_cast %rem3A_74 : i32 to index
      %get3A_1373 = arith.index_cast %get3A_1371 : i32 to index
      %get3A_1374 = arith.constant 16 : index
      %get3A_1375 = tpu.vector_load %arg6[%get3A_1372, %get3A_1373, %get3A_1374] {strides = array<i32>} : memref<4x128x32xf32, #tpu.memory_space<vmem>>, vector<16xf32>,
      tpu.vector_store_idx %arg7[%add3A_64, %broadcast_in_dim3A_1365], %get3A_1375 : memref<32x129xf32, #tpu.memory_space<vmem>>[vector<16xi32>, vector<16xi32>], vector<16xf32>,
      %broadcast_in_dim3A_1376 = arith.constant 105 : i32
      %broadcast_in_dim3A_1377 = vector.broadcast %broadcast_in_dim3A_1376 : i32 to vector<16xi32>
      %get3A_1378 = arith.constant 105 : i32
      %get3A_1379 = arith.index_cast %rem3A_74 : i32 to index
      %get3A_1380 = arith.index_cast %get3A_1378 : i32 to index
      %get3A_1381 = arith.constant 0 : index
      %get3A_1382 = tpu.vector_load %arg6[%get3A_1379, %get3A_1380, %get3A_1381] {strides = array<i32>} : memref<4x128x32xf32, #tpu.memory_space<vmem>>, vector<16xf32>,
      tpu.vector_store_idx %arg7[%iota3A, %broadcast_in_dim3A_1377], %get3A_1382 : memref<32x129xf32, #tpu.memory_space<vmem>>[vector<16xi32>, vector<16xi32>], vector<16xf32>,
      %get3A_1383 = arith.constant 105 : i32
      %get3A_1384 = arith.index_cast %rem3A_74 : i32 to index
      %get3A_1385 = arith.index_cast %get3A_1383 : i32 to index
      %get3A_1386 = arith.constant 16 : index
      %get3A_1387 = tpu.vector_load %arg6[%get3A_1384, %get3A_1385, %get3A_1386] {strides = array<i32>} : memref<4x128x32xf32, #tpu.memory_space<vmem>>, vector<16xf32>,
      tpu.vector_store_idx %arg7[%add3A_64, %broadcast_in_dim3A_1377], %get3A_1387 : memref<32x129xf32, #tpu.memory_space<vmem>>[vector<16xi32>, vector<16xi32>], vector<16xf32>,
      %broadcast_in_dim3A_1388 = arith.constant 106 : i32
      %broadcast_in_dim3A_1389 = vector.broadcast %broadcast_in_dim3A_1388 : i32 to vector<16xi32>
      %get3A_1390 = arith.constant 106 : i32
      %get3A_1391 = arith.index_cast %rem3A_74 : i32 to index
      %get3A_1392 = arith.index_cast %get3A_1390 : i32 to index
      %get3A_1393 = arith.constant 0 : index
      %get3A_1394 = tpu.vector_load %arg6[%get3A_1391, %get3A_1392, %get3A_1393] {strides = array<i32>} : memref<4x128x32xf32, #tpu.memory_space<vmem>>, vector<16xf32>,
      tpu.vector_store_idx %arg7[%iota3A, %broadcast_in_dim3A_1389], %get3A_1394 : memref<32x129xf32, #tpu.memory_space<vmem>>[vector<16xi32>, vector<16xi32>], vector<16xf32>,
      %get3A_1395 = arith.constant 106 : i32
      %get3A_1396 = arith.index_cast %rem3A_74 : i32 to index
      %get3A_1397 = arith.index_cast %get3A_1395 : i32 to index
      %get3A_1398 = arith.constant 16 : index
      %get3A_1399 = tpu.vector_load %arg6[%get3A_1396, %get3A_1397, %get3A_1398] {strides = array<i32>} : memref<4x128x32xf32, #tpu.memory_space<vmem>>, vector<16xf32>,
      tpu.vector_store_idx %arg7[%add3A_64, %broadcast_in_dim3A_1389], %get3A_1399 : memref<32x129xf32, #tpu.memory_space<vmem>>[vector<16xi32>, vector<16xi32>], vector<16xf32>,
      %broadcast_in_dim3A_1400 = arith.constant 107 : i32
      %broadcast_in_dim3A_1401 = vector.broadcast %broadcast_in_dim3A_1400 : i32 to vector<16xi32>
      %get3A_1402 = arith.constant 107 : i32
      %get3A_1403 = arith.index_cast %rem3A_74 : i32 to index
      %get3A_1404 = arith.index_cast %get3A_1402 : i32 to index
      %get3A_1405 = arith.constant 0 : index
      %get3A_1406 = tpu.vector_load %arg6[%get3A_1403, %get3A_1404, %get3A_1405] {strides = array<i32>} : memref<4x128x32xf32, #tpu.memory_space<vmem>>, vector<16xf32>,
      tpu.vector_store_idx %arg7[%iota3A, %broadcast_in_dim3A_1401], %get3A_1406 : memref<32x129xf32, #tpu.memory_space<vmem>>[vector<16xi32>, vector<16xi32>], vector<16xf32>,
      %get3A_1407 = arith.constant 107 : i32
      %get3A_1408 = arith.index_cast %rem3A_74 : i32 to index
      %get3A_1409 = arith.index_cast %get3A_1407 : i32 to index
      %get3A_1410 = arith.constant 16 : index
      %get3A_1411 = tpu.vector_load %arg6[%get3A_1408, %get3A_1409, %get3A_1410] {strides = array<i32>} : memref<4x128x32xf32, #tpu.memory_space<vmem>>, vector<16xf32>,
      tpu.vector_store_idx %arg7[%add3A_64, %broadcast_in_dim3A_1401], %get3A_1411 : memref<32x129xf32, #tpu.memory_space<vmem>>[vector<16xi32>, vector<16xi32>], vector<16xf32>,
      %broadcast_in_dim3A_1412 = arith.constant 108 : i32
      %broadcast_in_dim3A_1413 = vector.broadcast %broadcast_in_dim3A_1412 : i32 to vector<16xi32>
      %get3A_1414 = arith.constant 108 : i32
      %get3A_1415 = arith.index_cast %rem3A_74 : i32 to index
      %get3A_1416 = arith.index_cast %get3A_1414 : i32 to index
      %get3A_1417 = arith.constant 0 : index
      %get3A_1418 = tpu.vector_load %arg6[%get3A_1415, %get3A_1416, %get3A_1417] {strides = array<i32>} : memref<4x128x32xf32, #tpu.memory_space<vmem>>, vector<16xf32>,
      tpu.vector_store_idx %arg7[%iota3A, %broadcast_in_dim3A_1413], %get3A_1418 : memref<32x129xf32, #tpu.memory_space<vmem>>[vector<16xi32>, vector<16xi32>], vector<16xf32>,
      %get3A_1419 = arith.constant 108 : i32
      %get3A_1420 = arith.index_cast %rem3A_74 : i32 to index
      %get3A_1421 = arith.index_cast %get3A_1419 : i32 to index
      %get3A_1422 = arith.constant 16 : index
      %get3A_1423 = tpu.vector_load %arg6[%get3A_1420, %get3A_1421, %get3A_1422] {strides = array<i32>} : memref<4x128x32xf32, #tpu.memory_space<vmem>>, vector<16xf32>,
      tpu.vector_store_idx %arg7[%add3A_64, %broadcast_in_dim3A_1413], %get3A_1423 : memref<32x129xf32, #tpu.memory_space<vmem>>[vector<16xi32>, vector<16xi32>], vector<16xf32>,
      %broadcast_in_dim3A_1424 = arith.constant 109 : i32
      %broadcast_in_dim3A_1425 = vector.broadcast %broadcast_in_dim3A_1424 : i32 to vector<16xi32>
      %get3A_1426 = arith.constant 109 : i32
      %get3A_1427 = arith.index_cast %rem3A_74 : i32 to index
      %get3A_1428 = arith.index_cast %get3A_1426 : i32 to index
      %get3A_1429 = arith.constant 0 : index
      %get3A_1430 = tpu.vector_load %arg6[%get3A_1427, %get3A_1428, %get3A_1429] {strides = array<i32>} : memref<4x128x32xf32, #tpu.memory_space<vmem>>, vector<16xf32>,
      tpu.vector_store_idx %arg7[%iota3A, %broadcast_in_dim3A_1425], %get3A_1430 : memref<32x129xf32, #tpu.memory_space<vmem>>[vector<16xi32>, vector<16xi32>], vector<16xf32>,
      %get3A_1431 = arith.constant 109 : i32
      %get3A_1432 = arith.index_cast %rem3A_74 : i32 to index
      %get3A_1433 = arith.index_cast %get3A_1431 : i32 to index
      %get3A_1434 = arith.constant 16 : index
      %get3A_1435 = tpu.vector_load %arg6[%get3A_1432, %get3A_1433, %get3A_1434] {strides = array<i32>} : memref<4x128x32xf32, #tpu.memory_space<vmem>>, vector<16xf32>,
      tpu.vector_store_idx %arg7[%add3A_64, %broadcast_in_dim3A_1425], %get3A_1435 : memref<32x129xf32, #tpu.memory_space<vmem>>[vector<16xi32>, vector<16xi32>], vector<16xf32>,
      %broadcast_in_dim3A_1436 = arith.constant 110 : i32
      %broadcast_in_dim3A_1437 = vector.broadcast %broadcast_in_dim3A_1436 : i32 to vector<16xi32>
      %get3A_1438 = arith.constant 110 : i32
      %get3A_1439 = arith.index_cast %rem3A_74 : i32 to index
      %get3A_1440 = arith.index_cast %get3A_1438 : i32 to index
      %get3A_1441 = arith.constant 0 : index
      %get3A_1442 = tpu.vector_load %arg6[%get3A_1439, %get3A_1440, %get3A_1441] {strides = array<i32>} : memref<4x128x32xf32, #tpu.memory_space<vmem>>, vector<16xf32>,
      tpu.vector_store_idx %arg7[%iota3A, %broadcast_in_dim3A_1437], %get3A_1442 : memref<32x129xf32, #tpu.memory_space<vmem>>[vector<16xi32>, vector<16xi32>], vector<16xf32>,
      %get3A_1443 = arith.constant 110 : i32
      %get3A_1444 = arith.index_cast %rem3A_74 : i32 to index
      %get3A_1445 = arith.index_cast %get3A_1443 : i32 to index
      %get3A_1446 = arith.constant 16 : index
      %get3A_1447 = tpu.vector_load %arg6[%get3A_1444, %get3A_1445, %get3A_1446] {strides = array<i32>} : memref<4x128x32xf32, #tpu.memory_space<vmem>>, vector<16xf32>,
      tpu.vector_store_idx %arg7[%add3A_64, %broadcast_in_dim3A_1437], %get3A_1447 : memref<32x129xf32, #tpu.memory_space<vmem>>[vector<16xi32>, vector<16xi32>], vector<16xf32>,
      %broadcast_in_dim3A_1448 = arith.constant 111 : i32
      %broadcast_in_dim3A_1449 = vector.broadcast %broadcast_in_dim3A_1448 : i32 to vector<16xi32>
      %get3A_1450 = arith.constant 111 : i32
      %get3A_1451 = arith.index_cast %rem3A_74 : i32 to index
      %get3A_1452 = arith.index_cast %get3A_1450 : i32 to index
      %get3A_1453 = arith.constant 0 : index
      %get3A_1454 = tpu.vector_load %arg6[%get3A_1451, %get3A_1452, %get3A_1453] {strides = array<i32>} : memref<4x128x32xf32, #tpu.memory_space<vmem>>, vector<16xf32>,
      tpu.vector_store_idx %arg7[%iota3A, %broadcast_in_dim3A_1449], %get3A_1454 : memref<32x129xf32, #tpu.memory_space<vmem>>[vector<16xi32>, vector<16xi32>], vector<16xf32>,
      %get3A_1455 = arith.constant 111 : i32
      %get3A_1456 = arith.index_cast %rem3A_74 : i32 to index
      %get3A_1457 = arith.index_cast %get3A_1455 : i32 to index
      %get3A_1458 = arith.constant 16 : index
      %get3A_1459 = tpu.vector_load %arg6[%get3A_1456, %get3A_1457, %get3A_1458] {strides = array<i32>} : memref<4x128x32xf32, #tpu.memory_space<vmem>>, vector<16xf32>,
      tpu.vector_store_idx %arg7[%add3A_64, %broadcast_in_dim3A_1449], %get3A_1459 : memref<32x129xf32, #tpu.memory_space<vmem>>[vector<16xi32>, vector<16xi32>], vector<16xf32>,
      %broadcast_in_dim3A_1460 = arith.constant 112 : i32
      %broadcast_in_dim3A_1461 = vector.broadcast %broadcast_in_dim3A_1460 : i32 to vector<16xi32>
      %get3A_1462 = arith.constant 112 : i32
      %get3A_1463 = arith.index_cast %rem3A_74 : i32 to index
      %get3A_1464 = arith.index_cast %get3A_1462 : i32 to index
      %get3A_1465 = arith.constant 0 : index
      %get3A_1466 = tpu.vector_load %arg6[%get3A_1463, %get3A_1464, %get3A_1465] {strides = array<i32>} : memref<4x128x32xf32, #tpu.memory_space<vmem>>, vector<16xf32>,
      tpu.vector_store_idx %arg7[%iota3A, %broadcast_in_dim3A_1461], %get3A_1466 : memref<32x129xf32, #tpu.memory_space<vmem>>[vector<16xi32>, vector<16xi32>], vector<16xf32>,
      %get3A_1467 = arith.constant 112 : i32
      %get3A_1468 = arith.index_cast %rem3A_74 : i32 to index
      %get3A_1469 = arith.index_cast %get3A_1467 : i32 to index
      %get3A_1470 = arith.constant 16 : index
      %get3A_1471 = tpu.vector_load %arg6[%get3A_1468, %get3A_1469, %get3A_1470] {strides = array<i32>} : memref<4x128x32xf32, #tpu.memory_space<vmem>>, vector<16xf32>,
      tpu.vector_store_idx %arg7[%add3A_64, %broadcast_in_dim3A_1461], %get3A_1471 : memref<32x129xf32, #tpu.memory_space<vmem>>[vector<16xi32>, vector<16xi32>], vector<16xf32>,
      %broadcast_in_dim3A_1472 = arith.constant 113 : i32
      %broadcast_in_dim3A_1473 = vector.broadcast %broadcast_in_dim3A_1472 : i32 to vector<16xi32>
      %get3A_1474 = arith.constant 113 : i32
      %get3A_1475 = arith.index_cast %rem3A_74 : i32 to index
      %get3A_1476 = arith.index_cast %get3A_1474 : i32 to index
      %get3A_1477 = arith.constant 0 : index
      %get3A_1478 = tpu.vector_load %arg6[%get3A_1475, %get3A_1476, %get3A_1477] {strides = array<i32>} : memref<4x128x32xf32, #tpu.memory_space<vmem>>, vector<16xf32>,
      tpu.vector_store_idx %arg7[%iota3A, %broadcast_in_dim3A_1473], %get3A_1478 : memref<32x129xf32, #tpu.memory_space<vmem>>[vector<16xi32>, vector<16xi32>], vector<16xf32>,
      %get3A_1479 = arith.constant 113 : i32
      %get3A_1480 = arith.index_cast %rem3A_74 : i32 to index
      %get3A_1481 = arith.index_cast %get3A_1479 : i32 to index
      %get3A_1482 = arith.constant 16 : index
      %get3A_1483 = tpu.vector_load %arg6[%get3A_1480, %get3A_1481, %get3A_1482] {strides = array<i32>} : memref<4x128x32xf32, #tpu.memory_space<vmem>>, vector<16xf32>,
      tpu.vector_store_idx %arg7[%add3A_64, %broadcast_in_dim3A_1473], %get3A_1483 : memref<32x129xf32, #tpu.memory_space<vmem>>[vector<16xi32>, vector<16xi32>], vector<16xf32>,
      %broadcast_in_dim3A_1484 = arith.constant 114 : i32
      %broadcast_in_dim3A_1485 = vector.broadcast %broadcast_in_dim3A_1484 : i32 to vector<16xi32>
      %get3A_1486 = arith.constant 114 : i32
      %get3A_1487 = arith.index_cast %rem3A_74 : i32 to index
      %get3A_1488 = arith.index_cast %get3A_1486 : i32 to index
      %get3A_1489 = arith.constant 0 : index
      %get3A_1490 = tpu.vector_load %arg6[%get3A_1487, %get3A_1488, %get3A_1489] {strides = array<i32>} : memref<4x128x32xf32, #tpu.memory_space<vmem>>, vector<16xf32>,
      tpu.vector_store_idx %arg7[%iota3A, %broadcast_in_dim3A_1485], %get3A_1490 : memref<32x129xf32, #tpu.memory_space<vmem>>[vector<16xi32>, vector<16xi32>], vector<16xf32>,
      %get3A_1491 = arith.constant 114 : i32
      %get3A_1492 = arith.index_cast %rem3A_74 : i32 to index
      %get3A_1493 = arith.index_cast %get3A_1491 : i32 to index
      %get3A_1494 = arith.constant 16 : index
      %get3A_1495 = tpu.vector_load %arg6[%get3A_1492, %get3A_1493, %get3A_1494] {strides = array<i32>} : memref<4x128x32xf32, #tpu.memory_space<vmem>>, vector<16xf32>,
      tpu.vector_store_idx %arg7[%add3A_64, %broadcast_in_dim3A_1485], %get3A_1495 : memref<32x129xf32, #tpu.memory_space<vmem>>[vector<16xi32>, vector<16xi32>], vector<16xf32>,
      %broadcast_in_dim3A_1496 = arith.constant 115 : i32
      %broadcast_in_dim3A_1497 = vector.broadcast %broadcast_in_dim3A_1496 : i32 to vector<16xi32>
      %get3A_1498 = arith.constant 115 : i32
      %get3A_1499 = arith.index_cast %rem3A_74 : i32 to index
      %get3A_1500 = arith.index_cast %get3A_1498 : i32 to index
      %get3A_1501 = arith.constant 0 : index
      %get3A_1502 = tpu.vector_load %arg6[%get3A_1499, %get3A_1500, %get3A_1501] {strides = array<i32>} : memref<4x128x32xf32, #tpu.memory_space<vmem>>, vector<16xf32>,
      tpu.vector_store_idx %arg7[%iota3A, %broadcast_in_dim3A_1497], %get3A_1502 : memref<32x129xf32, #tpu.memory_space<vmem>>[vector<16xi32>, vector<16xi32>], vector<16xf32>,
      %get3A_1503 = arith.constant 115 : i32
      %get3A_1504 = arith.index_cast %rem3A_74 : i32 to index
      %get3A_1505 = arith.index_cast %get3A_1503 : i32 to index
      %get3A_1506 = arith.constant 16 : index
      %get3A_1507 = tpu.vector_load %arg6[%get3A_1504, %get3A_1505, %get3A_1506] {strides = array<i32>} : memref<4x128x32xf32, #tpu.memory_space<vmem>>, vector<16xf32>,
      tpu.vector_store_idx %arg7[%add3A_64, %broadcast_in_dim3A_1497], %get3A_1507 : memref<32x129xf32, #tpu.memory_space<vmem>>[vector<16xi32>, vector<16xi32>], vector<16xf32>,
      %broadcast_in_dim3A_1508 = arith.constant 116 : i32
      %broadcast_in_dim3A_1509 = vector.broadcast %broadcast_in_dim3A_1508 : i32 to vector<16xi32>
      %get3A_1510 = arith.constant 116 : i32
      %get3A_1511 = arith.index_cast %rem3A_74 : i32 to index
      %get3A_1512 = arith.index_cast %get3A_1510 : i32 to index
      %get3A_1513 = arith.constant 0 : index
      %get3A_1514 = tpu.vector_load %arg6[%get3A_1511, %get3A_1512, %get3A_1513] {strides = array<i32>} : memref<4x128x32xf32, #tpu.memory_space<vmem>>, vector<16xf32>,
      tpu.vector_store_idx %arg7[%iota3A, %broadcast_in_dim3A_1509], %get3A_1514 : memref<32x129xf32, #tpu.memory_space<vmem>>[vector<16xi32>, vector<16xi32>], vector<16xf32>,
      %get3A_1515 = arith.constant 116 : i32
      %get3A_1516 = arith.index_cast %rem3A_74 : i32 to index
      %get3A_1517 = arith.index_cast %get3A_1515 : i32 to index
      %get3A_1518 = arith.constant 16 : index
      %get3A_1519 = tpu.vector_load %arg6[%get3A_1516, %get3A_1517, %get3A_1518] {strides = array<i32>} : memref<4x128x32xf32, #tpu.memory_space<vmem>>, vector<16xf32>,
      tpu.vector_store_idx %arg7[%add3A_64, %broadcast_in_dim3A_1509], %get3A_1519 : memref<32x129xf32, #tpu.memory_space<vmem>>[vector<16xi32>, vector<16xi32>], vector<16xf32>,
      %broadcast_in_dim3A_1520 = arith.constant 117 : i32
      %broadcast_in_dim3A_1521 = vector.broadcast %broadcast_in_dim3A_1520 : i32 to vector<16xi32>
      %get3A_1522 = arith.constant 117 : i32
      %get3A_1523 = arith.index_cast %rem3A_74 : i32 to index
      %get3A_1524 = arith.index_cast %get3A_1522 : i32 to index
      %get3A_1525 = arith.constant 0 : index
      %get3A_1526 = tpu.vector_load %arg6[%get3A_1523, %get3A_1524, %get3A_1525] {strides = array<i32>} : memref<4x128x32xf32, #tpu.memory_space<vmem>>, vector<16xf32>,
      tpu.vector_store_idx %arg7[%iota3A, %broadcast_in_dim3A_1521], %get3A_1526 : memref<32x129xf32, #tpu.memory_space<vmem>>[vector<16xi32>, vector<16xi32>], vector<16xf32>,
      %get3A_1527 = arith.constant 117 : i32
      %get3A_1528 = arith.index_cast %rem3A_74 : i32 to index
      %get3A_1529 = arith.index_cast %get3A_1527 : i32 to index
      %get3A_1530 = arith.constant 16 : index
      %get3A_1531 = tpu.vector_load %arg6[%get3A_1528, %get3A_1529, %get3A_1530] {strides = array<i32>} : memref<4x128x32xf32, #tpu.memory_space<vmem>>, vector<16xf32>,
      tpu.vector_store_idx %arg7[%add3A_64, %broadcast_in_dim3A_1521], %get3A_1531 : memref<32x129xf32, #tpu.memory_space<vmem>>[vector<16xi32>, vector<16xi32>], vector<16xf32>,
      %broadcast_in_dim3A_1532 = arith.constant 118 : i32
      %broadcast_in_dim3A_1533 = vector.broadcast %broadcast_in_dim3A_1532 : i32 to vector<16xi32>
      %get3A_1534 = arith.constant 118 : i32
      %get3A_1535 = arith.index_cast %rem3A_74 : i32 to index
      %get3A_1536 = arith.index_cast %get3A_1534 : i32 to index
      %get3A_1537 = arith.constant 0 : index
      %get3A_1538 = tpu.vector_load %arg6[%get3A_1535, %get3A_1536, %get3A_1537] {strides = array<i32>} : memref<4x128x32xf32, #tpu.memory_space<vmem>>, vector<16xf32>,
      tpu.vector_store_idx %arg7[%iota3A, %broadcast_in_dim3A_1533], %get3A_1538 : memref<32x129xf32, #tpu.memory_space<vmem>>[vector<16xi32>, vector<16xi32>], vector<16xf32>,
      %get3A_1539 = arith.constant 118 : i32
      %get3A_1540 = arith.index_cast %rem3A_74 : i32 to index
      %get3A_1541 = arith.index_cast %get3A_1539 : i32 to index
      %get3A_1542 = arith.constant 16 : index
      %get3A_1543 = tpu.vector_load %arg6[%get3A_1540, %get3A_1541, %get3A_1542] {strides = array<i32>} : memref<4x128x32xf32, #tpu.memory_space<vmem>>, vector<16xf32>,
      tpu.vector_store_idx %arg7[%add3A_64, %broadcast_in_dim3A_1533], %get3A_1543 : memref<32x129xf32, #tpu.memory_space<vmem>>[vector<16xi32>, vector<16xi32>], vector<16xf32>,
      %broadcast_in_dim3A_1544 = arith.constant 119 : i32
      %broadcast_in_dim3A_1545 = vector.broadcast %broadcast_in_dim3A_1544 : i32 to vector<16xi32>
      %get3A_1546 = arith.constant 119 : i32
      %get3A_1547 = arith.index_cast %rem3A_74 : i32 to index
      %get3A_1548 = arith.index_cast %get3A_1546 : i32 to index
      %get3A_1549 = arith.constant 0 : index
      %get3A_1550 = tpu.vector_load %arg6[%get3A_1547, %get3A_1548, %get3A_1549] {strides = array<i32>} : memref<4x128x32xf32, #tpu.memory_space<vmem>>, vector<16xf32>,
      tpu.vector_store_idx %arg7[%iota3A, %broadcast_in_dim3A_1545], %get3A_1550 : memref<32x129xf32, #tpu.memory_space<vmem>>[vector<16xi32>, vector<16xi32>], vector<16xf32>,
      %get3A_1551 = arith.constant 119 : i32
      %get3A_1552 = arith.index_cast %rem3A_74 : i32 to index
      %get3A_1553 = arith.index_cast %get3A_1551 : i32 to index
      %get3A_1554 = arith.constant 16 : index
      %get3A_1555 = tpu.vector_load %arg6[%get3A_1552, %get3A_1553, %get3A_1554] {strides = array<i32>} : memref<4x128x32xf32, #tpu.memory_space<vmem>>, vector<16xf32>,
      tpu.vector_store_idx %arg7[%add3A_64, %broadcast_in_dim3A_1545], %get3A_1555 : memref<32x129xf32, #tpu.memory_space<vmem>>[vector<16xi32>, vector<16xi32>], vector<16xf32>,
      %broadcast_in_dim3A_1556 = arith.constant 120 : i32
      %broadcast_in_dim3A_1557 = vector.broadcast %broadcast_in_dim3A_1556 : i32 to vector<16xi32>
      %get3A_1558 = arith.constant 120 : i32
      %get3A_1559 = arith.index_cast %rem3A_74 : i32 to index
      %get3A_1560 = arith.index_cast %get3A_1558 : i32 to index
      %get3A_1561 = arith.constant 0 : index
      %get3A_1562 = tpu.vector_load %arg6[%get3A_1559, %get3A_1560, %get3A_1561] {strides = array<i32>} : memref<4x128x32xf32, #tpu.memory_space<vmem>>, vector<16xf32>,
      tpu.vector_store_idx %arg7[%iota3A, %broadcast_in_dim3A_1557], %get3A_1562 : memref<32x129xf32, #tpu.memory_space<vmem>>[vector<16xi32>, vector<16xi32>], vector<16xf32>,
      %get3A_1563 = arith.constant 120 : i32
      %get3A_1564 = arith.index_cast %rem3A_74 : i32 to index
      %get3A_1565 = arith.index_cast %get3A_1563 : i32 to index
      %get3A_1566 = arith.constant 16 : index
      %get3A_1567 = tpu.vector_load %arg6[%get3A_1564, %get3A_1565, %get3A_1566] {strides = array<i32>} : memref<4x128x32xf32, #tpu.memory_space<vmem>>, vector<16xf32>,
      tpu.vector_store_idx %arg7[%add3A_64, %broadcast_in_dim3A_1557], %get3A_1567 : memref<32x129xf32, #tpu.memory_space<vmem>>[vector<16xi32>, vector<16xi32>], vector<16xf32>,
      %broadcast_in_dim3A_1568 = arith.constant 121 : i32
      %broadcast_in_dim3A_1569 = vector.broadcast %broadcast_in_dim3A_1568 : i32 to vector<16xi32>
      %get3A_1570 = arith.constant 121 : i32
      %get3A_1571 = arith.index_cast %rem3A_74 : i32 to index
      %get3A_1572 = arith.index_cast %get3A_1570 : i32 to index
      %get3A_1573 = arith.constant 0 : index
      %get3A_1574 = tpu.vector_load %arg6[%get3A_1571, %get3A_1572, %get3A_1573] {strides = array<i32>} : memref<4x128x32xf32, #tpu.memory_space<vmem>>, vector<16xf32>,
      tpu.vector_store_idx %arg7[%iota3A, %broadcast_in_dim3A_1569], %get3A_1574 : memref<32x129xf32, #tpu.memory_space<vmem>>[vector<16xi32>, vector<16xi32>], vector<16xf32>,
      %get3A_1575 = arith.constant 121 : i32
      %get3A_1576 = arith.index_cast %rem3A_74 : i32 to index
      %get3A_1577 = arith.index_cast %get3A_1575 : i32 to index
      %get3A_1578 = arith.constant 16 : index
      %get3A_1579 = tpu.vector_load %arg6[%get3A_1576, %get3A_1577, %get3A_1578] {strides = array<i32>} : memref<4x128x32xf32, #tpu.memory_space<vmem>>, vector<16xf32>,
      tpu.vector_store_idx %arg7[%add3A_64, %broadcast_in_dim3A_1569], %get3A_1579 : memref<32x129xf32, #tpu.memory_space<vmem>>[vector<16xi32>, vector<16xi32>], vector<16xf32>,
      %broadcast_in_dim3A_1580 = arith.constant 122 : i32
      %broadcast_in_dim3A_1581 = vector.broadcast %broadcast_in_dim3A_1580 : i32 to vector<16xi32>
      %get3A_1582 = arith.constant 122 : i32
      %get3A_1583 = arith.index_cast %rem3A_74 : i32 to index
      %get3A_1584 = arith.index_cast %get3A_1582 : i32 to index
      %get3A_1585 = arith.constant 0 : index
      %get3A_1586 = tpu.vector_load %arg6[%get3A_1583, %get3A_1584, %get3A_1585] {strides = array<i32>} : memref<4x128x32xf32, #tpu.memory_space<vmem>>, vector<16xf32>,
      tpu.vector_store_idx %arg7[%iota3A, %broadcast_in_dim3A_1581], %get3A_1586 : memref<32x129xf32, #tpu.memory_space<vmem>>[vector<16xi32>, vector<16xi32>], vector<16xf32>,
      %get3A_1587 = arith.constant 122 : i32
      %get3A_1588 = arith.index_cast %rem3A_74 : i32 to index
      %get3A_1589 = arith.index_cast %get3A_1587 : i32 to index
      %get3A_1590 = arith.constant 16 : index
      %get3A_1591 = tpu.vector_load %arg6[%get3A_1588, %get3A_1589, %get3A_1590] {strides = array<i32>} : memref<4x128x32xf32, #tpu.memory_space<vmem>>, vector<16xf32>,
      tpu.vector_store_idx %arg7[%add3A_64, %broadcast_in_dim3A_1581], %get3A_1591 : memref<32x129xf32, #tpu.memory_space<vmem>>[vector<16xi32>, vector<16xi32>], vector<16xf32>,
      %broadcast_in_dim3A_1592 = arith.constant 123 : i32
      %broadcast_in_dim3A_1593 = vector.broadcast %broadcast_in_dim3A_1592 : i32 to vector<16xi32>
      %get3A_1594 = arith.constant 123 : i32
      %get3A_1595 = arith.index_cast %rem3A_74 : i32 to index
      %get3A_1596 = arith.index_cast %get3A_1594 : i32 to index
      %get3A_1597 = arith.constant 0 : index
      %get3A_1598 = tpu.vector_load %arg6[%get3A_1595, %get3A_1596, %get3A_1597] {strides = array<i32>} : memref<4x128x32xf32, #tpu.memory_space<vmem>>, vector<16xf32>,
      tpu.vector_store_idx %arg7[%iota3A, %broadcast_in_dim3A_1593], %get3A_1598 : memref<32x129xf32, #tpu.memory_space<vmem>>[vector<16xi32>, vector<16xi32>], vector<16xf32>,
      %get3A_1599 = arith.constant 123 : i32
      %get3A_1600 = arith.index_cast %rem3A_74 : i32 to index
      %get3A_1601 = arith.index_cast %get3A_1599 : i32 to index
      %get3A_1602 = arith.constant 16 : index
      %get3A_1603 = tpu.vector_load %arg6[%get3A_1600, %get3A_1601, %get3A_1602] {strides = array<i32>} : memref<4x128x32xf32, #tpu.memory_space<vmem>>, vector<16xf32>,
      tpu.vector_store_idx %arg7[%add3A_64, %broadcast_in_dim3A_1593], %get3A_1603 : memref<32x129xf32, #tpu.memory_space<vmem>>[vector<16xi32>, vector<16xi32>], vector<16xf32>,
      %broadcast_in_dim3A_1604 = arith.constant 124 : i32
      %broadcast_in_dim3A_1605 = vector.broadcast %broadcast_in_dim3A_1604 : i32 to vector<16xi32>
      %get3A_1606 = arith.constant 124 : i32
      %get3A_1607 = arith.index_cast %rem3A_74 : i32 to index
      %get3A_1608 = arith.index_cast %get3A_1606 : i32 to index
      %get3A_1609 = arith.constant 0 : index
      %get3A_1610 = tpu.vector_load %arg6[%get3A_1607, %get3A_1608, %get3A_1609] {strides = array<i32>} : memref<4x128x32xf32, #tpu.memory_space<vmem>>, vector<16xf32>,
      tpu.vector_store_idx %arg7[%iota3A, %broadcast_in_dim3A_1605], %get3A_1610 : memref<32x129xf32, #tpu.memory_space<vmem>>[vector<16xi32>, vector<16xi32>], vector<16xf32>,
      %get3A_1611 = arith.constant 124 : i32
      %get3A_1612 = arith.index_cast %rem3A_74 : i32 to index
      %get3A_1613 = arith.index_cast %get3A_1611 : i32 to index
      %get3A_1614 = arith.constant 16 : index
      %get3A_1615 = tpu.vector_load %arg6[%get3A_1612, %get3A_1613, %get3A_1614] {strides = array<i32>} : memref<4x128x32xf32, #tpu.memory_space<vmem>>, vector<16xf32>,
      tpu.vector_store_idx %arg7[%add3A_64, %broadcast_in_dim3A_1605], %get3A_1615 : memref<32x129xf32, #tpu.memory_space<vmem>>[vector<16xi32>, vector<16xi32>], vector<16xf32>,
      %broadcast_in_dim3A_1616 = arith.constant 125 : i32
      %broadcast_in_dim3A_1617 = vector.broadcast %broadcast_in_dim3A_1616 : i32 to vector<16xi32>
      %get3A_1618 = arith.constant 125 : i32
      %get3A_1619 = arith.index_cast %rem3A_74 : i32 to index
      %get3A_1620 = arith.index_cast %get3A_1618 : i32 to index
      %get3A_1621 = arith.constant 0 : index
      %get3A_1622 = tpu.vector_load %arg6[%get3A_1619, %get3A_1620, %get3A_1621] {strides = array<i32>} : memref<4x128x32xf32, #tpu.memory_space<vmem>>, vector<16xf32>,
      tpu.vector_store_idx %arg7[%iota3A, %broadcast_in_dim3A_1617], %get3A_1622 : memref<32x129xf32, #tpu.memory_space<vmem>>[vector<16xi32>, vector<16xi32>], vector<16xf32>,
      %get3A_1623 = arith.constant 125 : i32
      %get3A_1624 = arith.index_cast %rem3A_74 : i32 to index
      %get3A_1625 = arith.index_cast %get3A_1623 : i32 to index
      %get3A_1626 = arith.constant 16 : index
      %get3A_1627 = tpu.vector_load %arg6[%get3A_1624, %get3A_1625, %get3A_1626] {strides = array<i32>} : memref<4x128x32xf32, #tpu.memory_space<vmem>>, vector<16xf32>,
      tpu.vector_store_idx %arg7[%add3A_64, %broadcast_in_dim3A_1617], %get3A_1627 : memref<32x129xf32, #tpu.memory_space<vmem>>[vector<16xi32>, vector<16xi32>], vector<16xf32>,
      %broadcast_in_dim3A_1628 = arith.constant 126 : i32
      %broadcast_in_dim3A_1629 = vector.broadcast %broadcast_in_dim3A_1628 : i32 to vector<16xi32>
      %get3A_1630 = arith.constant 126 : i32
      %get3A_1631 = arith.index_cast %rem3A_74 : i32 to index
      %get3A_1632 = arith.index_cast %get3A_1630 : i32 to index
      %get3A_1633 = arith.constant 0 : index
      %get3A_1634 = tpu.vector_load %arg6[%get3A_1631, %get3A_1632, %get3A_1633] {strides = array<i32>} : memref<4x128x32xf32, #tpu.memory_space<vmem>>, vector<16xf32>,
      tpu.vector_store_idx %arg7[%iota3A, %broadcast_in_dim3A_1629], %get3A_1634 : memref<32x129xf32, #tpu.memory_space<vmem>>[vector<16xi32>, vector<16xi32>], vector<16xf32>,
      %get3A_1635 = arith.constant 126 : i32
      %get3A_1636 = arith.index_cast %rem3A_74 : i32 to index
      %get3A_1637 = arith.index_cast %get3A_1635 : i32 to index
      %get3A_1638 = arith.constant 16 : index
      %get3A_1639 = tpu.vector_load %arg6[%get3A_1636, %get3A_1637, %get3A_1638] {strides = array<i32>} : memref<4x128x32xf32, #tpu.memory_space<vmem>>, vector<16xf32>,
      tpu.vector_store_idx %arg7[%add3A_64, %broadcast_in_dim3A_1629], %get3A_1639 : memref<32x129xf32, #tpu.memory_space<vmem>>[vector<16xi32>, vector<16xi32>], vector<16xf32>,
      %broadcast_in_dim3A_1640 = arith.constant 127 : i32
      %broadcast_in_dim3A_1641 = vector.broadcast %broadcast_in_dim3A_1640 : i32 to vector<16xi32>
      %get3A_1642 = arith.constant 127 : i32
      %get3A_1643 = arith.index_cast %rem3A_74 : i32 to index
      %get3A_1644 = arith.index_cast %get3A_1642 : i32 to index
      %get3A_1645 = arith.constant 0 : index
      %get3A_1646 = tpu.vector_load %arg6[%get3A_1643, %get3A_1644, %get3A_1645] {strides = array<i32>} : memref<4x128x32xf32, #tpu.memory_space<vmem>>, vector<16xf32>,
      tpu.vector_store_idx %arg7[%iota3A, %broadcast_in_dim3A_1641], %get3A_1646 : memref<32x129xf32, #tpu.memory_space<vmem>>[vector<16xi32>, vector<16xi32>], vector<16xf32>,
      %get3A_1647 = arith.constant 127 : i32
      %get3A_1648 = arith.index_cast %rem3A_74 : i32 to index
      %get3A_1649 = arith.index_cast %get3A_1647 : i32 to index
      %get3A_1650 = arith.constant 16 : index
      %get3A_1651 = tpu.vector_load %arg6[%get3A_1648, %get3A_1649, %get3A_1650] {strides = array<i32>} : memref<4x128x32xf32, #tpu.memory_space<vmem>>, vector<16xf32>,
      tpu.vector_store_idx %arg7[%add3A_64, %broadcast_in_dim3A_1641], %get3A_1651 : memref<32x129xf32, #tpu.memory_space<vmem>>[vector<16xi32>, vector<16xi32>], vector<16xf32>,
      %add3A_1652 = arith.constant 4 : i32
      %add3A_1653 = arith.addi %add3A_73, %add3A_1652 : i32
      %lt3A_1654 = arith.constant 200 : i32
      %lt3A_1655 = arith.cmpi slt, %add3A_1653, %lt3A_1654 : i32
      %convert_element_type3A = arith.extui %lt3A_1655 : i1 to i32
      %cond3A = arith.constant 0 : i32
      %cond3A_1656 = arith.cmpi ne, %convert_element_type3A, %cond3A : i32
      scf.if %cond3A_1656 {
        %add3A_1700 = arith.constant 4 : i32
        %add3A_1701 = arith.addi %add3A_73, %add3A_1700 : i32
        %jit3A_1702 = arith.constant 4 : i32
        %div3A_1703 = arith.divsi %add3A_1701, %jit3A_1702 : i32
        %sign3A_1704 = arith.constant 0 : i32
        %sign3A_1705 = arith.cmpi sgt, %add3A_1701, %sign3A_1704 : i32
        %sign3A_1706 = arith.extui %sign3A_1705 : i1 to i32
        %sign3A_1707 = arith.constant 0 : i32
        %sign3A_1708 = arith.cmpi slt, %add3A_1701, %sign3A_1707 : i32
        %sign3A_1709 = arith.extui %sign3A_1708 : i1 to i32
        %sign3A_1710 = arith.subi %sign3A_1706, %sign3A_1709 : i32
        %sign3A_1711 = arith.constant 0 : i32
        %sign3A_1712 = arith.cmpi sgt, %jit3A_1702, %sign3A_1711 : i32
        %sign3A_1713 = arith.extui %sign3A_1712 : i1 to i32
        %sign3A_1714 = arith.constant 0 : i32
        %sign3A_1715 = arith.cmpi slt, %jit3A_1702, %sign3A_1714 : i32
        %sign3A_1716 = arith.extui %sign3A_1715 : i1 to i32
        %sign3A_1717 = arith.subi %sign3A_1713, %sign3A_1716 : i32
        %ne3A_1718 = arith.cmpi ne, %sign3A_1710, %sign3A_1717 : i32
        %rem3A_1719 = arith.remsi %add3A_1701, %jit3A_1702 : i32
        %ne3A_1720 = arith.constant 0 : i32
        %ne3A_1721 = arith.cmpi ne, %rem3A_1719, %ne3A_1720 : i32
        %and3A_1722 = arith.andi %ne3A_1718, %ne3A_1721 : i1
        %sub3A_1723 = arith.constant 1 : i32
        %sub3A_1724 = arith.subi %div3A_1703, %sub3A_1723 : i32
        %select_n3A_1725 = arith.select %and3A_1722, %sub3A_1724, %div3A_1703 : i32
        %jit3A_1726 = arith.constant 4 : i32
        %eq3A_1727 = arith.constant 0 : i32
        %eq3A_1728 = arith.cmpi eq, %jit3A_1726, %eq3A_1727 : i32
        %jit3A_1729 = arith.constant 1 : i32
        %select_n3A_1730 = arith.select %eq3A_1728, %jit3A_1729, %jit3A_1726 : i32
        %rem3A_1731 = arith.remsi %add3A_1701, %select_n3A_1730 : i32
        %ne3A_1732 = arith.constant 0 : i32
        %ne3A_1733 = arith.cmpi ne, %rem3A_1731, %ne3A_1732 : i32
        %lt3A_1734 = arith.constant 0 : i32
        %lt3A_1735 = arith.cmpi slt, %rem3A_1731, %lt3A_1734 : i32
        %lt3A_1736 = arith.constant 0 : i32
        %lt3A_1737 = arith.cmpi slt, %select_n3A_1730, %lt3A_1736 : i32
        %ne3A_1738 = arith.xori %lt3A_1735, %lt3A_1737 : i1
        %and3A_1739 = arith.andi %ne3A_1738, %ne3A_1733 : i1
        %add3A_1740 = arith.addi %rem3A_1731, %select_n3A_1730 : i32
        %select_n3A_1741 = arith.select %and3A_1739, %add3A_1740, %rem3A_1731 : i32
        %mul3A_1742 = arith.constant 128 : i32
        %mul3A_1743 = arith.muli %select_n3A_1741, %mul3A_1742 : i32
        %dma_start3A_1744 = arith.constant 0 : i32
        %dma_start3A_1745 = arith.constant 0 : i32
        %dma_start3A_1746 = tpu.memref_slice %arg6[%rem3A_74, %dma_start3A_1744, %dma_start3A_1745] : memref<4x128x32xf32, #tpu.memory_space<vmem>> -> memref<1x128x32xf32, #tpu.memory_space<vmem>>
        %dma_start3A_1747 = tpu.memref_squeeze %dma_start3A_1746 : memref<1x128x32xf32, #tpu.memory_space<vmem>> -> memref<128x32xf32, #tpu.memory_space<vmem>>
        %dma_start3A_1748 = tpu.memref_slice %arg5[%select_n3A_1725, %mul3A_1743] : memref<50x512xi32, #tpu.memory_space<vmem>> -> memref<1x128xi32, #tpu.memory_space<vmem>>
        %dma_start3A_1749 = tpu.memref_squeeze %dma_start3A_1748 : memref<1x128xi32, #tpu.memory_space<vmem>> -> memref<128xi32, #tpu.memory_space<vmem>>
        %dma_start3A_1750 = arith.constant 0 : i32
        %dma_start3A_1751 = arith.constant 0 : i32
        %dma_start3A_1752 = tpu.memref_slice %arg3[%dma_start3A_1750, %dma_start3A_1751] : memref<1000000x32xf32, #tpu.memory_space<hbm>> -> memref<1000000x32xf32, #tpu.memory_space<hbm>>
        %dma_start3A_1753 = tpu.memref_slice %arg8[%rem3A_74] : memref<4x!tpu.dma_semaphore, #tpu.memory_space<semaphore_mem>> -> memref<1x!tpu.dma_semaphore, #tpu.memory_space<semaphore_mem>>
        %dma_start3A_1754 = tpu.memref_squeeze %dma_start3A_1753 : memref<1x!tpu.dma_semaphore, #tpu.memory_space<semaphore_mem>> -> memref<!tpu.dma_semaphore, #tpu.memory_space<semaphore_mem>>
        tpu.enqueue_indirect_dma source(%dma_start3A_1752 : memref<1000000x32xf32, #tpu.memory_space<hbm>>) target(%dma_start3A_1747 : memref<128x32xf32, #tpu.memory_space<vmem>>) offsets(%dma_start3A_1749 : memref<128xi32, #tpu.memory_space<vmem>>) semaphore(%dma_start3A_1754 : memref<!tpu.dma_semaphore, #tpu.memory_space<semaphore_mem>>)
      } else {
      }
      %jit3A_1657 = arith.constant 4 : i32
      %div3A_1658 = arith.divsi %add3A_73, %jit3A_1657 : i32
      %sign3A_1659 = arith.constant 0 : i32
      %sign3A_1660 = arith.cmpi sgt, %add3A_73, %sign3A_1659 : i32
      %sign3A_1661 = arith.extui %sign3A_1660 : i1 to i32
      %sign3A_1662 = arith.constant 0 : i32
      %sign3A_1663 = arith.cmpi slt, %add3A_73, %sign3A_1662 : i32
      %sign3A_1664 = arith.extui %sign3A_1663 : i1 to i32
      %sign3A_1665 = arith.subi %sign3A_1661, %sign3A_1664 : i32
      %sign3A_1666 = arith.constant 0 : i32
      %sign3A_1667 = arith.cmpi sgt, %jit3A_1657, %sign3A_1666 : i32
      %sign3A_1668 = arith.extui %sign3A_1667 : i1 to i32
      %sign3A_1669 = arith.constant 0 : i32
      %sign3A_1670 = arith.cmpi slt, %jit3A_1657, %sign3A_1669 : i32
      %sign3A_1671 = arith.extui %sign3A_1670 : i1 to i32
      %sign3A_1672 = arith.subi %sign3A_1668, %sign3A_1671 : i32
      %ne3A_1673 = arith.cmpi ne, %sign3A_1665, %sign3A_1672 : i32
      %rem3A_1674 = arith.remsi %add3A_73, %jit3A_1657 : i32
      %ne3A_1675 = arith.constant 0 : i32
      %ne3A_1676 = arith.cmpi ne, %rem3A_1674, %ne3A_1675 : i32
      %and3A_1677 = arith.andi %ne3A_1673, %ne3A_1676 : i1
      %sub3A_1678 = arith.constant 1 : i32
      %sub3A_1679 = arith.subi %div3A_1658, %sub3A_1678 : i32
      %select_n3A_1680 = arith.select %and3A_1677, %sub3A_1679, %div3A_1658 : i32
      %jit3A_1681 = arith.constant 4 : i32
      %eq3A_1682 = arith.constant 0 : i32
      %eq3A_1683 = arith.cmpi eq, %jit3A_1681, %eq3A_1682 : i32
      %jit3A_1684 = arith.constant 1 : i32
      %select_n3A_1685 = arith.select %eq3A_1683, %jit3A_1684, %jit3A_1681 : i32
      %rem3A_1686 = arith.remsi %add3A_73, %select_n3A_1685 : i32
      %ne3A_1687 = arith.constant 0 : i32
      %ne3A_1688 = arith.cmpi ne, %rem3A_1686, %ne3A_1687 : i32
      %lt3A_1689 = arith.constant 0 : i32
      %lt3A_1690 = arith.cmpi slt, %rem3A_1686, %lt3A_1689 : i32
      %lt3A_1691 = arith.constant 0 : i32
      %lt3A_1692 = arith.cmpi slt, %select_n3A_1685, %lt3A_1691 : i32
      %ne3A_1693 = arith.xori %lt3A_1690, %lt3A_1692 : i1
      %and3A_1694 = arith.andi %ne3A_1693, %ne3A_1688 : i1
      %add3A_1695 = arith.addi %rem3A_1686, %select_n3A_1685 : i32
      %select_n3A_1696 = arith.select %and3A_1694, %add3A_1695, %rem3A_1686 : i32
      %mul3A_1697 = arith.constant 128 : i32
      %mul3A_1698 = arith.muli %select_n3A_1696, %mul3A_1697 : i32
      %add3A_1699 = arith.addi %mul3A_2, %mul3A_1698 : i32
      "tpu.region"() ({
        %run_scoped3A = tpu.sem_alloc : memref<!tpu.dma_semaphore, #tpu.memory_space<semaphore_mem>>
        %dma_start3A_1700 = arith.constant 0 : i32
        %dma_start3A_1701 = arith.constant 0 : i32
        %dma_start3A_1702 = tpu.memref_slice %arg7[%dma_start3A_1700, %dma_start3A_1701] : memref<32x129xf32, #tpu.memory_space<vmem>> -> memref<32x128xf32, #tpu.memory_space<vmem>>
        %dma_start3A_1703 = arith.constant 0 : i32
        %dma_start3A_1704 = tpu.memref_slice %arg4[%select_n3A_1680, %dma_start3A_1703, %add3A_1699] : memref<50x32x16384xf32, #tpu.memory_space<hbm>> -> memref<1x32x128xf32, #tpu.memory_space<hbm>>
        %dma_start3A_1705 = tpu.memref_squeeze %dma_start3A_1704 : memref<1x32x128xf32, #tpu.memory_space<hbm>> -> memref<32x128xf32, #tpu.memory_space<hbm>>
        %dma_start3A_1706 = arith.constant 0 : i32
        %dma_start3A_1707 = tpu.memref_slice %arg4[%select_n3A_1680, %dma_start3A_1706, %add3A_1699] : memref<50x32x16384xf32, #tpu.memory_space<hbm>> -> memref<1x32x128xf32, #tpu.memory_space<hbm>>
        %dma_start3A_1708 = tpu.memref_squeeze %dma_start3A_1707 : memref<1x32x128xf32, #tpu.memory_space<hbm>> -> memref<32x128xf32, #tpu.memory_space<hbm>>
        %dma_start3A_1709 = arith.constant 0 : i32
        %dma_start3A_1710 = arith.constant 0 : i32
        %dma_start3A_1711 = tpu.memref_slice %arg7[%dma_start3A_1709, %dma_start3A_1710] : memref<32x129xf32, #tpu.memory_space<vmem>> -> memref<32x128xf32, #tpu.memory_space<vmem>>
        tpu.enqueue_dma source(%dma_start3A_1711 : memref<32x128xf32, #tpu.memory_space<vmem>>) target(%dma_start3A_1708 : memref<32x128xf32, #tpu.memory_space<hbm>>) target_semaphore(%run_scoped3A : memref<!tpu.dma_semaphore, #tpu.memory_space<semaphore_mem>>)
        %dma_wait3A_1712 = arith.constant 0 : i32
        %dma_wait3A_1713 = arith.constant 0 : i32
        %dma_wait3A_1714 = tpu.memref_slice %arg7[%dma_wait3A_1712, %dma_wait3A_1713] : memref<32x129xf32, #tpu.memory_space<vmem>> -> memref<32x128xf32, #tpu.memory_space<vmem>>
        %dma_wait3A_1715 = arith.constant 0 : i32
        %dma_wait3A_1716 = tpu.memref_slice %arg4[%select_n3A_1680, %dma_wait3A_1715, %add3A_1699] : memref<50x32x16384xf32, #tpu.memory_space<hbm>> -> memref<1x32x128xf32, #tpu.memory_space<hbm>>
        %dma_wait3A_1717 = tpu.memref_squeeze %dma_wait3A_1716 : memref<1x32x128xf32, #tpu.memory_space<hbm>> -> memref<32x128xf32, #tpu.memory_space<hbm>>
        %dma_wait3A_1718 = arith.constant 0 : i32
        %dma_wait3A_1719 = tpu.memref_slice %arg4[%select_n3A_1680, %dma_wait3A_1718, %add3A_1699] : memref<50x32x16384xf32, #tpu.memory_space<hbm>> -> memref<1x32x128xf32, #tpu.memory_space<hbm>>
        %dma_wait3A_1720 = tpu.memref_squeeze %dma_wait3A_1719 : memref<1x32x128xf32, #tpu.memory_space<hbm>> -> memref<32x128xf32, #tpu.memory_space<hbm>>
        %dma_wait3A_1721 = arith.constant 0 : i32
        %dma_wait3A_1722 = arith.constant 0 : i32
        %dma_wait3A_1723 = tpu.memref_slice %arg7[%dma_wait3A_1721, %dma_wait3A_1722] : memref<32x129xf32, #tpu.memory_space<vmem>> -> memref<32x128xf32, #tpu.memory_space<vmem>>
        tpu.wait_dma2 semaphore(%run_scoped3A : memref<!tpu.dma_semaphore, #tpu.memory_space<semaphore_mem>>) src(%dma_wait3A_1723 : memref<32x128xf32, #tpu.memory_space<vmem>>) dst(%dma_wait3A_1720 : memref<32x128xf32, #tpu.memory_space<hbm>>)
        tpu.yield
      }) : () -> ()
    }
    %scan3A_68 = arith.constant 200 : i32
    return
  }
}

</mosaic_0001>

<sc_bundles>
// kernel: kernel.4.cloned.1.call-start
scs
__scs_entry_jumppad:
0x0: {  	(pc) =	sbr.rel $0x88, $3  }
0x1: {  	(tag) =	ssettag $0x0;
	lr =	simm.s32 $0x1  }
0x2: {  	[smem:$0x3F9E] =	sst lr;
	_ =	strace $0xD0000000  }
0x3: {  	_ = 	snop  }
0x4: {  	_ = 	snop  }
0x5: {  	_ = 	snop  }
0x6: {  	_ = 	snop  }
0x7: {  	_ = 	snop  }
__scs_overlays_trampoline_lowered:
0x8: {  	[smem:$0x3FAD] =	sst s0  }
0x9: {  	[smem:$0x3FAE] =	sst s1  }
0xa: {  	[smem:$0x3FAF] =	sst s2  }
0xb: {  	[smem:$0x3FB0] =	sst s3  }
0xc: {  	[smem:$0x3FB1] =	sst s4  }
0xd: {  	[smem:$0x3FB2] =	sst s5  }
0xe: {  	[smem:$0x3FB3] =	sst s6  }
0xf: {  	[smem:$0x3FB4] =	sst s7  }
0x10: {  	[smem:$0x3FB5] =	sst s8  }
0x11: {  	[smem:$0x3FB6] =	sst s9;
	s0 =	simm.s32 @!p0 $0x0  }
0x12: {  	s1 =	sld [smem:$0x3F9C];
	s0 =	simm.s32 @p0 $0x1  }
0x13: {  	[smem:$0x3FB7] =	sst s0;
	s0 =	simm.s32 @!p1 $0x0  }
0x14: {  	s2 =	sld [smem:$0x3F9B];
	s0 =	simm.s32 @p1 $0x1  }
0x15: {  	[smem:$0x3FB8] =	sst s0;
	s0 =	simm.s32 @!p2 $0x0  }
0x16: {  	s3 =	sld [smem:$0x3FDB];
	s0 =	simm.s32 @p2 $0x1  }
0x17: {  	s4 =	simm.s32 $0x1BF5;
	[smem:$0x3FBA] =	sst s0  }
0x18: {  	s0 =	sld [smem:$0x3F9D];
	_ =	swait.ge [sflag:s4], $0x0  }
0x19: {  	s7 =	sld [smem:$0x3F9E]  }
0x1a: {  	s8 =	sadd.s32 $0xFFFFE003, lr  }
0x1b: {  	s9 =	sadd.s32 $0xFFFFFEF7, lr;
	s5 =	simm.s32 $0xFFFFFFFF;
	p2 =	slt.u32 s8, $0xFFFFF086  }
0x1c: {  	p1 =	slt.u32 s9, $0xF7A;
	s5 =	simm.s32 @!p2 $0x0  }
0x1d: {  	s5 =	simm.s32 @p1 $0x1;
	p0 =	seq.s32 s7, s2  }
0x1e: {  	s7 =	smul.u32 @!p0 $0xF7A, s2;
	p2 =	seq.s32 @!p0 s5, $0x0  }
0x1f: {  	s9 =	smul.u32 $0xF7A, s1;
	s8 =	simm.s32 @!p0 $0x1BF5;
	p2 =	por !p2, p0  }
0x20: {  	[sflag:s8] =	ssyncset.s32 @!p0 $0xFFFFF086;
	s6 =	sadd.s32 @!p0 s3, s7;
	s7 =	simm.s32 @!p0 $0x108  }
0x21: {  	s3 =	sadd.s32 s3, s9;
	s6 =	sadd.s32 @!p0 $0x88, s6;
	s7 =	simm.s32 @p2 $0x1082  }
0x22: {  	[simem:s7], [sflag:s8] =	dma.local @!p0 [hbm:s6], $0xF7A  }
0x23: {  	s9 =	sor.u32 $0xD0000000, s2;
	s6 =	simm.s32 $0x108;
	_ =	swait.ge @!p0 [sflag:s8], $0x0  }
0x24: {  	s3 =	sadd.s32 $0x88, s3;
	s6 =	simm.s32 @!p1 $0x1082;
	[sflag:s4] =	ssyncset.s32 $0xFFFFF086  }
0x25: {  	[simem:s6], [sflag:s4] =	dma.local [hbm:s3], $0xF7A  }
0x26: {  	[smem:$0x3F9E] =	sst s1;
	(tag) =	ssettag s2;
	_ =	strace s9  }
0x27: {  	s1 =	sld [smem:$0x3FAE]  }
0x28: {  	s2 =	sld [smem:$0x3FAF]  }
0x29: {  	s4 =	sld [smem:$0x3FB1]  }
0x2a: {  	p0 =	seq.s32 s5, $0x0;
	s5 =	sld [smem:$0x3FB2]  }
0x2b: {  	s6 =	sld [smem:$0x3FB3]  }
0x2c: {  	s7 =	sld [smem:$0x3FB4]  }
0x2d: {  	s3 =	simm.s32 $0x108;
	s8 =	sld [smem:$0x3FB5]  }
0x2e: {  	s3 =	simm.s32 @!p0 $0x1082;
	s9 =	sld [smem:$0x3FB6]  }
0x2f: {  	lr =	sadd.s32 s0, s3;
	s0 =	sld [smem:$0x3FAD]  }
0x30: {  	s3 =	sld [smem:$0x3FB0]  }
0x31: {  	[smem:$0x3FB9] =	sst s10  }
0x32: {  	s10 =	sld [smem:$0x3FB7];
	_ =	sdelay $0x3  }
0x33: {  	p0 =	seq.s32 s10, $0x1;
	s10 =	sld [smem:$0x3FB9];
	_ =	sdelay $0x3  }
0x34: {  	[smem:$0x3FB9] =	sst s10  }
0x35: {  	s10 =	sld [smem:$0x3FB8];
	_ =	sdelay $0x3  }
0x36: {  	p1 =	seq.s32 s10, $0x1;
	s10 =	sld [smem:$0x3FB9];
	_ =	sdelay $0x3  }
0x37: {  	[smem:$0x3FB9] =	sst s10  }
0x38: {  	s10 =	sld [smem:$0x3FBA]  }
0x39: {  	_ = 	snop;
	(pc) =	sbr.ind lr, $3  }
0x3a: {  	_ = 	snop  }
0x3b: {  	_ = 	snop  }
0x3c: {  	p2 =	seq.s32 s10, $0x1;
	s10 =	sld [smem:$0x3FB9]  }
0x3d: {  	_ =	shalt  }
0x3e: {  	_ =	shalt  }
0x3f: {  	_ =	shalt  }
0x40: {  	_ =	shalt  }
0x41: {  	_ =	shalt  }
0x42: {  	_ =	shalt  }
0x43: {  	_ =	shalt  }
0x44: {  	_ =	shalt  }
0x45: {  	_ =	shalt  }
0x46: {  	_ =	shalt  }
0x47: {  	_ =	shalt  }
0x48: {  	_ =	shalt  }
0x49: {  	_ =	shalt  }
0x4a: {  	_ =	shalt  }
0x4b: {  	_ =	shalt  }
0x4c: {  	_ =	shalt  }
0x4d: {  	_ =	shalt  }
0x4e: {  	_ =	shalt  }
0x4f: {  	_ =	shalt  }
0x50: {  	_ =	shalt  }
0x51: {  	_ =	shalt  }
0x52: {  	_ =	shalt  }
0x53: {  	_ =	shalt  }
0x54: {  	_ =	shalt  }
0x55: {  	_ =	shalt  }
0x56: {  	_ =	shalt  }
0x57: {  	_ =	shalt  }
0x58: {  	_ =	shalt  }
0x59: {  	_ =	shalt  }
0x5a: {  	_ =	shalt  }
0x5b: {  	_ =	shalt  }
0x5c: {  	_ =	shalt  }
0x5d: {  	_ =	shalt  }
0x5e: {  	_ =	shalt  }
0x5f: {  	_ =	shalt  }
0x60: {  	_ =	shalt  }
0x61: {  	_ =	shalt  }
0x62: {  	_ =	shalt  }
0x63: {  	_ =	shalt  }
0x64: {  	_ =	shalt  }
0x65: {  	_ =	shalt  }
0x66: {  	_ =	shalt  }
0x67: {  	_ =	shalt  }
0x68: {  	_ =	shalt  }
0x69: {  	_ =	shalt  }
0x6a: {  	_ =	shalt  }
0x6b: {  	_ =	shalt  }
0x6c: {  	_ =	shalt  }
0x6d: {  	_ =	shalt  }
0x6e: {  	_ =	shalt  }
0x6f: {  	_ =	shalt  }
0x70: {  	_ =	shalt  }
0x71: {  	_ =	shalt  }
0x72: {  	_ =	shalt  }
0x73: {  	_ =	shalt  }
0x74: {  	_ =	shalt  }
0x75: {  	_ =	shalt  }
0x76: {  	_ =	shalt  }
0x77: {  	_ =	shalt  }
0x78: {  	_ =	shalt  }
0x79: {  	_ =	shalt  }
0x7a: {  	_ =	shalt  }
0x7b: {  	_ =	shalt  }
0x7c: {  	_ =	shalt  }
0x7d: {  	_ =	shalt  }
0x7e: {  	_ =	shalt  }
0x7f: {  	_ =	shalt  }
0x80: {  	_ =	shalt  }
0x81: {  	_ =	shalt  }
0x82: {  	_ =	shalt  }
0x83: {  	_ =	shalt  }
0x84: {  	_ =	shalt  }
0x85: {  	_ =	shalt  }
0x86: {  	_ =	shalt  }
0x87: {  	_ =	shalt  }
.Lfunc_end0:
.L_simem_size_0:
called_computation_lowered:
.L_overlay_start_0:
0x88: {  	s2 =	sld [smem:$0x3FD9]  }
0x89: {  	s3 =	sld [smem:$0x3FFE];
	_ =	sdelay $0x1  }
0x8a: {  	s1 =	srdreg.scid  }
0x8b: {  	s0 =	sand.u32 $0x1, s1  }
0x8c: {  	s14 =	sshll.u32 s0, $0xA;
	s2 =	sadd.s32 s3, s2  }
0x8d: {  	s2 =	sadd.s32 s2, s14  }
0x8e: {  	[smem:$0x3FC5] =	sst s2  }
0x8f: {  	_ = 	snop  }
0x90: {  	s2 =	sld [smem:$0x3FD0];
	_ =	sdelay $0x2  }
0x91: {  	s15 =	simm.s32 $0xB;
	s4 =	simm.s32 $0x10  }
0x92: {  	[smem:s4], [sflag:s15] =	dma.local [hbm:s2], $0x1  }
0x93: {  	_ =	swait.eq [sflag:s15], $0x1  }
0x94: {  	[sflag:s15] =	ssyncset.done $0x0  }
0x95: {  	[sflag:s15] =	ssyncadd.s32 $0xFFFFFFFF  }
0x96: {  	s16 =	sld [smem:$0x11];
	(tm) =	ssettm $0x1  }
0x97: {  	s17 =	sld [smem:$0x3FFB];
	_ =	sdelay $0x3  }
0x98: {  	_ =	strace s17  }
0x99: {  	s3 =	sld [smem:$0x3FFC];
	_ =	sdelay $0x3  }
0x9a: {  	_ =	strace s3  }
0x9b: {  	s3 =	sld [smem:$0x3FFD];
	_ =	sdelay $0x3  }
0x9c: {  	_ =	strace s3  }
0x9d: {  	_ =	strace $0x8FFFFFFF  }
0x9e: {  	s18 =	sld [smem:$0x3FDB];
	_ =	sdelay $0x1  }
0x9f: {  	s19 =	simm.s32 $_scs_section_size  }
0xa0: {  	s5 =	simm.s32 $_size__tile_overlayer_lowered;
	s6 =	simm.s32 $_tile_overlayer_lowered  }
0xa1: {  	s22 =	simm.s32 $0x1BFF;
	s21 =	sshll.u32 s6, $0x1;
	s3 =	sadd.s32 s19, s18  }
0xa2: {  	s7 =	simm.s32 $0x0;
	s20 =	sshll.u32 s5, $0x1;
	s5 =	sadd.s32 s21, s3  }
0xa3: {  	[timem:s7], [sflag:s22] =	dma.local [hbm:s5], s20  }
0xa4: {  	_ =	swait.ge [sflag:s22], s20  }
0xa5: {  	s4 =	ssub.s32 $0x0, s20;
	[sflag:s22] =	ssyncset.done $0x0  }
0xa6: {  	[sflag:s22] =	ssyncadd.s32 s4;
	_ =	sdelay $0x1  }
0xa7: {  	s23 =	simm.s32 $0x1B8B  }
0xa8: {  	_ =	swait.ge [sflag:s23], $0x1  }
0xa9: {  	[sflag:s23] =	ssyncset.done $0x0  }
0xaa: {  	s25 =	simm.s32 $0x1B8E;
	s24 =	sld [smem:$0x3FFE];
	[sflag:s23] =	ssyncadd.s32 $0xFFFFFFFF  }
0xab: {  	s26 =	simm.s32 $execute0_lowered;
	[smem:$0x3FD2] =	sst s25  }
0xac: {  	s5 =	sshll.u32 s26, $0x1;
	_ =	strace $0x80000046;
	[dreg:$0x1] =	wrdreg $0xFFFFFFFF  }
0xad: {  	s28 =	simm.s32 $_size_execute0_lowered;
	s3 =	sadd.s32 s3, s5;
	[dreg:$0x0] =	wrdreg $0x0  }
0xae: {  	s5 =	sshll.u32 s28, $0x1;
	[dreg:$0x2] =	wrdreg s3  }
0xaf: {  	[dreg:$0x3] =	wrdreg s5  }
0xb0: {  	[dreg:$0x4] =	wrdreg $0xC0  }
0xb1: {  	_ =	task [dreg:s7], $0x5FFFF  }
0xb2: {  	[dreg:$0x1] =	wrdreg $0xFFFFFFFF  }
0xb3: {  	[dreg:$0x0] =	wrdreg $0x60  }
0xb4: {  	[dreg:$0x2] =	wrdreg s24  }
0xb5: {  	[dreg:$0x3] =	wrdreg s16  }
0xb6: {  	[dreg:$0x4] =	wrdreg $0x9  }
0xb7: {  	_ =	task.clear_ibuf [dreg:s7], $0x5FFFF;
	_ =	strace $0x90000046  }
0xb8: {  	s29 =	simm.s32 $0x9;
	_ =	strace $0x80000048  }
0xb9: {  	_ =	swait.ge [sflag:s29], $0x1  }
0xba: {  	[sflag:s29] =	ssyncadd.s32 $0xFFFFFFFF  }
0xbb: {  	_ =	strace $0x90000048  }
0xbc: {  	_ =	sfence  }
0xbd: {  	s30 =	sld [smem:$0x0];
	_ =	sdelay $0x2  }
0xbe: {  	s31 =	sshll.u32 s1, $0xD;
	s1 =	sshrl.u32 s1, $0x2  }
0xbf: {  	s3 =	sand.u32 $0x4000, s31;
	s1 =	sadd.s32 s1, s30  }
0xc0: {  	s0 =	sor.u32 s3, s0;
	s1 =	sshll.u32 s1, $0x11  }
0xc1: {  	s0 =	sor.u32 s1, s0  }
0xc2: {  	s0 =	sadd.s32 $0x8F2B, s0  }
0xc3: {  	[sflag:s0] =	ssyncadd.remote.s32 $0x1  }
0xc4: {  	_ =	sfence.sel $0xFFFF  }
0xc5: {  	[dreg:$0x0] =	wrdreg $0xFFFFFFFF;
	(pc) =	sbr.abs _section_cstart, $3  }
0xc6: {  	[dreg:$0x1] =	wrdreg $0xFFFFFFFF  }
0xc7: {  	_ =	task.clear_ibuf [dreg:s7], $0x2FFFF;
	_ =	strace $0x9FFFFFFF  }
0xc8: {  	(tm) =	ssettm $0x7FFFFFFF  }
0xc9: {  	_ =	shalt  }
tec
execute0_lowered:
.L_overlay_start_1:
0x0: {  	(tag) =	ssettag $0x1  }
0x1: {  	v0 =	vlaneseq.u32  }
0x2: {  	v0 =	vmul.u32 $0x88, v0;
	_ =	sdelay $0x1  }
0x3: {  	v1 =	vadd.s32 $0x880, v0;
	v3 =	vadd.s32 $0x881, v0;
	v4 =	vor.u32 $0x2, v0  }
0x4: {  	v5 =	vadd.s32 $0x882, v0;
	v6 =	vor.u32 $0x3, v0;
	v7 =	vadd.s32 $0x883, v0  }
0x5: {  	v8 =	vor.u32 $0x4, v0;
	v9 =	vadd.s32 $0x884, v0;
	v10 =	vor.u32 $0x5, v0  }
0x6: {  	v11 =	vadd.s32 $0x885, v0;
	v12 =	vor.u32 $0x6, v0;
	v13 =	vadd.s32 $0x886, v0  }
0x7: {  	v14 =	vor.u32 $0x7, v0;
	v15 =	vadd.s32 $0x887, v0;
	v17 =	vadd.s32 $0x888, v0  }
0x8: {  	v18 =	vadd.s32 $0x9, v0;
	v19 =	vadd.s32 $0x889, v0;
	v20 =	vadd.s32 $0xA, v0  }
0x9: {  	v21 =	vadd.s32 $0x88A, v0;
	v22 =	vadd.s32 $0xB, v0;
	v23 =	vadd.s32 $0x88B, v0  }
0xa: {  	v24 =	vadd.s32 $0xC, v0;
	v25 =	vadd.s32 $0x88C, v0;
	v26 =	vadd.s32 $0xD, v0  }
0xb: {  	v27 =	vadd.s32 $0x88D, v0;
	v28 =	vadd.s32 $0xE, v0;
	v29 =	vadd.s32 $0x88E, v0  }
0xc: {  	v30 =	vadd.s32 $0xF, v0;
	v31 =	vadd.s32 $0x88F, v0;
	v32 =	vadd.s32 $0x10, v0  }
0xd: {  	s5 =	rddreg [dreg:$0x0];
	s1 =	srdreg.scid;
	v33 =	vadd.s32 $0x890, v0;
	v34 =	vadd.s32 $0x11, v0;
	v35 =	vadd.s32 $0x891, v0  }
0xe: {  	s2 =	rddreg [dreg:$0x1];
	s0 =	stileid.u32;
	s3 =	simm.s32 $0x0;
	v36 =	vadd.s32 $0x12, v0;
	v37 =	vadd.s32 $0x892, v0;
	v38 =	vadd.s32 $0x13, v0  }
0xf: {  	s9 =	simm.s32 $0x4000;
	s10 =	simm.s32 $0x5;
	s11 =	simm.s32 $0x80;
	v39 =	vadd.s32 $0x893, v0;
	v40 =	vadd.s32 $0x14, v0;
	v41 =	vadd.s32 $0x894, v0  }
0x10: {  	s12 =	simm.s32 $0x6400;
	s13 =	simm.s32 $0x7400;
	s14 =	simm.s32 $0x100;
	v42 =	vadd.s32 $0x15, v0;
	v43 =	vadd.s32 $0x895, v0;
	v44 =	vadd.s32 $0x16, v0  }
0x11: {  	s15 =	simm.s32 $0x8400;
	s16 =	simm.s32 $0x180;
	s17 =	simm.s32 $0x9400;
	v45 =	vadd.s32 $0x896, v0;
	v46 =	vadd.s32 $0x17, v0;
	v47 =	vadd.s32 $0x897, v0  }
0x12: {  	s18 =	simm.s32 $0xA400;
	s19 =	simm.s32 $0x0;
	s6 =	sand.u32 $0x1, s1;
	v48 =	vadd.s32 $0x18, v0;
	v49 =	vadd.s32 $0x898, v0;
	v50 =	vadd.s32 $0x19, v0  }
0x13: {  	s4 =	sshll.u32 s0, $0xA;
	s7 =	sshll.u32 s6, $0x9;
	s6 =	ssub.s32 $0x2, s6;
	v51 =	vadd.s32 $0x899, v0;
	v52 =	vadd.s32 $0x1A, v0;
	v53 =	vadd.s32 $0x89A, v0  }
0x14: {  	s1 =	rddreg [dreg:$0x2];
	s4 =	sor.u32 s7, s4;
	s8 =	sshrl.u32 s6, $0x1;
	v54 =	vadd.s32 $0x1B, v0;
	v55 =	vadd.s32 $0x89B, v0;
	[tilespmem:$0x1FFE0] =	vst v1;
	v1 =	vor.u32 $0x1, v0  }
0x15: {  	[smem:$0x7FF] =	sst s3;
	v56 =	vadd.s32 $0x1C, v0;
	v57 =	vadd.s32 $0x89C, v0;
	v58 =	vadd.s32 $0x1D, v0;
	s7 =	sshrl.u32 s4, $0x3;
	s8 =	ssub.s32 s6, s8;
	[tilespmem:$0x1FFF0] =	vst v1  }
0x16: {  	v16 =	vadd.s32 $0x8, v0;
	v59 =	vadd.s32 $0x89D, v0;
	v60 =	vadd.s32 $0x1E, v0;
	s7 =	sadd.s32 s7, s5;
	s5 =	sadd.s32 $0xF5BC00, s5;
	_ =	strace $0x80000047  }
0x17: {  	v61 =	vadd.s32 $0x89E, v0;
	v62 =	vadd.s32 $0x1F, v0;
	v63 =	vadd.s32 $0x89F, v0;
	s6 =	sadd.s32 $0x800, s7;
	s7 =	smax.u32 s8, $0x1;
	s8 =	simm.s32 $0x200  }
.LBB2_1:
0x18: {  	[tilespmem:s3], [sflag:$0x5] =	stream.strided.gather [hbm4b:s6+s8], $0x6400, s9, s8, $0x38;
	[tilespmem:$0xB500] =	vst v63  }
0x19: {  	_ =	swait.ge [sflag:s10], $0x6400  }
0x1a: {  	[sflag:s10] =	ssyncset.done $0x0  }
0x1b: {  	[sflag:s10] =	ssyncadd.s32 $0xFFFF9C00  }
0x1c: {  	[tilespmem:s12], [sflag:$0x1] =	stream.indirect.gather [hbm4b:s5+s11], $0x20, s3, s11, $0xb8;
	[tilespmem:$0xB500] =	vst v63  }
0x1d: {  	_ = 	snop  }
0x1e: {  	[tilespmem:s13], [sflag:$0x2] =	stream.indirect.gather [hbm4b:s5+s11], $0x20, s11, s11, $0xb8;
	[tilespmem:$0xB500] =	vst v63  }
0x1f: {  	_ = 	snop  }
0x20: {  	[tilespmem:s15], [sflag:$0x3] =	stream.indirect.gather [hbm4b:s5+s11], $0x20, s14, s11, $0xb8;
	[tilespmem:$0xB500] =	vst v63  }
0x21: {  	s20 =	simm.s32 $0x0  }
0x22: {  	[tilespmem:s17], [sflag:$0x4] =	stream.indirect.gather [hbm4b:s5+s11], $0x20, s16, s11, $0xb8;
	[tilespmem:$0xB500] =	vst v63  }
.LBB2_2:
0x23: {  	s22 =	sand.u32 $0x3, s20  }
0x24: {  	s21 =	sadd.s32 $0x1, s22  }
0x25: {  	_ =	swait.ge [sflag:s21], $0x1000  }
0x26: {  	[sflag:s21] =	ssyncset.done $0x0  }
0x27: {  	s22 =	sshll.u32 s22, $0xC;
	[sflag:s21] =	ssyncadd.s32 $0xFFFFF000  }
0x28: {  	v1 =	vld [tilespmem:s22+$0x6400];
	_ =	sdelay $0x2  }
0x29: {  	v2 =	vld [tilespmem:$0x1FFE0];
	_ =	sdelay $0x1  }
0x2a: {  	[tilespmem:v0+s18+$0x0] =	vst.idx.msk $0xffff, v1  }
0x2b: {  	v1 =	vld [tilespmem:s22+$0x6410];
	_ =	sdelay $0x4  }
0x2c: {  	[tilespmem:v2+s18+$0x0] =	vst.idx.msk $0xffff, v1;
	v2 =	vld [tilespmem:$0x1FFF0];
	_ =	sdelay $0x2  }
0x2d: {  	v1 =	vld [tilespmem:s22+$0x6420];
	_ =	sdelay $0x4  }
0x2e: {  	[tilespmem:v2+s18+$0x0] =	vst.idx.msk $0xffff, v1  }
0x2f: {  	v1 =	vld [tilespmem:s22+$0x6430];
	_ =	sdelay $0x4  }
0x30: {  	[tilespmem:v3+s18+$0x0] =	vst.idx.msk $0xffff, v1  }
0x31: {  	v1 =	vld [tilespmem:s22+$0x6440];
	_ =	sdelay $0x4  }
0x32: {  	[tilespmem:v4+s18+$0x0] =	vst.idx.msk $0xffff, v1  }
0x33: {  	v1 =	vld [tilespmem:s22+$0x6450];
	_ =	sdelay $0x4  }
0x34: {  	[tilespmem:v5+s18+$0x0] =	vst.idx.msk $0xffff, v1  }
0x35: {  	v1 =	vld [tilespmem:s22+$0x6460];
	_ =	sdelay $0x4  }
0x36: {  	[tilespmem:v6+s18+$0x0] =	vst.idx.msk $0xffff, v1  }
0x37: {  	v1 =	vld [tilespmem:s22+$0x6470];
	_ =	sdelay $0x4  }
0x38: {  	[tilespmem:v7+s18+$0x0] =	vst.idx.msk $0xffff, v1  }
0x39: {  	v1 =	vld [tilespmem:s22+$0x6480];
	_ =	sdelay $0x4  }
0x3a: {  	[tilespmem:v8+s18+$0x0] =	vst.idx.msk $0xffff, v1  }
0x3b: {  	v1 =	vld [tilespmem:s22+$0x6490];
	_ =	sdelay $0x4  }
0x3c: {  	[tilespmem:v9+s18+$0x0] =	vst.idx.msk $0xffff, v1  }
0x3d: {  	v1 =	vld [tilespmem:s22+$0x64A0];
	_ =	sdelay $0x4  }
0x3e: {  	[tilespmem:v10+s18+$0x0] =	vst.idx.msk $0xffff, v1  }
0x3f: {  	v1 =	vld [tilespmem:s22+$0x64B0];
	_ =	sdelay $0x4  }
0x40: {  	[tilespmem:v11+s18+$0x0] =	vst.idx.msk $0xffff, v1  }
0x41: {  	v1 =	vld [tilespmem:s22+$0x64C0];
	_ =	sdelay $0x4  }
0x42: {  	[tilespmem:v12+s18+$0x0] =	vst.idx.msk $0xffff, v1  }
0x43: {  	v1 =	vld [tilespmem:s22+$0x64D0];
	_ =	sdelay $0x4  }
0x44: {  	[tilespmem:v13+s18+$0x0] =	vst.idx.msk $0xffff, v1  }
0x45: {  	v1 =	vld [tilespmem:s22+$0x64E0];
	_ =	sdelay $0x4  }
0x46: {  	[tilespmem:v14+s18+$0x0] =	vst.idx.msk $0xffff, v1  }
0x47: {  	v1 =	vld [tilespmem:s22+$0x64F0];
	_ =	sdelay $0x4  }
0x48: {  	[tilespmem:v15+s18+$0x0] =	vst.idx.msk $0xffff, v1  }
0x49: {  	v1 =	vld [tilespmem:s22+$0x6500];
	_ =	sdelay $0x4  }
0x4a: {  	[tilespmem:v16+s18+$0x0] =	vst.idx.msk $0xffff, v1  }
0x4b: {  	v1 =	vld [tilespmem:s22+$0x6510];
	_ =	sdelay $0x4  }
0x4c: {  	[tilespmem:v17+s18+$0x0] =	vst.idx.msk $0xffff, v1  }
0x4d: {  	v1 =	vld [tilespmem:s22+$0x6520];
	_ =	sdelay $0x4  }
0x4e: {  	[tilespmem:v18+s18+$0x0] =	vst.idx.msk $0xffff, v1  }
0x4f: {  	v1 =	vld [tilespmem:s22+$0x6530];
	_ =	sdelay $0x4  }
0x50: {  	[tilespmem:v19+s18+$0x0] =	vst.idx.msk $0xffff, v1  }
0x51: {  	v1 =	vld [tilespmem:s22+$0x6540];
	_ =	sdelay $0x4  }
0x52: {  	[tilespmem:v20+s18+$0x0] =	vst.idx.msk $0xffff, v1  }
0x53: {  	v1 =	vld [tilespmem:s22+$0x6550];
	_ =	sdelay $0x4  }
0x54: {  	[tilespmem:v21+s18+$0x0] =	vst.idx.msk $0xffff, v1  }
0x55: {  	v1 =	vld [tilespmem:s22+$0x6560];
	_ =	sdelay $0x4  }
0x56: {  	[tilespmem:v22+s18+$0x0] =	vst.idx.msk $0xffff, v1  }
0x57: {  	v1 =	vld [tilespmem:s22+$0x6570];
	_ =	sdelay $0x4  }
0x58: {  	[tilespmem:v23+s18+$0x0] =	vst.idx.msk $0xffff, v1  }
0x59: {  	v1 =	vld [tilespmem:s22+$0x6580];
	_ =	sdelay $0x4  }
0x5a: {  	[tilespmem:v24+s18+$0x0] =	vst.idx.msk $0xffff, v1  }
0x5b: {  	v1 =	vld [tilespmem:s22+$0x6590];
	_ =	sdelay $0x4  }
0x5c: {  	[tilespmem:v25+s18+$0x0] =	vst.idx.msk $0xffff, v1  }
0x5d: {  	v1 =	vld [tilespmem:s22+$0x65A0];
	_ =	sdelay $0x4  }
0x5e: {  	[tilespmem:v26+s18+$0x0] =	vst.idx.msk $0xffff, v1  }
0x5f: {  	v1 =	vld [tilespmem:s22+$0x65B0];
	_ =	sdelay $0x4  }
0x60: {  	[tilespmem:v27+s18+$0x0] =	vst.idx.msk $0xffff, v1  }
0x61: {  	v1 =	vld [tilespmem:s22+$0x65C0];
	_ =	sdelay $0x4  }
0x62: {  	[tilespmem:v28+s18+$0x0] =	vst.idx.msk $0xffff, v1  }
0x63: {  	v1 =	vld [tilespmem:s22+$0x65D0];
	_ =	sdelay $0x4  }
0x64: {  	[tilespmem:v29+s18+$0x0] =	vst.idx.msk $0xffff, v1  }
0x65: {  	v1 =	vld [tilespmem:s22+$0x65E0];
	_ =	sdelay $0x4  }
0x66: {  	[tilespmem:v30+s18+$0x0] =	vst.idx.msk $0xffff, v1  }
0x67: {  	v1 =	vld [tilespmem:s22+$0x65F0];
	_ =	sdelay $0x4  }
0x68: {  	[tilespmem:v31+s18+$0x0] =	vst.idx.msk $0xffff, v1  }
0x69: {  	v1 =	vld [tilespmem:s22+$0x6600];
	_ =	sdelay $0x4  }
0x6a: {  	[tilespmem:v32+s18+$0x0] =	vst.idx.msk $0xffff, v1  }
0x6b: {  	v1 =	vld [tilespmem:s22+$0x6610];
	_ =	sdelay $0x4  }
0x6c: {  	[tilespmem:v33+s18+$0x0] =	vst.idx.msk $0xffff, v1  }
0x6d: {  	v1 =	vld [tilespmem:s22+$0x6620];
	_ =	sdelay $0x4  }
0x6e: {  	[tilespmem:v34+s18+$0x0] =	vst.idx.msk $0xffff, v1  }
0x6f: {  	v1 =	vld [tilespmem:s22+$0x6630];
	_ =	sdelay $0x4  }
0x70: {  	[tilespmem:v35+s18+$0x0] =	vst.idx.msk $0xffff, v1  }
0x71: {  	v1 =	vld [tilespmem:s22+$0x6640];
	_ =	sdelay $0x4  }
0x72: {  	[tilespmem:v36+s18+$0x0] =	vst.idx.msk $0xffff, v1  }
0x73: {  	v1 =	vld [tilespmem:s22+$0x6650];
	_ =	sdelay $0x4  }
0x74: {  	[tilespmem:v37+s18+$0x0] =	vst.idx.msk $0xffff, v1  }
0x75: {  	v1 =	vld [tilespmem:s22+$0x6660];
	_ =	sdelay $0x4  }
0x76: {  	[tilespmem:v38+s18+$0x0] =	vst.idx.msk $0xffff, v1  }
0x77: {  	v1 =	vld [tilespmem:s22+$0x6670];
	_ =	sdelay $0x4  }
0x78: {  	[tilespmem:v39+s18+$0x0] =	vst.idx.msk $0xffff, v1  }
0x79: {  	v1 =	vld [tilespmem:s22+$0x6680];
	_ =	sdelay $0x4  }
0x7a: {  	[tilespmem:v40+s18+$0x0] =	vst.idx.msk $0xffff, v1  }
0x7b: {  	v1 =	vld [tilespmem:s22+$0x6690];
	_ =	sdelay $0x4  }
0x7c: {  	[tilespmem:v41+s18+$0x0] =	vst.idx.msk $0xffff, v1  }
0x7d: {  	v1 =	vld [tilespmem:s22+$0x66A0];
	_ =	sdelay $0x4  }
0x7e: {  	[tilespmem:v42+s18+$0x0] =	vst.idx.msk $0xffff, v1  }
0x7f: {  	v1 =	vld [tilespmem:s22+$0x66B0];
	_ =	sdelay $0x4  }
0x80: {  	[tilespmem:v43+s18+$0x0] =	vst.idx.msk $0xffff, v1  }
0x81: {  	v1 =	vld [tilespmem:s22+$0x66C0];
	_ =	sdelay $0x4  }
0x82: {  	[tilespmem:v44+s18+$0x0] =	vst.idx.msk $0xffff, v1  }
0x83: {  	v1 =	vld [tilespmem:s22+$0x66D0];
	_ =	sdelay $0x4  }
0x84: {  	[tilespmem:v45+s18+$0x0] =	vst.idx.msk $0xffff, v1  }
0x85: {  	v1 =	vld [tilespmem:s22+$0x66E0];
	_ =	sdelay $0x4  }
0x86: {  	[tilespmem:v46+s18+$0x0] =	vst.idx.msk $0xffff, v1  }
0x87: {  	v1 =	vld [tilespmem:s22+$0x66F0];
	_ =	sdelay $0x4  }
0x88: {  	[tilespmem:v47+s18+$0x0] =	vst.idx.msk $0xffff, v1  }
0x89: {  	v1 =	vld [tilespmem:s22+$0x6700];
	_ =	sdelay $0x4  }
0x8a: {  	[tilespmem:v48+s18+$0x0] =	vst.idx.msk $0xffff, v1  }
0x8b: {  	v1 =	vld [tilespmem:s22+$0x6710];
	_ =	sdelay $0x4  }
0x8c: {  	[tilespmem:v49+s18+$0x0] =	vst.idx.msk $0xffff, v1  }
0x8d: {  	v1 =	vld [tilespmem:s22+$0x6720];
	_ =	sdelay $0x4  }
0x8e: {  	[tilespmem:v50+s18+$0x0] =	vst.idx.msk $0xffff, v1  }
0x8f: {  	v1 =	vld [tilespmem:s22+$0x6730];
	_ =	sdelay $0x4  }
0x90: {  	[tilespmem:v51+s18+$0x0] =	vst.idx.msk $0xffff, v1  }
0x91: {  	v1 =	vld [tilespmem:s22+$0x6740];
	_ =	sdelay $0x4  }
0x92: {  	[tilespmem:v52+s18+$0x0] =	vst.idx.msk $0xffff, v1  }
0x93: {  	v1 =	vld [tilespmem:s22+$0x6750];
	_ =	sdelay $0x4  }
0x94: {  	[tilespmem:v53+s18+$0x0] =	vst.idx.msk $0xffff, v1  }
0x95: {  	v1 =	vld [tilespmem:s22+$0x6760];
	_ =	sdelay $0x4  }
0x96: {  	[tilespmem:v54+s18+$0x0] =	vst.idx.msk $0xffff, v1  }
0x97: {  	v1 =	vld [tilespmem:s22+$0x6770];
	_ =	sdelay $0x4  }
0x98: {  	[tilespmem:v55+s18+$0x0] =	vst.idx.msk $0xffff, v1  }
0x99: {  	v1 =	vld [tilespmem:s22+$0x6780];
	_ =	sdelay $0x4  }
0x9a: {  	[tilespmem:v56+s18+$0x0] =	vst.idx.msk $0xffff, v1  }
0x9b: {  	v1 =	vld [tilespmem:s22+$0x6790];
	_ =	sdelay $0x4  }
0x9c: {  	[tilespmem:v57+s18+$0x0] =	vst.idx.msk $0xffff, v1  }
0x9d: {  	v1 =	vld [tilespmem:s22+$0x67A0];
	_ =	sdelay $0x4  }
0x9e: {  	[tilespmem:v58+s18+$0x0] =	vst.idx.msk $0xffff, v1  }
0x9f: {  	v1 =	vld [tilespmem:s22+$0x67B0];
	_ =	sdelay $0x4  }
0xa0: {  	[tilespmem:v59+s18+$0x0] =	vst.idx.msk $0xffff, v1  }
0xa1: {  	v1 =	vld [tilespmem:s22+$0x67C0];
	_ =	sdelay $0x4  }
0xa2: {  	[tilespmem:v60+s18+$0x0] =	vst.idx.msk $0xffff, v1  }
0xa3: {  	v1 =	vld [tilespmem:s22+$0x67D0];
	_ =	sdelay $0x4  }
0xa4: {  	[tilespmem:v61+s18+$0x0] =	vst.idx.msk $0xffff, v1  }
0xa5: {  	v1 =	vld [tilespmem:s22+$0x67E0];
	_ =	sdelay $0x4  }
0xa6: {  	[tilespmem:v62+s18+$0x0] =	vst.idx.msk $0xffff, v1  }
0xa7: {  	v1 =	vld [tilespmem:s22+$0x67F0];
	_ =	sdelay $0x4  }
0xa8: {  	[tilespmem:v63+s18+$0x0] =	vst.idx.msk $0xffff, v1  }
0xa9: {  	v2 =	vadd.s32 $0x20, v0;
	v1 =	vld [tilespmem:s22+$0x6800];
	_ =	sdelay $0x4  }
0xaa: {  	[tilespmem:v2+s18+$0x0] =	vst.idx.msk $0xffff, v1  }
0xab: {  	v2 =	vadd.s32 $0x8A0, v0;
	v1 =	vld [tilespmem:s22+$0x6810];
	_ =	sdelay $0x4  }
0xac: {  	[tilespmem:v2+s18+$0x0] =	vst.idx.msk $0xffff, v1  }
0xad: {  	v2 =	vadd.s32 $0x21, v0;
	v1 =	vld [tilespmem:s22+$0x6820];
	_ =	sdelay $0x4  }
0xae: {  	[tilespmem:v2+s18+$0x0] =	vst.idx.msk $0xffff, v1  }
0xaf: {  	v2 =	vadd.s32 $0x8A1, v0;
	v1 =	vld [tilespmem:s22+$0x6830];
	_ =	sdelay $0x4  }
0xb0: {  	[tilespmem:v2+s18+$0x0] =	vst.idx.msk $0xffff, v1  }
0xb1: {  	v2 =	vadd.s32 $0x22, v0;
	v1 =	vld [tilespmem:s22+$0x6840];
	_ =	sdelay $0x4  }
0xb2: {  	[tilespmem:v2+s18+$0x0] =	vst.idx.msk $0xffff, v1  }
0xb3: {  	v2 =	vadd.s32 $0x8A2, v0;
	v1 =	vld [tilespmem:s22+$0x6850];
	_ =	sdelay $0x4  }
0xb4: {  	[tilespmem:v2+s18+$0x0] =	vst.idx.msk $0xffff, v1  }
0xb5: {  	v2 =	vadd.s32 $0x23, v0;
	v1 =	vld [tilespmem:s22+$0x6860];
	_ =	sdelay $0x4  }
0xb6: {  	[tilespmem:v2+s18+$0x0] =	vst.idx.msk $0xffff, v1  }
0xb7: {  	v2 =	vadd.s32 $0x8A3, v0;
	v1 =	vld [tilespmem:s22+$0x6870];
	_ =	sdelay $0x4  }
0xb8: {  	[tilespmem:v2+s18+$0x0] =	vst.idx.msk $0xffff, v1  }
0xb9: {  	v2 =	vadd.s32 $0x24, v0;
	v1 =	vld [tilespmem:s22+$0x6880];
	_ =	sdelay $0x4  }
0xba: {  	[tilespmem:v2+s18+$0x0] =	vst.idx.msk $0xffff, v1  }
0xbb: {  	v2 =	vadd.s32 $0x8A4, v0;
	v1 =	vld [tilespmem:s22+$0x6890];
	_ =	sdelay $0x4  }
0xbc: {  	[tilespmem:v2+s18+$0x0] =	vst.idx.msk $0xffff, v1  }
0xbd: {  	v2 =	vadd.s32 $0x25, v0;
	v1 =	vld [tilespmem:s22+$0x68A0];
	_ =	sdelay $0x4  }
0xbe: {  	[tilespmem:v2+s18+$0x0] =	vst.idx.msk $0xffff, v1  }
0xbf: {  	v2 =	vadd.s32 $0x8A5, v0;
	v1 =	vld [tilespmem:s22+$0x68B0];
	_ =	sdelay $0x4  }
0xc0: {  	[tilespmem:v2+s18+$0x0] =	vst.idx.msk $0xffff, v1  }
0xc1: {  	v2 =	vadd.s32 $0x26, v0;
	v1 =	vld [tilespmem:s22+$0x68C0];
	_ =	sdelay $0x4  }
0xc2: {  	[tilespmem:v2+s18+$0x0] =	vst.idx.msk $0xffff, v1  }
0xc3: {  	v2 =	vadd.s32 $0x8A6, v0;
	v1 =	vld [tilespmem:s22+$0x68D0];
	_ =	sdelay $0x4  }
0xc4: {  	[tilespmem:v2+s18+$0x0] =	vst.idx.msk $0xffff, v1  }
0xc5: {  	v2 =	vadd.s32 $0x27, v0;
	v1 =	vld [tilespmem:s22+$0x68E0];
	_ =	sdelay $0x4  }
0xc6: {  	[tilespmem:v2+s18+$0x0] =	vst.idx.msk $0xffff, v1  }
0xc7: {  	v2 =	vadd.s32 $0x8A7, v0;
	v1 =	vld [tilespmem:s22+$0x68F0];
	_ =	sdelay $0x4  }
0xc8: {  	[tilespmem:v2+s18+$0x0] =	vst.idx.msk $0xffff, v1  }
0xc9: {  	v2 =	vadd.s32 $0x28, v0;
	v1 =	vld [tilespmem:s22+$0x6900];
	_ =	sdelay $0x4  }
0xca: {  	[tilespmem:v2+s18+$0x0] =	vst.idx.msk $0xffff, v1  }
0xcb: {  	v2 =	vadd.s32 $0x8A8, v0;
	v1 =	vld [tilespmem:s22+$0x6910];
	_ =	sdelay $0x4  }
0xcc: {  	[tilespmem:v2+s18+$0x0] =	vst.idx.msk $0xffff, v1  }
0xcd: {  	v2 =	vadd.s32 $0x29, v0;
	v1 =	vld [tilespmem:s22+$0x6920];
	_ =	sdelay $0x4  }
0xce: {  	[tilespmem:v2+s18+$0x0] =	vst.idx.msk $0xffff, v1  }
0xcf: {  	v2 =	vadd.s32 $0x8A9, v0;
	v1 =	vld [tilespmem:s22+$0x6930];
	_ =	sdelay $0x4  }
0xd0: {  	[tilespmem:v2+s18+$0x0] =	vst.idx.msk $0xffff, v1  }
0xd1: {  	v2 =	vadd.s32 $0x2A, v0;
	v1 =	vld [tilespmem:s22+$0x6940];
	_ =	sdelay $0x4  }
0xd2: {  	[tilespmem:v2+s18+$0x0] =	vst.idx.msk $0xffff, v1  }
0xd3: {  	v2 =	vadd.s32 $0x8AA, v0;
	v1 =	vld [tilespmem:s22+$0x6950];
	_ =	sdelay $0x4  }
0xd4: {  	[tilespmem:v2+s18+$0x0] =	vst.idx.msk $0xffff, v1  }
0xd5: {  	v2 =	vadd.s32 $0x2B, v0;
	v1 =	vld [tilespmem:s22+$0x6960];
	_ =	sdelay $0x4  }
0xd6: {  	[tilespmem:v2+s18+$0x0] =	vst.idx.msk $0xffff, v1  }
0xd7: {  	v2 =	vadd.s32 $0x8AB, v0;
	v1 =	vld [tilespmem:s22+$0x6970];
	_ =	sdelay $0x4  }
0xd8: {  	[tilespmem:v2+s18+$0x0] =	vst.idx.msk $0xffff, v1  }
0xd9: {  	v2 =	vadd.s32 $0x2C, v0;
	v1 =	vld [tilespmem:s22+$0x6980];
	_ =	sdelay $0x4  }
0xda: {  	[tilespmem:v2+s18+$0x0] =	vst.idx.msk $0xffff, v1  }
0xdb: {  	v2 =	vadd.s32 $0x8AC, v0;
	v1 =	vld [tilespmem:s22+$0x6990];
	_ =	sdelay $0x4  }
0xdc: {  	[tilespmem:v2+s18+$0x0] =	vst.idx.msk $0xffff, v1  }
0xdd: {  	v2 =	vadd.s32 $0x2D, v0;
	v1 =	vld [tilespmem:s22+$0x69A0];
	_ =	sdelay $0x4  }
0xde: {  	[tilespmem:v2+s18+$0x0] =	vst.idx.msk $0xffff, v1  }
0xdf: {  	v2 =	vadd.s32 $0x8AD, v0;
	v1 =	vld [tilespmem:s22+$0x69B0];
	_ =	sdelay $0x4  }
0xe0: {  	[tilespmem:v2+s18+$0x0] =	vst.idx.msk $0xffff, v1  }
0xe1: {  	v2 =	vadd.s32 $0x2E, v0;
	v1 =	vld [tilespmem:s22+$0x69C0];
	_ =	sdelay $0x4  }
0xe2: {  	[tilespmem:v2+s18+$0x0] =	vst.idx.msk $0xffff, v1  }
0xe3: {  	v2 =	vadd.s32 $0x8AE, v0;
	v1 =	vld [tilespmem:s22+$0x69D0];
	_ =	sdelay $0x4  }
0xe4: {  	[tilespmem:v2+s18+$0x0] =	vst.idx.msk $0xffff, v1  }
0xe5: {  	v2 =	vadd.s32 $0x2F, v0;
	v1 =	vld [tilespmem:s22+$0x69E0];
	_ =	sdelay $0x4  }
0xe6: {  	[tilespmem:v2+s18+$0x0] =	vst.idx.msk $0xffff, v1  }
0xe7: {  	v2 =	vadd.s32 $0x8AF, v0;
	v1 =	vld [tilespmem:s22+$0x69F0];
	_ =	sdelay $0x4  }
0xe8: {  	[tilespmem:v2+s18+$0x0] =	vst.idx.msk $0xffff, v1  }
0xe9: {  	v2 =	vadd.s32 $0x30, v0;
	v1 =	vld [tilespmem:s22+$0x6A00];
	_ =	sdelay $0x4  }
0xea: {  	[tilespmem:v2+s18+$0x0] =	vst.idx.msk $0xffff, v1  }
0xeb: {  	v2 =	vadd.s32 $0x8B0, v0;
	v1 =	vld [tilespmem:s22+$0x6A10];
	_ =	sdelay $0x4  }
0xec: {  	[tilespmem:v2+s18+$0x0] =	vst.idx.msk $0xffff, v1  }
0xed: {  	v2 =	vadd.s32 $0x31, v0;
	v1 =	vld [tilespmem:s22+$0x6A20];
	_ =	sdelay $0x4  }
0xee: {  	[tilespmem:v2+s18+$0x0] =	vst.idx.msk $0xffff, v1  }
0xef: {  	v2 =	vadd.s32 $0x8B1, v0;
	v1 =	vld [tilespmem:s22+$0x6A30];
	_ =	sdelay $0x4  }
0xf0: {  	[tilespmem:v2+s18+$0x0] =	vst.idx.msk $0xffff, v1  }
0xf1: {  	v2 =	vadd.s32 $0x32, v0;
	v1 =	vld [tilespmem:s22+$0x6A40];
	_ =	sdelay $0x4  }
0xf2: {  	[tilespmem:v2+s18+$0x0] =	vst.idx.msk $0xffff, v1  }
0xf3: {  	v2 =	vadd.s32 $0x8B2, v0;
	v1 =	vld [tilespmem:s22+$0x6A50];
	_ =	sdelay $0x4  }
0xf4: {  	[tilespmem:v2+s18+$0x0] =	vst.idx.msk $0xffff, v1  }
0xf5: {  	v2 =	vadd.s32 $0x33, v0;
	v1 =	vld [tilespmem:s22+$0x6A60];
	_ =	sdelay $0x4  }
0xf6: {  	[tilespmem:v2+s18+$0x0] =	vst.idx.msk $0xffff, v1  }
0xf7: {  	v2 =	vadd.s32 $0x8B3, v0;
	v1 =	vld [tilespmem:s22+$0x6A70];
	_ =	sdelay $0x4  }
0xf8: {  	[tilespmem:v2+s18+$0x0] =	vst.idx.msk $0xffff, v1  }
0xf9: {  	v2 =	vadd.s32 $0x34, v0;
	v1 =	vld [tilespmem:s22+$0x6A80];
	_ =	sdelay $0x4  }
0xfa: {  	[tilespmem:v2+s18+$0x0] =	vst.idx.msk $0xffff, v1  }
0xfb: {  	v2 =	vadd.s32 $0x8B4, v0;
	v1 =	vld [tilespmem:s22+$0x6A90];
	_ =	sdelay $0x4  }
0xfc: {  	[tilespmem:v2+s18+$0x0] =	vst.idx.msk $0xffff, v1  }
0xfd: {  	v2 =	vadd.s32 $0x35, v0;
	v1 =	vld [tilespmem:s22+$0x6AA0];
	_ =	sdelay $0x4  }
0xfe: {  	[tilespmem:v2+s18+$0x0] =	vst.idx.msk $0xffff, v1  }
0xff: {  	v2 =	vadd.s32 $0x8B5, v0;
	v1 =	vld [tilespmem:s22+$0x6AB0];
	_ =	sdelay $0x4  }
0x100: {  	[tilespmem:v2+s18+$0x0] =	vst.idx.msk $0xffff, v1  }
0x101: {  	v2 =	vadd.s32 $0x36, v0;
	v1 =	vld [tilespmem:s22+$0x6AC0];
	_ =	sdelay $0x4  }
0x102: {  	[tilespmem:v2+s18+$0x0] =	vst.idx.msk $0xffff, v1  }
0x103: {  	v2 =	vadd.s32 $0x8B6, v0;
	v1 =	vld [tilespmem:s22+$0x6AD0];
	_ =	sdelay $0x4  }
0x104: {  	[tilespmem:v2+s18+$0x0] =	vst.idx.msk $0xffff, v1  }
0x105: {  	v2 =	vadd.s32 $0x37, v0;
	v1 =	vld [tilespmem:s22+$0x6AE0];
	_ =	sdelay $0x4  }
0x106: {  	[tilespmem:v2+s18+$0x0] =	vst.idx.msk $0xffff, v1  }
0x107: {  	v2 =	vadd.s32 $0x8B7, v0;
	v1 =	vld [tilespmem:s22+$0x6AF0];
	_ =	sdelay $0x4  }
0x108: {  	[tilespmem:v2+s18+$0x0] =	vst.idx.msk $0xffff, v1  }
0x109: {  	v2 =	vadd.s32 $0x38, v0;
	v1 =	vld [tilespmem:s22+$0x6B00];
	_ =	sdelay $0x4  }
0x10a: {  	[tilespmem:v2+s18+$0x0] =	vst.idx.msk $0xffff, v1  }
0x10b: {  	v2 =	vadd.s32 $0x8B8, v0;
	v1 =	vld [tilespmem:s22+$0x6B10];
	_ =	sdelay $0x4  }
0x10c: {  	[tilespmem:v2+s18+$0x0] =	vst.idx.msk $0xffff, v1  }
0x10d: {  	v2 =	vadd.s32 $0x39, v0;
	v1 =	vld [tilespmem:s22+$0x6B20];
	_ =	sdelay $0x4  }
0x10e: {  	[tilespmem:v2+s18+$0x0] =	vst.idx.msk $0xffff, v1  }
0x10f: {  	v2 =	vadd.s32 $0x8B9, v0;
	v1 =	vld [tilespmem:s22+$0x6B30];
	_ =	sdelay $0x4  }
0x110: {  	[tilespmem:v2+s18+$0x0] =	vst.idx.msk $0xffff, v1  }
0x111: {  	v2 =	vadd.s32 $0x3A, v0;
	v1 =	vld [tilespmem:s22+$0x6B40];
	_ =	sdelay $0x4  }
0x112: {  	[tilespmem:v2+s18+$0x0] =	vst.idx.msk $0xffff, v1  }
0x113: {  	v2 =	vadd.s32 $0x8BA, v0;
	v1 =	vld [tilespmem:s22+$0x6B50];
	_ =	sdelay $0x4  }
0x114: {  	[tilespmem:v2+s18+$0x0] =	vst.idx.msk $0xffff, v1  }
0x115: {  	v2 =	vadd.s32 $0x3B, v0;
	v1 =	vld [tilespmem:s22+$0x6B60];
	_ =	sdelay $0x4  }
0x116: {  	[tilespmem:v2+s18+$0x0] =	vst.idx.msk $0xffff, v1  }
0x117: {  	v2 =	vadd.s32 $0x8BB, v0;
	v1 =	vld [tilespmem:s22+$0x6B70];
	_ =	sdelay $0x4  }
0x118: {  	[tilespmem:v2+s18+$0x0] =	vst.idx.msk $0xffff, v1  }
0x119: {  	v2 =	vadd.s32 $0x3C, v0;
	v1 =	vld [tilespmem:s22+$0x6B80];
	_ =	sdelay $0x4  }
0x11a: {  	[tilespmem:v2+s18+$0x0] =	vst.idx.msk $0xffff, v1  }
0x11b: {  	v2 =	vadd.s32 $0x8BC, v0;
	v1 =	vld [tilespmem:s22+$0x6B90];
	_ =	sdelay $0x4  }
0x11c: {  	[tilespmem:v2+s18+$0x0] =	vst.idx.msk $0xffff, v1  }
0x11d: {  	v2 =	vadd.s32 $0x3D, v0;
	v1 =	vld [tilespmem:s22+$0x6BA0];
	_ =	sdelay $0x4  }
0x11e: {  	[tilespmem:v2+s18+$0x0] =	vst.idx.msk $0xffff, v1  }
0x11f: {  	v2 =	vadd.s32 $0x8BD, v0;
	v1 =	vld [tilespmem:s22+$0x6BB0];
	_ =	sdelay $0x4  }
0x120: {  	[tilespmem:v2+s18+$0x0] =	vst.idx.msk $0xffff, v1  }
0x121: {  	v2 =	vadd.s32 $0x3E, v0;
	v1 =	vld [tilespmem:s22+$0x6BC0];
	_ =	sdelay $0x4  }
0x122: {  	[tilespmem:v2+s18+$0x0] =	vst.idx.msk $0xffff, v1  }
0x123: {  	v2 =	vadd.s32 $0x8BE, v0;
	v1 =	vld [tilespmem:s22+$0x6BD0];
	_ =	sdelay $0x4  }
0x124: {  	[tilespmem:v2+s18+$0x0] =	vst.idx.msk $0xffff, v1  }
0x125: {  	v2 =	vadd.s32 $0x3F, v0;
	v1 =	vld [tilespmem:s22+$0x6BE0];
	_ =	sdelay $0x4  }
0x126: {  	[tilespmem:v2+s18+$0x0] =	vst.idx.msk $0xffff, v1  }
0x127: {  	v2 =	vadd.s32 $0x8BF, v0;
	v1 =	vld [tilespmem:s22+$0x6BF0];
	_ =	sdelay $0x4  }
0x128: {  	[tilespmem:v2+s18+$0x0] =	vst.idx.msk $0xffff, v1  }
0x129: {  	v2 =	vadd.s32 $0x40, v0;
	v1 =	vld [tilespmem:s22+$0x6C00];
	_ =	sdelay $0x4  }
0x12a: {  	[tilespmem:v2+s18+$0x0] =	vst.idx.msk $0xffff, v1  }
0x12b: {  	v2 =	vadd.s32 $0x8C0, v0;
	v1 =	vld [tilespmem:s22+$0x6C10];
	_ =	sdelay $0x4  }
0x12c: {  	[tilespmem:v2+s18+$0x0] =	vst.idx.msk $0xffff, v1  }
0x12d: {  	v2 =	vadd.s32 $0x41, v0;
	v1 =	vld [tilespmem:s22+$0x6C20];
	_ =	sdelay $0x4  }
0x12e: {  	[tilespmem:v2+s18+$0x0] =	vst.idx.msk $0xffff, v1  }
0x12f: {  	v2 =	vadd.s32 $0x8C1, v0;
	v1 =	vld [tilespmem:s22+$0x6C30];
	_ =	sdelay $0x4  }
0x130: {  	[tilespmem:v2+s18+$0x0] =	vst.idx.msk $0xffff, v1  }
0x131: {  	v2 =	vadd.s32 $0x42, v0;
	v1 =	vld [tilespmem:s22+$0x6C40];
	_ =	sdelay $0x4  }
0x132: {  	[tilespmem:v2+s18+$0x0] =	vst.idx.msk $0xffff, v1  }
0x133: {  	v2 =	vadd.s32 $0x8C2, v0;
	v1 =	vld [tilespmem:s22+$0x6C50];
	_ =	sdelay $0x4  }
0x134: {  	[tilespmem:v2+s18+$0x0] =	vst.idx.msk $0xffff, v1  }
0x135: {  	v2 =	vadd.s32 $0x43, v0;
	v1 =	vld [tilespmem:s22+$0x6C60];
	_ =	sdelay $0x4  }
0x136: {  	[tilespmem:v2+s18+$0x0] =	vst.idx.msk $0xffff, v1  }
0x137: {  	v2 =	vadd.s32 $0x8C3, v0;
	v1 =	vld [tilespmem:s22+$0x6C70];
	_ =	sdelay $0x4  }
0x138: {  	[tilespmem:v2+s18+$0x0] =	vst.idx.msk $0xffff, v1  }
0x139: {  	v2 =	vadd.s32 $0x44, v0;
	v1 =	vld [tilespmem:s22+$0x6C80];
	_ =	sdelay $0x4  }
0x13a: {  	[tilespmem:v2+s18+$0x0] =	vst.idx.msk $0xffff, v1  }
0x13b: {  	v2 =	vadd.s32 $0x8C4, v0;
	v1 =	vld [tilespmem:s22+$0x6C90];
	_ =	sdelay $0x4  }
0x13c: {  	[tilespmem:v2+s18+$0x0] =	vst.idx.msk $0xffff, v1  }
0x13d: {  	v2 =	vadd.s32 $0x45, v0;
	v1 =	vld [tilespmem:s22+$0x6CA0];
	_ =	sdelay $0x4  }
0x13e: {  	[tilespmem:v2+s18+$0x0] =	vst.idx.msk $0xffff, v1  }
0x13f: {  	v2 =	vadd.s32 $0x8C5, v0;
	v1 =	vld [tilespmem:s22+$0x6CB0];
	_ =	sdelay $0x4  }
0x140: {  	[tilespmem:v2+s18+$0x0] =	vst.idx.msk $0xffff, v1  }
0x141: {  	v2 =	vadd.s32 $0x46, v0;
	v1 =	vld [tilespmem:s22+$0x6CC0];
	_ =	sdelay $0x4  }
0x142: {  	[tilespmem:v2+s18+$0x0] =	vst.idx.msk $0xffff, v1  }
0x143: {  	v2 =	vadd.s32 $0x8C6, v0;
	v1 =	vld [tilespmem:s22+$0x6CD0];
	_ =	sdelay $0x4  }
0x144: {  	[tilespmem:v2+s18+$0x0] =	vst.idx.msk $0xffff, v1  }
0x145: {  	v2 =	vadd.s32 $0x47, v0;
	v1 =	vld [tilespmem:s22+$0x6CE0];
	_ =	sdelay $0x4  }
0x146: {  	[tilespmem:v2+s18+$0x0] =	vst.idx.msk $0xffff, v1  }
0x147: {  	v2 =	vadd.s32 $0x8C7, v0;
	v1 =	vld [tilespmem:s22+$0x6CF0];
	_ =	sdelay $0x4  }
0x148: {  	[tilespmem:v2+s18+$0x0] =	vst.idx.msk $0xffff, v1  }
0x149: {  	v2 =	vadd.s32 $0x48, v0;
	v1 =	vld [tilespmem:s22+$0x6D00];
	_ =	sdelay $0x4  }
0x14a: {  	[tilespmem:v2+s18+$0x0] =	vst.idx.msk $0xffff, v1  }
0x14b: {  	v2 =	vadd.s32 $0x8C8, v0;
	v1 =	vld [tilespmem:s22+$0x6D10];
	_ =	sdelay $0x4  }
0x14c: {  	[tilespmem:v2+s18+$0x0] =	vst.idx.msk $0xffff, v1  }
0x14d: {  	v2 =	vadd.s32 $0x49, v0;
	v1 =	vld [tilespmem:s22+$0x6D20];
	_ =	sdelay $0x4  }
0x14e: {  	[tilespmem:v2+s18+$0x0] =	vst.idx.msk $0xffff, v1  }
0x14f: {  	v2 =	vadd.s32 $0x8C9, v0;
	v1 =	vld [tilespmem:s22+$0x6D30];
	_ =	sdelay $0x4  }
0x150: {  	[tilespmem:v2+s18+$0x0] =	vst.idx.msk $0xffff, v1  }
0x151: {  	v2 =	vadd.s32 $0x4A, v0;
	v1 =	vld [tilespmem:s22+$0x6D40];
	_ =	sdelay $0x4  }
0x152: {  	[tilespmem:v2+s18+$0x0] =	vst.idx.msk $0xffff, v1  }
0x153: {  	v2 =	vadd.s32 $0x8CA, v0;
	v1 =	vld [tilespmem:s22+$0x6D50];
	_ =	sdelay $0x4  }
0x154: {  	[tilespmem:v2+s18+$0x0] =	vst.idx.msk $0xffff, v1  }
0x155: {  	v2 =	vadd.s32 $0x4B, v0;
	v1 =	vld [tilespmem:s22+$0x6D60];
	_ =	sdelay $0x4  }
0x156: {  	[tilespmem:v2+s18+$0x0] =	vst.idx.msk $0xffff, v1  }
0x157: {  	v2 =	vadd.s32 $0x8CB, v0;
	v1 =	vld [tilespmem:s22+$0x6D70];
	_ =	sdelay $0x4  }
0x158: {  	[tilespmem:v2+s18+$0x0] =	vst.idx.msk $0xffff, v1  }
0x159: {  	v2 =	vadd.s32 $0x4C, v0;
	v1 =	vld [tilespmem:s22+$0x6D80];
	_ =	sdelay $0x4  }
0x15a: {  	[tilespmem:v2+s18+$0x0] =	vst.idx.msk $0xffff, v1  }
0x15b: {  	v2 =	vadd.s32 $0x8CC, v0;
	v1 =	vld [tilespmem:s22+$0x6D90];
	_ =	sdelay $0x4  }
0x15c: {  	[tilespmem:v2+s18+$0x0] =	vst.idx.msk $0xffff, v1  }
0x15d: {  	v2 =	vadd.s32 $0x4D, v0;
	v1 =	vld [tilespmem:s22+$0x6DA0];
	_ =	sdelay $0x4  }
0x15e: {  	[tilespmem:v2+s18+$0x0] =	vst.idx.msk $0xffff, v1  }
0x15f: {  	v2 =	vadd.s32 $0x8CD, v0;
	v1 =	vld [tilespmem:s22+$0x6DB0];
	_ =	sdelay $0x4  }
0x160: {  	[tilespmem:v2+s18+$0x0] =	vst.idx.msk $0xffff, v1  }
0x161: {  	v2 =	vadd.s32 $0x4E, v0;
	v1 =	vld [tilespmem:s22+$0x6DC0];
	_ =	sdelay $0x4  }
0x162: {  	[tilespmem:v2+s18+$0x0] =	vst.idx.msk $0xffff, v1  }
0x163: {  	v2 =	vadd.s32 $0x8CE, v0;
	v1 =	vld [tilespmem:s22+$0x6DD0];
	_ =	sdelay $0x4  }
0x164: {  	[tilespmem:v2+s18+$0x0] =	vst.idx.msk $0xffff, v1  }
0x165: {  	v2 =	vadd.s32 $0x4F, v0;
	v1 =	vld [tilespmem:s22+$0x6DE0];
	_ =	sdelay $0x4  }
0x166: {  	[tilespmem:v2+s18+$0x0] =	vst.idx.msk $0xffff, v1  }
0x167: {  	v2 =	vadd.s32 $0x8CF, v0;
	v1 =	vld [tilespmem:s22+$0x6DF0];
	_ =	sdelay $0x4  }
0x168: {  	[tilespmem:v2+s18+$0x0] =	vst.idx.msk $0xffff, v1  }
0x169: {  	v2 =	vadd.s32 $0x50, v0;
	v1 =	vld [tilespmem:s22+$0x6E00];
	_ =	sdelay $0x4  }
0x16a: {  	[tilespmem:v2+s18+$0x0] =	vst.idx.msk $0xffff, v1  }
0x16b: {  	v2 =	vadd.s32 $0x8D0, v0;
	v1 =	vld [tilespmem:s22+$0x6E10];
	_ =	sdelay $0x4  }
0x16c: {  	[tilespmem:v2+s18+$0x0] =	vst.idx.msk $0xffff, v1  }
0x16d: {  	v2 =	vadd.s32 $0x51, v0;
	v1 =	vld [tilespmem:s22+$0x6E20];
	_ =	sdelay $0x4  }
0x16e: {  	[tilespmem:v2+s18+$0x0] =	vst.idx.msk $0xffff, v1  }
0x16f: {  	v2 =	vadd.s32 $0x8D1, v0;
	v1 =	vld [tilespmem:s22+$0x6E30];
	_ =	sdelay $0x4  }
0x170: {  	[tilespmem:v2+s18+$0x0] =	vst.idx.msk $0xffff, v1  }
0x171: {  	v2 =	vadd.s32 $0x52, v0;
	v1 =	vld [tilespmem:s22+$0x6E40];
	_ =	sdelay $0x4  }
0x172: {  	[tilespmem:v2+s18+$0x0] =	vst.idx.msk $0xffff, v1  }
0x173: {  	v2 =	vadd.s32 $0x8D2, v0;
	v1 =	vld [tilespmem:s22+$0x6E50];
	_ =	sdelay $0x4  }
0x174: {  	[tilespmem:v2+s18+$0x0] =	vst.idx.msk $0xffff, v1  }
0x175: {  	v2 =	vadd.s32 $0x53, v0;
	v1 =	vld [tilespmem:s22+$0x6E60];
	_ =	sdelay $0x4  }
0x176: {  	[tilespmem:v2+s18+$0x0] =	vst.idx.msk $0xffff, v1  }
0x177: {  	v2 =	vadd.s32 $0x8D3, v0;
	v1 =	vld [tilespmem:s22+$0x6E70];
	_ =	sdelay $0x4  }
0x178: {  	[tilespmem:v2+s18+$0x0] =	vst.idx.msk $0xffff, v1  }
0x179: {  	v2 =	vadd.s32 $0x54, v0;
	v1 =	vld [tilespmem:s22+$0x6E80];
	_ =	sdelay $0x4  }
0x17a: {  	[tilespmem:v2+s18+$0x0] =	vst.idx.msk $0xffff, v1  }
0x17b: {  	v2 =	vadd.s32 $0x8D4, v0;
	v1 =	vld [tilespmem:s22+$0x6E90];
	_ =	sdelay $0x4  }
0x17c: {  	[tilespmem:v2+s18+$0x0] =	vst.idx.msk $0xffff, v1  }
0x17d: {  	v2 =	vadd.s32 $0x55, v0;
	v1 =	vld [tilespmem:s22+$0x6EA0];
	_ =	sdelay $0x4  }
0x17e: {  	[tilespmem:v2+s18+$0x0] =	vst.idx.msk $0xffff, v1  }
0x17f: {  	v2 =	vadd.s32 $0x8D5, v0;
	v1 =	vld [tilespmem:s22+$0x6EB0];
	_ =	sdelay $0x4  }
0x180: {  	[tilespmem:v2+s18+$0x0] =	vst.idx.msk $0xffff, v1  }
0x181: {  	v2 =	vadd.s32 $0x56, v0;
	v1 =	vld [tilespmem:s22+$0x6EC0];
	_ =	sdelay $0x4  }
0x182: {  	[tilespmem:v2+s18+$0x0] =	vst.idx.msk $0xffff, v1  }
0x183: {  	v2 =	vadd.s32 $0x8D6, v0;
	v1 =	vld [tilespmem:s22+$0x6ED0];
	_ =	sdelay $0x4  }
0x184: {  	[tilespmem:v2+s18+$0x0] =	vst.idx.msk $0xffff, v1  }
0x185: {  	v2 =	vadd.s32 $0x57, v0;
	v1 =	vld [tilespmem:s22+$0x6EE0];
	_ =	sdelay $0x4  }
0x186: {  	[tilespmem:v2+s18+$0x0] =	vst.idx.msk $0xffff, v1  }
0x187: {  	v2 =	vadd.s32 $0x8D7, v0;
	v1 =	vld [tilespmem:s22+$0x6EF0];
	_ =	sdelay $0x4  }
0x188: {  	[tilespmem:v2+s18+$0x0] =	vst.idx.msk $0xffff, v1  }
0x189: {  	v2 =	vadd.s32 $0x58, v0;
	v1 =	vld [tilespmem:s22+$0x6F00];
	_ =	sdelay $0x4  }
0x18a: {  	[tilespmem:v2+s18+$0x0] =	vst.idx.msk $0xffff, v1  }
0x18b: {  	v2 =	vadd.s32 $0x8D8, v0;
	v1 =	vld [tilespmem:s22+$0x6F10];
	_ =	sdelay $0x4  }
0x18c: {  	[tilespmem:v2+s18+$0x0] =	vst.idx.msk $0xffff, v1  }
0x18d: {  	v2 =	vadd.s32 $0x59, v0;
	v1 =	vld [tilespmem:s22+$0x6F20];
	_ =	sdelay $0x4  }
0x18e: {  	[tilespmem:v2+s18+$0x0] =	vst.idx.msk $0xffff, v1  }
0x18f: {  	v2 =	vadd.s32 $0x8D9, v0;
	v1 =	vld [tilespmem:s22+$0x6F30];
	_ =	sdelay $0x4  }
0x190: {  	[tilespmem:v2+s18+$0x0] =	vst.idx.msk $0xffff, v1  }
0x191: {  	v2 =	vadd.s32 $0x5A, v0;
	v1 =	vld [tilespmem:s22+$0x6F40];
	_ =	sdelay $0x4  }
0x192: {  	[tilespmem:v2+s18+$0x0] =	vst.idx.msk $0xffff, v1  }
0x193: {  	v2 =	vadd.s32 $0x8DA, v0;
	v1 =	vld [tilespmem:s22+$0x6F50];
	_ =	sdelay $0x4  }
0x194: {  	[tilespmem:v2+s18+$0x0] =	vst.idx.msk $0xffff, v1  }
0x195: {  	v2 =	vadd.s32 $0x5B, v0;
	v1 =	vld [tilespmem:s22+$0x6F60];
	_ =	sdelay $0x4  }
0x196: {  	[tilespmem:v2+s18+$0x0] =	vst.idx.msk $0xffff, v1  }
0x197: {  	v2 =	vadd.s32 $0x8DB, v0;
	v1 =	vld [tilespmem:s22+$0x6F70];
	_ =	sdelay $0x4  }
0x198: {  	[tilespmem:v2+s18+$0x0] =	vst.idx.msk $0xffff, v1  }
0x199: {  	v2 =	vadd.s32 $0x5C, v0;
	v1 =	vld [tilespmem:s22+$0x6F80];
	_ =	sdelay $0x4  }
0x19a: {  	[tilespmem:v2+s18+$0x0] =	vst.idx.msk $0xffff, v1  }
0x19b: {  	v2 =	vadd.s32 $0x8DC, v0;
	v1 =	vld [tilespmem:s22+$0x6F90];
	_ =	sdelay $0x4  }
0x19c: {  	[tilespmem:v2+s18+$0x0] =	vst.idx.msk $0xffff, v1  }
0x19d: {  	v2 =	vadd.s32 $0x5D, v0;
	v1 =	vld [tilespmem:s22+$0x6FA0];
	_ =	sdelay $0x4  }
0x19e: {  	[tilespmem:v2+s18+$0x0] =	vst.idx.msk $0xffff, v1  }
0x19f: {  	v2 =	vadd.s32 $0x8DD, v0;
	v1 =	vld [tilespmem:s22+$0x6FB0];
	_ =	sdelay $0x4  }
0x1a0: {  	[tilespmem:v2+s18+$0x0] =	vst.idx.msk $0xffff, v1  }
0x1a1: {  	v2 =	vadd.s32 $0x5E, v0;
	v1 =	vld [tilespmem:s22+$0x6FC0];
	_ =	sdelay $0x4  }
0x1a2: {  	[tilespmem:v2+s18+$0x0] =	vst.idx.msk $0xffff, v1  }
0x1a3: {  	v2 =	vadd.s32 $0x8DE, v0;
	v1 =	vld [tilespmem:s22+$0x6FD0];
	_ =	sdelay $0x4  }
0x1a4: {  	[tilespmem:v2+s18+$0x0] =	vst.idx.msk $0xffff, v1  }
0x1a5: {  	v2 =	vadd.s32 $0x5F, v0;
	v1 =	vld [tilespmem:s22+$0x6FE0];
	_ =	sdelay $0x4  }
0x1a6: {  	[tilespmem:v2+s18+$0x0] =	vst.idx.msk $0xffff, v1  }
0x1a7: {  	v2 =	vadd.s32 $0x8DF, v0;
	v1 =	vld [tilespmem:s22+$0x6FF0];
	_ =	sdelay $0x4  }
0x1a8: {  	[tilespmem:v2+s18+$0x0] =	vst.idx.msk $0xffff, v1  }
0x1a9: {  	v2 =	vadd.s32 $0x60, v0;
	v1 =	vld [tilespmem:s22+$0x7000];
	_ =	sdelay $0x4  }
0x1aa: {  	[tilespmem:v2+s18+$0x0] =	vst.idx.msk $0xffff, v1  }
0x1ab: {  	v2 =	vadd.s32 $0x8E0, v0;
	v1 =	vld [tilespmem:s22+$0x7010];
	_ =	sdelay $0x4  }
0x1ac: {  	[tilespmem:v2+s18+$0x0] =	vst.idx.msk $0xffff, v1  }
0x1ad: {  	v2 =	vadd.s32 $0x61, v0;
	v1 =	vld [tilespmem:s22+$0x7020];
	_ =	sdelay $0x4  }
0x1ae: {  	[tilespmem:v2+s18+$0x0] =	vst.idx.msk $0xffff, v1  }
0x1af: {  	v2 =	vadd.s32 $0x8E1, v0;
	v1 =	vld [tilespmem:s22+$0x7030];
	_ =	sdelay $0x4  }
0x1b0: {  	[tilespmem:v2+s18+$0x0] =	vst.idx.msk $0xffff, v1  }
0x1b1: {  	v2 =	vadd.s32 $0x62, v0;
	v1 =	vld [tilespmem:s22+$0x7040];
	_ =	sdelay $0x4  }
0x1b2: {  	[tilespmem:v2+s18+$0x0] =	vst.idx.msk $0xffff, v1  }
0x1b3: {  	v2 =	vadd.s32 $0x8E2, v0;
	v1 =	vld [tilespmem:s22+$0x7050];
	_ =	sdelay $0x4  }
0x1b4: {  	[tilespmem:v2+s18+$0x0] =	vst.idx.msk $0xffff, v1  }
0x1b5: {  	v2 =	vadd.s32 $0x63, v0;
	v1 =	vld [tilespmem:s22+$0x7060];
	_ =	sdelay $0x4  }
0x1b6: {  	[tilespmem:v2+s18+$0x0] =	vst.idx.msk $0xffff, v1  }
0x1b7: {  	v2 =	vadd.s32 $0x8E3, v0;
	v1 =	vld [tilespmem:s22+$0x7070];
	_ =	sdelay $0x4  }
0x1b8: {  	[tilespmem:v2+s18+$0x0] =	vst.idx.msk $0xffff, v1  }
0x1b9: {  	v2 =	vadd.s32 $0x64, v0;
	v1 =	vld [tilespmem:s22+$0x7080];
	_ =	sdelay $0x4  }
0x1ba: {  	[tilespmem:v2+s18+$0x0] =	vst.idx.msk $0xffff, v1  }
0x1bb: {  	v2 =	vadd.s32 $0x8E4, v0;
	v1 =	vld [tilespmem:s22+$0x7090];
	_ =	sdelay $0x4  }
0x1bc: {  	[tilespmem:v2+s18+$0x0] =	vst.idx.msk $0xffff, v1  }
0x1bd: {  	v2 =	vadd.s32 $0x65, v0;
	v1 =	vld [tilespmem:s22+$0x70A0];
	_ =	sdelay $0x4  }
0x1be: {  	[tilespmem:v2+s18+$0x0] =	vst.idx.msk $0xffff, v1  }
0x1bf: {  	v2 =	vadd.s32 $0x8E5, v0;
	v1 =	vld [tilespmem:s22+$0x70B0];
	_ =	sdelay $0x4  }
0x1c0: {  	[tilespmem:v2+s18+$0x0] =	vst.idx.msk $0xffff, v1  }
0x1c1: {  	v2 =	vadd.s32 $0x66, v0;
	v1 =	vld [tilespmem:s22+$0x70C0];
	_ =	sdelay $0x4  }
0x1c2: {  	[tilespmem:v2+s18+$0x0] =	vst.idx.msk $0xffff, v1  }
0x1c3: {  	v2 =	vadd.s32 $0x8E6, v0;
	v1 =	vld [tilespmem:s22+$0x70D0];
	_ =	sdelay $0x4  }
0x1c4: {  	[tilespmem:v2+s18+$0x0] =	vst.idx.msk $0xffff, v1  }
0x1c5: {  	v2 =	vadd.s32 $0x67, v0;
	v1 =	vld [tilespmem:s22+$0x70E0];
	_ =	sdelay $0x4  }
0x1c6: {  	[tilespmem:v2+s18+$0x0] =	vst.idx.msk $0xffff, v1  }
0x1c7: {  	v2 =	vadd.s32 $0x8E7, v0;
	v1 =	vld [tilespmem:s22+$0x70F0];
	_ =	sdelay $0x4  }
0x1c8: {  	[tilespmem:v2+s18+$0x0] =	vst.idx.msk $0xffff, v1  }
0x1c9: {  	v2 =	vadd.s32 $0x68, v0;
	v1 =	vld [tilespmem:s22+$0x7100];
	_ =	sdelay $0x4  }
0x1ca: {  	[tilespmem:v2+s18+$0x0] =	vst.idx.msk $0xffff, v1  }
0x1cb: {  	v2 =	vadd.s32 $0x8E8, v0;
	v1 =	vld [tilespmem:s22+$0x7110];
	_ =	sdelay $0x4  }
0x1cc: {  	[tilespmem:v2+s18+$0x0] =	vst.idx.msk $0xffff, v1  }
0x1cd: {  	v2 =	vadd.s32 $0x69, v0;
	v1 =	vld [tilespmem:s22+$0x7120];
	_ =	sdelay $0x4  }
0x1ce: {  	[tilespmem:v2+s18+$0x0] =	vst.idx.msk $0xffff, v1  }
0x1cf: {  	v2 =	vadd.s32 $0x8E9, v0;
	v1 =	vld [tilespmem:s22+$0x7130];
	_ =	sdelay $0x4  }
0x1d0: {  	[tilespmem:v2+s18+$0x0] =	vst.idx.msk $0xffff, v1  }
0x1d1: {  	v2 =	vadd.s32 $0x6A, v0;
	v1 =	vld [tilespmem:s22+$0x7140];
	_ =	sdelay $0x4  }
0x1d2: {  	[tilespmem:v2+s18+$0x0] =	vst.idx.msk $0xffff, v1  }
0x1d3: {  	v2 =	vadd.s32 $0x8EA, v0;
	v1 =	vld [tilespmem:s22+$0x7150];
	_ =	sdelay $0x4  }
0x1d4: {  	[tilespmem:v2+s18+$0x0] =	vst.idx.msk $0xffff, v1  }
0x1d5: {  	v2 =	vadd.s32 $0x6B, v0;
	v1 =	vld [tilespmem:s22+$0x7160];
	_ =	sdelay $0x4  }
0x1d6: {  	[tilespmem:v2+s18+$0x0] =	vst.idx.msk $0xffff, v1  }
0x1d7: {  	v2 =	vadd.s32 $0x8EB, v0;
	v1 =	vld [tilespmem:s22+$0x7170];
	_ =	sdelay $0x4  }
0x1d8: {  	[tilespmem:v2+s18+$0x0] =	vst.idx.msk $0xffff, v1  }
0x1d9: {  	v2 =	vadd.s32 $0x6C, v0;
	v1 =	vld [tilespmem:s22+$0x7180];
	_ =	sdelay $0x4  }
0x1da: {  	[tilespmem:v2+s18+$0x0] =	vst.idx.msk $0xffff, v1  }
0x1db: {  	v2 =	vadd.s32 $0x8EC, v0;
	v1 =	vld [tilespmem:s22+$0x7190];
	_ =	sdelay $0x4  }
0x1dc: {  	[tilespmem:v2+s18+$0x0] =	vst.idx.msk $0xffff, v1  }
0x1dd: {  	v2 =	vadd.s32 $0x6D, v0;
	v1 =	vld [tilespmem:s22+$0x71A0];
	_ =	sdelay $0x4  }
0x1de: {  	[tilespmem:v2+s18+$0x0] =	vst.idx.msk $0xffff, v1  }
0x1df: {  	v2 =	vadd.s32 $0x8ED, v0;
	v1 =	vld [tilespmem:s22+$0x71B0];
	_ =	sdelay $0x4  }
0x1e0: {  	[tilespmem:v2+s18+$0x0] =	vst.idx.msk $0xffff, v1  }
0x1e1: {  	v2 =	vadd.s32 $0x6E, v0;
	v1 =	vld [tilespmem:s22+$0x71C0];
	_ =	sdelay $0x4  }
0x1e2: {  	[tilespmem:v2+s18+$0x0] =	vst.idx.msk $0xffff, v1  }
0x1e3: {  	v2 =	vadd.s32 $0x8EE, v0;
	v1 =	vld [tilespmem:s22+$0x71D0];
	_ =	sdelay $0x4  }
0x1e4: {  	[tilespmem:v2+s18+$0x0] =	vst.idx.msk $0xffff, v1  }
0x1e5: {  	v2 =	vadd.s32 $0x6F, v0;
	v1 =	vld [tilespmem:s22+$0x71E0];
	_ =	sdelay $0x4  }
0x1e6: {  	[tilespmem:v2+s18+$0x0] =	vst.idx.msk $0xffff, v1  }
0x1e7: {  	v2 =	vadd.s32 $0x8EF, v0;
	v1 =	vld [tilespmem:s22+$0x71F0];
	_ =	sdelay $0x4  }
0x1e8: {  	[tilespmem:v2+s18+$0x0] =	vst.idx.msk $0xffff, v1  }
0x1e9: {  	v2 =	vadd.s32 $0x70, v0;
	v1 =	vld [tilespmem:s22+$0x7200];
	_ =	sdelay $0x4  }
0x1ea: {  	[tilespmem:v2+s18+$0x0] =	vst.idx.msk $0xffff, v1  }
0x1eb: {  	v2 =	vadd.s32 $0x8F0, v0;
	v1 =	vld [tilespmem:s22+$0x7210];
	_ =	sdelay $0x4  }
0x1ec: {  	[tilespmem:v2+s18+$0x0] =	vst.idx.msk $0xffff, v1  }
0x1ed: {  	v2 =	vadd.s32 $0x71, v0;
	v1 =	vld [tilespmem:s22+$0x7220];
	_ =	sdelay $0x4  }
0x1ee: {  	[tilespmem:v2+s18+$0x0] =	vst.idx.msk $0xffff, v1  }
0x1ef: {  	v2 =	vadd.s32 $0x8F1, v0;
	v1 =	vld [tilespmem:s22+$0x7230];
	_ =	sdelay $0x4  }
0x1f0: {  	[tilespmem:v2+s18+$0x0] =	vst.idx.msk $0xffff, v1  }
0x1f1: {  	v2 =	vadd.s32 $0x72, v0;
	v1 =	vld [tilespmem:s22+$0x7240];
	_ =	sdelay $0x4  }
0x1f2: {  	[tilespmem:v2+s18+$0x0] =	vst.idx.msk $0xffff, v1  }
0x1f3: {  	v2 =	vadd.s32 $0x8F2, v0;
	v1 =	vld [tilespmem:s22+$0x7250];
	_ =	sdelay $0x4  }
0x1f4: {  	[tilespmem:v2+s18+$0x0] =	vst.idx.msk $0xffff, v1  }
0x1f5: {  	v2 =	vadd.s32 $0x73, v0;
	v1 =	vld [tilespmem:s22+$0x7260];
	_ =	sdelay $0x4  }
0x1f6: {  	[tilespmem:v2+s18+$0x0] =	vst.idx.msk $0xffff, v1  }
0x1f7: {  	v2 =	vadd.s32 $0x8F3, v0;
	v1 =	vld [tilespmem:s22+$0x7270];
	_ =	sdelay $0x4  }
0x1f8: {  	[tilespmem:v2+s18+$0x0] =	vst.idx.msk $0xffff, v1  }
0x1f9: {  	v2 =	vadd.s32 $0x74, v0;
	v1 =	vld [tilespmem:s22+$0x7280];
	_ =	sdelay $0x4  }
0x1fa: {  	[tilespmem:v2+s18+$0x0] =	vst.idx.msk $0xffff, v1  }
0x1fb: {  	v2 =	vadd.s32 $0x8F4, v0;
	v1 =	vld [tilespmem:s22+$0x7290];
	_ =	sdelay $0x4  }
0x1fc: {  	[tilespmem:v2+s18+$0x0] =	vst.idx.msk $0xffff, v1  }
0x1fd: {  	v2 =	vadd.s32 $0x75, v0;
	v1 =	vld [tilespmem:s22+$0x72A0];
	_ =	sdelay $0x4  }
0x1fe: {  	[tilespmem:v2+s18+$0x0] =	vst.idx.msk $0xffff, v1  }
0x1ff: {  	v2 =	vadd.s32 $0x8F5, v0;
	v1 =	vld [tilespmem:s22+$0x72B0];
	_ =	sdelay $0x4  }
0x200: {  	[tilespmem:v2+s18+$0x0] =	vst.idx.msk $0xffff, v1  }
0x201: {  	v2 =	vadd.s32 $0x76, v0;
	v1 =	vld [tilespmem:s22+$0x72C0];
	_ =	sdelay $0x4  }
0x202: {  	[tilespmem:v2+s18+$0x0] =	vst.idx.msk $0xffff, v1  }
0x203: {  	v2 =	vadd.s32 $0x8F6, v0;
	v1 =	vld [tilespmem:s22+$0x72D0];
	_ =	sdelay $0x4  }
0x204: {  	[tilespmem:v2+s18+$0x0] =	vst.idx.msk $0xffff, v1  }
0x205: {  	v2 =	vadd.s32 $0x77, v0;
	v1 =	vld [tilespmem:s22+$0x72E0];
	_ =	sdelay $0x4  }
0x206: {  	[tilespmem:v2+s18+$0x0] =	vst.idx.msk $0xffff, v1  }
0x207: {  	v2 =	vadd.s32 $0x8F7, v0;
	v1 =	vld [tilespmem:s22+$0x72F0];
	_ =	sdelay $0x4  }
0x208: {  	[tilespmem:v2+s18+$0x0] =	vst.idx.msk $0xffff, v1  }
0x209: {  	v2 =	vadd.s32 $0x78, v0;
	v1 =	vld [tilespmem:s22+$0x7300];
	_ =	sdelay $0x4  }
0x20a: {  	[tilespmem:v2+s18+$0x0] =	vst.idx.msk $0xffff, v1  }
0x20b: {  	v2 =	vadd.s32 $0x8F8, v0;
	v1 =	vld [tilespmem:s22+$0x7310];
	_ =	sdelay $0x4  }
0x20c: {  	[tilespmem:v2+s18+$0x0] =	vst.idx.msk $0xffff, v1  }
0x20d: {  	v2 =	vadd.s32 $0x79, v0;
	v1 =	vld [tilespmem:s22+$0x7320];
	_ =	sdelay $0x4  }
0x20e: {  	[tilespmem:v2+s18+$0x0] =	vst.idx.msk $0xffff, v1  }
0x20f: {  	v2 =	vadd.s32 $0x8F9, v0;
	v1 =	vld [tilespmem:s22+$0x7330];
	_ =	sdelay $0x4  }
0x210: {  	[tilespmem:v2+s18+$0x0] =	vst.idx.msk $0xffff, v1  }
0x211: {  	v2 =	vadd.s32 $0x7A, v0;
	v1 =	vld [tilespmem:s22+$0x7340];
	_ =	sdelay $0x4  }
0x212: {  	[tilespmem:v2+s18+$0x0] =	vst.idx.msk $0xffff, v1  }
0x213: {  	v2 =	vadd.s32 $0x8FA, v0;
	v1 =	vld [tilespmem:s22+$0x7350];
	_ =	sdelay $0x4  }
0x214: {  	[tilespmem:v2+s18+$0x0] =	vst.idx.msk $0xffff, v1  }
0x215: {  	v2 =	vadd.s32 $0x7B, v0;
	v1 =	vld [tilespmem:s22+$0x7360];
	_ =	sdelay $0x4  }
0x216: {  	[tilespmem:v2+s18+$0x0] =	vst.idx.msk $0xffff, v1  }
0x217: {  	v2 =	vadd.s32 $0x8FB, v0;
	v1 =	vld [tilespmem:s22+$0x7370];
	_ =	sdelay $0x4  }
0x218: {  	[tilespmem:v2+s18+$0x0] =	vst.idx.msk $0xffff, v1  }
0x219: {  	v2 =	vadd.s32 $0x7C, v0;
	v1 =	vld [tilespmem:s22+$0x7380];
	_ =	sdelay $0x4  }
0x21a: {  	[tilespmem:v2+s18+$0x0] =	vst.idx.msk $0xffff, v1  }
0x21b: {  	v2 =	vadd.s32 $0x8FC, v0;
	v1 =	vld [tilespmem:s22+$0x7390];
	_ =	sdelay $0x4  }
0x21c: {  	[tilespmem:v2+s18+$0x0] =	vst.idx.msk $0xffff, v1  }
0x21d: {  	v2 =	vadd.s32 $0x7D, v0;
	v1 =	vld [tilespmem:s22+$0x73A0];
	_ =	sdelay $0x4  }
0x21e: {  	[tilespmem:v2+s18+$0x0] =	vst.idx.msk $0xffff, v1  }
0x21f: {  	v2 =	vadd.s32 $0x8FD, v0;
	v1 =	vld [tilespmem:s22+$0x73B0];
	_ =	sdelay $0x4  }
0x220: {  	[tilespmem:v2+s18+$0x0] =	vst.idx.msk $0xffff, v1  }
0x221: {  	v2 =	vadd.s32 $0x7E, v0;
	v1 =	vld [tilespmem:s22+$0x73C0];
	_ =	sdelay $0x4  }
0x222: {  	[tilespmem:v2+s18+$0x0] =	vst.idx.msk $0xffff, v1  }
0x223: {  	v2 =	vadd.s32 $0x8FE, v0;
	v1 =	vld [tilespmem:s22+$0x73D0];
	_ =	sdelay $0x4  }
0x224: {  	[tilespmem:v2+s18+$0x0] =	vst.idx.msk $0xffff, v1  }
0x225: {  	v2 =	vadd.s32 $0x7F, v0;
	v1 =	vld [tilespmem:s22+$0x73E0];
	_ =	sdelay $0x4  }
0x226: {  	[tilespmem:v2+s18+$0x0] =	vst.idx.msk $0xffff, v1  }
0x227: {  	p0 =	sgt.u32 s20, $0xC3;
	v2 =	vadd.s32 $0x8FF, v0;
	v1 =	vld [tilespmem:s22+$0x73F0]  }
0x228: {  	s23 =	sshll.u32 @!p0 s20, $0x9  }
0x229: {  	s23 =	sadd.s32 @!p0 $0x800, s23  }
0x22a: {  	s24 =	sshll.u32 s20, $0x7;
	s23 =	sand.u32 @!p0 $0x3F800, s23  }
0x22b: {  	s30 =	sshll.u32 s20, $0x11;
	s24 =	sand.u32 $0x180, s24;
	s23 =	sshrl.u32 @!p0 s23, $0x2  }
0x22c: {  	s25 =	simm.s32 @!p0 $0x80;
	s23 =	sor.u32 @!p0 s24, s23;
	s22 =	sadd.s32 $0x6400, s22;
	[tilespmem:v2+s18+$0x0] =	vst.idx.msk $0xffff, v1  }
0x22d: {  	[tilespmem:s22], [sflag:s21] =	stream.indirect.gather @!p0 [hbm4b:s5+s25], $0x20, s23, s25, $0xb8;
	[tilespmem:$0xB500] =	vst v63  }
0x22e: {  	s21 =	sand.u32 $0x1F80000, s30  }
0x22f: {  	s21 =	sor.u32 s24, s21  }
0x230: {  	s21 =	sor.u32 s4, s21  }
0x231: {  	s21 =	sshrl.u32 s21, $0x3  }
0x232: {  	s31 =	simm.s32 $0xA400;
	s22 =	simm.s32 $0x220;
	s21 =	sadd.s32 s2, s21  }
0x233: {  	[hbm4b:s21+s3] =	stream.linear.scatter [tilespmem:s31], [sflag:$0x5], $0x80, $0x38;
	[tilespmem:$0xB500] =	vst v63  }
.LBB2_3:
0x234: {  	p0 =	sne.s32 s22, $0x41E0  }
.Ltmp0:
0x235: {  	_ = 	snop;
	(pc) =	sbr.rel @p0 .LBB2_3-.Ltmp0, $4  }
0x236: {  	_ = 	snop  }
0x237: {  	s23 =	sshra.s32 s22, $0x2;
	s22 =	sadd.s32 $0x220, s22  }
0x238: {  	s21 =	sadd.s32 $0x800, s21;
	s23 =	sadd.s32 $0xA400, s23  }
0x239: {  	[hbm4b:s21+s3] =	stream.linear.scatter [tilespmem:s23], [sflag:$0x5], $0x80, $0x38;
	[tilespmem:$0xB500] =	vst v63  }
0x23a: {  	s20 =	sadd.s32 $0x1, s20  }
0x23b: {  	p0 =	sne.s32 s20, $0xC8  }
.Ltmp1:
0x23c: {  	_ = 	snop;
	(pc) =	sbr.rel @p0 .LBB2_2-.Ltmp1, $4  }
0x23d: {  	_ = 	snop  }
0x23e: {  	_ =	swait.ge [sflag:s10], $0x1000  }
0x23f: {  	[sflag:s10] =	ssyncset.done $0x0  }
0x240: {  	[sflag:s10] =	ssyncadd.s32 $0xFFFFF000  }
0x241: {  	s19 =	sadd.s32 $0x1, s19  }
0x242: {  	p0 =	sne.s32 s19, s7  }
.Ltmp2:
0x243: {  	_ = 	snop;
	(pc) =	sbr.rel @p0 .LBB2_1-.Ltmp2, $1  }
0x244: {  	_ =	sdelay $0x3  }
0x245: {  	_ =	sfence.sel $0x180000  }
0x246: {  	[bflag:$0x0] =	sbarrier.arrive $0xFFFF  }
0x247: {  	p0 =	sne.s32 s0, $0x0;
	_ =	strace $0x90000047  }
0x248: {  	s0 =	sadd.s32 @!p0 $0x100000, s1;
	[bflag:$0x2] =	sbarrier.arrive $0xFFFF  }
0x249: {  	[sflag:s0] =	ssyncadd.tile.s32 @!p0 $0x1;
	_ =	shalt  }
.Lfunc_end2:
_tile_overlayer_lowered:
.L_overlay_start_2:
0x24a: {  	(tag) =	ssettag $0x2  }
0x24b: {  	s0 =	rddreg [dreg:$0x0];
	s2 =	stileid.u32  }
0x24c: {  	s1 =	rddreg [dreg:$0x1];
	p0 =	sne.s32 s2, $0x0  }
0x24d: {  	s3 =	rddreg [dreg:$0x2];
	[bflag:$0x3] =	sbarrier.arrive $0xFFFF;
	s2 =	simm.s32 @!p0 $0x1C05  }
0x24e: {  	[timem:s3], [sflag:s2] =	dma.local @!p0 [hbm:s0], s1  }
0x24f: {  	s0 =	simm.s32 @!p0 $0x5  }
0x250: {  	_ =	swait.ge @!p0 [sflag:s0], s1  }
0x251: {  	s1 =	ssub.s32 @!p0 $0x0, s1;
	[sflag:s0] =	ssyncset.done @!p0 $0x0  }
0x252: {  	[sflag:s0] =	ssyncadd.s32 @!p0 s1  }
0x253: {  	[bflag:$0x3] =	sbarrier.arrive $0xFFFF  }
0x254: {  	_ =	shalt  }

// kernel: kernel.7.cloned.1.call-start
scs
__scs_entry_jumppad:
0x0: {  	(pc) =	sbr.rel $0x88, $3  }
0x1: {  	(tag) =	ssettag $0x0;
	lr =	simm.s32 $0x1  }
0x2: {  	[smem:$0x3F9E] =	sst lr;
	_ =	strace $0xD0000000  }
0x3: {  	_ = 	snop  }
0x4: {  	_ = 	snop  }
0x5: {  	_ = 	snop  }
0x6: {  	_ = 	snop  }
0x7: {  	_ = 	snop  }
__scs_overlays_trampoline_lowered:
0x8: {  	[smem:$0x3FAD] =	sst s0  }
0x9: {  	[smem:$0x3FAE] =	sst s1  }
0xa: {  	[smem:$0x3FAF] =	sst s2  }
0xb: {  	[smem:$0x3FB0] =	sst s3  }
0xc: {  	[smem:$0x3FB1] =	sst s4  }
0xd: {  	[smem:$0x3FB2] =	sst s5  }
0xe: {  	[smem:$0x3FB3] =	sst s6  }
0xf: {  	[smem:$0x3FB4] =	sst s7  }
0x10: {  	[smem:$0x3FB5] =	sst s8  }
0x11: {  	[smem:$0x3FB6] =	sst s9;
	s0 =	simm.s32 @!p0 $0x0  }
0x12: {  	s1 =	sld [smem:$0x3F9C];
	s0 =	simm.s32 @p0 $0x1  }
0x13: {  	[smem:$0x3FB7] =	sst s0;
	s0 =	simm.s32 @!p1 $0x0  }
0x14: {  	s2 =	sld [smem:$0x3F9B];
	s0 =	simm.s32 @p1 $0x1  }
0x15: {  	[smem:$0x3FB8] =	sst s0;
	s0 =	simm.s32 @!p2 $0x0  }
0x16: {  	s3 =	sld [smem:$0x3FDB];
	s0 =	simm.s32 @p2 $0x1  }
0x17: {  	s4 =	simm.s32 $0x1BF5;
	[smem:$0x3FBA] =	sst s0  }
0x18: {  	s0 =	sld [smem:$0x3F9D];
	_ =	swait.ge [sflag:s4], $0x0  }
0x19: {  	s7 =	sld [smem:$0x3F9E]  }
0x1a: {  	s8 =	sadd.s32 $0xFFFFE003, lr  }
0x1b: {  	s9 =	sadd.s32 $0xFFFFFEF7, lr;
	s5 =	simm.s32 $0xFFFFFFFF;
	p2 =	slt.u32 s8, $0xFFFFF086  }
0x1c: {  	p1 =	slt.u32 s9, $0xF7A;
	s5 =	simm.s32 @!p2 $0x0  }
0x1d: {  	s5 =	simm.s32 @p1 $0x1;
	p0 =	seq.s32 s7, s2  }
0x1e: {  	s7 =	smul.u32 @!p0 $0xF7A, s2;
	p2 =	seq.s32 @!p0 s5, $0x0  }
0x1f: {  	s9 =	smul.u32 $0xF7A, s1;
	s8 =	simm.s32 @!p0 $0x1BF5;
	p2 =	por !p2, p0  }
0x20: {  	[sflag:s8] =	ssyncset.s32 @!p0 $0xFFFFF086;
	s6 =	sadd.s32 @!p0 s3, s7;
	s7 =	simm.s32 @!p0 $0x108  }
0x21: {  	s3 =	sadd.s32 s3, s9;
	s6 =	sadd.s32 @!p0 $0x88, s6;
	s7 =	simm.s32 @p2 $0x1082  }
0x22: {  	[simem:s7], [sflag:s8] =	dma.local @!p0 [hbm:s6], $0xF7A  }
0x23: {  	s9 =	sor.u32 $0xD0000000, s2;
	s6 =	simm.s32 $0x108;
	_ =	swait.ge @!p0 [sflag:s8], $0x0  }
0x24: {  	s3 =	sadd.s32 $0x88, s3;
	s6 =	simm.s32 @!p1 $0x1082;
	[sflag:s4] =	ssyncset.s32 $0xFFFFF086  }
0x25: {  	[simem:s6], [sflag:s4] =	dma.local [hbm:s3], $0xF7A  }
0x26: {  	[smem:$0x3F9E] =	sst s1;
	(tag) =	ssettag s2;
	_ =	strace s9  }
0x27: {  	s1 =	sld [smem:$0x3FAE]  }
0x28: {  	s2 =	sld [smem:$0x3FAF]  }
0x29: {  	s4 =	sld [smem:$0x3FB1]  }
0x2a: {  	p0 =	seq.s32 s5, $0x0;
	s5 =	sld [smem:$0x3FB2]  }
0x2b: {  	s6 =	sld [smem:$0x3FB3]  }
0x2c: {  	s7 =	sld [smem:$0x3FB4]  }
0x2d: {  	s3 =	simm.s32 $0x108;
	s8 =	sld [smem:$0x3FB5]  }
0x2e: {  	s3 =	simm.s32 @!p0 $0x1082;
	s9 =	sld [smem:$0x3FB6]  }
0x2f: {  	lr =	sadd.s32 s0, s3;
	s0 =	sld [smem:$0x3FAD]  }
0x30: {  	s3 =	sld [smem:$0x3FB0]  }
0x31: {  	[smem:$0x3FB9] =	sst s10  }
0x32: {  	s10 =	sld [smem:$0x3FB7];
	_ =	sdelay $0x3  }
0x33: {  	p0 =	seq.s32 s10, $0x1;
	s10 =	sld [smem:$0x3FB9];
	_ =	sdelay $0x3  }
0x34: {  	[smem:$0x3FB9] =	sst s10  }
0x35: {  	s10 =	sld [smem:$0x3FB8];
	_ =	sdelay $0x3  }
0x36: {  	p1 =	seq.s32 s10, $0x1;
	s10 =	sld [smem:$0x3FB9];
	_ =	sdelay $0x3  }
0x37: {  	[smem:$0x3FB9] =	sst s10  }
0x38: {  	s10 =	sld [smem:$0x3FBA]  }
0x39: {  	_ = 	snop;
	(pc) =	sbr.ind lr, $3  }
0x3a: {  	_ = 	snop  }
0x3b: {  	_ = 	snop  }
0x3c: {  	p2 =	seq.s32 s10, $0x1;
	s10 =	sld [smem:$0x3FB9]  }
0x3d: {  	_ =	shalt  }
0x3e: {  	_ =	shalt  }
0x3f: {  	_ =	shalt  }
0x40: {  	_ =	shalt  }
0x41: {  	_ =	shalt  }
0x42: {  	_ =	shalt  }
0x43: {  	_ =	shalt  }
0x44: {  	_ =	shalt  }
0x45: {  	_ =	shalt  }
0x46: {  	_ =	shalt  }
0x47: {  	_ =	shalt  }
0x48: {  	_ =	shalt  }
0x49: {  	_ =	shalt  }
0x4a: {  	_ =	shalt  }
0x4b: {  	_ =	shalt  }
0x4c: {  	_ =	shalt  }
0x4d: {  	_ =	shalt  }
0x4e: {  	_ =	shalt  }
0x4f: {  	_ =	shalt  }
0x50: {  	_ =	shalt  }
0x51: {  	_ =	shalt  }
0x52: {  	_ =	shalt  }
0x53: {  	_ =	shalt  }
0x54: {  	_ =	shalt  }
0x55: {  	_ =	shalt  }
0x56: {  	_ =	shalt  }
0x57: {  	_ =	shalt  }
0x58: {  	_ =	shalt  }
0x59: {  	_ =	shalt  }
0x5a: {  	_ =	shalt  }
0x5b: {  	_ =	shalt  }
0x5c: {  	_ =	shalt  }
0x5d: {  	_ =	shalt  }
0x5e: {  	_ =	shalt  }
0x5f: {  	_ =	shalt  }
0x60: {  	_ =	shalt  }
0x61: {  	_ =	shalt  }
0x62: {  	_ =	shalt  }
0x63: {  	_ =	shalt  }
0x64: {  	_ =	shalt  }
0x65: {  	_ =	shalt  }
0x66: {  	_ =	shalt  }
0x67: {  	_ =	shalt  }
0x68: {  	_ =	shalt  }
0x69: {  	_ =	shalt  }
0x6a: {  	_ =	shalt  }
0x6b: {  	_ =	shalt  }
0x6c: {  	_ =	shalt  }
0x6d: {  	_ =	shalt  }
0x6e: {  	_ =	shalt  }
0x6f: {  	_ =	shalt  }
0x70: {  	_ =	shalt  }
0x71: {  	_ =	shalt  }
0x72: {  	_ =	shalt  }
0x73: {  	_ =	shalt  }
0x74: {  	_ =	shalt  }
0x75: {  	_ =	shalt  }
0x76: {  	_ =	shalt  }
0x77: {  	_ =	shalt  }
0x78: {  	_ =	shalt  }
0x79: {  	_ =	shalt  }
0x7a: {  	_ =	shalt  }
0x7b: {  	_ =	shalt  }
0x7c: {  	_ =	shalt  }
0x7d: {  	_ =	shalt  }
0x7e: {  	_ =	shalt  }
0x7f: {  	_ =	shalt  }
0x80: {  	_ =	shalt  }
0x81: {  	_ =	shalt  }
0x82: {  	_ =	shalt  }
0x83: {  	_ =	shalt  }
0x84: {  	_ =	shalt  }
0x85: {  	_ =	shalt  }
0x86: {  	_ =	shalt  }
0x87: {  	_ =	shalt  }
.Lfunc_end0:
.L_simem_size_0:
called_computation.1_lowered:
.L_overlay_start_0:
0x88: {  	s2 =	sld [smem:$0x3FD9]  }
0x89: {  	s3 =	sld [smem:$0x3FFE];
	_ =	sdelay $0x1  }
0x8a: {  	s1 =	srdreg.scid  }
0x8b: {  	s0 =	sand.u32 $0x1, s1  }
0x8c: {  	s17 =	sshll.u32 s0, $0xA;
	s2 =	sadd.s32 s3, s2  }
0x8d: {  	s2 =	sadd.s32 s2, s17  }
0x8e: {  	[smem:$0x3FC5] =	sst s2  }
0x8f: {  	_ = 	snop  }
0x90: {  	(tm) =	ssettm $0x1  }
0x91: {  	s18 =	sld [smem:$0x3FFB];
	_ =	sdelay $0x3  }
0x92: {  	_ =	strace s18  }
0x93: {  	s2 =	sld [smem:$0x3FFC];
	_ =	sdelay $0x3  }
0x94: {  	_ =	strace s2  }
0x95: {  	s2 =	sld [smem:$0x3FFD];
	_ =	sdelay $0x3  }
0x96: {  	_ =	strace s2  }
0x97: {  	_ =	strace $0x8FFFFFFF  }
0x98: {  	s19 =	sld [smem:$0x3FDB];
	_ =	sdelay $0x1  }
0x99: {  	s20 =	simm.s32 $_scs_section_size  }
0x9a: {  	s4 =	simm.s32 $_size__tile_overlayer_lowered;
	s5 =	simm.s32 $_tile_overlayer_lowered  }
0x9b: {  	s6 =	simm.s32 $0x1BFF;
	s21 =	sshll.u32 s5, $0x1;
	s3 =	sadd.s32 s20, s19  }
0x9c: {  	s22 =	simm.s32 $0x0;
	s4 =	sshll.u32 s4, $0x1;
	s5 =	sadd.s32 s21, s3  }
0x9d: {  	[timem:s22], [sflag:s6] =	dma.local [hbm:s5], s4  }
0x9e: {  	_ =	swait.ge [sflag:s6], s4  }
0x9f: {  	s4 =	ssub.s32 $0x0, s4;
	[sflag:s6] =	ssyncset.done $0x0  }
0xa0: {  	[sflag:s6] =	ssyncadd.s32 s4;
	_ =	sdelay $0x1  }
0xa1: {  	s23 =	simm.s32 $0x1B8B  }
0xa2: {  	_ =	swait.ge [sflag:s23], $0x1  }
0xa3: {  	[sflag:s23] =	ssyncset.done $0x0  }
0xa4: {  	[sflag:s23] =	ssyncadd.s32 $0xFFFFFFFF  }
0xa5: {  	s4 =	sld [smem:$0x0]  }
0xa6: {  	s5 =	sand.u32 $0xFFFFFFFE, s1  }
0xa7: {  	p0 =	sne.s32 s1, s5  }
0xa8: {  	s5 =	sshll.u32 @p0 s5, $0xE  }
0xa9: {  	s5 =	sadd.s32 @p0 $0x11B8D, s5;
	s6 =	sshll.u32 @p0 s4, $0x11  }
0xaa: {  	s5 =	sor.u32 @p0 s6, s5  }
0xab: {  	[sflag:s5] =	ssyncadd.remote.s32 @p0 $0x1;
	_ =	sdelay $0x1  }
0xac: {  	s5 =	simm.s32 @p0 $0x1B8D  }
0xad: {  	_ =	swait.eq @p0 [sflag:s5], $0x1  }
0xae: {  	[sflag:s5] =	ssyncadd.s32 @p0 $0xFFFFFFFF  }
0xaf: {  	s6 =	sshll.u32 @!p0 s1, $0xE  }
0xb0: {  	s6 =	sor.u32 @!p0 $0x4000, s6;
	s5 =	simm.s32 @!p0 $0x1B8D  }
0xb1: {  	s4 =	sshll.u32 @!p0 s4, $0x11;
	s6 =	sadd.s32 @!p0 $0x11B8D, s6;
	_ =	swait.eq @!p0 [sflag:s5], $0x1  }
0xb2: {  	s4 =	sor.u32 @!p0 s4, s6;
	[sflag:s5] =	ssyncadd.s32 @!p0 $0xFFFFFFFF  }
0xb3: {  	s25 =	simm.s32 $0x1B8E;
	s24 =	sld [smem:$0x3FFE];
	[sflag:s4] =	ssyncadd.remote.s32 @!p0 $0x1  }
0xb4: {  	s26 =	simm.s32 $execute0_lowered;
	[smem:$0x3FD2] =	sst s25  }
0xb5: {  	s5 =	sshll.u32 s26, $0x1;
	_ =	strace $0x80000049;
	[dreg:$0x1] =	wrdreg $0xFFFFFFFF  }
0xb6: {  	s28 =	simm.s32 $_size_execute0_lowered;
	s3 =	sadd.s32 s3, s5;
	[dreg:$0x0] =	wrdreg $0x0  }
0xb7: {  	s5 =	sshll.u32 s28, $0x1;
	[dreg:$0x2] =	wrdreg s3  }
0xb8: {  	[dreg:$0x3] =	wrdreg s5  }
0xb9: {  	[dreg:$0x4] =	wrdreg $0xC0  }
0xba: {  	_ =	task [dreg:s22], $0x5FFFF  }
0xbb: {  	[dreg:$0x1] =	wrdreg $0xFFFFFFFF  }
0xbc: {  	[dreg:$0x0] =	wrdreg $0x60  }
0xbd: {  	[dreg:$0x2] =	wrdreg s24  }
0xbe: {  	[dreg:$0x3] =	wrdreg $0xA  }
0xbf: {  	_ =	task.clear_ibuf [dreg:s22], $0x4FFFF;
	_ =	strace $0x90000049  }
0xc0: {  	s29 =	simm.s32 $0xA;
	_ =	strace $0x8000004B  }
0xc1: {  	_ =	swait.ge [sflag:s29], $0x1  }
0xc2: {  	[sflag:s29] =	ssyncadd.s32 $0xFFFFFFFF  }
0xc3: {  	_ =	strace $0x9000004B  }
0xc4: {  	_ =	sfence  }
0xc5: {  	s30 =	sld [smem:$0x0];
	_ =	sdelay $0x2  }
0xc6: {  	s31 =	sshll.u32 s1, $0xD;
	s1 =	sshrl.u32 s1, $0x2  }
0xc7: {  	s4 =	sand.u32 $0x4000, s31;
	s1 =	sadd.s32 s1, s30  }
0xc8: {  	s0 =	sor.u32 s4, s0;
	s1 =	sshll.u32 s1, $0x11  }
0xc9: {  	s0 =	sor.u32 s1, s0  }
0xca: {  	s0 =	sadd.s32 $0x8F2B, s0  }
0xcb: {  	[sflag:s0] =	ssyncadd.remote.s32 $0x1  }
0xcc: {  	_ =	sfence.sel $0xFFFF  }
0xcd: {  	[dreg:$0x0] =	wrdreg $0xFFFFFFFF;
	(pc) =	sbr.abs _section_cstart, $3  }
0xce: {  	[dreg:$0x1] =	wrdreg $0xFFFFFFFF  }
0xcf: {  	_ =	task.clear_ibuf [dreg:s22], $0x2FFFF;
	_ =	strace $0x9FFFFFFF  }
0xd0: {  	(tm) =	ssettm $0x7FFFFFFF  }
0xd1: {  	_ =	shalt  }
tec
execute0_lowered:
.L_overlay_start_1:
0x0: {  	(tag) =	ssettag $0x1  }
0x1: {  	v0 =	vlaneseq.u32  }
0x2: {  	v0 =	vmul.u32 $0x88, v0;
	_ =	sdelay $0x1  }
0x3: {  	v1 =	vadd.s32 $0x880, v0;
	v3 =	vadd.s32 $0x881, v0;
	v4 =	vor.u32 $0x2, v0  }
0x4: {  	v5 =	vadd.s32 $0x882, v0;
	v6 =	vor.u32 $0x3, v0;
	v7 =	vadd.s32 $0x883, v0  }
0x5: {  	v8 =	vor.u32 $0x4, v0;
	v9 =	vadd.s32 $0x884, v0;
	v10 =	vor.u32 $0x5, v0  }
0x6: {  	v11 =	vadd.s32 $0x885, v0;
	v12 =	vor.u32 $0x6, v0;
	v13 =	vadd.s32 $0x886, v0  }
0x7: {  	v14 =	vor.u32 $0x7, v0;
	v15 =	vadd.s32 $0x887, v0;
	v17 =	vadd.s32 $0x888, v0  }
0x8: {  	v18 =	vadd.s32 $0x9, v0;
	v19 =	vadd.s32 $0x889, v0;
	v20 =	vadd.s32 $0xA, v0  }
0x9: {  	v21 =	vadd.s32 $0x88A, v0;
	v22 =	vadd.s32 $0xB, v0;
	v23 =	vadd.s32 $0x88B, v0  }
0xa: {  	v24 =	vadd.s32 $0xC, v0;
	v25 =	vadd.s32 $0x88C, v0;
	v26 =	vadd.s32 $0xD, v0  }
0xb: {  	v27 =	vadd.s32 $0x88D, v0;
	v28 =	vadd.s32 $0xE, v0;
	v29 =	vadd.s32 $0x88E, v0  }
0xc: {  	v30 =	vadd.s32 $0xF, v0;
	v31 =	vadd.s32 $0x88F, v0;
	v32 =	vadd.s32 $0x10, v0  }
0xd: {  	s5 =	rddreg [dreg:$0x0];
	s2 =	srdreg.scid;
	v33 =	vadd.s32 $0x890, v0;
	v34 =	vadd.s32 $0x11, v0;
	v35 =	vadd.s32 $0x891, v0  }
0xe: {  	s0 =	rddreg [dreg:$0x1];
	s1 =	stileid.u32;
	s9 =	simm.s32 $0x4000;
	v36 =	vadd.s32 $0x12, v0;
	v37 =	vadd.s32 $0x892, v0;
	v38 =	vadd.s32 $0x13, v0  }
0xf: {  	s10 =	simm.s32 $0x5;
	s11 =	simm.s32 $0x80;
	s12 =	simm.s32 $0x6400;
	v39 =	vadd.s32 $0x893, v0;
	v40 =	vadd.s32 $0x14, v0;
	v41 =	vadd.s32 $0x894, v0  }
0x10: {  	s13 =	simm.s32 $0x7400;
	s14 =	simm.s32 $0x100;
	s15 =	simm.s32 $0x8400;
	v42 =	vadd.s32 $0x15, v0;
	v43 =	vadd.s32 $0x895, v0;
	v44 =	vadd.s32 $0x16, v0  }
0x11: {  	s16 =	simm.s32 $0x180;
	s17 =	simm.s32 $0x9400;
	s18 =	simm.s32 $0xA400;
	v45 =	vadd.s32 $0x896, v0;
	v46 =	vadd.s32 $0x17, v0;
	v47 =	vadd.s32 $0x897, v0  }
0x12: {  	s19 =	simm.s32 $0x0;
	s4 =	sand.u32 $0x1, s2;
	s2 =	simm.s32 $0x0;
	v48 =	vadd.s32 $0x18, v0;
	v49 =	vadd.s32 $0x898, v0;
	v50 =	vadd.s32 $0x19, v0  }
0x13: {  	s3 =	sshll.u32 s1, $0xA;
	s6 =	sshll.u32 s4, $0x9;
	s30 =	ssub.s32 $0x2, s4;
	v51 =	vadd.s32 $0x899, v0;
	v52 =	vadd.s32 $0x1A, v0;
	v53 =	vadd.s32 $0x89A, v0  }
0x14: {  	[smem:$0x7FF] =	sst s2;
	s3 =	sor.u32 s6, s3;
	s7 =	sshrl.u32 s30, $0x1;
	v54 =	vadd.s32 $0x1B, v0;
	v55 =	vadd.s32 $0x89B, v0;
	v56 =	vadd.s32 $0x1C, v0  }
0x15: {  	s4 =	sadd.s32 $0x132C600, s5;
	v57 =	vadd.s32 $0x89C, v0;
	v58 =	vadd.s32 $0x1D, v0;
	[tilespmem:$0x1FFE0] =	vst v1;
	v1 =	vor.u32 $0x1, v0;
	s31 =	sshrl.u32 s3, $0x3;
	s7 =	ssub.s32 s30, s7  }
0x16: {  	v59 =	vadd.s32 $0x89D, v0;
	v60 =	vadd.s32 $0x1E, v0;
	v61 =	vadd.s32 $0x89E, v0;
	[tilespmem:$0x1FFF0] =	vst v1;
	s8 =	sadd.s32 s31, s5;
	s5 =	sadd.s32 $0x19800, s5;
	s7 =	smax.u32 s7, $0x1  }
0x17: {  	v16 =	vadd.s32 $0x8, v0;
	v62 =	vadd.s32 $0x1F, v0;
	v63 =	vadd.s32 $0x89F, v0;
	_ =	strace $0x8000004A;
	s6 =	sadd.s32 $0x800, s8;
	s8 =	simm.s32 $0x200  }
.LBB2_1:
0x18: {  	[tilespmem:s2], [sflag:$0x5] =	stream.strided.gather [hbm4b:s6+s8], $0x6400, s9, s8, $0x38;
	[tilespmem:$0xB500] =	vst v63  }
0x19: {  	_ =	swait.ge [sflag:s10], $0x6400  }
0x1a: {  	[sflag:s10] =	ssyncset.done $0x0  }
0x1b: {  	[sflag:s10] =	ssyncadd.s32 $0xFFFF9C00  }
0x1c: {  	[tilespmem:s12], [sflag:$0x1] =	stream.indirect.gather [hbm4b:s4+s11], $0x20, s2, s11, $0xb8;
	[tilespmem:$0xB500] =	vst v63  }
0x1d: {  	_ = 	snop  }
0x1e: {  	[tilespmem:s13], [sflag:$0x2] =	stream.indirect.gather [hbm4b:s4+s11], $0x20, s11, s11, $0xb8;
	[tilespmem:$0xB500] =	vst v63  }
0x1f: {  	_ = 	snop  }
0x20: {  	[tilespmem:s15], [sflag:$0x3] =	stream.indirect.gather [hbm4b:s4+s11], $0x20, s14, s11, $0xb8;
	[tilespmem:$0xB500] =	vst v63  }
0x21: {  	s20 =	simm.s32 $0x0  }
0x22: {  	[tilespmem:s17], [sflag:$0x4] =	stream.indirect.gather [hbm4b:s4+s11], $0x20, s16, s11, $0xb8;
	[tilespmem:$0xB500] =	vst v63  }
.LBB2_2:
0x23: {  	s22 =	sand.u32 $0x3, s20  }
0x24: {  	s21 =	sadd.s32 $0x1, s22  }
0x25: {  	_ =	swait.ge [sflag:s21], $0x1000  }
0x26: {  	[sflag:s21] =	ssyncset.done $0x0  }
0x27: {  	s22 =	sshll.u32 s22, $0xC;
	[sflag:s21] =	ssyncadd.s32 $0xFFFFF000  }
0x28: {  	v1 =	vld [tilespmem:s22+$0x6400];
	_ =	sdelay $0x2  }
0x29: {  	v2 =	vld [tilespmem:$0x1FFE0];
	_ =	sdelay $0x1  }
0x2a: {  	[tilespmem:v0+s18+$0x0] =	vst.idx.msk $0xffff, v1  }
0x2b: {  	v1 =	vld [tilespmem:s22+$0x6410];
	_ =	sdelay $0x4  }
0x2c: {  	[tilespmem:v2+s18+$0x0] =	vst.idx.msk $0xffff, v1;
	v2 =	vld [tilespmem:$0x1FFF0];
	_ =	sdelay $0x2  }
0x2d: {  	v1 =	vld [tilespmem:s22+$0x6420];
	_ =	sdelay $0x4  }
0x2e: {  	[tilespmem:v2+s18+$0x0] =	vst.idx.msk $0xffff, v1  }
0x2f: {  	v1 =	vld [tilespmem:s22+$0x6430];
	_ =	sdelay $0x4  }
0x30: {  	[tilespmem:v3+s18+$0x0] =	vst.idx.msk $0xffff, v1  }
0x31: {  	v1 =	vld [tilespmem:s22+$0x6440];
	_ =	sdelay $0x4  }
0x32: {  	[tilespmem:v4+s18+$0x0] =	vst.idx.msk $0xffff, v1  }
0x33: {  	v1 =	vld [tilespmem:s22+$0x6450];
	_ =	sdelay $0x4  }
0x34: {  	[tilespmem:v5+s18+$0x0] =	vst.idx.msk $0xffff, v1  }
0x35: {  	v1 =	vld [tilespmem:s22+$0x6460];
	_ =	sdelay $0x4  }
0x36: {  	[tilespmem:v6+s18+$0x0] =	vst.idx.msk $0xffff, v1  }
0x37: {  	v1 =	vld [tilespmem:s22+$0x6470];
	_ =	sdelay $0x4  }
0x38: {  	[tilespmem:v7+s18+$0x0] =	vst.idx.msk $0xffff, v1  }
0x39: {  	v1 =	vld [tilespmem:s22+$0x6480];
	_ =	sdelay $0x4  }
0x3a: {  	[tilespmem:v8+s18+$0x0] =	vst.idx.msk $0xffff, v1  }
0x3b: {  	v1 =	vld [tilespmem:s22+$0x6490];
	_ =	sdelay $0x4  }
0x3c: {  	[tilespmem:v9+s18+$0x0] =	vst.idx.msk $0xffff, v1  }
0x3d: {  	v1 =	vld [tilespmem:s22+$0x64A0];
	_ =	sdelay $0x4  }
0x3e: {  	[tilespmem:v10+s18+$0x0] =	vst.idx.msk $0xffff, v1  }
0x3f: {  	v1 =	vld [tilespmem:s22+$0x64B0];
	_ =	sdelay $0x4  }
0x40: {  	[tilespmem:v11+s18+$0x0] =	vst.idx.msk $0xffff, v1  }
0x41: {  	v1 =	vld [tilespmem:s22+$0x64C0];
	_ =	sdelay $0x4  }
0x42: {  	[tilespmem:v12+s18+$0x0] =	vst.idx.msk $0xffff, v1  }
0x43: {  	v1 =	vld [tilespmem:s22+$0x64D0];
	_ =	sdelay $0x4  }
0x44: {  	[tilespmem:v13+s18+$0x0] =	vst.idx.msk $0xffff, v1  }
0x45: {  	v1 =	vld [tilespmem:s22+$0x64E0];
	_ =	sdelay $0x4  }
0x46: {  	[tilespmem:v14+s18+$0x0] =	vst.idx.msk $0xffff, v1  }
0x47: {  	v1 =	vld [tilespmem:s22+$0x64F0];
	_ =	sdelay $0x4  }
0x48: {  	[tilespmem:v15+s18+$0x0] =	vst.idx.msk $0xffff, v1  }
0x49: {  	v1 =	vld [tilespmem:s22+$0x6500];
	_ =	sdelay $0x4  }
0x4a: {  	[tilespmem:v16+s18+$0x0] =	vst.idx.msk $0xffff, v1  }
0x4b: {  	v1 =	vld [tilespmem:s22+$0x6510];
	_ =	sdelay $0x4  }
0x4c: {  	[tilespmem:v17+s18+$0x0] =	vst.idx.msk $0xffff, v1  }
0x4d: {  	v1 =	vld [tilespmem:s22+$0x6520];
	_ =	sdelay $0x4  }
0x4e: {  	[tilespmem:v18+s18+$0x0] =	vst.idx.msk $0xffff, v1  }
0x4f: {  	v1 =	vld [tilespmem:s22+$0x6530];
	_ =	sdelay $0x4  }
0x50: {  	[tilespmem:v19+s18+$0x0] =	vst.idx.msk $0xffff, v1  }
0x51: {  	v1 =	vld [tilespmem:s22+$0x6540];
	_ =	sdelay $0x4  }
0x52: {  	[tilespmem:v20+s18+$0x0] =	vst.idx.msk $0xffff, v1  }
0x53: {  	v1 =	vld [tilespmem:s22+$0x6550];
	_ =	sdelay $0x4  }
0x54: {  	[tilespmem:v21+s18+$0x0] =	vst.idx.msk $0xffff, v1  }
0x55: {  	v1 =	vld [tilespmem:s22+$0x6560];
	_ =	sdelay $0x4  }
0x56: {  	[tilespmem:v22+s18+$0x0] =	vst.idx.msk $0xffff, v1  }
0x57: {  	v1 =	vld [tilespmem:s22+$0x6570];
	_ =	sdelay $0x4  }
0x58: {  	[tilespmem:v23+s18+$0x0] =	vst.idx.msk $0xffff, v1  }
0x59: {  	v1 =	vld [tilespmem:s22+$0x6580];
	_ =	sdelay $0x4  }
0x5a: {  	[tilespmem:v24+s18+$0x0] =	vst.idx.msk $0xffff, v1  }
0x5b: {  	v1 =	vld [tilespmem:s22+$0x6590];
	_ =	sdelay $0x4  }
0x5c: {  	[tilespmem:v25+s18+$0x0] =	vst.idx.msk $0xffff, v1  }
0x5d: {  	v1 =	vld [tilespmem:s22+$0x65A0];
	_ =	sdelay $0x4  }
0x5e: {  	[tilespmem:v26+s18+$0x0] =	vst.idx.msk $0xffff, v1  }
0x5f: {  	v1 =	vld [tilespmem:s22+$0x65B0];
	_ =	sdelay $0x4  }
0x60: {  	[tilespmem:v27+s18+$0x0] =	vst.idx.msk $0xffff, v1  }
0x61: {  	v1 =	vld [tilespmem:s22+$0x65C0];
	_ =	sdelay $0x4  }
0x62: {  	[tilespmem:v28+s18+$0x0] =	vst.idx.msk $0xffff, v1  }
0x63: {  	v1 =	vld [tilespmem:s22+$0x65D0];
	_ =	sdelay $0x4  }
0x64: {  	[tilespmem:v29+s18+$0x0] =	vst.idx.msk $0xffff, v1  }
0x65: {  	v1 =	vld [tilespmem:s22+$0x65E0];
	_ =	sdelay $0x4  }
0x66: {  	[tilespmem:v30+s18+$0x0] =	vst.idx.msk $0xffff, v1  }
0x67: {  	v1 =	vld [tilespmem:s22+$0x65F0];
	_ =	sdelay $0x4  }
0x68: {  	[tilespmem:v31+s18+$0x0] =	vst.idx.msk $0xffff, v1  }
0x69: {  	v1 =	vld [tilespmem:s22+$0x6600];
	_ =	sdelay $0x4  }
0x6a: {  	[tilespmem:v32+s18+$0x0] =	vst.idx.msk $0xffff, v1  }
0x6b: {  	v1 =	vld [tilespmem:s22+$0x6610];
	_ =	sdelay $0x4  }
0x6c: {  	[tilespmem:v33+s18+$0x0] =	vst.idx.msk $0xffff, v1  }
0x6d: {  	v1 =	vld [tilespmem:s22+$0x6620];
	_ =	sdelay $0x4  }
0x6e: {  	[tilespmem:v34+s18+$0x0] =	vst.idx.msk $0xffff, v1  }
0x6f: {  	v1 =	vld [tilespmem:s22+$0x6630];
	_ =	sdelay $0x4  }
0x70: {  	[tilespmem:v35+s18+$0x0] =	vst.idx.msk $0xffff, v1  }
0x71: {  	v1 =	vld [tilespmem:s22+$0x6640];
	_ =	sdelay $0x4  }
0x72: {  	[tilespmem:v36+s18+$0x0] =	vst.idx.msk $0xffff, v1  }
0x73: {  	v1 =	vld [tilespmem:s22+$0x6650];
	_ =	sdelay $0x4  }
0x74: {  	[tilespmem:v37+s18+$0x0] =	vst.idx.msk $0xffff, v1  }
0x75: {  	v1 =	vld [tilespmem:s22+$0x6660];
	_ =	sdelay $0x4  }
0x76: {  	[tilespmem:v38+s18+$0x0] =	vst.idx.msk $0xffff, v1  }
0x77: {  	v1 =	vld [tilespmem:s22+$0x6670];
	_ =	sdelay $0x4  }
0x78: {  	[tilespmem:v39+s18+$0x0] =	vst.idx.msk $0xffff, v1  }
0x79: {  	v1 =	vld [tilespmem:s22+$0x6680];
	_ =	sdelay $0x4  }
0x7a: {  	[tilespmem:v40+s18+$0x0] =	vst.idx.msk $0xffff, v1  }
0x7b: {  	v1 =	vld [tilespmem:s22+$0x6690];
	_ =	sdelay $0x4  }
0x7c: {  	[tilespmem:v41+s18+$0x0] =	vst.idx.msk $0xffff, v1  }
0x7d: {  	v1 =	vld [tilespmem:s22+$0x66A0];
	_ =	sdelay $0x4  }
0x7e: {  	[tilespmem:v42+s18+$0x0] =	vst.idx.msk $0xffff, v1  }
0x7f: {  	v1 =	vld [tilespmem:s22+$0x66B0];
	_ =	sdelay $0x4  }
0x80: {  	[tilespmem:v43+s18+$0x0] =	vst.idx.msk $0xffff, v1  }
0x81: {  	v1 =	vld [tilespmem:s22+$0x66C0];
	_ =	sdelay $0x4  }
0x82: {  	[tilespmem:v44+s18+$0x0] =	vst.idx.msk $0xffff, v1  }
0x83: {  	v1 =	vld [tilespmem:s22+$0x66D0];
	_ =	sdelay $0x4  }
0x84: {  	[tilespmem:v45+s18+$0x0] =	vst.idx.msk $0xffff, v1  }
0x85: {  	v1 =	vld [tilespmem:s22+$0x66E0];
	_ =	sdelay $0x4  }
0x86: {  	[tilespmem:v46+s18+$0x0] =	vst.idx.msk $0xffff, v1  }
0x87: {  	v1 =	vld [tilespmem:s22+$0x66F0];
	_ =	sdelay $0x4  }
0x88: {  	[tilespmem:v47+s18+$0x0] =	vst.idx.msk $0xffff, v1  }
0x89: {  	v1 =	vld [tilespmem:s22+$0x6700];
	_ =	sdelay $0x4  }
0x8a: {  	[tilespmem:v48+s18+$0x0] =	vst.idx.msk $0xffff, v1  }
0x8b: {  	v1 =	vld [tilespmem:s22+$0x6710];
	_ =	sdelay $0x4  }
0x8c: {  	[tilespmem:v49+s18+$0x0] =	vst.idx.msk $0xffff, v1  }
0x8d: {  	v1 =	vld [tilespmem:s22+$0x6720];
	_ =	sdelay $0x4  }
0x8e: {  	[tilespmem:v50+s18+$0x0] =	vst.idx.msk $0xffff, v1  }
0x8f: {  	v1 =	vld [tilespmem:s22+$0x6730];
	_ =	sdelay $0x4  }
0x90: {  	[tilespmem:v51+s18+$0x0] =	vst.idx.msk $0xffff, v1  }
0x91: {  	v1 =	vld [tilespmem:s22+$0x6740];
	_ =	sdelay $0x4  }
0x92: {  	[tilespmem:v52+s18+$0x0] =	vst.idx.msk $0xffff, v1  }
0x93: {  	v1 =	vld [tilespmem:s22+$0x6750];
	_ =	sdelay $0x4  }
0x94: {  	[tilespmem:v53+s18+$0x0] =	vst.idx.msk $0xffff, v1  }
0x95: {  	v1 =	vld [tilespmem:s22+$0x6760];
	_ =	sdelay $0x4  }
0x96: {  	[tilespmem:v54+s18+$0x0] =	vst.idx.msk $0xffff, v1  }
0x97: {  	v1 =	vld [tilespmem:s22+$0x6770];
	_ =	sdelay $0x4  }
0x98: {  	[tilespmem:v55+s18+$0x0] =	vst.idx.msk $0xffff, v1  }
0x99: {  	v1 =	vld [tilespmem:s22+$0x6780];
	_ =	sdelay $0x4  }
0x9a: {  	[tilespmem:v56+s18+$0x0] =	vst.idx.msk $0xffff, v1  }
0x9b: {  	v1 =	vld [tilespmem:s22+$0x6790];
	_ =	sdelay $0x4  }
0x9c: {  	[tilespmem:v57+s18+$0x0] =	vst.idx.msk $0xffff, v1  }
0x9d: {  	v1 =	vld [tilespmem:s22+$0x67A0];
	_ =	sdelay $0x4  }
0x9e: {  	[tilespmem:v58+s18+$0x0] =	vst.idx.msk $0xffff, v1  }
0x9f: {  	v1 =	vld [tilespmem:s22+$0x67B0];
	_ =	sdelay $0x4  }
0xa0: {  	[tilespmem:v59+s18+$0x0] =	vst.idx.msk $0xffff, v1  }
0xa1: {  	v1 =	vld [tilespmem:s22+$0x67C0];
	_ =	sdelay $0x4  }
0xa2: {  	[tilespmem:v60+s18+$0x0] =	vst.idx.msk $0xffff, v1  }
0xa3: {  	v1 =	vld [tilespmem:s22+$0x67D0];
	_ =	sdelay $0x4  }
0xa4: {  	[tilespmem:v61+s18+$0x0] =	vst.idx.msk $0xffff, v1  }
0xa5: {  	v1 =	vld [tilespmem:s22+$0x67E0];
	_ =	sdelay $0x4  }
0xa6: {  	[tilespmem:v62+s18+$0x0] =	vst.idx.msk $0xffff, v1  }
0xa7: {  	v1 =	vld [tilespmem:s22+$0x67F0];
	_ =	sdelay $0x4  }
0xa8: {  	[tilespmem:v63+s18+$0x0] =	vst.idx.msk $0xffff, v1  }
0xa9: {  	v2 =	vadd.s32 $0x20, v0;
	v1 =	vld [tilespmem:s22+$0x6800];
	_ =	sdelay $0x4  }
0xaa: {  	[tilespmem:v2+s18+$0x0] =	vst.idx.msk $0xffff, v1  }
0xab: {  	v2 =	vadd.s32 $0x8A0, v0;
	v1 =	vld [tilespmem:s22+$0x6810];
	_ =	sdelay $0x4  }
0xac: {  	[tilespmem:v2+s18+$0x0] =	vst.idx.msk $0xffff, v1  }
0xad: {  	v2 =	vadd.s32 $0x21, v0;
	v1 =	vld [tilespmem:s22+$0x6820];
	_ =	sdelay $0x4  }
0xae: {  	[tilespmem:v2+s18+$0x0] =	vst.idx.msk $0xffff, v1  }
0xaf: {  	v2 =	vadd.s32 $0x8A1, v0;
	v1 =	vld [tilespmem:s22+$0x6830];
	_ =	sdelay $0x4  }
0xb0: {  	[tilespmem:v2+s18+$0x0] =	vst.idx.msk $0xffff, v1  }
0xb1: {  	v2 =	vadd.s32 $0x22, v0;
	v1 =	vld [tilespmem:s22+$0x6840];
	_ =	sdelay $0x4  }
0xb2: {  	[tilespmem:v2+s18+$0x0] =	vst.idx.msk $0xffff, v1  }
0xb3: {  	v2 =	vadd.s32 $0x8A2, v0;
	v1 =	vld [tilespmem:s22+$0x6850];
	_ =	sdelay $0x4  }
0xb4: {  	[tilespmem:v2+s18+$0x0] =	vst.idx.msk $0xffff, v1  }
0xb5: {  	v2 =	vadd.s32 $0x23, v0;
	v1 =	vld [tilespmem:s22+$0x6860];
	_ =	sdelay $0x4  }
0xb6: {  	[tilespmem:v2+s18+$0x0] =	vst.idx.msk $0xffff, v1  }
0xb7: {  	v2 =	vadd.s32 $0x8A3, v0;
	v1 =	vld [tilespmem:s22+$0x6870];
	_ =	sdelay $0x4  }
0xb8: {  	[tilespmem:v2+s18+$0x0] =	vst.idx.msk $0xffff, v1  }
0xb9: {  	v2 =	vadd.s32 $0x24, v0;
	v1 =	vld [tilespmem:s22+$0x6880];
	_ =	sdelay $0x4  }
0xba: {  	[tilespmem:v2+s18+$0x0] =	vst.idx.msk $0xffff, v1  }
0xbb: {  	v2 =	vadd.s32 $0x8A4, v0;
	v1 =	vld [tilespmem:s22+$0x6890];
	_ =	sdelay $0x4  }
0xbc: {  	[tilespmem:v2+s18+$0x0] =	vst.idx.msk $0xffff, v1  }
0xbd: {  	v2 =	vadd.s32 $0x25, v0;
	v1 =	vld [tilespmem:s22+$0x68A0];
	_ =	sdelay $0x4  }
0xbe: {  	[tilespmem:v2+s18+$0x0] =	vst.idx.msk $0xffff, v1  }
0xbf: {  	v2 =	vadd.s32 $0x8A5, v0;
	v1 =	vld [tilespmem:s22+$0x68B0];
	_ =	sdelay $0x4  }
0xc0: {  	[tilespmem:v2+s18+$0x0] =	vst.idx.msk $0xffff, v1  }
0xc1: {  	v2 =	vadd.s32 $0x26, v0;
	v1 =	vld [tilespmem:s22+$0x68C0];
	_ =	sdelay $0x4  }
0xc2: {  	[tilespmem:v2+s18+$0x0] =	vst.idx.msk $0xffff, v1  }
0xc3: {  	v2 =	vadd.s32 $0x8A6, v0;
	v1 =	vld [tilespmem:s22+$0x68D0];
	_ =	sdelay $0x4  }
0xc4: {  	[tilespmem:v2+s18+$0x0] =	vst.idx.msk $0xffff, v1  }
0xc5: {  	v2 =	vadd.s32 $0x27, v0;
	v1 =	vld [tilespmem:s22+$0x68E0];
	_ =	sdelay $0x4  }
0xc6: {  	[tilespmem:v2+s18+$0x0] =	vst.idx.msk $0xffff, v1  }
0xc7: {  	v2 =	vadd.s32 $0x8A7, v0;
	v1 =	vld [tilespmem:s22+$0x68F0];
	_ =	sdelay $0x4  }
0xc8: {  	[tilespmem:v2+s18+$0x0] =	vst.idx.msk $0xffff, v1  }
0xc9: {  	v2 =	vadd.s32 $0x28, v0;
	v1 =	vld [tilespmem:s22+$0x6900];
	_ =	sdelay $0x4  }
0xca: {  	[tilespmem:v2+s18+$0x0] =	vst.idx.msk $0xffff, v1  }
0xcb: {  	v2 =	vadd.s32 $0x8A8, v0;
	v1 =	vld [tilespmem:s22+$0x6910];
	_ =	sdelay $0x4  }
0xcc: {  	[tilespmem:v2+s18+$0x0] =	vst.idx.msk $0xffff, v1  }
0xcd: {  	v2 =	vadd.s32 $0x29, v0;
	v1 =	vld [tilespmem:s22+$0x6920];
	_ =	sdelay $0x4  }
0xce: {  	[tilespmem:v2+s18+$0x0] =	vst.idx.msk $0xffff, v1  }
0xcf: {  	v2 =	vadd.s32 $0x8A9, v0;
	v1 =	vld [tilespmem:s22+$0x6930];
	_ =	sdelay $0x4  }
0xd0: {  	[tilespmem:v2+s18+$0x0] =	vst.idx.msk $0xffff, v1  }
0xd1: {  	v2 =	vadd.s32 $0x2A, v0;
	v1 =	vld [tilespmem:s22+$0x6940];
	_ =	sdelay $0x4  }
0xd2: {  	[tilespmem:v2+s18+$0x0] =	vst.idx.msk $0xffff, v1  }
0xd3: {  	v2 =	vadd.s32 $0x8AA, v0;
	v1 =	vld [tilespmem:s22+$0x6950];
	_ =	sdelay $0x4  }
0xd4: {  	[tilespmem:v2+s18+$0x0] =	vst.idx.msk $0xffff, v1  }
0xd5: {  	v2 =	vadd.s32 $0x2B, v0;
	v1 =	vld [tilespmem:s22+$0x6960];
	_ =	sdelay $0x4  }
0xd6: {  	[tilespmem:v2+s18+$0x0] =	vst.idx.msk $0xffff, v1  }
0xd7: {  	v2 =	vadd.s32 $0x8AB, v0;
	v1 =	vld [tilespmem:s22+$0x6970];
	_ =	sdelay $0x4  }
0xd8: {  	[tilespmem:v2+s18+$0x0] =	vst.idx.msk $0xffff, v1  }
0xd9: {  	v2 =	vadd.s32 $0x2C, v0;
	v1 =	vld [tilespmem:s22+$0x6980];
	_ =	sdelay $0x4  }
0xda: {  	[tilespmem:v2+s18+$0x0] =	vst.idx.msk $0xffff, v1  }
0xdb: {  	v2 =	vadd.s32 $0x8AC, v0;
	v1 =	vld [tilespmem:s22+$0x6990];
	_ =	sdelay $0x4  }
0xdc: {  	[tilespmem:v2+s18+$0x0] =	vst.idx.msk $0xffff, v1  }
0xdd: {  	v2 =	vadd.s32 $0x2D, v0;
	v1 =	vld [tilespmem:s22+$0x69A0];
	_ =	sdelay $0x4  }
0xde: {  	[tilespmem:v2+s18+$0x0] =	vst.idx.msk $0xffff, v1  }
0xdf: {  	v2 =	vadd.s32 $0x8AD, v0;
	v1 =	vld [tilespmem:s22+$0x69B0];
	_ =	sdelay $0x4  }
0xe0: {  	[tilespmem:v2+s18+$0x0] =	vst.idx.msk $0xffff, v1  }
0xe1: {  	v2 =	vadd.s32 $0x2E, v0;
	v1 =	vld [tilespmem:s22+$0x69C0];
	_ =	sdelay $0x4  }
0xe2: {  	[tilespmem:v2+s18+$0x0] =	vst.idx.msk $0xffff, v1  }
0xe3: {  	v2 =	vadd.s32 $0x8AE, v0;
	v1 =	vld [tilespmem:s22+$0x69D0];
	_ =	sdelay $0x4  }
0xe4: {  	[tilespmem:v2+s18+$0x0] =	vst.idx.msk $0xffff, v1  }
0xe5: {  	v2 =	vadd.s32 $0x2F, v0;
	v1 =	vld [tilespmem:s22+$0x69E0];
	_ =	sdelay $0x4  }
0xe6: {  	[tilespmem:v2+s18+$0x0] =	vst.idx.msk $0xffff, v1  }
0xe7: {  	v2 =	vadd.s32 $0x8AF, v0;
	v1 =	vld [tilespmem:s22+$0x69F0];
	_ =	sdelay $0x4  }
0xe8: {  	[tilespmem:v2+s18+$0x0] =	vst.idx.msk $0xffff, v1  }
0xe9: {  	v2 =	vadd.s32 $0x30, v0;
	v1 =	vld [tilespmem:s22+$0x6A00];
	_ =	sdelay $0x4  }
0xea: {  	[tilespmem:v2+s18+$0x0] =	vst.idx.msk $0xffff, v1  }
0xeb: {  	v2 =	vadd.s32 $0x8B0, v0;
	v1 =	vld [tilespmem:s22+$0x6A10];
	_ =	sdelay $0x4  }
0xec: {  	[tilespmem:v2+s18+$0x0] =	vst.idx.msk $0xffff, v1  }
0xed: {  	v2 =	vadd.s32 $0x31, v0;
	v1 =	vld [tilespmem:s22+$0x6A20];
	_ =	sdelay $0x4  }
0xee: {  	[tilespmem:v2+s18+$0x0] =	vst.idx.msk $0xffff, v1  }
0xef: {  	v2 =	vadd.s32 $0x8B1, v0;
	v1 =	vld [tilespmem:s22+$0x6A30];
	_ =	sdelay $0x4  }
0xf0: {  	[tilespmem:v2+s18+$0x0] =	vst.idx.msk $0xffff, v1  }
0xf1: {  	v2 =	vadd.s32 $0x32, v0;
	v1 =	vld [tilespmem:s22+$0x6A40];
	_ =	sdelay $0x4  }
0xf2: {  	[tilespmem:v2+s18+$0x0] =	vst.idx.msk $0xffff, v1  }
0xf3: {  	v2 =	vadd.s32 $0x8B2, v0;
	v1 =	vld [tilespmem:s22+$0x6A50];
	_ =	sdelay $0x4  }
0xf4: {  	[tilespmem:v2+s18+$0x0] =	vst.idx.msk $0xffff, v1  }
0xf5: {  	v2 =	vadd.s32 $0x33, v0;
	v1 =	vld [tilespmem:s22+$0x6A60];
	_ =	sdelay $0x4  }
0xf6: {  	[tilespmem:v2+s18+$0x0] =	vst.idx.msk $0xffff, v1  }
0xf7: {  	v2 =	vadd.s32 $0x8B3, v0;
	v1 =	vld [tilespmem:s22+$0x6A70];
	_ =	sdelay $0x4  }
0xf8: {  	[tilespmem:v2+s18+$0x0] =	vst.idx.msk $0xffff, v1  }
0xf9: {  	v2 =	vadd.s32 $0x34, v0;
	v1 =	vld [tilespmem:s22+$0x6A80];
	_ =	sdelay $0x4  }
0xfa: {  	[tilespmem:v2+s18+$0x0] =	vst.idx.msk $0xffff, v1  }
0xfb: {  	v2 =	vadd.s32 $0x8B4, v0;
	v1 =	vld [tilespmem:s22+$0x6A90];
	_ =	sdelay $0x4  }
0xfc: {  	[tilespmem:v2+s18+$0x0] =	vst.idx.msk $0xffff, v1  }
0xfd: {  	v2 =	vadd.s32 $0x35, v0;
	v1 =	vld [tilespmem:s22+$0x6AA0];
	_ =	sdelay $0x4  }
0xfe: {  	[tilespmem:v2+s18+$0x0] =	vst.idx.msk $0xffff, v1  }
0xff: {  	v2 =	vadd.s32 $0x8B5, v0;
	v1 =	vld [tilespmem:s22+$0x6AB0];
	_ =	sdelay $0x4  }
0x100: {  	[tilespmem:v2+s18+$0x0] =	vst.idx.msk $0xffff, v1  }
0x101: {  	v2 =	vadd.s32 $0x36, v0;
	v1 =	vld [tilespmem:s22+$0x6AC0];
	_ =	sdelay $0x4  }
0x102: {  	[tilespmem:v2+s18+$0x0] =	vst.idx.msk $0xffff, v1  }
0x103: {  	v2 =	vadd.s32 $0x8B6, v0;
	v1 =	vld [tilespmem:s22+$0x6AD0];
	_ =	sdelay $0x4  }
0x104: {  	[tilespmem:v2+s18+$0x0] =	vst.idx.msk $0xffff, v1  }
0x105: {  	v2 =	vadd.s32 $0x37, v0;
	v1 =	vld [tilespmem:s22+$0x6AE0];
	_ =	sdelay $0x4  }
0x106: {  	[tilespmem:v2+s18+$0x0] =	vst.idx.msk $0xffff, v1  }
0x107: {  	v2 =	vadd.s32 $0x8B7, v0;
	v1 =	vld [tilespmem:s22+$0x6AF0];
	_ =	sdelay $0x4  }
0x108: {  	[tilespmem:v2+s18+$0x0] =	vst.idx.msk $0xffff, v1  }
0x109: {  	v2 =	vadd.s32 $0x38, v0;
	v1 =	vld [tilespmem:s22+$0x6B00];
	_ =	sdelay $0x4  }
0x10a: {  	[tilespmem:v2+s18+$0x0] =	vst.idx.msk $0xffff, v1  }
0x10b: {  	v2 =	vadd.s32 $0x8B8, v0;
	v1 =	vld [tilespmem:s22+$0x6B10];
	_ =	sdelay $0x4  }
0x10c: {  	[tilespmem:v2+s18+$0x0] =	vst.idx.msk $0xffff, v1  }
0x10d: {  	v2 =	vadd.s32 $0x39, v0;
	v1 =	vld [tilespmem:s22+$0x6B20];
	_ =	sdelay $0x4  }
0x10e: {  	[tilespmem:v2+s18+$0x0] =	vst.idx.msk $0xffff, v1  }
0x10f: {  	v2 =	vadd.s32 $0x8B9, v0;
	v1 =	vld [tilespmem:s22+$0x6B30];
	_ =	sdelay $0x4  }
0x110: {  	[tilespmem:v2+s18+$0x0] =	vst.idx.msk $0xffff, v1  }
0x111: {  	v2 =	vadd.s32 $0x3A, v0;
	v1 =	vld [tilespmem:s22+$0x6B40];
	_ =	sdelay $0x4  }
0x112: {  	[tilespmem:v2+s18+$0x0] =	vst.idx.msk $0xffff, v1  }
0x113: {  	v2 =	vadd.s32 $0x8BA, v0;
	v1 =	vld [tilespmem:s22+$0x6B50];
	_ =	sdelay $0x4  }
0x114: {  	[tilespmem:v2+s18+$0x0] =	vst.idx.msk $0xffff, v1  }
0x115: {  	v2 =	vadd.s32 $0x3B, v0;
	v1 =	vld [tilespmem:s22+$0x6B60];
	_ =	sdelay $0x4  }
0x116: {  	[tilespmem:v2+s18+$0x0] =	vst.idx.msk $0xffff, v1  }
0x117: {  	v2 =	vadd.s32 $0x8BB, v0;
	v1 =	vld [tilespmem:s22+$0x6B70];
	_ =	sdelay $0x4  }
0x118: {  	[tilespmem:v2+s18+$0x0] =	vst.idx.msk $0xffff, v1  }
0x119: {  	v2 =	vadd.s32 $0x3C, v0;
	v1 =	vld [tilespmem:s22+$0x6B80];
	_ =	sdelay $0x4  }
0x11a: {  	[tilespmem:v2+s18+$0x0] =	vst.idx.msk $0xffff, v1  }
0x11b: {  	v2 =	vadd.s32 $0x8BC, v0;
	v1 =	vld [tilespmem:s22+$0x6B90];
	_ =	sdelay $0x4  }
0x11c: {  	[tilespmem:v2+s18+$0x0] =	vst.idx.msk $0xffff, v1  }
0x11d: {  	v2 =	vadd.s32 $0x3D, v0;
	v1 =	vld [tilespmem:s22+$0x6BA0];
	_ =	sdelay $0x4  }
0x11e: {  	[tilespmem:v2+s18+$0x0] =	vst.idx.msk $0xffff, v1  }
0x11f: {  	v2 =	vadd.s32 $0x8BD, v0;
	v1 =	vld [tilespmem:s22+$0x6BB0];
	_ =	sdelay $0x4  }
0x120: {  	[tilespmem:v2+s18+$0x0] =	vst.idx.msk $0xffff, v1  }
0x121: {  	v2 =	vadd.s32 $0x3E, v0;
	v1 =	vld [tilespmem:s22+$0x6BC0];
	_ =	sdelay $0x4  }
0x122: {  	[tilespmem:v2+s18+$0x0] =	vst.idx.msk $0xffff, v1  }
0x123: {  	v2 =	vadd.s32 $0x8BE, v0;
	v1 =	vld [tilespmem:s22+$0x6BD0];
	_ =	sdelay $0x4  }
0x124: {  	[tilespmem:v2+s18+$0x0] =	vst.idx.msk $0xffff, v1  }
0x125: {  	v2 =	vadd.s32 $0x3F, v0;
	v1 =	vld [tilespmem:s22+$0x6BE0];
	_ =	sdelay $0x4  }
0x126: {  	[tilespmem:v2+s18+$0x0] =	vst.idx.msk $0xffff, v1  }
0x127: {  	v2 =	vadd.s32 $0x8BF, v0;
	v1 =	vld [tilespmem:s22+$0x6BF0];
	_ =	sdelay $0x4  }
0x128: {  	[tilespmem:v2+s18+$0x0] =	vst.idx.msk $0xffff, v1  }
0x129: {  	v2 =	vadd.s32 $0x40, v0;
	v1 =	vld [tilespmem:s22+$0x6C00];
	_ =	sdelay $0x4  }
0x12a: {  	[tilespmem:v2+s18+$0x0] =	vst.idx.msk $0xffff, v1  }
0x12b: {  	v2 =	vadd.s32 $0x8C0, v0;
	v1 =	vld [tilespmem:s22+$0x6C10];
	_ =	sdelay $0x4  }
0x12c: {  	[tilespmem:v2+s18+$0x0] =	vst.idx.msk $0xffff, v1  }
0x12d: {  	v2 =	vadd.s32 $0x41, v0;
	v1 =	vld [tilespmem:s22+$0x6C20];
	_ =	sdelay $0x4  }
0x12e: {  	[tilespmem:v2+s18+$0x0] =	vst.idx.msk $0xffff, v1  }
0x12f: {  	v2 =	vadd.s32 $0x8C1, v0;
	v1 =	vld [tilespmem:s22+$0x6C30];
	_ =	sdelay $0x4  }
0x130: {  	[tilespmem:v2+s18+$0x0] =	vst.idx.msk $0xffff, v1  }
0x131: {  	v2 =	vadd.s32 $0x42, v0;
	v1 =	vld [tilespmem:s22+$0x6C40];
	_ =	sdelay $0x4  }
0x132: {  	[tilespmem:v2+s18+$0x0] =	vst.idx.msk $0xffff, v1  }
0x133: {  	v2 =	vadd.s32 $0x8C2, v0;
	v1 =	vld [tilespmem:s22+$0x6C50];
	_ =	sdelay $0x4  }
0x134: {  	[tilespmem:v2+s18+$0x0] =	vst.idx.msk $0xffff, v1  }
0x135: {  	v2 =	vadd.s32 $0x43, v0;
	v1 =	vld [tilespmem:s22+$0x6C60];
	_ =	sdelay $0x4  }
0x136: {  	[tilespmem:v2+s18+$0x0] =	vst.idx.msk $0xffff, v1  }
0x137: {  	v2 =	vadd.s32 $0x8C3, v0;
	v1 =	vld [tilespmem:s22+$0x6C70];
	_ =	sdelay $0x4  }
0x138: {  	[tilespmem:v2+s18+$0x0] =	vst.idx.msk $0xffff, v1  }
0x139: {  	v2 =	vadd.s32 $0x44, v0;
	v1 =	vld [tilespmem:s22+$0x6C80];
	_ =	sdelay $0x4  }
0x13a: {  	[tilespmem:v2+s18+$0x0] =	vst.idx.msk $0xffff, v1  }
0x13b: {  	v2 =	vadd.s32 $0x8C4, v0;
	v1 =	vld [tilespmem:s22+$0x6C90];
	_ =	sdelay $0x4  }
0x13c: {  	[tilespmem:v2+s18+$0x0] =	vst.idx.msk $0xffff, v1  }
0x13d: {  	v2 =	vadd.s32 $0x45, v0;
	v1 =	vld [tilespmem:s22+$0x6CA0];
	_ =	sdelay $0x4  }
0x13e: {  	[tilespmem:v2+s18+$0x0] =	vst.idx.msk $0xffff, v1  }
0x13f: {  	v2 =	vadd.s32 $0x8C5, v0;
	v1 =	vld [tilespmem:s22+$0x6CB0];
	_ =	sdelay $0x4  }
0x140: {  	[tilespmem:v2+s18+$0x0] =	vst.idx.msk $0xffff, v1  }
0x141: {  	v2 =	vadd.s32 $0x46, v0;
	v1 =	vld [tilespmem:s22+$0x6CC0];
	_ =	sdelay $0x4  }
0x142: {  	[tilespmem:v2+s18+$0x0] =	vst.idx.msk $0xffff, v1  }
0x143: {  	v2 =	vadd.s32 $0x8C6, v0;
	v1 =	vld [tilespmem:s22+$0x6CD0];
	_ =	sdelay $0x4  }
0x144: {  	[tilespmem:v2+s18+$0x0] =	vst.idx.msk $0xffff, v1  }
0x145: {  	v2 =	vadd.s32 $0x47, v0;
	v1 =	vld [tilespmem:s22+$0x6CE0];
	_ =	sdelay $0x4  }
0x146: {  	[tilespmem:v2+s18+$0x0] =	vst.idx.msk $0xffff, v1  }
0x147: {  	v2 =	vadd.s32 $0x8C7, v0;
	v1 =	vld [tilespmem:s22+$0x6CF0];
	_ =	sdelay $0x4  }
0x148: {  	[tilespmem:v2+s18+$0x0] =	vst.idx.msk $0xffff, v1  }
0x149: {  	v2 =	vadd.s32 $0x48, v0;
	v1 =	vld [tilespmem:s22+$0x6D00];
	_ =	sdelay $0x4  }
0x14a: {  	[tilespmem:v2+s18+$0x0] =	vst.idx.msk $0xffff, v1  }
0x14b: {  	v2 =	vadd.s32 $0x8C8, v0;
	v1 =	vld [tilespmem:s22+$0x6D10];
	_ =	sdelay $0x4  }
0x14c: {  	[tilespmem:v2+s18+$0x0] =	vst.idx.msk $0xffff, v1  }
0x14d: {  	v2 =	vadd.s32 $0x49, v0;
	v1 =	vld [tilespmem:s22+$0x6D20];
	_ =	sdelay $0x4  }
0x14e: {  	[tilespmem:v2+s18+$0x0] =	vst.idx.msk $0xffff, v1  }
0x14f: {  	v2 =	vadd.s32 $0x8C9, v0;
	v1 =	vld [tilespmem:s22+$0x6D30];
	_ =	sdelay $0x4  }
0x150: {  	[tilespmem:v2+s18+$0x0] =	vst.idx.msk $0xffff, v1  }
0x151: {  	v2 =	vadd.s32 $0x4A, v0;
	v1 =	vld [tilespmem:s22+$0x6D40];
	_ =	sdelay $0x4  }
0x152: {  	[tilespmem:v2+s18+$0x0] =	vst.idx.msk $0xffff, v1  }
0x153: {  	v2 =	vadd.s32 $0x8CA, v0;
	v1 =	vld [tilespmem:s22+$0x6D50];
	_ =	sdelay $0x4  }
0x154: {  	[tilespmem:v2+s18+$0x0] =	vst.idx.msk $0xffff, v1  }
0x155: {  	v2 =	vadd.s32 $0x4B, v0;
	v1 =	vld [tilespmem:s22+$0x6D60];
	_ =	sdelay $0x4  }
0x156: {  	[tilespmem:v2+s18+$0x0] =	vst.idx.msk $0xffff, v1  }
0x157: {  	v2 =	vadd.s32 $0x8CB, v0;
	v1 =	vld [tilespmem:s22+$0x6D70];
	_ =	sdelay $0x4  }
0x158: {  	[tilespmem:v2+s18+$0x0] =	vst.idx.msk $0xffff, v1  }
0x159: {  	v2 =	vadd.s32 $0x4C, v0;
	v1 =	vld [tilespmem:s22+$0x6D80];
	_ =	sdelay $0x4  }
0x15a: {  	[tilespmem:v2+s18+$0x0] =	vst.idx.msk $0xffff, v1  }
0x15b: {  	v2 =	vadd.s32 $0x8CC, v0;
	v1 =	vld [tilespmem:s22+$0x6D90];
	_ =	sdelay $0x4  }
0x15c: {  	[tilespmem:v2+s18+$0x0] =	vst.idx.msk $0xffff, v1  }
0x15d: {  	v2 =	vadd.s32 $0x4D, v0;
	v1 =	vld [tilespmem:s22+$0x6DA0];
	_ =	sdelay $0x4  }
0x15e: {  	[tilespmem:v2+s18+$0x0] =	vst.idx.msk $0xffff, v1  }
0x15f: {  	v2 =	vadd.s32 $0x8CD, v0;
	v1 =	vld [tilespmem:s22+$0x6DB0];
	_ =	sdelay $0x4  }
0x160: {  	[tilespmem:v2+s18+$0x0] =	vst.idx.msk $0xffff, v1  }
0x161: {  	v2 =	vadd.s32 $0x4E, v0;
	v1 =	vld [tilespmem:s22+$0x6DC0];
	_ =	sdelay $0x4  }
0x162: {  	[tilespmem:v2+s18+$0x0] =	vst.idx.msk $0xffff, v1  }
0x163: {  	v2 =	vadd.s32 $0x8CE, v0;
	v1 =	vld [tilespmem:s22+$0x6DD0];
	_ =	sdelay $0x4  }
0x164: {  	[tilespmem:v2+s18+$0x0] =	vst.idx.msk $0xffff, v1  }
0x165: {  	v2 =	vadd.s32 $0x4F, v0;
	v1 =	vld [tilespmem:s22+$0x6DE0];
	_ =	sdelay $0x4  }
0x166: {  	[tilespmem:v2+s18+$0x0] =	vst.idx.msk $0xffff, v1  }
0x167: {  	v2 =	vadd.s32 $0x8CF, v0;
	v1 =	vld [tilespmem:s22+$0x6DF0];
	_ =	sdelay $0x4  }
0x168: {  	[tilespmem:v2+s18+$0x0] =	vst.idx.msk $0xffff, v1  }
0x169: {  	v2 =	vadd.s32 $0x50, v0;
	v1 =	vld [tilespmem:s22+$0x6E00];
	_ =	sdelay $0x4  }
0x16a: {  	[tilespmem:v2+s18+$0x0] =	vst.idx.msk $0xffff, v1  }
0x16b: {  	v2 =	vadd.s32 $0x8D0, v0;
	v1 =	vld [tilespmem:s22+$0x6E10];
	_ =	sdelay $0x4  }
0x16c: {  	[tilespmem:v2+s18+$0x0] =	vst.idx.msk $0xffff, v1  }
0x16d: {  	v2 =	vadd.s32 $0x51, v0;
	v1 =	vld [tilespmem:s22+$0x6E20];
	_ =	sdelay $0x4  }
0x16e: {  	[tilespmem:v2+s18+$0x0] =	vst.idx.msk $0xffff, v1  }
0x16f: {  	v2 =	vadd.s32 $0x8D1, v0;
	v1 =	vld [tilespmem:s22+$0x6E30];
	_ =	sdelay $0x4  }
0x170: {  	[tilespmem:v2+s18+$0x0] =	vst.idx.msk $0xffff, v1  }
0x171: {  	v2 =	vadd.s32 $0x52, v0;
	v1 =	vld [tilespmem:s22+$0x6E40];
	_ =	sdelay $0x4  }
0x172: {  	[tilespmem:v2+s18+$0x0] =	vst.idx.msk $0xffff, v1  }
0x173: {  	v2 =	vadd.s32 $0x8D2, v0;
	v1 =	vld [tilespmem:s22+$0x6E50];
	_ =	sdelay $0x4  }
0x174: {  	[tilespmem:v2+s18+$0x0] =	vst.idx.msk $0xffff, v1  }
0x175: {  	v2 =	vadd.s32 $0x53, v0;
	v1 =	vld [tilespmem:s22+$0x6E60];
	_ =	sdelay $0x4  }
0x176: {  	[tilespmem:v2+s18+$0x0] =	vst.idx.msk $0xffff, v1  }
0x177: {  	v2 =	vadd.s32 $0x8D3, v0;
	v1 =	vld [tilespmem:s22+$0x6E70];
	_ =	sdelay $0x4  }
0x178: {  	[tilespmem:v2+s18+$0x0] =	vst.idx.msk $0xffff, v1  }
0x179: {  	v2 =	vadd.s32 $0x54, v0;
	v1 =	vld [tilespmem:s22+$0x6E80];
	_ =	sdelay $0x4  }
0x17a: {  	[tilespmem:v2+s18+$0x0] =	vst.idx.msk $0xffff, v1  }
0x17b: {  	v2 =	vadd.s32 $0x8D4, v0;
	v1 =	vld [tilespmem:s22+$0x6E90];
	_ =	sdelay $0x4  }
0x17c: {  	[tilespmem:v2+s18+$0x0] =	vst.idx.msk $0xffff, v1  }
0x17d: {  	v2 =	vadd.s32 $0x55, v0;
	v1 =	vld [tilespmem:s22+$0x6EA0];
	_ =	sdelay $0x4  }
0x17e: {  	[tilespmem:v2+s18+$0x0] =	vst.idx.msk $0xffff, v1  }
0x17f: {  	v2 =	vadd.s32 $0x8D5, v0;
	v1 =	vld [tilespmem:s22+$0x6EB0];
	_ =	sdelay $0x4  }
0x180: {  	[tilespmem:v2+s18+$0x0] =	vst.idx.msk $0xffff, v1  }
0x181: {  	v2 =	vadd.s32 $0x56, v0;
	v1 =	vld [tilespmem:s22+$0x6EC0];
	_ =	sdelay $0x4  }
0x182: {  	[tilespmem:v2+s18+$0x0] =	vst.idx.msk $0xffff, v1  }
0x183: {  	v2 =	vadd.s32 $0x8D6, v0;
	v1 =	vld [tilespmem:s22+$0x6ED0];
	_ =	sdelay $0x4  }
0x184: {  	[tilespmem:v2+s18+$0x0] =	vst.idx.msk $0xffff, v1  }
0x185: {  	v2 =	vadd.s32 $0x57, v0;
	v1 =	vld [tilespmem:s22+$0x6EE0];
	_ =	sdelay $0x4  }
0x186: {  	[tilespmem:v2+s18+$0x0] =	vst.idx.msk $0xffff, v1  }
0x187: {  	v2 =	vadd.s32 $0x8D7, v0;
	v1 =	vld [tilespmem:s22+$0x6EF0];
	_ =	sdelay $0x4  }
0x188: {  	[tilespmem:v2+s18+$0x0] =	vst.idx.msk $0xffff, v1  }
0x189: {  	v2 =	vadd.s32 $0x58, v0;
	v1 =	vld [tilespmem:s22+$0x6F00];
	_ =	sdelay $0x4  }
0x18a: {  	[tilespmem:v2+s18+$0x0] =	vst.idx.msk $0xffff, v1  }
0x18b: {  	v2 =	vadd.s32 $0x8D8, v0;
	v1 =	vld [tilespmem:s22+$0x6F10];
	_ =	sdelay $0x4  }
0x18c: {  	[tilespmem:v2+s18+$0x0] =	vst.idx.msk $0xffff, v1  }
0x18d: {  	v2 =	vadd.s32 $0x59, v0;
	v1 =	vld [tilespmem:s22+$0x6F20];
	_ =	sdelay $0x4  }
0x18e: {  	[tilespmem:v2+s18+$0x0] =	vst.idx.msk $0xffff, v1  }
0x18f: {  	v2 =	vadd.s32 $0x8D9, v0;
	v1 =	vld [tilespmem:s22+$0x6F30];
	_ =	sdelay $0x4  }
0x190: {  	[tilespmem:v2+s18+$0x0] =	vst.idx.msk $0xffff, v1  }
0x191: {  	v2 =	vadd.s32 $0x5A, v0;
	v1 =	vld [tilespmem:s22+$0x6F40];
	_ =	sdelay $0x4  }
0x192: {  	[tilespmem:v2+s18+$0x0] =	vst.idx.msk $0xffff, v1  }
0x193: {  	v2 =	vadd.s32 $0x8DA, v0;
	v1 =	vld [tilespmem:s22+$0x6F50];
	_ =	sdelay $0x4  }
0x194: {  	[tilespmem:v2+s18+$0x0] =	vst.idx.msk $0xffff, v1  }
0x195: {  	v2 =	vadd.s32 $0x5B, v0;
	v1 =	vld [tilespmem:s22+$0x6F60];
	_ =	sdelay $0x4  }
0x196: {  	[tilespmem:v2+s18+$0x0] =	vst.idx.msk $0xffff, v1  }
0x197: {  	v2 =	vadd.s32 $0x8DB, v0;
	v1 =	vld [tilespmem:s22+$0x6F70];
	_ =	sdelay $0x4  }
0x198: {  	[tilespmem:v2+s18+$0x0] =	vst.idx.msk $0xffff, v1  }
0x199: {  	v2 =	vadd.s32 $0x5C, v0;
	v1 =	vld [tilespmem:s22+$0x6F80];
	_ =	sdelay $0x4  }
0x19a: {  	[tilespmem:v2+s18+$0x0] =	vst.idx.msk $0xffff, v1  }
0x19b: {  	v2 =	vadd.s32 $0x8DC, v0;
	v1 =	vld [tilespmem:s22+$0x6F90];
	_ =	sdelay $0x4  }
0x19c: {  	[tilespmem:v2+s18+$0x0] =	vst.idx.msk $0xffff, v1  }
0x19d: {  	v2 =	vadd.s32 $0x5D, v0;
	v1 =	vld [tilespmem:s22+$0x6FA0];
	_ =	sdelay $0x4  }
0x19e: {  	[tilespmem:v2+s18+$0x0] =	vst.idx.msk $0xffff, v1  }
0x19f: {  	v2 =	vadd.s32 $0x8DD, v0;
	v1 =	vld [tilespmem:s22+$0x6FB0];
	_ =	sdelay $0x4  }
0x1a0: {  	[tilespmem:v2+s18+$0x0] =	vst.idx.msk $0xffff, v1  }
0x1a1: {  	v2 =	vadd.s32 $0x5E, v0;
	v1 =	vld [tilespmem:s22+$0x6FC0];
	_ =	sdelay $0x4  }
0x1a2: {  	[tilespmem:v2+s18+$0x0] =	vst.idx.msk $0xffff, v1  }
0x1a3: {  	v2 =	vadd.s32 $0x8DE, v0;
	v1 =	vld [tilespmem:s22+$0x6FD0];
	_ =	sdelay $0x4  }
0x1a4: {  	[tilespmem:v2+s18+$0x0] =	vst.idx.msk $0xffff, v1  }
0x1a5: {  	v2 =	vadd.s32 $0x5F, v0;
	v1 =	vld [tilespmem:s22+$0x6FE0];
	_ =	sdelay $0x4  }
0x1a6: {  	[tilespmem:v2+s18+$0x0] =	vst.idx.msk $0xffff, v1  }
0x1a7: {  	v2 =	vadd.s32 $0x8DF, v0;
	v1 =	vld [tilespmem:s22+$0x6FF0];
	_ =	sdelay $0x4  }
0x1a8: {  	[tilespmem:v2+s18+$0x0] =	vst.idx.msk $0xffff, v1  }
0x1a9: {  	v2 =	vadd.s32 $0x60, v0;
	v1 =	vld [tilespmem:s22+$0x7000];
	_ =	sdelay $0x4  }
0x1aa: {  	[tilespmem:v2+s18+$0x0] =	vst.idx.msk $0xffff, v1  }
0x1ab: {  	v2 =	vadd.s32 $0x8E0, v0;
	v1 =	vld [tilespmem:s22+$0x7010];
	_ =	sdelay $0x4  }
0x1ac: {  	[tilespmem:v2+s18+$0x0] =	vst.idx.msk $0xffff, v1  }
0x1ad: {  	v2 =	vadd.s32 $0x61, v0;
	v1 =	vld [tilespmem:s22+$0x7020];
	_ =	sdelay $0x4  }
0x1ae: {  	[tilespmem:v2+s18+$0x0] =	vst.idx.msk $0xffff, v1  }
0x1af: {  	v2 =	vadd.s32 $0x8E1, v0;
	v1 =	vld [tilespmem:s22+$0x7030];
	_ =	sdelay $0x4  }
0x1b0: {  	[tilespmem:v2+s18+$0x0] =	vst.idx.msk $0xffff, v1  }
0x1b1: {  	v2 =	vadd.s32 $0x62, v0;
	v1 =	vld [tilespmem:s22+$0x7040];
	_ =	sdelay $0x4  }
0x1b2: {  	[tilespmem:v2+s18+$0x0] =	vst.idx.msk $0xffff, v1  }
0x1b3: {  	v2 =	vadd.s32 $0x8E2, v0;
	v1 =	vld [tilespmem:s22+$0x7050];
	_ =	sdelay $0x4  }
0x1b4: {  	[tilespmem:v2+s18+$0x0] =	vst.idx.msk $0xffff, v1  }
0x1b5: {  	v2 =	vadd.s32 $0x63, v0;
	v1 =	vld [tilespmem:s22+$0x7060];
	_ =	sdelay $0x4  }
0x1b6: {  	[tilespmem:v2+s18+$0x0] =	vst.idx.msk $0xffff, v1  }
0x1b7: {  	v2 =	vadd.s32 $0x8E3, v0;
	v1 =	vld [tilespmem:s22+$0x7070];
	_ =	sdelay $0x4  }
0x1b8: {  	[tilespmem:v2+s18+$0x0] =	vst.idx.msk $0xffff, v1  }
0x1b9: {  	v2 =	vadd.s32 $0x64, v0;
	v1 =	vld [tilespmem:s22+$0x7080];
	_ =	sdelay $0x4  }
0x1ba: {  	[tilespmem:v2+s18+$0x0] =	vst.idx.msk $0xffff, v1  }
0x1bb: {  	v2 =	vadd.s32 $0x8E4, v0;
	v1 =	vld [tilespmem:s22+$0x7090];
	_ =	sdelay $0x4  }
0x1bc: {  	[tilespmem:v2+s18+$0x0] =	vst.idx.msk $0xffff, v1  }
0x1bd: {  	v2 =	vadd.s32 $0x65, v0;
	v1 =	vld [tilespmem:s22+$0x70A0];
	_ =	sdelay $0x4  }
0x1be: {  	[tilespmem:v2+s18+$0x0] =	vst.idx.msk $0xffff, v1  }
0x1bf: {  	v2 =	vadd.s32 $0x8E5, v0;
	v1 =	vld [tilespmem:s22+$0x70B0];
	_ =	sdelay $0x4  }
0x1c0: {  	[tilespmem:v2+s18+$0x0] =	vst.idx.msk $0xffff, v1  }
0x1c1: {  	v2 =	vadd.s32 $0x66, v0;
	v1 =	vld [tilespmem:s22+$0x70C0];
	_ =	sdelay $0x4  }
0x1c2: {  	[tilespmem:v2+s18+$0x0] =	vst.idx.msk $0xffff, v1  }
0x1c3: {  	v2 =	vadd.s32 $0x8E6, v0;
	v1 =	vld [tilespmem:s22+$0x70D0];
	_ =	sdelay $0x4  }
0x1c4: {  	[tilespmem:v2+s18+$0x0] =	vst.idx.msk $0xffff, v1  }
0x1c5: {  	v2 =	vadd.s32 $0x67, v0;
	v1 =	vld [tilespmem:s22+$0x70E0];
	_ =	sdelay $0x4  }
0x1c6: {  	[tilespmem:v2+s18+$0x0] =	vst.idx.msk $0xffff, v1  }
0x1c7: {  	v2 =	vadd.s32 $0x8E7, v0;
	v1 =	vld [tilespmem:s22+$0x70F0];
	_ =	sdelay $0x4  }
0x1c8: {  	[tilespmem:v2+s18+$0x0] =	vst.idx.msk $0xffff, v1  }
0x1c9: {  	v2 =	vadd.s32 $0x68, v0;
	v1 =	vld [tilespmem:s22+$0x7100];
	_ =	sdelay $0x4  }
0x1ca: {  	[tilespmem:v2+s18+$0x0] =	vst.idx.msk $0xffff, v1  }
0x1cb: {  	v2 =	vadd.s32 $0x8E8, v0;
	v1 =	vld [tilespmem:s22+$0x7110];
	_ =	sdelay $0x4  }
0x1cc: {  	[tilespmem:v2+s18+$0x0] =	vst.idx.msk $0xffff, v1  }
0x1cd: {  	v2 =	vadd.s32 $0x69, v0;
	v1 =	vld [tilespmem:s22+$0x7120];
	_ =	sdelay $0x4  }
0x1ce: {  	[tilespmem:v2+s18+$0x0] =	vst.idx.msk $0xffff, v1  }
0x1cf: {  	v2 =	vadd.s32 $0x8E9, v0;
	v1 =	vld [tilespmem:s22+$0x7130];
	_ =	sdelay $0x4  }
0x1d0: {  	[tilespmem:v2+s18+$0x0] =	vst.idx.msk $0xffff, v1  }
0x1d1: {  	v2 =	vadd.s32 $0x6A, v0;
	v1 =	vld [tilespmem:s22+$0x7140];
	_ =	sdelay $0x4  }
0x1d2: {  	[tilespmem:v2+s18+$0x0] =	vst.idx.msk $0xffff, v1  }
0x1d3: {  	v2 =	vadd.s32 $0x8EA, v0;
	v1 =	vld [tilespmem:s22+$0x7150];
	_ =	sdelay $0x4  }
0x1d4: {  	[tilespmem:v2+s18+$0x0] =	vst.idx.msk $0xffff, v1  }
0x1d5: {  	v2 =	vadd.s32 $0x6B, v0;
	v1 =	vld [tilespmem:s22+$0x7160];
	_ =	sdelay $0x4  }
0x1d6: {  	[tilespmem:v2+s18+$0x0] =	vst.idx.msk $0xffff, v1  }
0x1d7: {  	v2 =	vadd.s32 $0x8EB, v0;
	v1 =	vld [tilespmem:s22+$0x7170];
	_ =	sdelay $0x4  }
0x1d8: {  	[tilespmem:v2+s18+$0x0] =	vst.idx.msk $0xffff, v1  }
0x1d9: {  	v2 =	vadd.s32 $0x6C, v0;
	v1 =	vld [tilespmem:s22+$0x7180];
	_ =	sdelay $0x4  }
0x1da: {  	[tilespmem:v2+s18+$0x0] =	vst.idx.msk $0xffff, v1  }
0x1db: {  	v2 =	vadd.s32 $0x8EC, v0;
	v1 =	vld [tilespmem:s22+$0x7190];
	_ =	sdelay $0x4  }
0x1dc: {  	[tilespmem:v2+s18+$0x0] =	vst.idx.msk $0xffff, v1  }
0x1dd: {  	v2 =	vadd.s32 $0x6D, v0;
	v1 =	vld [tilespmem:s22+$0x71A0];
	_ =	sdelay $0x4  }
0x1de: {  	[tilespmem:v2+s18+$0x0] =	vst.idx.msk $0xffff, v1  }
0x1df: {  	v2 =	vadd.s32 $0x8ED, v0;
	v1 =	vld [tilespmem:s22+$0x71B0];
	_ =	sdelay $0x4  }
0x1e0: {  	[tilespmem:v2+s18+$0x0] =	vst.idx.msk $0xffff, v1  }
0x1e1: {  	v2 =	vadd.s32 $0x6E, v0;
	v1 =	vld [tilespmem:s22+$0x71C0];
	_ =	sdelay $0x4  }
0x1e2: {  	[tilespmem:v2+s18+$0x0] =	vst.idx.msk $0xffff, v1  }
0x1e3: {  	v2 =	vadd.s32 $0x8EE, v0;
	v1 =	vld [tilespmem:s22+$0x71D0];
	_ =	sdelay $0x4  }
0x1e4: {  	[tilespmem:v2+s18+$0x0] =	vst.idx.msk $0xffff, v1  }
0x1e5: {  	v2 =	vadd.s32 $0x6F, v0;
	v1 =	vld [tilespmem:s22+$0x71E0];
	_ =	sdelay $0x4  }
0x1e6: {  	[tilespmem:v2+s18+$0x0] =	vst.idx.msk $0xffff, v1  }
0x1e7: {  	v2 =	vadd.s32 $0x8EF, v0;
	v1 =	vld [tilespmem:s22+$0x71F0];
	_ =	sdelay $0x4  }
0x1e8: {  	[tilespmem:v2+s18+$0x0] =	vst.idx.msk $0xffff, v1  }
0x1e9: {  	v2 =	vadd.s32 $0x70, v0;
	v1 =	vld [tilespmem:s22+$0x7200];
	_ =	sdelay $0x4  }
0x1ea: {  	[tilespmem:v2+s18+$0x0] =	vst.idx.msk $0xffff, v1  }
0x1eb: {  	v2 =	vadd.s32 $0x8F0, v0;
	v1 =	vld [tilespmem:s22+$0x7210];
	_ =	sdelay $0x4  }
0x1ec: {  	[tilespmem:v2+s18+$0x0] =	vst.idx.msk $0xffff, v1  }
0x1ed: {  	v2 =	vadd.s32 $0x71, v0;
	v1 =	vld [tilespmem:s22+$0x7220];
	_ =	sdelay $0x4  }
0x1ee: {  	[tilespmem:v2+s18+$0x0] =	vst.idx.msk $0xffff, v1  }
0x1ef: {  	v2 =	vadd.s32 $0x8F1, v0;
	v1 =	vld [tilespmem:s22+$0x7230];
	_ =	sdelay $0x4  }
0x1f0: {  	[tilespmem:v2+s18+$0x0] =	vst.idx.msk $0xffff, v1  }
0x1f1: {  	v2 =	vadd.s32 $0x72, v0;
	v1 =	vld [tilespmem:s22+$0x7240];
	_ =	sdelay $0x4  }
0x1f2: {  	[tilespmem:v2+s18+$0x0] =	vst.idx.msk $0xffff, v1  }
0x1f3: {  	v2 =	vadd.s32 $0x8F2, v0;
	v1 =	vld [tilespmem:s22+$0x7250];
	_ =	sdelay $0x4  }
0x1f4: {  	[tilespmem:v2+s18+$0x0] =	vst.idx.msk $0xffff, v1  }
0x1f5: {  	v2 =	vadd.s32 $0x73, v0;
	v1 =	vld [tilespmem:s22+$0x7260];
	_ =	sdelay $0x4  }
0x1f6: {  	[tilespmem:v2+s18+$0x0] =	vst.idx.msk $0xffff, v1  }
0x1f7: {  	v2 =	vadd.s32 $0x8F3, v0;
	v1 =	vld [tilespmem:s22+$0x7270];
	_ =	sdelay $0x4  }
0x1f8: {  	[tilespmem:v2+s18+$0x0] =	vst.idx.msk $0xffff, v1  }
0x1f9: {  	v2 =	vadd.s32 $0x74, v0;
	v1 =	vld [tilespmem:s22+$0x7280];
	_ =	sdelay $0x4  }
0x1fa: {  	[tilespmem:v2+s18+$0x0] =	vst.idx.msk $0xffff, v1  }
0x1fb: {  	v2 =	vadd.s32 $0x8F4, v0;
	v1 =	vld [tilespmem:s22+$0x7290];
	_ =	sdelay $0x4  }
0x1fc: {  	[tilespmem:v2+s18+$0x0] =	vst.idx.msk $0xffff, v1  }
0x1fd: {  	v2 =	vadd.s32 $0x75, v0;
	v1 =	vld [tilespmem:s22+$0x72A0];
	_ =	sdelay $0x4  }
0x1fe: {  	[tilespmem:v2+s18+$0x0] =	vst.idx.msk $0xffff, v1  }
0x1ff: {  	v2 =	vadd.s32 $0x8F5, v0;
	v1 =	vld [tilespmem:s22+$0x72B0];
	_ =	sdelay $0x4  }
0x200: {  	[tilespmem:v2+s18+$0x0] =	vst.idx.msk $0xffff, v1  }
0x201: {  	v2 =	vadd.s32 $0x76, v0;
	v1 =	vld [tilespmem:s22+$0x72C0];
	_ =	sdelay $0x4  }
0x202: {  	[tilespmem:v2+s18+$0x0] =	vst.idx.msk $0xffff, v1  }
0x203: {  	v2 =	vadd.s32 $0x8F6, v0;
	v1 =	vld [tilespmem:s22+$0x72D0];
	_ =	sdelay $0x4  }
0x204: {  	[tilespmem:v2+s18+$0x0] =	vst.idx.msk $0xffff, v1  }
0x205: {  	v2 =	vadd.s32 $0x77, v0;
	v1 =	vld [tilespmem:s22+$0x72E0];
	_ =	sdelay $0x4  }
0x206: {  	[tilespmem:v2+s18+$0x0] =	vst.idx.msk $0xffff, v1  }
0x207: {  	v2 =	vadd.s32 $0x8F7, v0;
	v1 =	vld [tilespmem:s22+$0x72F0];
	_ =	sdelay $0x4  }
0x208: {  	[tilespmem:v2+s18+$0x0] =	vst.idx.msk $0xffff, v1  }
0x209: {  	v2 =	vadd.s32 $0x78, v0;
	v1 =	vld [tilespmem:s22+$0x7300];
	_ =	sdelay $0x4  }
0x20a: {  	[tilespmem:v2+s18+$0x0] =	vst.idx.msk $0xffff, v1  }
0x20b: {  	v2 =	vadd.s32 $0x8F8, v0;
	v1 =	vld [tilespmem:s22+$0x7310];
	_ =	sdelay $0x4  }
0x20c: {  	[tilespmem:v2+s18+$0x0] =	vst.idx.msk $0xffff, v1  }
0x20d: {  	v2 =	vadd.s32 $0x79, v0;
	v1 =	vld [tilespmem:s22+$0x7320];
	_ =	sdelay $0x4  }
0x20e: {  	[tilespmem:v2+s18+$0x0] =	vst.idx.msk $0xffff, v1  }
0x20f: {  	v2 =	vadd.s32 $0x8F9, v0;
	v1 =	vld [tilespmem:s22+$0x7330];
	_ =	sdelay $0x4  }
0x210: {  	[tilespmem:v2+s18+$0x0] =	vst.idx.msk $0xffff, v1  }
0x211: {  	v2 =	vadd.s32 $0x7A, v0;
	v1 =	vld [tilespmem:s22+$0x7340];
	_ =	sdelay $0x4  }
0x212: {  	[tilespmem:v2+s18+$0x0] =	vst.idx.msk $0xffff, v1  }
0x213: {  	v2 =	vadd.s32 $0x8FA, v0;
	v1 =	vld [tilespmem:s22+$0x7350];
	_ =	sdelay $0x4  }
0x214: {  	[tilespmem:v2+s18+$0x0] =	vst.idx.msk $0xffff, v1  }
0x215: {  	v2 =	vadd.s32 $0x7B, v0;
	v1 =	vld [tilespmem:s22+$0x7360];
	_ =	sdelay $0x4  }
0x216: {  	[tilespmem:v2+s18+$0x0] =	vst.idx.msk $0xffff, v1  }
0x217: {  	v2 =	vadd.s32 $0x8FB, v0;
	v1 =	vld [tilespmem:s22+$0x7370];
	_ =	sdelay $0x4  }
0x218: {  	[tilespmem:v2+s18+$0x0] =	vst.idx.msk $0xffff, v1  }
0x219: {  	v2 =	vadd.s32 $0x7C, v0;
	v1 =	vld [tilespmem:s22+$0x7380];
	_ =	sdelay $0x4  }
0x21a: {  	[tilespmem:v2+s18+$0x0] =	vst.idx.msk $0xffff, v1  }
0x21b: {  	v2 =	vadd.s32 $0x8FC, v0;
	v1 =	vld [tilespmem:s22+$0x7390];
	_ =	sdelay $0x4  }
0x21c: {  	[tilespmem:v2+s18+$0x0] =	vst.idx.msk $0xffff, v1  }
0x21d: {  	v2 =	vadd.s32 $0x7D, v0;
	v1 =	vld [tilespmem:s22+$0x73A0];
	_ =	sdelay $0x4  }
0x21e: {  	[tilespmem:v2+s18+$0x0] =	vst.idx.msk $0xffff, v1  }
0x21f: {  	v2 =	vadd.s32 $0x8FD, v0;
	v1 =	vld [tilespmem:s22+$0x73B0];
	_ =	sdelay $0x4  }
0x220: {  	[tilespmem:v2+s18+$0x0] =	vst.idx.msk $0xffff, v1  }
0x221: {  	v2 =	vadd.s32 $0x7E, v0;
	v1 =	vld [tilespmem:s22+$0x73C0];
	_ =	sdelay $0x4  }
0x222: {  	[tilespmem:v2+s18+$0x0] =	vst.idx.msk $0xffff, v1  }
0x223: {  	v2 =	vadd.s32 $0x8FE, v0;
	v1 =	vld [tilespmem:s22+$0x73D0];
	_ =	sdelay $0x4  }
0x224: {  	[tilespmem:v2+s18+$0x0] =	vst.idx.msk $0xffff, v1  }
0x225: {  	v2 =	vadd.s32 $0x7F, v0;
	v1 =	vld [tilespmem:s22+$0x73E0];
	_ =	sdelay $0x4  }
0x226: {  	[tilespmem:v2+s18+$0x0] =	vst.idx.msk $0xffff, v1  }
0x227: {  	p0 =	sgt.u32 s20, $0xC3;
	v2 =	vadd.s32 $0x8FF, v0;
	v1 =	vld [tilespmem:s22+$0x73F0]  }
0x228: {  	s23 =	sshll.u32 @!p0 s20, $0x9  }
0x229: {  	s23 =	sadd.s32 @!p0 $0x800, s23  }
0x22a: {  	s24 =	sshll.u32 s20, $0x7;
	s23 =	sand.u32 @!p0 $0x3F800, s23  }
0x22b: {  	s30 =	sshll.u32 s20, $0x11;
	s24 =	sand.u32 $0x180, s24;
	s23 =	sshrl.u32 @!p0 s23, $0x2  }
0x22c: {  	s25 =	simm.s32 @!p0 $0x80;
	s23 =	sor.u32 @!p0 s24, s23;
	s22 =	sadd.s32 $0x6400, s22;
	[tilespmem:v2+s18+$0x0] =	vst.idx.msk $0xffff, v1  }
0x22d: {  	[tilespmem:s22], [sflag:s21] =	stream.indirect.gather @!p0 [hbm4b:s4+s25], $0x20, s23, s25, $0xb8;
	[tilespmem:$0xB500] =	vst v63  }
0x22e: {  	s21 =	sand.u32 $0x1F80000, s30  }
0x22f: {  	s21 =	sor.u32 s24, s21  }
0x230: {  	s21 =	sor.u32 s3, s21  }
0x231: {  	s21 =	sshrl.u32 s21, $0x3  }
0x232: {  	s31 =	simm.s32 $0xA400;
	s22 =	simm.s32 $0x220;
	s21 =	sadd.s32 s5, s21  }
0x233: {  	[hbm4b:s21+s2] =	stream.linear.scatter [tilespmem:s31], [sflag:$0x5], $0x80, $0x38;
	[tilespmem:$0xB500] =	vst v63  }
.LBB2_3:
0x234: {  	p0 =	sne.s32 s22, $0x41E0  }
.Ltmp0:
0x235: {  	_ = 	snop;
	(pc) =	sbr.rel @p0 .LBB2_3-.Ltmp0, $4  }
0x236: {  	_ = 	snop  }
0x237: {  	s23 =	sshra.s32 s22, $0x2;
	s22 =	sadd.s32 $0x220, s22  }
0x238: {  	s21 =	sadd.s32 $0x800, s21;
	s23 =	sadd.s32 $0xA400, s23  }
0x239: {  	[hbm4b:s21+s2] =	stream.linear.scatter [tilespmem:s23], [sflag:$0x5], $0x80, $0x38;
	[tilespmem:$0xB500] =	vst v63  }
0x23a: {  	s20 =	sadd.s32 $0x1, s20  }
0x23b: {  	p0 =	sne.s32 s20, $0xC8  }
.Ltmp1:
0x23c: {  	_ = 	snop;
	(pc) =	sbr.rel @p0 .LBB2_2-.Ltmp1, $4  }
0x23d: {  	_ = 	snop  }
0x23e: {  	_ =	swait.ge [sflag:s10], $0x1000  }
0x23f: {  	[sflag:s10] =	ssyncset.done $0x0  }
0x240: {  	[sflag:s10] =	ssyncadd.s32 $0xFFFFF000  }
0x241: {  	s19 =	sadd.s32 $0x1, s19  }
0x242: {  	p0 =	sne.s32 s19, s7  }
.Ltmp2:
0x243: {  	_ = 	snop;
	(pc) =	sbr.rel @p0 .LBB2_1-.Ltmp2, $1  }
0x244: {  	_ =	sdelay $0x3  }
0x245: {  	_ =	sfence.sel $0x180000  }
0x246: {  	[bflag:$0x0] =	sbarrier.arrive $0xFFFF  }
0x247: {  	p0 =	sne.s32 s1, $0x0;
	_ =	strace $0x9000004A  }
0x248: {  	s0 =	sadd.s32 @!p0 $0x100000, s0;
	[bflag:$0x2] =	sbarrier.arrive $0xFFFF  }
0x249: {  	[sflag:s0] =	ssyncadd.tile.s32 @!p0 $0x1;
	_ =	shalt  }
.Lfunc_end2:
_tile_overlayer_lowered:
.L_overlay_start_2:
0x24a: {  	(tag) =	ssettag $0x2  }
0x24b: {  	s0 =	rddreg [dreg:$0x0];
	s2 =	stileid.u32  }
0x24c: {  	s1 =	rddreg [dreg:$0x1];
	p0 =	sne.s32 s2, $0x0  }
0x24d: {  	s3 =	rddreg [dreg:$0x2];
	[bflag:$0x3] =	sbarrier.arrive $0xFFFF;
	s2 =	simm.s32 @!p0 $0x1C05  }
0x24e: {  	[timem:s3], [sflag:s2] =	dma.local @!p0 [hbm:s0], s1  }
0x24f: {  	s0 =	simm.s32 @!p0 $0x5  }
0x250: {  	_ =	swait.ge @!p0 [sflag:s0], s1  }
0x251: {  	s1 =	ssub.s32 @!p0 $0x0, s1;
	[sflag:s0] =	ssyncset.done @!p0 $0x0  }
0x252: {  	[sflag:s0] =	ssyncadd.s32 @!p0 s1  }
0x253: {  	[bflag:$0x3] =	sbarrier.arrive $0xFFFF  }
0x254: {  	_ =	shalt  }

</sc_bundles>
